<compile_context>
chip_gen: v7x
topology: tpu7x:2x2x1
jax: 0.10.2.dev20260603
libtpu: 0.0.44.dev20260713+nightly
codegen_flags: <defaults>
</compile_context>

<pallas_src>
import functools
import math

import jax
import jax.numpy as jnp
from jax import lax
from jax.experimental import pallas as pl
from jax.experimental.pallas import tpu as pltpu
from jax.experimental.pallas import tpu_sc as plsc

B, P, M, D, H = 32, 2048, 1024, 128, 4
DH = D // H
HID = D // 2
KEEP = 1024
_SENTINEL = 1 << 20
_ONE_BITS = 0x3F800000
_HALF_BITS = 0x3F000000


def _stage1(ph_ref, mem_ref, sc_ref, wq_ref, bq_ref, wk_ref, bk_ref,
            wv_ref, bv_ref, wo_ref, bo_ref, png_ref, pnb_ref, ng_ref, nb_ref,
            enh_ref, av_ref):
    ph = ph_ref[0]
    mem = mem_ref[0]
    s = sc_ref[0]

    nrm = jnp.sqrt(jnp.sum(ph * ph, axis=1, keepdims=True))
    gate = jnp.where(s > 0.5, s, 0.0) / jnp.maximum(nrm, 1e-12)
    cand = ph * gate
    av_ref[0, 0:M, :] = mem
    av_ref[0, M:M + P, :] = cand

    bf16 = jnp.bfloat16
    mu = jnp.mean(ph, axis=1, keepdims=True)
    var = jnp.mean((ph - mu) ** 2, axis=1, keepdims=True)
    lnp = (ph - mu) / jnp.sqrt(var + 1e-5) * png_ref[...] + pnb_ref[...]
    mem16 = mem.astype(bf16)
    qh = (jnp.dot(lnp.astype(bf16), wq_ref[...],
                  preferred_element_type=jnp.float32)
          + bq_ref[...]).astype(bf16)
    kh = (jnp.dot(mem16, wk_ref[...], preferred_element_type=jnp.float32)
          + bk_ref[...]).astype(bf16)
    vh = (jnp.dot(mem16, wv_ref[...], preferred_element_type=jnp.float32)
          + bv_ref[...]).astype(bf16)

    ctx_parts = []
    ones_col = jnp.ones((M, 1), bf16)
    zero_pad = jnp.zeros((M, DH - 1), bf16)
    khT = kh.T
    for hh in range(H):
        q_h = qh[:, hh * DH:(hh + 1) * DH]
        v_h = vh[:, hh * DH:(hh + 1) * DH]
        logits = jnp.dot(q_h, khT[hh * DH:(hh + 1) * DH, :],
                         preferred_element_type=jnp.float32)
        e = jnp.exp(logits.astype(bf16))
        va = jnp.concatenate([v_h, ones_col, zero_pad], axis=1)
        aug = jnp.dot(e, va, preferred_element_type=jnp.float32)
        ctx_parts.append(aug[:, 0:DH] * (1.0 / aug[:, DH:DH + 1]))
    ctx = jnp.concatenate(ctx_parts, axis=1)
    mc = jnp.dot(ctx.astype(bf16), wo_ref[...],
                 preferred_element_type=jnp.float32) + bo_ref[...]
    res = ph + mc
    mu2 = jnp.mean(res, axis=1, keepdims=True)
    var2 = jnp.mean((res - mu2) ** 2, axis=1, keepdims=True)
    enh_ref[0] = (res - mu2) / jnp.sqrt(var2 + 1e-5) * ng_ref[...] \
        + nb_ref[...]


def _stage2(s_ref, u_ref, dest_ref):
    s = s_ref[...]
    sb = lax.bitcast_convert_type(s, jnp.int32)

    def body(_, carry):
        lo, hi = carry
        mid = (lo + hi) // 2
        cnt = jnp.sum((sb > mid).astype(jnp.int32), axis=1, keepdims=True)
        small = cnt < KEEP
        return jnp.where(small, lo, mid), jnp.where(small, mid, hi)

    lo0 = jnp.full((B, 1), -1, jnp.int32)
    hi0 = jnp.full((B, 1), _ONE_BITS, jnp.int32)
    _, tb = lax.fori_loop(0, 32, body, (lo0, hi0))
    taub = jnp.maximum(tb, _HALF_BITS)
    strict = sb > taub
    eqm = (sb == taub) & (tb > _HALF_BITS)
    strict_f = strict.astype(jnp.float32)
    eq_f = eqm.astype(jnp.float32)
    need = KEEP - jnp.sum(strict_f, axis=1, keepdims=True)
    u = u_ref[...]
    eq_cum = jnp.dot(eq_f, u, preferred_element_type=jnp.float32)
    kept = strict | (eqm & (eq_cum <= need))
    kept_f = kept.astype(jnp.float32)
    cum = jnp.dot(kept_f, u, preferred_element_type=jnp.float32)
    r = KEEP - jnp.sum(kept_f, axis=1, keepdims=True)
    dest = (r + cum - 1.0).astype(jnp.int32)
    dest_ref[...] = jnp.where(kept, dest, _SENTINEL)


def _sc_merge_body(av_hbm, dest_hbm, out_hbm,
                   dest_v, src_v, buf0, buf1, sem0, sem1):
    b = lax.axis_index("s") * 2 + lax.axis_index("c")
    base = b * (M + P)
    pltpu.sync_copy(dest_hbm.at[b], dest_v)
    lanes = lax.iota(jnp.int32, 16)
    for j in range(KEEP // 16):
        src_v[16 * j:16 * (j + 1)] = base + 16 * j + lanes
    for j in range(P // 16):
        d = dest_v[16 * j:16 * (j + 1)]
        ok = d < KEEP
        dc = jnp.where(ok, d, 0)
        flat = base + M + 16 * j + lanes
        plsc.store_scatter(src_v, [dc], flat, mask=ok)
    bufs = (buf0, buf1)
    sems = (sem0, sem1)
    handles = [None, None]

    def start(c):
        handles[c & 1] = pltpu.async_copy(
            av_hbm.at[src_v.at[pl.ds(128 * c, 128)]],
            bufs[c & 1], sems[c & 1])

    start(0)
    start(1)
    for c in range(8):
        handles[c & 1].wait()
        pltpu.sync_copy(bufs[c & 1],
                        out_hbm.at[pl.ds(b * KEEP + 128 * c, 128)])
        if c + 2 < 8:
            start(c + 2)


def _dense_and_route(phrases, memory, qw, qb, ipw, ipb, opw, opb, png, pnb,
                     g1w, g1b, g2w, g2b, ng, nb, interpret=False):
    f32 = jnp.float32
    scale = 1.0 / math.sqrt(DH)
    wq, wk, wv = ipw[:D], ipw[D:2 * D], ipw[2 * D:]
    bq, bk, bv = ipb[:D], ipb[D:2 * D], ipb[2 * D:]
    wq_f = (qw.T @ wq.T) * scale
    bq_f = ((qb @ wq.T + bq) * scale).reshape(1, D)

    hgate = jax.nn.relu(phrases @ g1w.T + g1b)
    scores = jax.nn.sigmoid(hgate @ g2w.T + g2b)

    row = lambda v: v.reshape(1, -1)
    full = lambda shp: pl.BlockSpec(shp, lambda b: (0,) * len(shp))

    enh, av = pl.pallas_call(
        _stage1,
        grid=(B,),
        in_specs=[
            pl.BlockSpec((1, P, D), lambda b: (b, 0, 0)),
            pl.BlockSpec((1, M, D), lambda b: (b, 0, 0)),
            pl.BlockSpec((1, P, 1), lambda b: (b, 0, 0)),
            full((D, D)), full((1, D)),
            full((D, D)), full((1, D)),
            full((D, D)), full((1, D)),
            full((D, D)), full((1, D)),
            full((1, D)), full((1, D)),
            full((1, D)), full((1, D)),
        ],
        out_specs=[
            pl.BlockSpec((1, P, D), lambda b: (b, 0, 0)),
            pl.BlockSpec((1, M + P, D), lambda b: (b, 0, 0)),
        ],
        out_shape=[
            jax.ShapeDtypeStruct((B, P, D), f32),
            jax.ShapeDtypeStruct((B, M + P, D), f32),
        ],
        compiler_params=pltpu.CompilerParams(
            dimension_semantics=("arbitrary",),
            vmem_limit_bytes=100 * 1024 * 1024),
        interpret=interpret,
    )(phrases, memory, scores, wq_f.astype(jnp.bfloat16), bq_f,
      wk.T.astype(jnp.bfloat16), row(bk), wv.T.astype(jnp.bfloat16), row(bv),
      opw.T.astype(jnp.bfloat16), row(opb), row(png), row(pnb), row(ng),
      row(nb))
    sc = scores

    upper = (jnp.arange(P)[:, None] <= jnp.arange(P)[None, :]).astype(f32)
    dest = pl.pallas_call(
        _stage2,
        in_specs=[pl.BlockSpec((B, P), lambda: (0, 0)),
                  pl.BlockSpec((P, P), lambda: (0, 0))],
        out_specs=pl.BlockSpec((B, P), lambda: (0, 0)),
        out_shape=jax.ShapeDtypeStruct((B, P), jnp.int32),
        interpret=interpret,
    )(sc.reshape(B, P), upper)
    return enh, av, dest


@functools.lru_cache(maxsize=1)
def _sc_merge():
    return pl.kernel(
        _sc_merge_body,
        out_type=jax.ShapeDtypeStruct((B * KEEP, D), jnp.float32),
        mesh=plsc.VectorSubcoreMesh(core_axis_name="c", subcore_axis_name="s"),
        scratch_types=[
            pltpu.VMEM((P,), jnp.int32),
            pltpu.VMEM((KEEP,), jnp.int32),
            pltpu.VMEM((128, D), jnp.float32),
            pltpu.VMEM((128, D), jnp.float32),
            pltpu.SemaphoreType.DMA,
            pltpu.SemaphoreType.DMA,
        ],
        compiler_params=pltpu.CompilerParams(needs_layout_passes=False),
    )


def kernel(phrases, memory, qw, qb, ipw, ipb, opw, opb, png, pnb,
           g1w, g1b, g2w, g2b, ng, nb):
    enh, av, dest = _dense_and_route(
        phrases, memory, qw, qb, ipw, ipb, opw, opb, png, pnb,
        g1w, g1b, g2w, g2b, ng, nb)
    merged = _sc_merge()(av.reshape(B * (M + P), D), dest)
    return enh, merged.reshape(B, KEEP, D)

# --- scband reference (transcript-rebuilt; emitter-appended) ---
"""Pipeline reference for scband-episodic-theme-memory-52518860095973 (READ-ONLY COPY).

The authoritative reference and input builder live on the scoring server;
editing this copy changes nothing except your own understanding.
"""

import jax, jax.numpy as jnp
import numpy as np

B, P, M, D, H = 32, 2048, 1024, 128, 4
MEMORY_SIZE = 1024
HID = max(1, D // 2)
DH = D // H


def _layernorm(x, g, b, eps=1e-5):
    mu = jnp.mean(x, axis=-1, keepdims=True)
    var = jnp.mean((x - mu) ** 2, axis=-1, keepdims=True)
    return (x - mu) / jnp.sqrt(var + eps) * g + b


def _normalize(x, eps=1e-12):
    n = jnp.linalg.norm(x, axis=-1, keepdims=True)
    return x / jnp.maximum(n, eps)


def setup_inputs(seed: int = 0) -> dict:
    key = jax.random.key(seed)
    ks = jax.random.split(key, 18)
    s = 1.0 / np.sqrt(D)
    return {
        "phrases": jax.random.normal(ks[0], (B, P, D), dtype=jnp.float32),
        "memory": jax.random.normal(ks[1], (B, M, D), dtype=jnp.float32),
        "qw": jax.random.normal(ks[2], (D, D), dtype=jnp.float32) * s,
        "qb": jax.random.normal(ks[3], (D,), dtype=jnp.float32) * 0.01,
        "ipw": jax.random.normal(ks[4], (3 * D, D), dtype=jnp.float32) * s,
        "ipb": jax.random.normal(ks[5], (3 * D,), dtype=jnp.float32) * 0.01,
        "opw": jax.random.normal(ks[6], (D, D), dtype=jnp.float32) * s,
        "opb": jax.random.normal(ks[7], (D,), dtype=jnp.float32) * 0.01,
        "png": jnp.ones((D,), dtype=jnp.float32),
        "pnb": jnp.zeros((D,), dtype=jnp.float32),
        "g1w": jax.random.normal(ks[8], (HID, D), dtype=jnp.float32) * s,
        "g1b": jax.random.normal(ks[9], (HID,), dtype=jnp.float32) * 0.01,
        "g2w": jax.random.normal(ks[10], (1, HID), dtype=jnp.float32) * (1.0 / np.sqrt(HID)),
        "g2b": jax.random.normal(ks[11], (1,), dtype=jnp.float32) * 0.01,
        "ng": jnp.ones((D,), dtype=jnp.float32),
        "nb": jnp.zeros((D,), dtype=jnp.float32),
    }


def reference(phrases, memory, qw, qb, ipw, ipb, opw, opb, png, pnb, g1w, g1b, g2w, g2b, ng, nb):
    # write gate
    h = jax.nn.relu(phrases @ g1w.T + g1b)
    write_scores = jax.nn.sigmoid(h @ g2w.T + g2b)  # [B, P, 1]
    write_mask = (write_scores > 0.5).astype(phrases.dtype)
    candidates = _normalize(phrases) * write_mask * write_scores

    # attention read
    normalized_phrases = _layernorm(phrases, png, pnb)
    queries = normalized_phrases @ qw.T + qb
    wq, wk, wv = ipw[:D], ipw[D:2 * D], ipw[2 * D:]
    bq, bk, bv = ipb[:D], ipb[D:2 * D], ipb[2 * D:]
    qh = (queries @ wq.T + bq).reshape(B, P, H, DH).transpose(0, 2, 1, 3)
    kh = (memory @ wk.T + bk).reshape(B, M, H, DH).transpose(0, 2, 1, 3)
    vh = (memory @ wv.T + bv).reshape(B, M, H, DH).transpose(0, 2, 1, 3)
    logits = jnp.einsum("bhpd,bhmd->bhpm", qh, kh) / np.sqrt(DH)
    attn = jax.nn.softmax(logits, axis=-1)
    ctx = jnp.einsum("bhpm,bhmd->bhpd", attn, vh)
    ctx = ctx.transpose(0, 2, 1, 3).reshape(B, P, D)
    memory_context = ctx @ opw.T + opb
    enhanced = _layernorm(phrases + memory_context * 1.0, ng, nb)

    # memory update (top-k selection)
    existing_score = jnp.full((memory.shape[0], memory.shape[1]), 0.5, dtype=write_scores.dtype)
    all_values = jnp.concatenate([memory, candidates], axis=1)
    all_scores = jnp.concatenate([existing_score, write_scores[..., 0]], axis=1)
    keep = min(MEMORY_SIZE, all_values.shape[1])
    _, top_idx = jax.lax.top_k(all_scores, keep)
    kept_values = jnp.take_along_axis(all_values, top_idx[:, :, None], axis=1)
    sorted_idx = jnp.argsort(top_idx, axis=1)
    merged = jnp.take_along_axis(kept_values, sorted_idx[:, :, None], axis=1)
    return (enhanced, merged)

if __name__ == "__main__":
    import jax
    _d = setup_inputs()
    print(jax.jit(kernel)(*tuple(_d.values())))

</pallas_src>

<mosaic_0001>
#map = affine_map<(d0, d1) -> (0, 0)>
module attributes {stable_mosaic.version = 14 : i64} {
  func.func @_sc_merge_body(%arg0: i32, %arg1: i32, %arg2: memref<98304x128xf32, #tpu.memory_space<hbm>>, %arg3: memref<32x2048xi32, #tpu.memory_space<hbm>>, %arg4: memref<32768x128xf32, #tpu.memory_space<hbm>>, %arg5: memref<2048xi32, #tpu.memory_space<vmem>>, %arg6: memref<1024xi32, #tpu.memory_space<vmem>>, %arg7: memref<128x128xf32, #tpu.memory_space<vmem>>, %arg8: memref<128x128xf32, #tpu.memory_space<vmem>>, %arg9: memref<!tpu.dma_semaphore, #tpu.memory_space<semaphore_mem>>, %arg10: memref<!tpu.dma_semaphore, #tpu.memory_space<semaphore_mem>>) attributes {dimension_semantics = [#tpu.dimension_semantics<core_parallel>, #tpu.dimension_semantics<subcore_parallel>], iteration_bounds = array<i64: 2, 16>, scalar_prefetch = 0 : i64, scratch_operands = 6 : i64, tpu.core_type = #tpu.core_type<sc_vector_subcore>, window_params = [{transform_indices = #map}, {transform_indices = #map}, {transform_indices = #map}]} {
    %mul3A = arith.constant 2 : i32
    %mul3A_0 = arith.muli %arg1, %mul3A : i32
    %add3A = arith.addi %mul3A_0, %arg0 : i32
    %mul3A_1 = arith.constant 3072 : i32
    %mul3A_2 = arith.muli %add3A, %mul3A_1 : i32
    "tpu.region"() ({
      %run_scoped3A = tpu.sem_alloc : memref<!tpu.dma_semaphore, #tpu.memory_space<semaphore_mem>>
      %dma_start3A_2283 = arith.constant 0 : i32
      %dma_start3A_2284 = tpu.memref_slice %arg3[%add3A, %dma_start3A_2283] : memref<32x2048xi32, #tpu.memory_space<hbm>> -> memref<1x2048xi32, #tpu.memory_space<hbm>>
      %dma_start3A_2285 = tpu.memref_squeeze %dma_start3A_2284 : memref<1x2048xi32, #tpu.memory_space<hbm>> -> memref<2048xi32, #tpu.memory_space<hbm>>
      %dma_start3A_2286 = arith.constant 0 : i32
      %dma_start3A_2287 = tpu.memref_slice %arg3[%add3A, %dma_start3A_2286] : memref<32x2048xi32, #tpu.memory_space<hbm>> -> memref<1x2048xi32, #tpu.memory_space<hbm>>
      %dma_start3A_2288 = tpu.memref_squeeze %dma_start3A_2287 : memref<1x2048xi32, #tpu.memory_space<hbm>> -> memref<2048xi32, #tpu.memory_space<hbm>>
      tpu.enqueue_dma source(%dma_start3A_2288 : memref<2048xi32, #tpu.memory_space<hbm>>) target(%arg5 : memref<2048xi32, #tpu.memory_space<vmem>>) target_semaphore(%run_scoped3A : memref<!tpu.dma_semaphore, #tpu.memory_space<semaphore_mem>>)
      %dma_wait3A_2289 = arith.constant 0 : i32
      %dma_wait3A_2290 = tpu.memref_slice %arg3[%add3A, %dma_wait3A_2289] : memref<32x2048xi32, #tpu.memory_space<hbm>> -> memref<1x2048xi32, #tpu.memory_space<hbm>>
      %dma_wait3A_2291 = tpu.memref_squeeze %dma_wait3A_2290 : memref<1x2048xi32, #tpu.memory_space<hbm>> -> memref<2048xi32, #tpu.memory_space<hbm>>
      %dma_wait3A_2292 = arith.constant 0 : i32
      %dma_wait3A_2293 = tpu.memref_slice %arg3[%add3A, %dma_wait3A_2292] : memref<32x2048xi32, #tpu.memory_space<hbm>> -> memref<1x2048xi32, #tpu.memory_space<hbm>>
      %dma_wait3A_2294 = tpu.memref_squeeze %dma_wait3A_2293 : memref<1x2048xi32, #tpu.memory_space<hbm>> -> memref<2048xi32, #tpu.memory_space<hbm>>
      tpu.wait_dma2 semaphore(%run_scoped3A : memref<!tpu.dma_semaphore, #tpu.memory_space<semaphore_mem>>) src(%dma_wait3A_2294 : memref<2048xi32, #tpu.memory_space<hbm>>) dst(%arg5 : memref<2048xi32, #tpu.memory_space<vmem>>)
      tpu.yield
    }) : () -> ()
    %iota3A = tpu.iota {dimensions = array<i32: 0>} : vector<16xi32>
    %add3A_3 = arith.constant 0 : i32
    %add3A_4 = arith.addi %mul3A_2, %add3A_3 : i32
    %add3A_5 = vector.broadcast %add3A_4 : i32 to vector<16xi32>
    %add3A_6 = arith.addi %add3A_5, %iota3A : vector<16xi32>
    %swap3A = arith.constant 0 : index
    %swap3A_7 = tpu.vector_load %arg6[%swap3A] {strides = array<i32>} : memref<1024xi32, #tpu.memory_space<vmem>>, vector<16xi32>,
    tpu.vector_store %arg6[%swap3A], %add3A_6 {strides = array<i32>} : memref<1024xi32, #tpu.memory_space<vmem>>, vector<16xi32>,
    %add3A_8 = arith.constant 16 : i32
    %add3A_9 = arith.addi %mul3A_2, %add3A_8 : i32
    %add3A_10 = vector.broadcast %add3A_9 : i32 to vector<16xi32>
    %add3A_11 = arith.addi %add3A_10, %iota3A : vector<16xi32>
    %swap3A_12 = arith.constant 16 : index
    %swap3A_13 = tpu.vector_load %arg6[%swap3A_12] {strides = array<i32>} : memref<1024xi32, #tpu.memory_space<vmem>>, vector<16xi32>,
    tpu.vector_store %arg6[%swap3A_12], %add3A_11 {strides = array<i32>} : memref<1024xi32, #tpu.memory_space<vmem>>, vector<16xi32>,
    %add3A_14 = arith.constant 32 : i32
    %add3A_15 = arith.addi %mul3A_2, %add3A_14 : i32
    %add3A_16 = vector.broadcast %add3A_15 : i32 to vector<16xi32>
    %add3A_17 = arith.addi %add3A_16, %iota3A : vector<16xi32>
    %swap3A_18 = arith.constant 32 : index
    %swap3A_19 = tpu.vector_load %arg6[%swap3A_18] {strides = array<i32>} : memref<1024xi32, #tpu.memory_space<vmem>>, vector<16xi32>,
    tpu.vector_store %arg6[%swap3A_18], %add3A_17 {strides = array<i32>} : memref<1024xi32, #tpu.memory_space<vmem>>, vector<16xi32>,
    %add3A_20 = arith.constant 48 : i32
    %add3A_21 = arith.addi %mul3A_2, %add3A_20 : i32
    %add3A_22 = vector.broadcast %add3A_21 : i32 to vector<16xi32>
    %add3A_23 = arith.addi %add3A_22, %iota3A : vector<16xi32>
    %swap3A_24 = arith.constant 48 : index
    %swap3A_25 = tpu.vector_load %arg6[%swap3A_24] {strides = array<i32>} : memref<1024xi32, #tpu.memory_space<vmem>>, vector<16xi32>,
    tpu.vector_store %arg6[%swap3A_24], %add3A_23 {strides = array<i32>} : memref<1024xi32, #tpu.memory_space<vmem>>, vector<16xi32>,
    %add3A_26 = arith.constant 64 : i32
    %add3A_27 = arith.addi %mul3A_2, %add3A_26 : i32
    %add3A_28 = vector.broadcast %add3A_27 : i32 to vector<16xi32>
    %add3A_29 = arith.addi %add3A_28, %iota3A : vector<16xi32>
    %swap3A_30 = arith.constant 64 : index
    %swap3A_31 = tpu.vector_load %arg6[%swap3A_30] {strides = array<i32>} : memref<1024xi32, #tpu.memory_space<vmem>>, vector<16xi32>,
    tpu.vector_store %arg6[%swap3A_30], %add3A_29 {strides = array<i32>} : memref<1024xi32, #tpu.memory_space<vmem>>, vector<16xi32>,
    %add3A_32 = arith.constant 80 : i32
    %add3A_33 = arith.addi %mul3A_2, %add3A_32 : i32
    %add3A_34 = vector.broadcast %add3A_33 : i32 to vector<16xi32>
    %add3A_35 = arith.addi %add3A_34, %iota3A : vector<16xi32>
    %swap3A_36 = arith.constant 80 : index
    %swap3A_37 = tpu.vector_load %arg6[%swap3A_36] {strides = array<i32>} : memref<1024xi32, #tpu.memory_space<vmem>>, vector<16xi32>,
    tpu.vector_store %arg6[%swap3A_36], %add3A_35 {strides = array<i32>} : memref<1024xi32, #tpu.memory_space<vmem>>, vector<16xi32>,
    %add3A_38 = arith.constant 96 : i32
    %add3A_39 = arith.addi %mul3A_2, %add3A_38 : i32
    %add3A_40 = vector.broadcast %add3A_39 : i32 to vector<16xi32>
    %add3A_41 = arith.addi %add3A_40, %iota3A : vector<16xi32>
    %swap3A_42 = arith.constant 96 : index
    %swap3A_43 = tpu.vector_load %arg6[%swap3A_42] {strides = array<i32>} : memref<1024xi32, #tpu.memory_space<vmem>>, vector<16xi32>,
    tpu.vector_store %arg6[%swap3A_42], %add3A_41 {strides = array<i32>} : memref<1024xi32, #tpu.memory_space<vmem>>, vector<16xi32>,
    %add3A_44 = arith.constant 112 : i32
    %add3A_45 = arith.addi %mul3A_2, %add3A_44 : i32
    %add3A_46 = vector.broadcast %add3A_45 : i32 to vector<16xi32>
    %add3A_47 = arith.addi %add3A_46, %iota3A : vector<16xi32>
    %swap3A_48 = arith.constant 112 : index
    %swap3A_49 = tpu.vector_load %arg6[%swap3A_48] {strides = array<i32>} : memref<1024xi32, #tpu.memory_space<vmem>>, vector<16xi32>,
    tpu.vector_store %arg6[%swap3A_48], %add3A_47 {strides = array<i32>} : memref<1024xi32, #tpu.memory_space<vmem>>, vector<16xi32>,
    %add3A_50 = arith.constant 128 : i32
    %add3A_51 = arith.addi %mul3A_2, %add3A_50 : i32
    %add3A_52 = vector.broadcast %add3A_51 : i32 to vector<16xi32>
    %add3A_53 = arith.addi %add3A_52, %iota3A : vector<16xi32>
    %swap3A_54 = arith.constant 128 : index
    %swap3A_55 = tpu.vector_load %arg6[%swap3A_54] {strides = array<i32>} : memref<1024xi32, #tpu.memory_space<vmem>>, vector<16xi32>,
    tpu.vector_store %arg6[%swap3A_54], %add3A_53 {strides = array<i32>} : memref<1024xi32, #tpu.memory_space<vmem>>, vector<16xi32>,
    %add3A_56 = arith.constant 144 : i32
    %add3A_57 = arith.addi %mul3A_2, %add3A_56 : i32
    %add3A_58 = vector.broadcast %add3A_57 : i32 to vector<16xi32>
    %add3A_59 = arith.addi %add3A_58, %iota3A : vector<16xi32>
    %swap3A_60 = arith.constant 144 : index
    %swap3A_61 = tpu.vector_load %arg6[%swap3A_60] {strides = array<i32>} : memref<1024xi32, #tpu.memory_space<vmem>>, vector<16xi32>,
    tpu.vector_store %arg6[%swap3A_60], %add3A_59 {strides = array<i32>} : memref<1024xi32, #tpu.memory_space<vmem>>, vector<16xi32>,
    %add3A_62 = arith.constant 160 : i32
    %add3A_63 = arith.addi %mul3A_2, %add3A_62 : i32
    %add3A_64 = vector.broadcast %add3A_63 : i32 to vector<16xi32>
    %add3A_65 = arith.addi %add3A_64, %iota3A : vector<16xi32>
    %swap3A_66 = arith.constant 160 : index
    %swap3A_67 = tpu.vector_load %arg6[%swap3A_66] {strides = array<i32>} : memref<1024xi32, #tpu.memory_space<vmem>>, vector<16xi32>,
    tpu.vector_store %arg6[%swap3A_66], %add3A_65 {strides = array<i32>} : memref<1024xi32, #tpu.memory_space<vmem>>, vector<16xi32>,
    %add3A_68 = arith.constant 176 : i32
    %add3A_69 = arith.addi %mul3A_2, %add3A_68 : i32
    %add3A_70 = vector.broadcast %add3A_69 : i32 to vector<16xi32>
    %add3A_71 = arith.addi %add3A_70, %iota3A : vector<16xi32>
    %swap3A_72 = arith.constant 176 : index
    %swap3A_73 = tpu.vector_load %arg6[%swap3A_72] {strides = array<i32>} : memref<1024xi32, #tpu.memory_space<vmem>>, vector<16xi32>,
    tpu.vector_store %arg6[%swap3A_72], %add3A_71 {strides = array<i32>} : memref<1024xi32, #tpu.memory_space<vmem>>, vector<16xi32>,
    %add3A_74 = arith.constant 192 : i32
    %add3A_75 = arith.addi %mul3A_2, %add3A_74 : i32
    %add3A_76 = vector.broadcast %add3A_75 : i32 to vector<16xi32>
    %add3A_77 = arith.addi %add3A_76, %iota3A : vector<16xi32>
    %swap3A_78 = arith.constant 192 : index
    %swap3A_79 = tpu.vector_load %arg6[%swap3A_78] {strides = array<i32>} : memref<1024xi32, #tpu.memory_space<vmem>>, vector<16xi32>,
    tpu.vector_store %arg6[%swap3A_78], %add3A_77 {strides = array<i32>} : memref<1024xi32, #tpu.memory_space<vmem>>, vector<16xi32>,
    %add3A_80 = arith.constant 208 : i32
    %add3A_81 = arith.addi %mul3A_2, %add3A_80 : i32
    %add3A_82 = vector.broadcast %add3A_81 : i32 to vector<16xi32>
    %add3A_83 = arith.addi %add3A_82, %iota3A : vector<16xi32>
    %swap3A_84 = arith.constant 208 : index
    %swap3A_85 = tpu.vector_load %arg6[%swap3A_84] {strides = array<i32>} : memref<1024xi32, #tpu.memory_space<vmem>>, vector<16xi32>,
    tpu.vector_store %arg6[%swap3A_84], %add3A_83 {strides = array<i32>} : memref<1024xi32, #tpu.memory_space<vmem>>, vector<16xi32>,
    %add3A_86 = arith.constant 224 : i32
    %add3A_87 = arith.addi %mul3A_2, %add3A_86 : i32
    %add3A_88 = vector.broadcast %add3A_87 : i32 to vector<16xi32>
    %add3A_89 = arith.addi %add3A_88, %iota3A : vector<16xi32>
    %swap3A_90 = arith.constant 224 : index
    %swap3A_91 = tpu.vector_load %arg6[%swap3A_90] {strides = array<i32>} : memref<1024xi32, #tpu.memory_space<vmem>>, vector<16xi32>,
    tpu.vector_store %arg6[%swap3A_90], %add3A_89 {strides = array<i32>} : memref<1024xi32, #tpu.memory_space<vmem>>, vector<16xi32>,
    %add3A_92 = arith.constant 240 : i32
    %add3A_93 = arith.addi %mul3A_2, %add3A_92 : i32
    %add3A_94 = vector.broadcast %add3A_93 : i32 to vector<16xi32>
    %add3A_95 = arith.addi %add3A_94, %iota3A : vector<16xi32>
    %swap3A_96 = arith.constant 240 : index
    %swap3A_97 = tpu.vector_load %arg6[%swap3A_96] {strides = array<i32>} : memref<1024xi32, #tpu.memory_space<vmem>>, vector<16xi32>,
    tpu.vector_store %arg6[%swap3A_96], %add3A_95 {strides = array<i32>} : memref<1024xi32, #tpu.memory_space<vmem>>, vector<16xi32>,
    %add3A_98 = arith.constant 256 : i32
    %add3A_99 = arith.addi %mul3A_2, %add3A_98 : i32
    %add3A_100 = vector.broadcast %add3A_99 : i32 to vector<16xi32>
    %add3A_101 = arith.addi %add3A_100, %iota3A : vector<16xi32>
    %swap3A_102 = arith.constant 256 : index
    %swap3A_103 = tpu.vector_load %arg6[%swap3A_102] {strides = array<i32>} : memref<1024xi32, #tpu.memory_space<vmem>>, vector<16xi32>,
    tpu.vector_store %arg6[%swap3A_102], %add3A_101 {strides = array<i32>} : memref<1024xi32, #tpu.memory_space<vmem>>, vector<16xi32>,
    %add3A_104 = arith.constant 272 : i32
    %add3A_105 = arith.addi %mul3A_2, %add3A_104 : i32
    %add3A_106 = vector.broadcast %add3A_105 : i32 to vector<16xi32>
    %add3A_107 = arith.addi %add3A_106, %iota3A : vector<16xi32>
    %swap3A_108 = arith.constant 272 : index
    %swap3A_109 = tpu.vector_load %arg6[%swap3A_108] {strides = array<i32>} : memref<1024xi32, #tpu.memory_space<vmem>>, vector<16xi32>,
    tpu.vector_store %arg6[%swap3A_108], %add3A_107 {strides = array<i32>} : memref<1024xi32, #tpu.memory_space<vmem>>, vector<16xi32>,
    %add3A_110 = arith.constant 288 : i32
    %add3A_111 = arith.addi %mul3A_2, %add3A_110 : i32
    %add3A_112 = vector.broadcast %add3A_111 : i32 to vector<16xi32>
    %add3A_113 = arith.addi %add3A_112, %iota3A : vector<16xi32>
    %swap3A_114 = arith.constant 288 : index
    %swap3A_115 = tpu.vector_load %arg6[%swap3A_114] {strides = array<i32>} : memref<1024xi32, #tpu.memory_space<vmem>>, vector<16xi32>,
    tpu.vector_store %arg6[%swap3A_114], %add3A_113 {strides = array<i32>} : memref<1024xi32, #tpu.memory_space<vmem>>, vector<16xi32>,
    %add3A_116 = arith.constant 304 : i32
    %add3A_117 = arith.addi %mul3A_2, %add3A_116 : i32
    %add3A_118 = vector.broadcast %add3A_117 : i32 to vector<16xi32>
    %add3A_119 = arith.addi %add3A_118, %iota3A : vector<16xi32>
    %swap3A_120 = arith.constant 304 : index
    %swap3A_121 = tpu.vector_load %arg6[%swap3A_120] {strides = array<i32>} : memref<1024xi32, #tpu.memory_space<vmem>>, vector<16xi32>,
    tpu.vector_store %arg6[%swap3A_120], %add3A_119 {strides = array<i32>} : memref<1024xi32, #tpu.memory_space<vmem>>, vector<16xi32>,
    %add3A_122 = arith.constant 320 : i32
    %add3A_123 = arith.addi %mul3A_2, %add3A_122 : i32
    %add3A_124 = vector.broadcast %add3A_123 : i32 to vector<16xi32>
    %add3A_125 = arith.addi %add3A_124, %iota3A : vector<16xi32>
    %swap3A_126 = arith.constant 320 : index
    %swap3A_127 = tpu.vector_load %arg6[%swap3A_126] {strides = array<i32>} : memref<1024xi32, #tpu.memory_space<vmem>>, vector<16xi32>,
    tpu.vector_store %arg6[%swap3A_126], %add3A_125 {strides = array<i32>} : memref<1024xi32, #tpu.memory_space<vmem>>, vector<16xi32>,
    %add3A_128 = arith.constant 336 : i32
    %add3A_129 = arith.addi %mul3A_2, %add3A_128 : i32
    %add3A_130 = vector.broadcast %add3A_129 : i32 to vector<16xi32>
    %add3A_131 = arith.addi %add3A_130, %iota3A : vector<16xi32>
    %swap3A_132 = arith.constant 336 : index
    %swap3A_133 = tpu.vector_load %arg6[%swap3A_132] {strides = array<i32>} : memref<1024xi32, #tpu.memory_space<vmem>>, vector<16xi32>,
    tpu.vector_store %arg6[%swap3A_132], %add3A_131 {strides = array<i32>} : memref<1024xi32, #tpu.memory_space<vmem>>, vector<16xi32>,
    %add3A_134 = arith.constant 352 : i32
    %add3A_135 = arith.addi %mul3A_2, %add3A_134 : i32
    %add3A_136 = vector.broadcast %add3A_135 : i32 to vector<16xi32>
    %add3A_137 = arith.addi %add3A_136, %iota3A : vector<16xi32>
    %swap3A_138 = arith.constant 352 : index
    %swap3A_139 = tpu.vector_load %arg6[%swap3A_138] {strides = array<i32>} : memref<1024xi32, #tpu.memory_space<vmem>>, vector<16xi32>,
    tpu.vector_store %arg6[%swap3A_138], %add3A_137 {strides = array<i32>} : memref<1024xi32, #tpu.memory_space<vmem>>, vector<16xi32>,
    %add3A_140 = arith.constant 368 : i32
    %add3A_141 = arith.addi %mul3A_2, %add3A_140 : i32
    %add3A_142 = vector.broadcast %add3A_141 : i32 to vector<16xi32>
    %add3A_143 = arith.addi %add3A_142, %iota3A : vector<16xi32>
    %swap3A_144 = arith.constant 368 : index
    %swap3A_145 = tpu.vector_load %arg6[%swap3A_144] {strides = array<i32>} : memref<1024xi32, #tpu.memory_space<vmem>>, vector<16xi32>,
    tpu.vector_store %arg6[%swap3A_144], %add3A_143 {strides = array<i32>} : memref<1024xi32, #tpu.memory_space<vmem>>, vector<16xi32>,
    %add3A_146 = arith.constant 384 : i32
    %add3A_147 = arith.addi %mul3A_2, %add3A_146 : i32
    %add3A_148 = vector.broadcast %add3A_147 : i32 to vector<16xi32>
    %add3A_149 = arith.addi %add3A_148, %iota3A : vector<16xi32>
    %swap3A_150 = arith.constant 384 : index
    %swap3A_151 = tpu.vector_load %arg6[%swap3A_150] {strides = array<i32>} : memref<1024xi32, #tpu.memory_space<vmem>>, vector<16xi32>,
    tpu.vector_store %arg6[%swap3A_150], %add3A_149 {strides = array<i32>} : memref<1024xi32, #tpu.memory_space<vmem>>, vector<16xi32>,
    %add3A_152 = arith.constant 400 : i32
    %add3A_153 = arith.addi %mul3A_2, %add3A_152 : i32
    %add3A_154 = vector.broadcast %add3A_153 : i32 to vector<16xi32>
    %add3A_155 = arith.addi %add3A_154, %iota3A : vector<16xi32>
    %swap3A_156 = arith.constant 400 : index
    %swap3A_157 = tpu.vector_load %arg6[%swap3A_156] {strides = array<i32>} : memref<1024xi32, #tpu.memory_space<vmem>>, vector<16xi32>,
    tpu.vector_store %arg6[%swap3A_156], %add3A_155 {strides = array<i32>} : memref<1024xi32, #tpu.memory_space<vmem>>, vector<16xi32>,
    %add3A_158 = arith.constant 416 : i32
    %add3A_159 = arith.addi %mul3A_2, %add3A_158 : i32
    %add3A_160 = vector.broadcast %add3A_159 : i32 to vector<16xi32>
    %add3A_161 = arith.addi %add3A_160, %iota3A : vector<16xi32>
    %swap3A_162 = arith.constant 416 : index
    %swap3A_163 = tpu.vector_load %arg6[%swap3A_162] {strides = array<i32>} : memref<1024xi32, #tpu.memory_space<vmem>>, vector<16xi32>,
    tpu.vector_store %arg6[%swap3A_162], %add3A_161 {strides = array<i32>} : memref<1024xi32, #tpu.memory_space<vmem>>, vector<16xi32>,
    %add3A_164 = arith.constant 432 : i32
    %add3A_165 = arith.addi %mul3A_2, %add3A_164 : i32
    %add3A_166 = vector.broadcast %add3A_165 : i32 to vector<16xi32>
    %add3A_167 = arith.addi %add3A_166, %iota3A : vector<16xi32>
    %swap3A_168 = arith.constant 432 : index
    %swap3A_169 = tpu.vector_load %arg6[%swap3A_168] {strides = array<i32>} : memref<1024xi32, #tpu.memory_space<vmem>>, vector<16xi32>,
    tpu.vector_store %arg6[%swap3A_168], %add3A_167 {strides = array<i32>} : memref<1024xi32, #tpu.memory_space<vmem>>, vector<16xi32>,
    %add3A_170 = arith.constant 448 : i32
    %add3A_171 = arith.addi %mul3A_2, %add3A_170 : i32
    %add3A_172 = vector.broadcast %add3A_171 : i32 to vector<16xi32>
    %add3A_173 = arith.addi %add3A_172, %iota3A : vector<16xi32>
    %swap3A_174 = arith.constant 448 : index
    %swap3A_175 = tpu.vector_load %arg6[%swap3A_174] {strides = array<i32>} : memref<1024xi32, #tpu.memory_space<vmem>>, vector<16xi32>,
    tpu.vector_store %arg6[%swap3A_174], %add3A_173 {strides = array<i32>} : memref<1024xi32, #tpu.memory_space<vmem>>, vector<16xi32>,
    %add3A_176 = arith.constant 464 : i32
    %add3A_177 = arith.addi %mul3A_2, %add3A_176 : i32
    %add3A_178 = vector.broadcast %add3A_177 : i32 to vector<16xi32>
    %add3A_179 = arith.addi %add3A_178, %iota3A : vector<16xi32>
    %swap3A_180 = arith.constant 464 : index
    %swap3A_181 = tpu.vector_load %arg6[%swap3A_180] {strides = array<i32>} : memref<1024xi32, #tpu.memory_space<vmem>>, vector<16xi32>,
    tpu.vector_store %arg6[%swap3A_180], %add3A_179 {strides = array<i32>} : memref<1024xi32, #tpu.memory_space<vmem>>, vector<16xi32>,
    %add3A_182 = arith.constant 480 : i32
    %add3A_183 = arith.addi %mul3A_2, %add3A_182 : i32
    %add3A_184 = vector.broadcast %add3A_183 : i32 to vector<16xi32>
    %add3A_185 = arith.addi %add3A_184, %iota3A : vector<16xi32>
    %swap3A_186 = arith.constant 480 : index
    %swap3A_187 = tpu.vector_load %arg6[%swap3A_186] {strides = array<i32>} : memref<1024xi32, #tpu.memory_space<vmem>>, vector<16xi32>,
    tpu.vector_store %arg6[%swap3A_186], %add3A_185 {strides = array<i32>} : memref<1024xi32, #tpu.memory_space<vmem>>, vector<16xi32>,
    %add3A_188 = arith.constant 496 : i32
    %add3A_189 = arith.addi %mul3A_2, %add3A_188 : i32
    %add3A_190 = vector.broadcast %add3A_189 : i32 to vector<16xi32>
    %add3A_191 = arith.addi %add3A_190, %iota3A : vector<16xi32>
    %swap3A_192 = arith.constant 496 : index
    %swap3A_193 = tpu.vector_load %arg6[%swap3A_192] {strides = array<i32>} : memref<1024xi32, #tpu.memory_space<vmem>>, vector<16xi32>,
    tpu.vector_store %arg6[%swap3A_192], %add3A_191 {strides = array<i32>} : memref<1024xi32, #tpu.memory_space<vmem>>, vector<16xi32>,
    %add3A_194 = arith.constant 512 : i32
    %add3A_195 = arith.addi %mul3A_2, %add3A_194 : i32
    %add3A_196 = vector.broadcast %add3A_195 : i32 to vector<16xi32>
    %add3A_197 = arith.addi %add3A_196, %iota3A : vector<16xi32>
    %swap3A_198 = arith.constant 512 : index
    %swap3A_199 = tpu.vector_load %arg6[%swap3A_198] {strides = array<i32>} : memref<1024xi32, #tpu.memory_space<vmem>>, vector<16xi32>,
    tpu.vector_store %arg6[%swap3A_198], %add3A_197 {strides = array<i32>} : memref<1024xi32, #tpu.memory_space<vmem>>, vector<16xi32>,
    %add3A_200 = arith.constant 528 : i32
    %add3A_201 = arith.addi %mul3A_2, %add3A_200 : i32
    %add3A_202 = vector.broadcast %add3A_201 : i32 to vector<16xi32>
    %add3A_203 = arith.addi %add3A_202, %iota3A : vector<16xi32>
    %swap3A_204 = arith.constant 528 : index
    %swap3A_205 = tpu.vector_load %arg6[%swap3A_204] {strides = array<i32>} : memref<1024xi32, #tpu.memory_space<vmem>>, vector<16xi32>,
    tpu.vector_store %arg6[%swap3A_204], %add3A_203 {strides = array<i32>} : memref<1024xi32, #tpu.memory_space<vmem>>, vector<16xi32>,
    %add3A_206 = arith.constant 544 : i32
    %add3A_207 = arith.addi %mul3A_2, %add3A_206 : i32
    %add3A_208 = vector.broadcast %add3A_207 : i32 to vector<16xi32>
    %add3A_209 = arith.addi %add3A_208, %iota3A : vector<16xi32>
    %swap3A_210 = arith.constant 544 : index
    %swap3A_211 = tpu.vector_load %arg6[%swap3A_210] {strides = array<i32>} : memref<1024xi32, #tpu.memory_space<vmem>>, vector<16xi32>,
    tpu.vector_store %arg6[%swap3A_210], %add3A_209 {strides = array<i32>} : memref<1024xi32, #tpu.memory_space<vmem>>, vector<16xi32>,
    %add3A_212 = arith.constant 560 : i32
    %add3A_213 = arith.addi %mul3A_2, %add3A_212 : i32
    %add3A_214 = vector.broadcast %add3A_213 : i32 to vector<16xi32>
    %add3A_215 = arith.addi %add3A_214, %iota3A : vector<16xi32>
    %swap3A_216 = arith.constant 560 : index
    %swap3A_217 = tpu.vector_load %arg6[%swap3A_216] {strides = array<i32>} : memref<1024xi32, #tpu.memory_space<vmem>>, vector<16xi32>,
    tpu.vector_store %arg6[%swap3A_216], %add3A_215 {strides = array<i32>} : memref<1024xi32, #tpu.memory_space<vmem>>, vector<16xi32>,
    %add3A_218 = arith.constant 576 : i32
    %add3A_219 = arith.addi %mul3A_2, %add3A_218 : i32
    %add3A_220 = vector.broadcast %add3A_219 : i32 to vector<16xi32>
    %add3A_221 = arith.addi %add3A_220, %iota3A : vector<16xi32>
    %swap3A_222 = arith.constant 576 : index
    %swap3A_223 = tpu.vector_load %arg6[%swap3A_222] {strides = array<i32>} : memref<1024xi32, #tpu.memory_space<vmem>>, vector<16xi32>,
    tpu.vector_store %arg6[%swap3A_222], %add3A_221 {strides = array<i32>} : memref<1024xi32, #tpu.memory_space<vmem>>, vector<16xi32>,
    %add3A_224 = arith.constant 592 : i32
    %add3A_225 = arith.addi %mul3A_2, %add3A_224 : i32
    %add3A_226 = vector.broadcast %add3A_225 : i32 to vector<16xi32>
    %add3A_227 = arith.addi %add3A_226, %iota3A : vector<16xi32>
    %swap3A_228 = arith.constant 592 : index
    %swap3A_229 = tpu.vector_load %arg6[%swap3A_228] {strides = array<i32>} : memref<1024xi32, #tpu.memory_space<vmem>>, vector<16xi32>,
    tpu.vector_store %arg6[%swap3A_228], %add3A_227 {strides = array<i32>} : memref<1024xi32, #tpu.memory_space<vmem>>, vector<16xi32>,
    %add3A_230 = arith.constant 608 : i32
    %add3A_231 = arith.addi %mul3A_2, %add3A_230 : i32
    %add3A_232 = vector.broadcast %add3A_231 : i32 to vector<16xi32>
    %add3A_233 = arith.addi %add3A_232, %iota3A : vector<16xi32>
    %swap3A_234 = arith.constant 608 : index
    %swap3A_235 = tpu.vector_load %arg6[%swap3A_234] {strides = array<i32>} : memref<1024xi32, #tpu.memory_space<vmem>>, vector<16xi32>,
    tpu.vector_store %arg6[%swap3A_234], %add3A_233 {strides = array<i32>} : memref<1024xi32, #tpu.memory_space<vmem>>, vector<16xi32>,
    %add3A_236 = arith.constant 624 : i32
    %add3A_237 = arith.addi %mul3A_2, %add3A_236 : i32
    %add3A_238 = vector.broadcast %add3A_237 : i32 to vector<16xi32>
    %add3A_239 = arith.addi %add3A_238, %iota3A : vector<16xi32>
    %swap3A_240 = arith.constant 624 : index
    %swap3A_241 = tpu.vector_load %arg6[%swap3A_240] {strides = array<i32>} : memref<1024xi32, #tpu.memory_space<vmem>>, vector<16xi32>,
    tpu.vector_store %arg6[%swap3A_240], %add3A_239 {strides = array<i32>} : memref<1024xi32, #tpu.memory_space<vmem>>, vector<16xi32>,
    %add3A_242 = arith.constant 640 : i32
    %add3A_243 = arith.addi %mul3A_2, %add3A_242 : i32
    %add3A_244 = vector.broadcast %add3A_243 : i32 to vector<16xi32>
    %add3A_245 = arith.addi %add3A_244, %iota3A : vector<16xi32>
    %swap3A_246 = arith.constant 640 : index
    %swap3A_247 = tpu.vector_load %arg6[%swap3A_246] {strides = array<i32>} : memref<1024xi32, #tpu.memory_space<vmem>>, vector<16xi32>,
    tpu.vector_store %arg6[%swap3A_246], %add3A_245 {strides = array<i32>} : memref<1024xi32, #tpu.memory_space<vmem>>, vector<16xi32>,
    %add3A_248 = arith.constant 656 : i32
    %add3A_249 = arith.addi %mul3A_2, %add3A_248 : i32
    %add3A_250 = vector.broadcast %add3A_249 : i32 to vector<16xi32>
    %add3A_251 = arith.addi %add3A_250, %iota3A : vector<16xi32>
    %swap3A_252 = arith.constant 656 : index
    %swap3A_253 = tpu.vector_load %arg6[%swap3A_252] {strides = array<i32>} : memref<1024xi32, #tpu.memory_space<vmem>>, vector<16xi32>,
    tpu.vector_store %arg6[%swap3A_252], %add3A_251 {strides = array<i32>} : memref<1024xi32, #tpu.memory_space<vmem>>, vector<16xi32>,
    %add3A_254 = arith.constant 672 : i32
    %add3A_255 = arith.addi %mul3A_2, %add3A_254 : i32
    %add3A_256 = vector.broadcast %add3A_255 : i32 to vector<16xi32>
    %add3A_257 = arith.addi %add3A_256, %iota3A : vector<16xi32>
    %swap3A_258 = arith.constant 672 : index
    %swap3A_259 = tpu.vector_load %arg6[%swap3A_258] {strides = array<i32>} : memref<1024xi32, #tpu.memory_space<vmem>>, vector<16xi32>,
    tpu.vector_store %arg6[%swap3A_258], %add3A_257 {strides = array<i32>} : memref<1024xi32, #tpu.memory_space<vmem>>, vector<16xi32>,
    %add3A_260 = arith.constant 688 : i32
    %add3A_261 = arith.addi %mul3A_2, %add3A_260 : i32
    %add3A_262 = vector.broadcast %add3A_261 : i32 to vector<16xi32>
    %add3A_263 = arith.addi %add3A_262, %iota3A : vector<16xi32>
    %swap3A_264 = arith.constant 688 : index
    %swap3A_265 = tpu.vector_load %arg6[%swap3A_264] {strides = array<i32>} : memref<1024xi32, #tpu.memory_space<vmem>>, vector<16xi32>,
    tpu.vector_store %arg6[%swap3A_264], %add3A_263 {strides = array<i32>} : memref<1024xi32, #tpu.memory_space<vmem>>, vector<16xi32>,
    %add3A_266 = arith.constant 704 : i32
    %add3A_267 = arith.addi %mul3A_2, %add3A_266 : i32
    %add3A_268 = vector.broadcast %add3A_267 : i32 to vector<16xi32>
    %add3A_269 = arith.addi %add3A_268, %iota3A : vector<16xi32>
    %swap3A_270 = arith.constant 704 : index
    %swap3A_271 = tpu.vector_load %arg6[%swap3A_270] {strides = array<i32>} : memref<1024xi32, #tpu.memory_space<vmem>>, vector<16xi32>,
    tpu.vector_store %arg6[%swap3A_270], %add3A_269 {strides = array<i32>} : memref<1024xi32, #tpu.memory_space<vmem>>, vector<16xi32>,
    %add3A_272 = arith.constant 720 : i32
    %add3A_273 = arith.addi %mul3A_2, %add3A_272 : i32
    %add3A_274 = vector.broadcast %add3A_273 : i32 to vector<16xi32>
    %add3A_275 = arith.addi %add3A_274, %iota3A : vector<16xi32>
    %swap3A_276 = arith.constant 720 : index
    %swap3A_277 = tpu.vector_load %arg6[%swap3A_276] {strides = array<i32>} : memref<1024xi32, #tpu.memory_space<vmem>>, vector<16xi32>,
    tpu.vector_store %arg6[%swap3A_276], %add3A_275 {strides = array<i32>} : memref<1024xi32, #tpu.memory_space<vmem>>, vector<16xi32>,
    %add3A_278 = arith.constant 736 : i32
    %add3A_279 = arith.addi %mul3A_2, %add3A_278 : i32
    %add3A_280 = vector.broadcast %add3A_279 : i32 to vector<16xi32>
    %add3A_281 = arith.addi %add3A_280, %iota3A : vector<16xi32>
    %swap3A_282 = arith.constant 736 : index
    %swap3A_283 = tpu.vector_load %arg6[%swap3A_282] {strides = array<i32>} : memref<1024xi32, #tpu.memory_space<vmem>>, vector<16xi32>,
    tpu.vector_store %arg6[%swap3A_282], %add3A_281 {strides = array<i32>} : memref<1024xi32, #tpu.memory_space<vmem>>, vector<16xi32>,
    %add3A_284 = arith.constant 752 : i32
    %add3A_285 = arith.addi %mul3A_2, %add3A_284 : i32
    %add3A_286 = vector.broadcast %add3A_285 : i32 to vector<16xi32>
    %add3A_287 = arith.addi %add3A_286, %iota3A : vector<16xi32>
    %swap3A_288 = arith.constant 752 : index
    %swap3A_289 = tpu.vector_load %arg6[%swap3A_288] {strides = array<i32>} : memref<1024xi32, #tpu.memory_space<vmem>>, vector<16xi32>,
    tpu.vector_store %arg6[%swap3A_288], %add3A_287 {strides = array<i32>} : memref<1024xi32, #tpu.memory_space<vmem>>, vector<16xi32>,
    %add3A_290 = arith.constant 768 : i32
    %add3A_291 = arith.addi %mul3A_2, %add3A_290 : i32
    %add3A_292 = vector.broadcast %add3A_291 : i32 to vector<16xi32>
    %add3A_293 = arith.addi %add3A_292, %iota3A : vector<16xi32>
    %swap3A_294 = arith.constant 768 : index
    %swap3A_295 = tpu.vector_load %arg6[%swap3A_294] {strides = array<i32>} : memref<1024xi32, #tpu.memory_space<vmem>>, vector<16xi32>,
    tpu.vector_store %arg6[%swap3A_294], %add3A_293 {strides = array<i32>} : memref<1024xi32, #tpu.memory_space<vmem>>, vector<16xi32>,
    %add3A_296 = arith.constant 784 : i32
    %add3A_297 = arith.addi %mul3A_2, %add3A_296 : i32
    %add3A_298 = vector.broadcast %add3A_297 : i32 to vector<16xi32>
    %add3A_299 = arith.addi %add3A_298, %iota3A : vector<16xi32>
    %swap3A_300 = arith.constant 784 : index
    %swap3A_301 = tpu.vector_load %arg6[%swap3A_300] {strides = array<i32>} : memref<1024xi32, #tpu.memory_space<vmem>>, vector<16xi32>,
    tpu.vector_store %arg6[%swap3A_300], %add3A_299 {strides = array<i32>} : memref<1024xi32, #tpu.memory_space<vmem>>, vector<16xi32>,
    %add3A_302 = arith.constant 800 : i32
    %add3A_303 = arith.addi %mul3A_2, %add3A_302 : i32
    %add3A_304 = vector.broadcast %add3A_303 : i32 to vector<16xi32>
    %add3A_305 = arith.addi %add3A_304, %iota3A : vector<16xi32>
    %swap3A_306 = arith.constant 800 : index
    %swap3A_307 = tpu.vector_load %arg6[%swap3A_306] {strides = array<i32>} : memref<1024xi32, #tpu.memory_space<vmem>>, vector<16xi32>,
    tpu.vector_store %arg6[%swap3A_306], %add3A_305 {strides = array<i32>} : memref<1024xi32, #tpu.memory_space<vmem>>, vector<16xi32>,
    %add3A_308 = arith.constant 816 : i32
    %add3A_309 = arith.addi %mul3A_2, %add3A_308 : i32
    %add3A_310 = vector.broadcast %add3A_309 : i32 to vector<16xi32>
    %add3A_311 = arith.addi %add3A_310, %iota3A : vector<16xi32>
    %swap3A_312 = arith.constant 816 : index
    %swap3A_313 = tpu.vector_load %arg6[%swap3A_312] {strides = array<i32>} : memref<1024xi32, #tpu.memory_space<vmem>>, vector<16xi32>,
    tpu.vector_store %arg6[%swap3A_312], %add3A_311 {strides = array<i32>} : memref<1024xi32, #tpu.memory_space<vmem>>, vector<16xi32>,
    %add3A_314 = arith.constant 832 : i32
    %add3A_315 = arith.addi %mul3A_2, %add3A_314 : i32
    %add3A_316 = vector.broadcast %add3A_315 : i32 to vector<16xi32>
    %add3A_317 = arith.addi %add3A_316, %iota3A : vector<16xi32>
    %swap3A_318 = arith.constant 832 : index
    %swap3A_319 = tpu.vector_load %arg6[%swap3A_318] {strides = array<i32>} : memref<1024xi32, #tpu.memory_space<vmem>>, vector<16xi32>,
    tpu.vector_store %arg6[%swap3A_318], %add3A_317 {strides = array<i32>} : memref<1024xi32, #tpu.memory_space<vmem>>, vector<16xi32>,
    %add3A_320 = arith.constant 848 : i32
    %add3A_321 = arith.addi %mul3A_2, %add3A_320 : i32
    %add3A_322 = vector.broadcast %add3A_321 : i32 to vector<16xi32>
    %add3A_323 = arith.addi %add3A_322, %iota3A : vector<16xi32>
    %swap3A_324 = arith.constant 848 : index
    %swap3A_325 = tpu.vector_load %arg6[%swap3A_324] {strides = array<i32>} : memref<1024xi32, #tpu.memory_space<vmem>>, vector<16xi32>,
    tpu.vector_store %arg6[%swap3A_324], %add3A_323 {strides = array<i32>} : memref<1024xi32, #tpu.memory_space<vmem>>, vector<16xi32>,
    %add3A_326 = arith.constant 864 : i32
    %add3A_327 = arith.addi %mul3A_2, %add3A_326 : i32
    %add3A_328 = vector.broadcast %add3A_327 : i32 to vector<16xi32>
    %add3A_329 = arith.addi %add3A_328, %iota3A : vector<16xi32>
    %swap3A_330 = arith.constant 864 : index
    %swap3A_331 = tpu.vector_load %arg6[%swap3A_330] {strides = array<i32>} : memref<1024xi32, #tpu.memory_space<vmem>>, vector<16xi32>,
    tpu.vector_store %arg6[%swap3A_330], %add3A_329 {strides = array<i32>} : memref<1024xi32, #tpu.memory_space<vmem>>, vector<16xi32>,
    %add3A_332 = arith.constant 880 : i32
    %add3A_333 = arith.addi %mul3A_2, %add3A_332 : i32
    %add3A_334 = vector.broadcast %add3A_333 : i32 to vector<16xi32>
    %add3A_335 = arith.addi %add3A_334, %iota3A : vector<16xi32>
    %swap3A_336 = arith.constant 880 : index
    %swap3A_337 = tpu.vector_load %arg6[%swap3A_336] {strides = array<i32>} : memref<1024xi32, #tpu.memory_space<vmem>>, vector<16xi32>,
    tpu.vector_store %arg6[%swap3A_336], %add3A_335 {strides = array<i32>} : memref<1024xi32, #tpu.memory_space<vmem>>, vector<16xi32>,
    %add3A_338 = arith.constant 896 : i32
    %add3A_339 = arith.addi %mul3A_2, %add3A_338 : i32
    %add3A_340 = vector.broadcast %add3A_339 : i32 to vector<16xi32>
    %add3A_341 = arith.addi %add3A_340, %iota3A : vector<16xi32>
    %swap3A_342 = arith.constant 896 : index
    %swap3A_343 = tpu.vector_load %arg6[%swap3A_342] {strides = array<i32>} : memref<1024xi32, #tpu.memory_space<vmem>>, vector<16xi32>,
    tpu.vector_store %arg6[%swap3A_342], %add3A_341 {strides = array<i32>} : memref<1024xi32, #tpu.memory_space<vmem>>, vector<16xi32>,
    %add3A_344 = arith.constant 912 : i32
    %add3A_345 = arith.addi %mul3A_2, %add3A_344 : i32
    %add3A_346 = vector.broadcast %add3A_345 : i32 to vector<16xi32>
    %add3A_347 = arith.addi %add3A_346, %iota3A : vector<16xi32>
    %swap3A_348 = arith.constant 912 : index
    %swap3A_349 = tpu.vector_load %arg6[%swap3A_348] {strides = array<i32>} : memref<1024xi32, #tpu.memory_space<vmem>>, vector<16xi32>,
    tpu.vector_store %arg6[%swap3A_348], %add3A_347 {strides = array<i32>} : memref<1024xi32, #tpu.memory_space<vmem>>, vector<16xi32>,
    %add3A_350 = arith.constant 928 : i32
    %add3A_351 = arith.addi %mul3A_2, %add3A_350 : i32
    %add3A_352 = vector.broadcast %add3A_351 : i32 to vector<16xi32>
    %add3A_353 = arith.addi %add3A_352, %iota3A : vector<16xi32>
    %swap3A_354 = arith.constant 928 : index
    %swap3A_355 = tpu.vector_load %arg6[%swap3A_354] {strides = array<i32>} : memref<1024xi32, #tpu.memory_space<vmem>>, vector<16xi32>,
    tpu.vector_store %arg6[%swap3A_354], %add3A_353 {strides = array<i32>} : memref<1024xi32, #tpu.memory_space<vmem>>, vector<16xi32>,
    %add3A_356 = arith.constant 944 : i32
    %add3A_357 = arith.addi %mul3A_2, %add3A_356 : i32
    %add3A_358 = vector.broadcast %add3A_357 : i32 to vector<16xi32>
    %add3A_359 = arith.addi %add3A_358, %iota3A : vector<16xi32>
    %swap3A_360 = arith.constant 944 : index
    %swap3A_361 = tpu.vector_load %arg6[%swap3A_360] {strides = array<i32>} : memref<1024xi32, #tpu.memory_space<vmem>>, vector<16xi32>,
    tpu.vector_store %arg6[%swap3A_360], %add3A_359 {strides = array<i32>} : memref<1024xi32, #tpu.memory_space<vmem>>, vector<16xi32>,
    %add3A_362 = arith.constant 960 : i32
    %add3A_363 = arith.addi %mul3A_2, %add3A_362 : i32
    %add3A_364 = vector.broadcast %add3A_363 : i32 to vector<16xi32>
    %add3A_365 = arith.addi %add3A_364, %iota3A : vector<16xi32>
    %swap3A_366 = arith.constant 960 : index
    %swap3A_367 = tpu.vector_load %arg6[%swap3A_366] {strides = array<i32>} : memref<1024xi32, #tpu.memory_space<vmem>>, vector<16xi32>,
    tpu.vector_store %arg6[%swap3A_366], %add3A_365 {strides = array<i32>} : memref<1024xi32, #tpu.memory_space<vmem>>, vector<16xi32>,
    %add3A_368 = arith.constant 976 : i32
    %add3A_369 = arith.addi %mul3A_2, %add3A_368 : i32
    %add3A_370 = vector.broadcast %add3A_369 : i32 to vector<16xi32>
    %add3A_371 = arith.addi %add3A_370, %iota3A : vector<16xi32>
    %swap3A_372 = arith.constant 976 : index
    %swap3A_373 = tpu.vector_load %arg6[%swap3A_372] {strides = array<i32>} : memref<1024xi32, #tpu.memory_space<vmem>>, vector<16xi32>,
    tpu.vector_store %arg6[%swap3A_372], %add3A_371 {strides = array<i32>} : memref<1024xi32, #tpu.memory_space<vmem>>, vector<16xi32>,
    %add3A_374 = arith.constant 992 : i32
    %add3A_375 = arith.addi %mul3A_2, %add3A_374 : i32
    %add3A_376 = vector.broadcast %add3A_375 : i32 to vector<16xi32>
    %add3A_377 = arith.addi %add3A_376, %iota3A : vector<16xi32>
    %swap3A_378 = arith.constant 992 : index
    %swap3A_379 = tpu.vector_load %arg6[%swap3A_378] {strides = array<i32>} : memref<1024xi32, #tpu.memory_space<vmem>>, vector<16xi32>,
    tpu.vector_store %arg6[%swap3A_378], %add3A_377 {strides = array<i32>} : memref<1024xi32, #tpu.memory_space<vmem>>, vector<16xi32>,
    %add3A_380 = arith.constant 1008 : i32
    %add3A_381 = arith.addi %mul3A_2, %add3A_380 : i32
    %add3A_382 = vector.broadcast %add3A_381 : i32 to vector<16xi32>
    %add3A_383 = arith.addi %add3A_382, %iota3A : vector<16xi32>
    %swap3A_384 = arith.constant 1008 : index
    %swap3A_385 = tpu.vector_load %arg6[%swap3A_384] {strides = array<i32>} : memref<1024xi32, #tpu.memory_space<vmem>>, vector<16xi32>,
    tpu.vector_store %arg6[%swap3A_384], %add3A_383 {strides = array<i32>} : memref<1024xi32, #tpu.memory_space<vmem>>, vector<16xi32>,
    %get3A = arith.constant 0 : index
    %get3A_386 = tpu.vector_load %arg5[%get3A] {strides = array<i32>} : memref<2048xi32, #tpu.memory_space<vmem>>, vector<16xi32>,
    %lt3A = arith.constant 1024 : i32
    %lt3A_387 = vector.broadcast %lt3A : i32 to vector<16xi32>
    %lt3A_388 = arith.cmpi slt, %get3A_386, %lt3A_387 : vector<16xi32>
    %jit3A = arith.constant 0 : i32
    %broadcast_in_dim3A = vector.broadcast %jit3A : i32 to vector<16xi32>
    %select_n3A = arith.select %lt3A_388, %get3A_386, %broadcast_in_dim3A : vector<16xi1>, vector<16xi32>
    %add3A_389 = arith.constant 1024 : i32
    %add3A_390 = arith.addi %mul3A_2, %add3A_389 : i32
    %add3A_391 = arith.constant 0 : i32
    %add3A_392 = arith.addi %add3A_390, %add3A_391 : i32
    %add3A_393 = vector.broadcast %add3A_392 : i32 to vector<16xi32>
    %add3A_394 = arith.addi %add3A_393, %iota3A : vector<16xi32>
    tpu.vector_store_idx %arg6[%select_n3A], %add3A_394 masked %lt3A_388 : memref<1024xi32, #tpu.memory_space<vmem>>[vector<16xi32>], vector<16xi32>, vector<16xi1>
    %get3A_395 = arith.constant 16 : index
    %get3A_396 = tpu.vector_load %arg5[%get3A_395] {strides = array<i32>} : memref<2048xi32, #tpu.memory_space<vmem>>, vector<16xi32>,
    %lt3A_397 = arith.constant 1024 : i32
    %lt3A_398 = vector.broadcast %lt3A_397 : i32 to vector<16xi32>
    %lt3A_399 = arith.cmpi slt, %get3A_396, %lt3A_398 : vector<16xi32>
    %jit3A_400 = arith.constant 0 : i32
    %broadcast_in_dim3A_401 = vector.broadcast %jit3A_400 : i32 to vector<16xi32>
    %select_n3A_402 = arith.select %lt3A_399, %get3A_396, %broadcast_in_dim3A_401 : vector<16xi1>, vector<16xi32>
    %add3A_403 = arith.constant 1024 : i32
    %add3A_404 = arith.addi %mul3A_2, %add3A_403 : i32
    %add3A_405 = arith.constant 16 : i32
    %add3A_406 = arith.addi %add3A_404, %add3A_405 : i32
    %add3A_407 = vector.broadcast %add3A_406 : i32 to vector<16xi32>
    %add3A_408 = arith.addi %add3A_407, %iota3A : vector<16xi32>
    tpu.vector_store_idx %arg6[%select_n3A_402], %add3A_408 masked %lt3A_399 : memref<1024xi32, #tpu.memory_space<vmem>>[vector<16xi32>], vector<16xi32>, vector<16xi1>
    %get3A_409 = arith.constant 32 : index
    %get3A_410 = tpu.vector_load %arg5[%get3A_409] {strides = array<i32>} : memref<2048xi32, #tpu.memory_space<vmem>>, vector<16xi32>,
    %lt3A_411 = arith.constant 1024 : i32
    %lt3A_412 = vector.broadcast %lt3A_411 : i32 to vector<16xi32>
    %lt3A_413 = arith.cmpi slt, %get3A_410, %lt3A_412 : vector<16xi32>
    %jit3A_414 = arith.constant 0 : i32
    %broadcast_in_dim3A_415 = vector.broadcast %jit3A_414 : i32 to vector<16xi32>
    %select_n3A_416 = arith.select %lt3A_413, %get3A_410, %broadcast_in_dim3A_415 : vector<16xi1>, vector<16xi32>
    %add3A_417 = arith.constant 1024 : i32
    %add3A_418 = arith.addi %mul3A_2, %add3A_417 : i32
    %add3A_419 = arith.constant 32 : i32
    %add3A_420 = arith.addi %add3A_418, %add3A_419 : i32
    %add3A_421 = vector.broadcast %add3A_420 : i32 to vector<16xi32>
    %add3A_422 = arith.addi %add3A_421, %iota3A : vector<16xi32>
    tpu.vector_store_idx %arg6[%select_n3A_416], %add3A_422 masked %lt3A_413 : memref<1024xi32, #tpu.memory_space<vmem>>[vector<16xi32>], vector<16xi32>, vector<16xi1>
    %get3A_423 = arith.constant 48 : index
    %get3A_424 = tpu.vector_load %arg5[%get3A_423] {strides = array<i32>} : memref<2048xi32, #tpu.memory_space<vmem>>, vector<16xi32>,
    %lt3A_425 = arith.constant 1024 : i32
    %lt3A_426 = vector.broadcast %lt3A_425 : i32 to vector<16xi32>
    %lt3A_427 = arith.cmpi slt, %get3A_424, %lt3A_426 : vector<16xi32>
    %jit3A_428 = arith.constant 0 : i32
    %broadcast_in_dim3A_429 = vector.broadcast %jit3A_428 : i32 to vector<16xi32>
    %select_n3A_430 = arith.select %lt3A_427, %get3A_424, %broadcast_in_dim3A_429 : vector<16xi1>, vector<16xi32>
    %add3A_431 = arith.constant 1024 : i32
    %add3A_432 = arith.addi %mul3A_2, %add3A_431 : i32
    %add3A_433 = arith.constant 48 : i32
    %add3A_434 = arith.addi %add3A_432, %add3A_433 : i32
    %add3A_435 = vector.broadcast %add3A_434 : i32 to vector<16xi32>
    %add3A_436 = arith.addi %add3A_435, %iota3A : vector<16xi32>
    tpu.vector_store_idx %arg6[%select_n3A_430], %add3A_436 masked %lt3A_427 : memref<1024xi32, #tpu.memory_space<vmem>>[vector<16xi32>], vector<16xi32>, vector<16xi1>
    %get3A_437 = arith.constant 64 : index
    %get3A_438 = tpu.vector_load %arg5[%get3A_437] {strides = array<i32>} : memref<2048xi32, #tpu.memory_space<vmem>>, vector<16xi32>,
    %lt3A_439 = arith.constant 1024 : i32
    %lt3A_440 = vector.broadcast %lt3A_439 : i32 to vector<16xi32>
    %lt3A_441 = arith.cmpi slt, %get3A_438, %lt3A_440 : vector<16xi32>
    %jit3A_442 = arith.constant 0 : i32
    %broadcast_in_dim3A_443 = vector.broadcast %jit3A_442 : i32 to vector<16xi32>
    %select_n3A_444 = arith.select %lt3A_441, %get3A_438, %broadcast_in_dim3A_443 : vector<16xi1>, vector<16xi32>
    %add3A_445 = arith.constant 1024 : i32
    %add3A_446 = arith.addi %mul3A_2, %add3A_445 : i32
    %add3A_447 = arith.constant 64 : i32
    %add3A_448 = arith.addi %add3A_446, %add3A_447 : i32
    %add3A_449 = vector.broadcast %add3A_448 : i32 to vector<16xi32>
    %add3A_450 = arith.addi %add3A_449, %iota3A : vector<16xi32>
    tpu.vector_store_idx %arg6[%select_n3A_444], %add3A_450 masked %lt3A_441 : memref<1024xi32, #tpu.memory_space<vmem>>[vector<16xi32>], vector<16xi32>, vector<16xi1>
    %get3A_451 = arith.constant 80 : index
    %get3A_452 = tpu.vector_load %arg5[%get3A_451] {strides = array<i32>} : memref<2048xi32, #tpu.memory_space<vmem>>, vector<16xi32>,
    %lt3A_453 = arith.constant 1024 : i32
    %lt3A_454 = vector.broadcast %lt3A_453 : i32 to vector<16xi32>
    %lt3A_455 = arith.cmpi slt, %get3A_452, %lt3A_454 : vector<16xi32>
    %jit3A_456 = arith.constant 0 : i32
    %broadcast_in_dim3A_457 = vector.broadcast %jit3A_456 : i32 to vector<16xi32>
    %select_n3A_458 = arith.select %lt3A_455, %get3A_452, %broadcast_in_dim3A_457 : vector<16xi1>, vector<16xi32>
    %add3A_459 = arith.constant 1024 : i32
    %add3A_460 = arith.addi %mul3A_2, %add3A_459 : i32
    %add3A_461 = arith.constant 80 : i32
    %add3A_462 = arith.addi %add3A_460, %add3A_461 : i32
    %add3A_463 = vector.broadcast %add3A_462 : i32 to vector<16xi32>
    %add3A_464 = arith.addi %add3A_463, %iota3A : vector<16xi32>
    tpu.vector_store_idx %arg6[%select_n3A_458], %add3A_464 masked %lt3A_455 : memref<1024xi32, #tpu.memory_space<vmem>>[vector<16xi32>], vector<16xi32>, vector<16xi1>
    %get3A_465 = arith.constant 96 : index
    %get3A_466 = tpu.vector_load %arg5[%get3A_465] {strides = array<i32>} : memref<2048xi32, #tpu.memory_space<vmem>>, vector<16xi32>,
    %lt3A_467 = arith.constant 1024 : i32
    %lt3A_468 = vector.broadcast %lt3A_467 : i32 to vector<16xi32>
    %lt3A_469 = arith.cmpi slt, %get3A_466, %lt3A_468 : vector<16xi32>
    %jit3A_470 = arith.constant 0 : i32
    %broadcast_in_dim3A_471 = vector.broadcast %jit3A_470 : i32 to vector<16xi32>
    %select_n3A_472 = arith.select %lt3A_469, %get3A_466, %broadcast_in_dim3A_471 : vector<16xi1>, vector<16xi32>
    %add3A_473 = arith.constant 1024 : i32
    %add3A_474 = arith.addi %mul3A_2, %add3A_473 : i32
    %add3A_475 = arith.constant 96 : i32
    %add3A_476 = arith.addi %add3A_474, %add3A_475 : i32
    %add3A_477 = vector.broadcast %add3A_476 : i32 to vector<16xi32>
    %add3A_478 = arith.addi %add3A_477, %iota3A : vector<16xi32>
    tpu.vector_store_idx %arg6[%select_n3A_472], %add3A_478 masked %lt3A_469 : memref<1024xi32, #tpu.memory_space<vmem>>[vector<16xi32>], vector<16xi32>, vector<16xi1>
    %get3A_479 = arith.constant 112 : index
    %get3A_480 = tpu.vector_load %arg5[%get3A_479] {strides = array<i32>} : memref<2048xi32, #tpu.memory_space<vmem>>, vector<16xi32>,
    %lt3A_481 = arith.constant 1024 : i32
    %lt3A_482 = vector.broadcast %lt3A_481 : i32 to vector<16xi32>
    %lt3A_483 = arith.cmpi slt, %get3A_480, %lt3A_482 : vector<16xi32>
    %jit3A_484 = arith.constant 0 : i32
    %broadcast_in_dim3A_485 = vector.broadcast %jit3A_484 : i32 to vector<16xi32>
    %select_n3A_486 = arith.select %lt3A_483, %get3A_480, %broadcast_in_dim3A_485 : vector<16xi1>, vector<16xi32>
    %add3A_487 = arith.constant 1024 : i32
    %add3A_488 = arith.addi %mul3A_2, %add3A_487 : i32
    %add3A_489 = arith.constant 112 : i32
    %add3A_490 = arith.addi %add3A_488, %add3A_489 : i32
    %add3A_491 = vector.broadcast %add3A_490 : i32 to vector<16xi32>
    %add3A_492 = arith.addi %add3A_491, %iota3A : vector<16xi32>
    tpu.vector_store_idx %arg6[%select_n3A_486], %add3A_492 masked %lt3A_483 : memref<1024xi32, #tpu.memory_space<vmem>>[vector<16xi32>], vector<16xi32>, vector<16xi1>
    %get3A_493 = arith.constant 128 : index
    %get3A_494 = tpu.vector_load %arg5[%get3A_493] {strides = array<i32>} : memref<2048xi32, #tpu.memory_space<vmem>>, vector<16xi32>,
    %lt3A_495 = arith.constant 1024 : i32
    %lt3A_496 = vector.broadcast %lt3A_495 : i32 to vector<16xi32>
    %lt3A_497 = arith.cmpi slt, %get3A_494, %lt3A_496 : vector<16xi32>
    %jit3A_498 = arith.constant 0 : i32
    %broadcast_in_dim3A_499 = vector.broadcast %jit3A_498 : i32 to vector<16xi32>
    %select_n3A_500 = arith.select %lt3A_497, %get3A_494, %broadcast_in_dim3A_499 : vector<16xi1>, vector<16xi32>
    %add3A_501 = arith.constant 1024 : i32
    %add3A_502 = arith.addi %mul3A_2, %add3A_501 : i32
    %add3A_503 = arith.constant 128 : i32
    %add3A_504 = arith.addi %add3A_502, %add3A_503 : i32
    %add3A_505 = vector.broadcast %add3A_504 : i32 to vector<16xi32>
    %add3A_506 = arith.addi %add3A_505, %iota3A : vector<16xi32>
    tpu.vector_store_idx %arg6[%select_n3A_500], %add3A_506 masked %lt3A_497 : memref<1024xi32, #tpu.memory_space<vmem>>[vector<16xi32>], vector<16xi32>, vector<16xi1>
    %get3A_507 = arith.constant 144 : index
    %get3A_508 = tpu.vector_load %arg5[%get3A_507] {strides = array<i32>} : memref<2048xi32, #tpu.memory_space<vmem>>, vector<16xi32>,
    %lt3A_509 = arith.constant 1024 : i32
    %lt3A_510 = vector.broadcast %lt3A_509 : i32 to vector<16xi32>
    %lt3A_511 = arith.cmpi slt, %get3A_508, %lt3A_510 : vector<16xi32>
    %jit3A_512 = arith.constant 0 : i32
    %broadcast_in_dim3A_513 = vector.broadcast %jit3A_512 : i32 to vector<16xi32>
    %select_n3A_514 = arith.select %lt3A_511, %get3A_508, %broadcast_in_dim3A_513 : vector<16xi1>, vector<16xi32>
    %add3A_515 = arith.constant 1024 : i32
    %add3A_516 = arith.addi %mul3A_2, %add3A_515 : i32
    %add3A_517 = arith.constant 144 : i32
    %add3A_518 = arith.addi %add3A_516, %add3A_517 : i32
    %add3A_519 = vector.broadcast %add3A_518 : i32 to vector<16xi32>
    %add3A_520 = arith.addi %add3A_519, %iota3A : vector<16xi32>
    tpu.vector_store_idx %arg6[%select_n3A_514], %add3A_520 masked %lt3A_511 : memref<1024xi32, #tpu.memory_space<vmem>>[vector<16xi32>], vector<16xi32>, vector<16xi1>
    %get3A_521 = arith.constant 160 : index
    %get3A_522 = tpu.vector_load %arg5[%get3A_521] {strides = array<i32>} : memref<2048xi32, #tpu.memory_space<vmem>>, vector<16xi32>,
    %lt3A_523 = arith.constant 1024 : i32
    %lt3A_524 = vector.broadcast %lt3A_523 : i32 to vector<16xi32>
    %lt3A_525 = arith.cmpi slt, %get3A_522, %lt3A_524 : vector<16xi32>
    %jit3A_526 = arith.constant 0 : i32
    %broadcast_in_dim3A_527 = vector.broadcast %jit3A_526 : i32 to vector<16xi32>
    %select_n3A_528 = arith.select %lt3A_525, %get3A_522, %broadcast_in_dim3A_527 : vector<16xi1>, vector<16xi32>
    %add3A_529 = arith.constant 1024 : i32
    %add3A_530 = arith.addi %mul3A_2, %add3A_529 : i32
    %add3A_531 = arith.constant 160 : i32
    %add3A_532 = arith.addi %add3A_530, %add3A_531 : i32
    %add3A_533 = vector.broadcast %add3A_532 : i32 to vector<16xi32>
    %add3A_534 = arith.addi %add3A_533, %iota3A : vector<16xi32>
    tpu.vector_store_idx %arg6[%select_n3A_528], %add3A_534 masked %lt3A_525 : memref<1024xi32, #tpu.memory_space<vmem>>[vector<16xi32>], vector<16xi32>, vector<16xi1>
    %get3A_535 = arith.constant 176 : index
    %get3A_536 = tpu.vector_load %arg5[%get3A_535] {strides = array<i32>} : memref<2048xi32, #tpu.memory_space<vmem>>, vector<16xi32>,
    %lt3A_537 = arith.constant 1024 : i32
    %lt3A_538 = vector.broadcast %lt3A_537 : i32 to vector<16xi32>
    %lt3A_539 = arith.cmpi slt, %get3A_536, %lt3A_538 : vector<16xi32>
    %jit3A_540 = arith.constant 0 : i32
    %broadcast_in_dim3A_541 = vector.broadcast %jit3A_540 : i32 to vector<16xi32>
    %select_n3A_542 = arith.select %lt3A_539, %get3A_536, %broadcast_in_dim3A_541 : vector<16xi1>, vector<16xi32>
    %add3A_543 = arith.constant 1024 : i32
    %add3A_544 = arith.addi %mul3A_2, %add3A_543 : i32
    %add3A_545 = arith.constant 176 : i32
    %add3A_546 = arith.addi %add3A_544, %add3A_545 : i32
    %add3A_547 = vector.broadcast %add3A_546 : i32 to vector<16xi32>
    %add3A_548 = arith.addi %add3A_547, %iota3A : vector<16xi32>
    tpu.vector_store_idx %arg6[%select_n3A_542], %add3A_548 masked %lt3A_539 : memref<1024xi32, #tpu.memory_space<vmem>>[vector<16xi32>], vector<16xi32>, vector<16xi1>
    %get3A_549 = arith.constant 192 : index
    %get3A_550 = tpu.vector_load %arg5[%get3A_549] {strides = array<i32>} : memref<2048xi32, #tpu.memory_space<vmem>>, vector<16xi32>,
    %lt3A_551 = arith.constant 1024 : i32
    %lt3A_552 = vector.broadcast %lt3A_551 : i32 to vector<16xi32>
    %lt3A_553 = arith.cmpi slt, %get3A_550, %lt3A_552 : vector<16xi32>
    %jit3A_554 = arith.constant 0 : i32
    %broadcast_in_dim3A_555 = vector.broadcast %jit3A_554 : i32 to vector<16xi32>
    %select_n3A_556 = arith.select %lt3A_553, %get3A_550, %broadcast_in_dim3A_555 : vector<16xi1>, vector<16xi32>
    %add3A_557 = arith.constant 1024 : i32
    %add3A_558 = arith.addi %mul3A_2, %add3A_557 : i32
    %add3A_559 = arith.constant 192 : i32
    %add3A_560 = arith.addi %add3A_558, %add3A_559 : i32
    %add3A_561 = vector.broadcast %add3A_560 : i32 to vector<16xi32>
    %add3A_562 = arith.addi %add3A_561, %iota3A : vector<16xi32>
    tpu.vector_store_idx %arg6[%select_n3A_556], %add3A_562 masked %lt3A_553 : memref<1024xi32, #tpu.memory_space<vmem>>[vector<16xi32>], vector<16xi32>, vector<16xi1>
    %get3A_563 = arith.constant 208 : index
    %get3A_564 = tpu.vector_load %arg5[%get3A_563] {strides = array<i32>} : memref<2048xi32, #tpu.memory_space<vmem>>, vector<16xi32>,
    %lt3A_565 = arith.constant 1024 : i32
    %lt3A_566 = vector.broadcast %lt3A_565 : i32 to vector<16xi32>
    %lt3A_567 = arith.cmpi slt, %get3A_564, %lt3A_566 : vector<16xi32>
    %jit3A_568 = arith.constant 0 : i32
    %broadcast_in_dim3A_569 = vector.broadcast %jit3A_568 : i32 to vector<16xi32>
    %select_n3A_570 = arith.select %lt3A_567, %get3A_564, %broadcast_in_dim3A_569 : vector<16xi1>, vector<16xi32>
    %add3A_571 = arith.constant 1024 : i32
    %add3A_572 = arith.addi %mul3A_2, %add3A_571 : i32
    %add3A_573 = arith.constant 208 : i32
    %add3A_574 = arith.addi %add3A_572, %add3A_573 : i32
    %add3A_575 = vector.broadcast %add3A_574 : i32 to vector<16xi32>
    %add3A_576 = arith.addi %add3A_575, %iota3A : vector<16xi32>
    tpu.vector_store_idx %arg6[%select_n3A_570], %add3A_576 masked %lt3A_567 : memref<1024xi32, #tpu.memory_space<vmem>>[vector<16xi32>], vector<16xi32>, vector<16xi1>
    %get3A_577 = arith.constant 224 : index
    %get3A_578 = tpu.vector_load %arg5[%get3A_577] {strides = array<i32>} : memref<2048xi32, #tpu.memory_space<vmem>>, vector<16xi32>,
    %lt3A_579 = arith.constant 1024 : i32
    %lt3A_580 = vector.broadcast %lt3A_579 : i32 to vector<16xi32>
    %lt3A_581 = arith.cmpi slt, %get3A_578, %lt3A_580 : vector<16xi32>
    %jit3A_582 = arith.constant 0 : i32
    %broadcast_in_dim3A_583 = vector.broadcast %jit3A_582 : i32 to vector<16xi32>
    %select_n3A_584 = arith.select %lt3A_581, %get3A_578, %broadcast_in_dim3A_583 : vector<16xi1>, vector<16xi32>
    %add3A_585 = arith.constant 1024 : i32
    %add3A_586 = arith.addi %mul3A_2, %add3A_585 : i32
    %add3A_587 = arith.constant 224 : i32
    %add3A_588 = arith.addi %add3A_586, %add3A_587 : i32
    %add3A_589 = vector.broadcast %add3A_588 : i32 to vector<16xi32>
    %add3A_590 = arith.addi %add3A_589, %iota3A : vector<16xi32>
    tpu.vector_store_idx %arg6[%select_n3A_584], %add3A_590 masked %lt3A_581 : memref<1024xi32, #tpu.memory_space<vmem>>[vector<16xi32>], vector<16xi32>, vector<16xi1>
    %get3A_591 = arith.constant 240 : index
    %get3A_592 = tpu.vector_load %arg5[%get3A_591] {strides = array<i32>} : memref<2048xi32, #tpu.memory_space<vmem>>, vector<16xi32>,
    %lt3A_593 = arith.constant 1024 : i32
    %lt3A_594 = vector.broadcast %lt3A_593 : i32 to vector<16xi32>
    %lt3A_595 = arith.cmpi slt, %get3A_592, %lt3A_594 : vector<16xi32>
    %jit3A_596 = arith.constant 0 : i32
    %broadcast_in_dim3A_597 = vector.broadcast %jit3A_596 : i32 to vector<16xi32>
    %select_n3A_598 = arith.select %lt3A_595, %get3A_592, %broadcast_in_dim3A_597 : vector<16xi1>, vector<16xi32>
    %add3A_599 = arith.constant 1024 : i32
    %add3A_600 = arith.addi %mul3A_2, %add3A_599 : i32
    %add3A_601 = arith.constant 240 : i32
    %add3A_602 = arith.addi %add3A_600, %add3A_601 : i32
    %add3A_603 = vector.broadcast %add3A_602 : i32 to vector<16xi32>
    %add3A_604 = arith.addi %add3A_603, %iota3A : vector<16xi32>
    tpu.vector_store_idx %arg6[%select_n3A_598], %add3A_604 masked %lt3A_595 : memref<1024xi32, #tpu.memory_space<vmem>>[vector<16xi32>], vector<16xi32>, vector<16xi1>
    %get3A_605 = arith.constant 256 : index
    %get3A_606 = tpu.vector_load %arg5[%get3A_605] {strides = array<i32>} : memref<2048xi32, #tpu.memory_space<vmem>>, vector<16xi32>,
    %lt3A_607 = arith.constant 1024 : i32
    %lt3A_608 = vector.broadcast %lt3A_607 : i32 to vector<16xi32>
    %lt3A_609 = arith.cmpi slt, %get3A_606, %lt3A_608 : vector<16xi32>
    %jit3A_610 = arith.constant 0 : i32
    %broadcast_in_dim3A_611 = vector.broadcast %jit3A_610 : i32 to vector<16xi32>
    %select_n3A_612 = arith.select %lt3A_609, %get3A_606, %broadcast_in_dim3A_611 : vector<16xi1>, vector<16xi32>
    %add3A_613 = arith.constant 1024 : i32
    %add3A_614 = arith.addi %mul3A_2, %add3A_613 : i32
    %add3A_615 = arith.constant 256 : i32
    %add3A_616 = arith.addi %add3A_614, %add3A_615 : i32
    %add3A_617 = vector.broadcast %add3A_616 : i32 to vector<16xi32>
    %add3A_618 = arith.addi %add3A_617, %iota3A : vector<16xi32>
    tpu.vector_store_idx %arg6[%select_n3A_612], %add3A_618 masked %lt3A_609 : memref<1024xi32, #tpu.memory_space<vmem>>[vector<16xi32>], vector<16xi32>, vector<16xi1>
    %get3A_619 = arith.constant 272 : index
    %get3A_620 = tpu.vector_load %arg5[%get3A_619] {strides = array<i32>} : memref<2048xi32, #tpu.memory_space<vmem>>, vector<16xi32>,
    %lt3A_621 = arith.constant 1024 : i32
    %lt3A_622 = vector.broadcast %lt3A_621 : i32 to vector<16xi32>
    %lt3A_623 = arith.cmpi slt, %get3A_620, %lt3A_622 : vector<16xi32>
    %jit3A_624 = arith.constant 0 : i32
    %broadcast_in_dim3A_625 = vector.broadcast %jit3A_624 : i32 to vector<16xi32>
    %select_n3A_626 = arith.select %lt3A_623, %get3A_620, %broadcast_in_dim3A_625 : vector<16xi1>, vector<16xi32>
    %add3A_627 = arith.constant 1024 : i32
    %add3A_628 = arith.addi %mul3A_2, %add3A_627 : i32
    %add3A_629 = arith.constant 272 : i32
    %add3A_630 = arith.addi %add3A_628, %add3A_629 : i32
    %add3A_631 = vector.broadcast %add3A_630 : i32 to vector<16xi32>
    %add3A_632 = arith.addi %add3A_631, %iota3A : vector<16xi32>
    tpu.vector_store_idx %arg6[%select_n3A_626], %add3A_632 masked %lt3A_623 : memref<1024xi32, #tpu.memory_space<vmem>>[vector<16xi32>], vector<16xi32>, vector<16xi1>
    %get3A_633 = arith.constant 288 : index
    %get3A_634 = tpu.vector_load %arg5[%get3A_633] {strides = array<i32>} : memref<2048xi32, #tpu.memory_space<vmem>>, vector<16xi32>,
    %lt3A_635 = arith.constant 1024 : i32
    %lt3A_636 = vector.broadcast %lt3A_635 : i32 to vector<16xi32>
    %lt3A_637 = arith.cmpi slt, %get3A_634, %lt3A_636 : vector<16xi32>
    %jit3A_638 = arith.constant 0 : i32
    %broadcast_in_dim3A_639 = vector.broadcast %jit3A_638 : i32 to vector<16xi32>
    %select_n3A_640 = arith.select %lt3A_637, %get3A_634, %broadcast_in_dim3A_639 : vector<16xi1>, vector<16xi32>
    %add3A_641 = arith.constant 1024 : i32
    %add3A_642 = arith.addi %mul3A_2, %add3A_641 : i32
    %add3A_643 = arith.constant 288 : i32
    %add3A_644 = arith.addi %add3A_642, %add3A_643 : i32
    %add3A_645 = vector.broadcast %add3A_644 : i32 to vector<16xi32>
    %add3A_646 = arith.addi %add3A_645, %iota3A : vector<16xi32>
    tpu.vector_store_idx %arg6[%select_n3A_640], %add3A_646 masked %lt3A_637 : memref<1024xi32, #tpu.memory_space<vmem>>[vector<16xi32>], vector<16xi32>, vector<16xi1>
    %get3A_647 = arith.constant 304 : index
    %get3A_648 = tpu.vector_load %arg5[%get3A_647] {strides = array<i32>} : memref<2048xi32, #tpu.memory_space<vmem>>, vector<16xi32>,
    %lt3A_649 = arith.constant 1024 : i32
    %lt3A_650 = vector.broadcast %lt3A_649 : i32 to vector<16xi32>
    %lt3A_651 = arith.cmpi slt, %get3A_648, %lt3A_650 : vector<16xi32>
    %jit3A_652 = arith.constant 0 : i32
    %broadcast_in_dim3A_653 = vector.broadcast %jit3A_652 : i32 to vector<16xi32>
    %select_n3A_654 = arith.select %lt3A_651, %get3A_648, %broadcast_in_dim3A_653 : vector<16xi1>, vector<16xi32>
    %add3A_655 = arith.constant 1024 : i32
    %add3A_656 = arith.addi %mul3A_2, %add3A_655 : i32
    %add3A_657 = arith.constant 304 : i32
    %add3A_658 = arith.addi %add3A_656, %add3A_657 : i32
    %add3A_659 = vector.broadcast %add3A_658 : i32 to vector<16xi32>
    %add3A_660 = arith.addi %add3A_659, %iota3A : vector<16xi32>
    tpu.vector_store_idx %arg6[%select_n3A_654], %add3A_660 masked %lt3A_651 : memref<1024xi32, #tpu.memory_space<vmem>>[vector<16xi32>], vector<16xi32>, vector<16xi1>
    %get3A_661 = arith.constant 320 : index
    %get3A_662 = tpu.vector_load %arg5[%get3A_661] {strides = array<i32>} : memref<2048xi32, #tpu.memory_space<vmem>>, vector<16xi32>,
    %lt3A_663 = arith.constant 1024 : i32
    %lt3A_664 = vector.broadcast %lt3A_663 : i32 to vector<16xi32>
    %lt3A_665 = arith.cmpi slt, %get3A_662, %lt3A_664 : vector<16xi32>
    %jit3A_666 = arith.constant 0 : i32
    %broadcast_in_dim3A_667 = vector.broadcast %jit3A_666 : i32 to vector<16xi32>
    %select_n3A_668 = arith.select %lt3A_665, %get3A_662, %broadcast_in_dim3A_667 : vector<16xi1>, vector<16xi32>
    %add3A_669 = arith.constant 1024 : i32
    %add3A_670 = arith.addi %mul3A_2, %add3A_669 : i32
    %add3A_671 = arith.constant 320 : i32
    %add3A_672 = arith.addi %add3A_670, %add3A_671 : i32
    %add3A_673 = vector.broadcast %add3A_672 : i32 to vector<16xi32>
    %add3A_674 = arith.addi %add3A_673, %iota3A : vector<16xi32>
    tpu.vector_store_idx %arg6[%select_n3A_668], %add3A_674 masked %lt3A_665 : memref<1024xi32, #tpu.memory_space<vmem>>[vector<16xi32>], vector<16xi32>, vector<16xi1>
    %get3A_675 = arith.constant 336 : index
    %get3A_676 = tpu.vector_load %arg5[%get3A_675] {strides = array<i32>} : memref<2048xi32, #tpu.memory_space<vmem>>, vector<16xi32>,
    %lt3A_677 = arith.constant 1024 : i32
    %lt3A_678 = vector.broadcast %lt3A_677 : i32 to vector<16xi32>
    %lt3A_679 = arith.cmpi slt, %get3A_676, %lt3A_678 : vector<16xi32>
    %jit3A_680 = arith.constant 0 : i32
    %broadcast_in_dim3A_681 = vector.broadcast %jit3A_680 : i32 to vector<16xi32>
    %select_n3A_682 = arith.select %lt3A_679, %get3A_676, %broadcast_in_dim3A_681 : vector<16xi1>, vector<16xi32>
    %add3A_683 = arith.constant 1024 : i32
    %add3A_684 = arith.addi %mul3A_2, %add3A_683 : i32
    %add3A_685 = arith.constant 336 : i32
    %add3A_686 = arith.addi %add3A_684, %add3A_685 : i32
    %add3A_687 = vector.broadcast %add3A_686 : i32 to vector<16xi32>
    %add3A_688 = arith.addi %add3A_687, %iota3A : vector<16xi32>
    tpu.vector_store_idx %arg6[%select_n3A_682], %add3A_688 masked %lt3A_679 : memref<1024xi32, #tpu.memory_space<vmem>>[vector<16xi32>], vector<16xi32>, vector<16xi1>
    %get3A_689 = arith.constant 352 : index
    %get3A_690 = tpu.vector_load %arg5[%get3A_689] {strides = array<i32>} : memref<2048xi32, #tpu.memory_space<vmem>>, vector<16xi32>,
    %lt3A_691 = arith.constant 1024 : i32
    %lt3A_692 = vector.broadcast %lt3A_691 : i32 to vector<16xi32>
    %lt3A_693 = arith.cmpi slt, %get3A_690, %lt3A_692 : vector<16xi32>
    %jit3A_694 = arith.constant 0 : i32
    %broadcast_in_dim3A_695 = vector.broadcast %jit3A_694 : i32 to vector<16xi32>
    %select_n3A_696 = arith.select %lt3A_693, %get3A_690, %broadcast_in_dim3A_695 : vector<16xi1>, vector<16xi32>
    %add3A_697 = arith.constant 1024 : i32
    %add3A_698 = arith.addi %mul3A_2, %add3A_697 : i32
    %add3A_699 = arith.constant 352 : i32
    %add3A_700 = arith.addi %add3A_698, %add3A_699 : i32
    %add3A_701 = vector.broadcast %add3A_700 : i32 to vector<16xi32>
    %add3A_702 = arith.addi %add3A_701, %iota3A : vector<16xi32>
    tpu.vector_store_idx %arg6[%select_n3A_696], %add3A_702 masked %lt3A_693 : memref<1024xi32, #tpu.memory_space<vmem>>[vector<16xi32>], vector<16xi32>, vector<16xi1>
    %get3A_703 = arith.constant 368 : index
    %get3A_704 = tpu.vector_load %arg5[%get3A_703] {strides = array<i32>} : memref<2048xi32, #tpu.memory_space<vmem>>, vector<16xi32>,
    %lt3A_705 = arith.constant 1024 : i32
    %lt3A_706 = vector.broadcast %lt3A_705 : i32 to vector<16xi32>
    %lt3A_707 = arith.cmpi slt, %get3A_704, %lt3A_706 : vector<16xi32>
    %jit3A_708 = arith.constant 0 : i32
    %broadcast_in_dim3A_709 = vector.broadcast %jit3A_708 : i32 to vector<16xi32>
    %select_n3A_710 = arith.select %lt3A_707, %get3A_704, %broadcast_in_dim3A_709 : vector<16xi1>, vector<16xi32>
    %add3A_711 = arith.constant 1024 : i32
    %add3A_712 = arith.addi %mul3A_2, %add3A_711 : i32
    %add3A_713 = arith.constant 368 : i32
    %add3A_714 = arith.addi %add3A_712, %add3A_713 : i32
    %add3A_715 = vector.broadcast %add3A_714 : i32 to vector<16xi32>
    %add3A_716 = arith.addi %add3A_715, %iota3A : vector<16xi32>
    tpu.vector_store_idx %arg6[%select_n3A_710], %add3A_716 masked %lt3A_707 : memref<1024xi32, #tpu.memory_space<vmem>>[vector<16xi32>], vector<16xi32>, vector<16xi1>
    %get3A_717 = arith.constant 384 : index
    %get3A_718 = tpu.vector_load %arg5[%get3A_717] {strides = array<i32>} : memref<2048xi32, #tpu.memory_space<vmem>>, vector<16xi32>,
    %lt3A_719 = arith.constant 1024 : i32
    %lt3A_720 = vector.broadcast %lt3A_719 : i32 to vector<16xi32>
    %lt3A_721 = arith.cmpi slt, %get3A_718, %lt3A_720 : vector<16xi32>
    %jit3A_722 = arith.constant 0 : i32
    %broadcast_in_dim3A_723 = vector.broadcast %jit3A_722 : i32 to vector<16xi32>
    %select_n3A_724 = arith.select %lt3A_721, %get3A_718, %broadcast_in_dim3A_723 : vector<16xi1>, vector<16xi32>
    %add3A_725 = arith.constant 1024 : i32
    %add3A_726 = arith.addi %mul3A_2, %add3A_725 : i32
    %add3A_727 = arith.constant 384 : i32
    %add3A_728 = arith.addi %add3A_726, %add3A_727 : i32
    %add3A_729 = vector.broadcast %add3A_728 : i32 to vector<16xi32>
    %add3A_730 = arith.addi %add3A_729, %iota3A : vector<16xi32>
    tpu.vector_store_idx %arg6[%select_n3A_724], %add3A_730 masked %lt3A_721 : memref<1024xi32, #tpu.memory_space<vmem>>[vector<16xi32>], vector<16xi32>, vector<16xi1>
    %get3A_731 = arith.constant 400 : index
    %get3A_732 = tpu.vector_load %arg5[%get3A_731] {strides = array<i32>} : memref<2048xi32, #tpu.memory_space<vmem>>, vector<16xi32>,
    %lt3A_733 = arith.constant 1024 : i32
    %lt3A_734 = vector.broadcast %lt3A_733 : i32 to vector<16xi32>
    %lt3A_735 = arith.cmpi slt, %get3A_732, %lt3A_734 : vector<16xi32>
    %jit3A_736 = arith.constant 0 : i32
    %broadcast_in_dim3A_737 = vector.broadcast %jit3A_736 : i32 to vector<16xi32>
    %select_n3A_738 = arith.select %lt3A_735, %get3A_732, %broadcast_in_dim3A_737 : vector<16xi1>, vector<16xi32>
    %add3A_739 = arith.constant 1024 : i32
    %add3A_740 = arith.addi %mul3A_2, %add3A_739 : i32
    %add3A_741 = arith.constant 400 : i32
    %add3A_742 = arith.addi %add3A_740, %add3A_741 : i32
    %add3A_743 = vector.broadcast %add3A_742 : i32 to vector<16xi32>
    %add3A_744 = arith.addi %add3A_743, %iota3A : vector<16xi32>
    tpu.vector_store_idx %arg6[%select_n3A_738], %add3A_744 masked %lt3A_735 : memref<1024xi32, #tpu.memory_space<vmem>>[vector<16xi32>], vector<16xi32>, vector<16xi1>
    %get3A_745 = arith.constant 416 : index
    %get3A_746 = tpu.vector_load %arg5[%get3A_745] {strides = array<i32>} : memref<2048xi32, #tpu.memory_space<vmem>>, vector<16xi32>,
    %lt3A_747 = arith.constant 1024 : i32
    %lt3A_748 = vector.broadcast %lt3A_747 : i32 to vector<16xi32>
    %lt3A_749 = arith.cmpi slt, %get3A_746, %lt3A_748 : vector<16xi32>
    %jit3A_750 = arith.constant 0 : i32
    %broadcast_in_dim3A_751 = vector.broadcast %jit3A_750 : i32 to vector<16xi32>
    %select_n3A_752 = arith.select %lt3A_749, %get3A_746, %broadcast_in_dim3A_751 : vector<16xi1>, vector<16xi32>
    %add3A_753 = arith.constant 1024 : i32
    %add3A_754 = arith.addi %mul3A_2, %add3A_753 : i32
    %add3A_755 = arith.constant 416 : i32
    %add3A_756 = arith.addi %add3A_754, %add3A_755 : i32
    %add3A_757 = vector.broadcast %add3A_756 : i32 to vector<16xi32>
    %add3A_758 = arith.addi %add3A_757, %iota3A : vector<16xi32>
    tpu.vector_store_idx %arg6[%select_n3A_752], %add3A_758 masked %lt3A_749 : memref<1024xi32, #tpu.memory_space<vmem>>[vector<16xi32>], vector<16xi32>, vector<16xi1>
    %get3A_759 = arith.constant 432 : index
    %get3A_760 = tpu.vector_load %arg5[%get3A_759] {strides = array<i32>} : memref<2048xi32, #tpu.memory_space<vmem>>, vector<16xi32>,
    %lt3A_761 = arith.constant 1024 : i32
    %lt3A_762 = vector.broadcast %lt3A_761 : i32 to vector<16xi32>
    %lt3A_763 = arith.cmpi slt, %get3A_760, %lt3A_762 : vector<16xi32>
    %jit3A_764 = arith.constant 0 : i32
    %broadcast_in_dim3A_765 = vector.broadcast %jit3A_764 : i32 to vector<16xi32>
    %select_n3A_766 = arith.select %lt3A_763, %get3A_760, %broadcast_in_dim3A_765 : vector<16xi1>, vector<16xi32>
    %add3A_767 = arith.constant 1024 : i32
    %add3A_768 = arith.addi %mul3A_2, %add3A_767 : i32
    %add3A_769 = arith.constant 432 : i32
    %add3A_770 = arith.addi %add3A_768, %add3A_769 : i32
    %add3A_771 = vector.broadcast %add3A_770 : i32 to vector<16xi32>
    %add3A_772 = arith.addi %add3A_771, %iota3A : vector<16xi32>
    tpu.vector_store_idx %arg6[%select_n3A_766], %add3A_772 masked %lt3A_763 : memref<1024xi32, #tpu.memory_space<vmem>>[vector<16xi32>], vector<16xi32>, vector<16xi1>
    %get3A_773 = arith.constant 448 : index
    %get3A_774 = tpu.vector_load %arg5[%get3A_773] {strides = array<i32>} : memref<2048xi32, #tpu.memory_space<vmem>>, vector<16xi32>,
    %lt3A_775 = arith.constant 1024 : i32
    %lt3A_776 = vector.broadcast %lt3A_775 : i32 to vector<16xi32>
    %lt3A_777 = arith.cmpi slt, %get3A_774, %lt3A_776 : vector<16xi32>
    %jit3A_778 = arith.constant 0 : i32
    %broadcast_in_dim3A_779 = vector.broadcast %jit3A_778 : i32 to vector<16xi32>
    %select_n3A_780 = arith.select %lt3A_777, %get3A_774, %broadcast_in_dim3A_779 : vector<16xi1>, vector<16xi32>
    %add3A_781 = arith.constant 1024 : i32
    %add3A_782 = arith.addi %mul3A_2, %add3A_781 : i32
    %add3A_783 = arith.constant 448 : i32
    %add3A_784 = arith.addi %add3A_782, %add3A_783 : i32
    %add3A_785 = vector.broadcast %add3A_784 : i32 to vector<16xi32>
    %add3A_786 = arith.addi %add3A_785, %iota3A : vector<16xi32>
    tpu.vector_store_idx %arg6[%select_n3A_780], %add3A_786 masked %lt3A_777 : memref<1024xi32, #tpu.memory_space<vmem>>[vector<16xi32>], vector<16xi32>, vector<16xi1>
    %get3A_787 = arith.constant 464 : index
    %get3A_788 = tpu.vector_load %arg5[%get3A_787] {strides = array<i32>} : memref<2048xi32, #tpu.memory_space<vmem>>, vector<16xi32>,
    %lt3A_789 = arith.constant 1024 : i32
    %lt3A_790 = vector.broadcast %lt3A_789 : i32 to vector<16xi32>
    %lt3A_791 = arith.cmpi slt, %get3A_788, %lt3A_790 : vector<16xi32>
    %jit3A_792 = arith.constant 0 : i32
    %broadcast_in_dim3A_793 = vector.broadcast %jit3A_792 : i32 to vector<16xi32>
    %select_n3A_794 = arith.select %lt3A_791, %get3A_788, %broadcast_in_dim3A_793 : vector<16xi1>, vector<16xi32>
    %add3A_795 = arith.constant 1024 : i32
    %add3A_796 = arith.addi %mul3A_2, %add3A_795 : i32
    %add3A_797 = arith.constant 464 : i32
    %add3A_798 = arith.addi %add3A_796, %add3A_797 : i32
    %add3A_799 = vector.broadcast %add3A_798 : i32 to vector<16xi32>
    %add3A_800 = arith.addi %add3A_799, %iota3A : vector<16xi32>
    tpu.vector_store_idx %arg6[%select_n3A_794], %add3A_800 masked %lt3A_791 : memref<1024xi32, #tpu.memory_space<vmem>>[vector<16xi32>], vector<16xi32>, vector<16xi1>
    %get3A_801 = arith.constant 480 : index
    %get3A_802 = tpu.vector_load %arg5[%get3A_801] {strides = array<i32>} : memref<2048xi32, #tpu.memory_space<vmem>>, vector<16xi32>,
    %lt3A_803 = arith.constant 1024 : i32
    %lt3A_804 = vector.broadcast %lt3A_803 : i32 to vector<16xi32>
    %lt3A_805 = arith.cmpi slt, %get3A_802, %lt3A_804 : vector<16xi32>
    %jit3A_806 = arith.constant 0 : i32
    %broadcast_in_dim3A_807 = vector.broadcast %jit3A_806 : i32 to vector<16xi32>
    %select_n3A_808 = arith.select %lt3A_805, %get3A_802, %broadcast_in_dim3A_807 : vector<16xi1>, vector<16xi32>
    %add3A_809 = arith.constant 1024 : i32
    %add3A_810 = arith.addi %mul3A_2, %add3A_809 : i32
    %add3A_811 = arith.constant 480 : i32
    %add3A_812 = arith.addi %add3A_810, %add3A_811 : i32
    %add3A_813 = vector.broadcast %add3A_812 : i32 to vector<16xi32>
    %add3A_814 = arith.addi %add3A_813, %iota3A : vector<16xi32>
    tpu.vector_store_idx %arg6[%select_n3A_808], %add3A_814 masked %lt3A_805 : memref<1024xi32, #tpu.memory_space<vmem>>[vector<16xi32>], vector<16xi32>, vector<16xi1>
    %get3A_815 = arith.constant 496 : index
    %get3A_816 = tpu.vector_load %arg5[%get3A_815] {strides = array<i32>} : memref<2048xi32, #tpu.memory_space<vmem>>, vector<16xi32>,
    %lt3A_817 = arith.constant 1024 : i32
    %lt3A_818 = vector.broadcast %lt3A_817 : i32 to vector<16xi32>
    %lt3A_819 = arith.cmpi slt, %get3A_816, %lt3A_818 : vector<16xi32>
    %jit3A_820 = arith.constant 0 : i32
    %broadcast_in_dim3A_821 = vector.broadcast %jit3A_820 : i32 to vector<16xi32>
    %select_n3A_822 = arith.select %lt3A_819, %get3A_816, %broadcast_in_dim3A_821 : vector<16xi1>, vector<16xi32>
    %add3A_823 = arith.constant 1024 : i32
    %add3A_824 = arith.addi %mul3A_2, %add3A_823 : i32
    %add3A_825 = arith.constant 496 : i32
    %add3A_826 = arith.addi %add3A_824, %add3A_825 : i32
    %add3A_827 = vector.broadcast %add3A_826 : i32 to vector<16xi32>
    %add3A_828 = arith.addi %add3A_827, %iota3A : vector<16xi32>
    tpu.vector_store_idx %arg6[%select_n3A_822], %add3A_828 masked %lt3A_819 : memref<1024xi32, #tpu.memory_space<vmem>>[vector<16xi32>], vector<16xi32>, vector<16xi1>
    %get3A_829 = arith.constant 512 : index
    %get3A_830 = tpu.vector_load %arg5[%get3A_829] {strides = array<i32>} : memref<2048xi32, #tpu.memory_space<vmem>>, vector<16xi32>,
    %lt3A_831 = arith.constant 1024 : i32
    %lt3A_832 = vector.broadcast %lt3A_831 : i32 to vector<16xi32>
    %lt3A_833 = arith.cmpi slt, %get3A_830, %lt3A_832 : vector<16xi32>
    %jit3A_834 = arith.constant 0 : i32
    %broadcast_in_dim3A_835 = vector.broadcast %jit3A_834 : i32 to vector<16xi32>
    %select_n3A_836 = arith.select %lt3A_833, %get3A_830, %broadcast_in_dim3A_835 : vector<16xi1>, vector<16xi32>
    %add3A_837 = arith.constant 1024 : i32
    %add3A_838 = arith.addi %mul3A_2, %add3A_837 : i32
    %add3A_839 = arith.constant 512 : i32
    %add3A_840 = arith.addi %add3A_838, %add3A_839 : i32
    %add3A_841 = vector.broadcast %add3A_840 : i32 to vector<16xi32>
    %add3A_842 = arith.addi %add3A_841, %iota3A : vector<16xi32>
    tpu.vector_store_idx %arg6[%select_n3A_836], %add3A_842 masked %lt3A_833 : memref<1024xi32, #tpu.memory_space<vmem>>[vector<16xi32>], vector<16xi32>, vector<16xi1>
    %get3A_843 = arith.constant 528 : index
    %get3A_844 = tpu.vector_load %arg5[%get3A_843] {strides = array<i32>} : memref<2048xi32, #tpu.memory_space<vmem>>, vector<16xi32>,
    %lt3A_845 = arith.constant 1024 : i32
    %lt3A_846 = vector.broadcast %lt3A_845 : i32 to vector<16xi32>
    %lt3A_847 = arith.cmpi slt, %get3A_844, %lt3A_846 : vector<16xi32>
    %jit3A_848 = arith.constant 0 : i32
    %broadcast_in_dim3A_849 = vector.broadcast %jit3A_848 : i32 to vector<16xi32>
    %select_n3A_850 = arith.select %lt3A_847, %get3A_844, %broadcast_in_dim3A_849 : vector<16xi1>, vector<16xi32>
    %add3A_851 = arith.constant 1024 : i32
    %add3A_852 = arith.addi %mul3A_2, %add3A_851 : i32
    %add3A_853 = arith.constant 528 : i32
    %add3A_854 = arith.addi %add3A_852, %add3A_853 : i32
    %add3A_855 = vector.broadcast %add3A_854 : i32 to vector<16xi32>
    %add3A_856 = arith.addi %add3A_855, %iota3A : vector<16xi32>
    tpu.vector_store_idx %arg6[%select_n3A_850], %add3A_856 masked %lt3A_847 : memref<1024xi32, #tpu.memory_space<vmem>>[vector<16xi32>], vector<16xi32>, vector<16xi1>
    %get3A_857 = arith.constant 544 : index
    %get3A_858 = tpu.vector_load %arg5[%get3A_857] {strides = array<i32>} : memref<2048xi32, #tpu.memory_space<vmem>>, vector<16xi32>,
    %lt3A_859 = arith.constant 1024 : i32
    %lt3A_860 = vector.broadcast %lt3A_859 : i32 to vector<16xi32>
    %lt3A_861 = arith.cmpi slt, %get3A_858, %lt3A_860 : vector<16xi32>
    %jit3A_862 = arith.constant 0 : i32
    %broadcast_in_dim3A_863 = vector.broadcast %jit3A_862 : i32 to vector<16xi32>
    %select_n3A_864 = arith.select %lt3A_861, %get3A_858, %broadcast_in_dim3A_863 : vector<16xi1>, vector<16xi32>
    %add3A_865 = arith.constant 1024 : i32
    %add3A_866 = arith.addi %mul3A_2, %add3A_865 : i32
    %add3A_867 = arith.constant 544 : i32
    %add3A_868 = arith.addi %add3A_866, %add3A_867 : i32
    %add3A_869 = vector.broadcast %add3A_868 : i32 to vector<16xi32>
    %add3A_870 = arith.addi %add3A_869, %iota3A : vector<16xi32>
    tpu.vector_store_idx %arg6[%select_n3A_864], %add3A_870 masked %lt3A_861 : memref<1024xi32, #tpu.memory_space<vmem>>[vector<16xi32>], vector<16xi32>, vector<16xi1>
    %get3A_871 = arith.constant 560 : index
    %get3A_872 = tpu.vector_load %arg5[%get3A_871] {strides = array<i32>} : memref<2048xi32, #tpu.memory_space<vmem>>, vector<16xi32>,
    %lt3A_873 = arith.constant 1024 : i32
    %lt3A_874 = vector.broadcast %lt3A_873 : i32 to vector<16xi32>
    %lt3A_875 = arith.cmpi slt, %get3A_872, %lt3A_874 : vector<16xi32>
    %jit3A_876 = arith.constant 0 : i32
    %broadcast_in_dim3A_877 = vector.broadcast %jit3A_876 : i32 to vector<16xi32>
    %select_n3A_878 = arith.select %lt3A_875, %get3A_872, %broadcast_in_dim3A_877 : vector<16xi1>, vector<16xi32>
    %add3A_879 = arith.constant 1024 : i32
    %add3A_880 = arith.addi %mul3A_2, %add3A_879 : i32
    %add3A_881 = arith.constant 560 : i32
    %add3A_882 = arith.addi %add3A_880, %add3A_881 : i32
    %add3A_883 = vector.broadcast %add3A_882 : i32 to vector<16xi32>
    %add3A_884 = arith.addi %add3A_883, %iota3A : vector<16xi32>
    tpu.vector_store_idx %arg6[%select_n3A_878], %add3A_884 masked %lt3A_875 : memref<1024xi32, #tpu.memory_space<vmem>>[vector<16xi32>], vector<16xi32>, vector<16xi1>
    %get3A_885 = arith.constant 576 : index
    %get3A_886 = tpu.vector_load %arg5[%get3A_885] {strides = array<i32>} : memref<2048xi32, #tpu.memory_space<vmem>>, vector<16xi32>,
    %lt3A_887 = arith.constant 1024 : i32
    %lt3A_888 = vector.broadcast %lt3A_887 : i32 to vector<16xi32>
    %lt3A_889 = arith.cmpi slt, %get3A_886, %lt3A_888 : vector<16xi32>
    %jit3A_890 = arith.constant 0 : i32
    %broadcast_in_dim3A_891 = vector.broadcast %jit3A_890 : i32 to vector<16xi32>
    %select_n3A_892 = arith.select %lt3A_889, %get3A_886, %broadcast_in_dim3A_891 : vector<16xi1>, vector<16xi32>
    %add3A_893 = arith.constant 1024 : i32
    %add3A_894 = arith.addi %mul3A_2, %add3A_893 : i32
    %add3A_895 = arith.constant 576 : i32
    %add3A_896 = arith.addi %add3A_894, %add3A_895 : i32
    %add3A_897 = vector.broadcast %add3A_896 : i32 to vector<16xi32>
    %add3A_898 = arith.addi %add3A_897, %iota3A : vector<16xi32>
    tpu.vector_store_idx %arg6[%select_n3A_892], %add3A_898 masked %lt3A_889 : memref<1024xi32, #tpu.memory_space<vmem>>[vector<16xi32>], vector<16xi32>, vector<16xi1>
    %get3A_899 = arith.constant 592 : index
    %get3A_900 = tpu.vector_load %arg5[%get3A_899] {strides = array<i32>} : memref<2048xi32, #tpu.memory_space<vmem>>, vector<16xi32>,
    %lt3A_901 = arith.constant 1024 : i32
    %lt3A_902 = vector.broadcast %lt3A_901 : i32 to vector<16xi32>
    %lt3A_903 = arith.cmpi slt, %get3A_900, %lt3A_902 : vector<16xi32>
    %jit3A_904 = arith.constant 0 : i32
    %broadcast_in_dim3A_905 = vector.broadcast %jit3A_904 : i32 to vector<16xi32>
    %select_n3A_906 = arith.select %lt3A_903, %get3A_900, %broadcast_in_dim3A_905 : vector<16xi1>, vector<16xi32>
    %add3A_907 = arith.constant 1024 : i32
    %add3A_908 = arith.addi %mul3A_2, %add3A_907 : i32
    %add3A_909 = arith.constant 592 : i32
    %add3A_910 = arith.addi %add3A_908, %add3A_909 : i32
    %add3A_911 = vector.broadcast %add3A_910 : i32 to vector<16xi32>
    %add3A_912 = arith.addi %add3A_911, %iota3A : vector<16xi32>
    tpu.vector_store_idx %arg6[%select_n3A_906], %add3A_912 masked %lt3A_903 : memref<1024xi32, #tpu.memory_space<vmem>>[vector<16xi32>], vector<16xi32>, vector<16xi1>
    %get3A_913 = arith.constant 608 : index
    %get3A_914 = tpu.vector_load %arg5[%get3A_913] {strides = array<i32>} : memref<2048xi32, #tpu.memory_space<vmem>>, vector<16xi32>,
    %lt3A_915 = arith.constant 1024 : i32
    %lt3A_916 = vector.broadcast %lt3A_915 : i32 to vector<16xi32>
    %lt3A_917 = arith.cmpi slt, %get3A_914, %lt3A_916 : vector<16xi32>
    %jit3A_918 = arith.constant 0 : i32
    %broadcast_in_dim3A_919 = vector.broadcast %jit3A_918 : i32 to vector<16xi32>
    %select_n3A_920 = arith.select %lt3A_917, %get3A_914, %broadcast_in_dim3A_919 : vector<16xi1>, vector<16xi32>
    %add3A_921 = arith.constant 1024 : i32
    %add3A_922 = arith.addi %mul3A_2, %add3A_921 : i32
    %add3A_923 = arith.constant 608 : i32
    %add3A_924 = arith.addi %add3A_922, %add3A_923 : i32
    %add3A_925 = vector.broadcast %add3A_924 : i32 to vector<16xi32>
    %add3A_926 = arith.addi %add3A_925, %iota3A : vector<16xi32>
    tpu.vector_store_idx %arg6[%select_n3A_920], %add3A_926 masked %lt3A_917 : memref<1024xi32, #tpu.memory_space<vmem>>[vector<16xi32>], vector<16xi32>, vector<16xi1>
    %get3A_927 = arith.constant 624 : index
    %get3A_928 = tpu.vector_load %arg5[%get3A_927] {strides = array<i32>} : memref<2048xi32, #tpu.memory_space<vmem>>, vector<16xi32>,
    %lt3A_929 = arith.constant 1024 : i32
    %lt3A_930 = vector.broadcast %lt3A_929 : i32 to vector<16xi32>
    %lt3A_931 = arith.cmpi slt, %get3A_928, %lt3A_930 : vector<16xi32>
    %jit3A_932 = arith.constant 0 : i32
    %broadcast_in_dim3A_933 = vector.broadcast %jit3A_932 : i32 to vector<16xi32>
    %select_n3A_934 = arith.select %lt3A_931, %get3A_928, %broadcast_in_dim3A_933 : vector<16xi1>, vector<16xi32>
    %add3A_935 = arith.constant 1024 : i32
    %add3A_936 = arith.addi %mul3A_2, %add3A_935 : i32
    %add3A_937 = arith.constant 624 : i32
    %add3A_938 = arith.addi %add3A_936, %add3A_937 : i32
    %add3A_939 = vector.broadcast %add3A_938 : i32 to vector<16xi32>
    %add3A_940 = arith.addi %add3A_939, %iota3A : vector<16xi32>
    tpu.vector_store_idx %arg6[%select_n3A_934], %add3A_940 masked %lt3A_931 : memref<1024xi32, #tpu.memory_space<vmem>>[vector<16xi32>], vector<16xi32>, vector<16xi1>
    %get3A_941 = arith.constant 640 : index
    %get3A_942 = tpu.vector_load %arg5[%get3A_941] {strides = array<i32>} : memref<2048xi32, #tpu.memory_space<vmem>>, vector<16xi32>,
    %lt3A_943 = arith.constant 1024 : i32
    %lt3A_944 = vector.broadcast %lt3A_943 : i32 to vector<16xi32>
    %lt3A_945 = arith.cmpi slt, %get3A_942, %lt3A_944 : vector<16xi32>
    %jit3A_946 = arith.constant 0 : i32
    %broadcast_in_dim3A_947 = vector.broadcast %jit3A_946 : i32 to vector<16xi32>
    %select_n3A_948 = arith.select %lt3A_945, %get3A_942, %broadcast_in_dim3A_947 : vector<16xi1>, vector<16xi32>
    %add3A_949 = arith.constant 1024 : i32
    %add3A_950 = arith.addi %mul3A_2, %add3A_949 : i32
    %add3A_951 = arith.constant 640 : i32
    %add3A_952 = arith.addi %add3A_950, %add3A_951 : i32
    %add3A_953 = vector.broadcast %add3A_952 : i32 to vector<16xi32>
    %add3A_954 = arith.addi %add3A_953, %iota3A : vector<16xi32>
    tpu.vector_store_idx %arg6[%select_n3A_948], %add3A_954 masked %lt3A_945 : memref<1024xi32, #tpu.memory_space<vmem>>[vector<16xi32>], vector<16xi32>, vector<16xi1>
    %get3A_955 = arith.constant 656 : index
    %get3A_956 = tpu.vector_load %arg5[%get3A_955] {strides = array<i32>} : memref<2048xi32, #tpu.memory_space<vmem>>, vector<16xi32>,
    %lt3A_957 = arith.constant 1024 : i32
    %lt3A_958 = vector.broadcast %lt3A_957 : i32 to vector<16xi32>
    %lt3A_959 = arith.cmpi slt, %get3A_956, %lt3A_958 : vector<16xi32>
    %jit3A_960 = arith.constant 0 : i32
    %broadcast_in_dim3A_961 = vector.broadcast %jit3A_960 : i32 to vector<16xi32>
    %select_n3A_962 = arith.select %lt3A_959, %get3A_956, %broadcast_in_dim3A_961 : vector<16xi1>, vector<16xi32>
    %add3A_963 = arith.constant 1024 : i32
    %add3A_964 = arith.addi %mul3A_2, %add3A_963 : i32
    %add3A_965 = arith.constant 656 : i32
    %add3A_966 = arith.addi %add3A_964, %add3A_965 : i32
    %add3A_967 = vector.broadcast %add3A_966 : i32 to vector<16xi32>
    %add3A_968 = arith.addi %add3A_967, %iota3A : vector<16xi32>
    tpu.vector_store_idx %arg6[%select_n3A_962], %add3A_968 masked %lt3A_959 : memref<1024xi32, #tpu.memory_space<vmem>>[vector<16xi32>], vector<16xi32>, vector<16xi1>
    %get3A_969 = arith.constant 672 : index
    %get3A_970 = tpu.vector_load %arg5[%get3A_969] {strides = array<i32>} : memref<2048xi32, #tpu.memory_space<vmem>>, vector<16xi32>,
    %lt3A_971 = arith.constant 1024 : i32
    %lt3A_972 = vector.broadcast %lt3A_971 : i32 to vector<16xi32>
    %lt3A_973 = arith.cmpi slt, %get3A_970, %lt3A_972 : vector<16xi32>
    %jit3A_974 = arith.constant 0 : i32
    %broadcast_in_dim3A_975 = vector.broadcast %jit3A_974 : i32 to vector<16xi32>
    %select_n3A_976 = arith.select %lt3A_973, %get3A_970, %broadcast_in_dim3A_975 : vector<16xi1>, vector<16xi32>
    %add3A_977 = arith.constant 1024 : i32
    %add3A_978 = arith.addi %mul3A_2, %add3A_977 : i32
    %add3A_979 = arith.constant 672 : i32
    %add3A_980 = arith.addi %add3A_978, %add3A_979 : i32
    %add3A_981 = vector.broadcast %add3A_980 : i32 to vector<16xi32>
    %add3A_982 = arith.addi %add3A_981, %iota3A : vector<16xi32>
    tpu.vector_store_idx %arg6[%select_n3A_976], %add3A_982 masked %lt3A_973 : memref<1024xi32, #tpu.memory_space<vmem>>[vector<16xi32>], vector<16xi32>, vector<16xi1>
    %get3A_983 = arith.constant 688 : index
    %get3A_984 = tpu.vector_load %arg5[%get3A_983] {strides = array<i32>} : memref<2048xi32, #tpu.memory_space<vmem>>, vector<16xi32>,
    %lt3A_985 = arith.constant 1024 : i32
    %lt3A_986 = vector.broadcast %lt3A_985 : i32 to vector<16xi32>
    %lt3A_987 = arith.cmpi slt, %get3A_984, %lt3A_986 : vector<16xi32>
    %jit3A_988 = arith.constant 0 : i32
    %broadcast_in_dim3A_989 = vector.broadcast %jit3A_988 : i32 to vector<16xi32>
    %select_n3A_990 = arith.select %lt3A_987, %get3A_984, %broadcast_in_dim3A_989 : vector<16xi1>, vector<16xi32>
    %add3A_991 = arith.constant 1024 : i32
    %add3A_992 = arith.addi %mul3A_2, %add3A_991 : i32
    %add3A_993 = arith.constant 688 : i32
    %add3A_994 = arith.addi %add3A_992, %add3A_993 : i32
    %add3A_995 = vector.broadcast %add3A_994 : i32 to vector<16xi32>
    %add3A_996 = arith.addi %add3A_995, %iota3A : vector<16xi32>
    tpu.vector_store_idx %arg6[%select_n3A_990], %add3A_996 masked %lt3A_987 : memref<1024xi32, #tpu.memory_space<vmem>>[vector<16xi32>], vector<16xi32>, vector<16xi1>
    %get3A_997 = arith.constant 704 : index
    %get3A_998 = tpu.vector_load %arg5[%get3A_997] {strides = array<i32>} : memref<2048xi32, #tpu.memory_space<vmem>>, vector<16xi32>,
    %lt3A_999 = arith.constant 1024 : i32
    %lt3A_1000 = vector.broadcast %lt3A_999 : i32 to vector<16xi32>
    %lt3A_1001 = arith.cmpi slt, %get3A_998, %lt3A_1000 : vector<16xi32>
    %jit3A_1002 = arith.constant 0 : i32
    %broadcast_in_dim3A_1003 = vector.broadcast %jit3A_1002 : i32 to vector<16xi32>
    %select_n3A_1004 = arith.select %lt3A_1001, %get3A_998, %broadcast_in_dim3A_1003 : vector<16xi1>, vector<16xi32>
    %add3A_1005 = arith.constant 1024 : i32
    %add3A_1006 = arith.addi %mul3A_2, %add3A_1005 : i32
    %add3A_1007 = arith.constant 704 : i32
    %add3A_1008 = arith.addi %add3A_1006, %add3A_1007 : i32
    %add3A_1009 = vector.broadcast %add3A_1008 : i32 to vector<16xi32>
    %add3A_1010 = arith.addi %add3A_1009, %iota3A : vector<16xi32>
    tpu.vector_store_idx %arg6[%select_n3A_1004], %add3A_1010 masked %lt3A_1001 : memref<1024xi32, #tpu.memory_space<vmem>>[vector<16xi32>], vector<16xi32>, vector<16xi1>
    %get3A_1011 = arith.constant 720 : index
    %get3A_1012 = tpu.vector_load %arg5[%get3A_1011] {strides = array<i32>} : memref<2048xi32, #tpu.memory_space<vmem>>, vector<16xi32>,
    %lt3A_1013 = arith.constant 1024 : i32
    %lt3A_1014 = vector.broadcast %lt3A_1013 : i32 to vector<16xi32>
    %lt3A_1015 = arith.cmpi slt, %get3A_1012, %lt3A_1014 : vector<16xi32>
    %jit3A_1016 = arith.constant 0 : i32
    %broadcast_in_dim3A_1017 = vector.broadcast %jit3A_1016 : i32 to vector<16xi32>
    %select_n3A_1018 = arith.select %lt3A_1015, %get3A_1012, %broadcast_in_dim3A_1017 : vector<16xi1>, vector<16xi32>
    %add3A_1019 = arith.constant 1024 : i32
    %add3A_1020 = arith.addi %mul3A_2, %add3A_1019 : i32
    %add3A_1021 = arith.constant 720 : i32
    %add3A_1022 = arith.addi %add3A_1020, %add3A_1021 : i32
    %add3A_1023 = vector.broadcast %add3A_1022 : i32 to vector<16xi32>
    %add3A_1024 = arith.addi %add3A_1023, %iota3A : vector<16xi32>
    tpu.vector_store_idx %arg6[%select_n3A_1018], %add3A_1024 masked %lt3A_1015 : memref<1024xi32, #tpu.memory_space<vmem>>[vector<16xi32>], vector<16xi32>, vector<16xi1>
    %get3A_1025 = arith.constant 736 : index
    %get3A_1026 = tpu.vector_load %arg5[%get3A_1025] {strides = array<i32>} : memref<2048xi32, #tpu.memory_space<vmem>>, vector<16xi32>,
    %lt3A_1027 = arith.constant 1024 : i32
    %lt3A_1028 = vector.broadcast %lt3A_1027 : i32 to vector<16xi32>
    %lt3A_1029 = arith.cmpi slt, %get3A_1026, %lt3A_1028 : vector<16xi32>
    %jit3A_1030 = arith.constant 0 : i32
    %broadcast_in_dim3A_1031 = vector.broadcast %jit3A_1030 : i32 to vector<16xi32>
    %select_n3A_1032 = arith.select %lt3A_1029, %get3A_1026, %broadcast_in_dim3A_1031 : vector<16xi1>, vector<16xi32>
    %add3A_1033 = arith.constant 1024 : i32
    %add3A_1034 = arith.addi %mul3A_2, %add3A_1033 : i32
    %add3A_1035 = arith.constant 736 : i32
    %add3A_1036 = arith.addi %add3A_1034, %add3A_1035 : i32
    %add3A_1037 = vector.broadcast %add3A_1036 : i32 to vector<16xi32>
    %add3A_1038 = arith.addi %add3A_1037, %iota3A : vector<16xi32>
    tpu.vector_store_idx %arg6[%select_n3A_1032], %add3A_1038 masked %lt3A_1029 : memref<1024xi32, #tpu.memory_space<vmem>>[vector<16xi32>], vector<16xi32>, vector<16xi1>
    %get3A_1039 = arith.constant 752 : index
    %get3A_1040 = tpu.vector_load %arg5[%get3A_1039] {strides = array<i32>} : memref<2048xi32, #tpu.memory_space<vmem>>, vector<16xi32>,
    %lt3A_1041 = arith.constant 1024 : i32
    %lt3A_1042 = vector.broadcast %lt3A_1041 : i32 to vector<16xi32>
    %lt3A_1043 = arith.cmpi slt, %get3A_1040, %lt3A_1042 : vector<16xi32>
    %jit3A_1044 = arith.constant 0 : i32
    %broadcast_in_dim3A_1045 = vector.broadcast %jit3A_1044 : i32 to vector<16xi32>
    %select_n3A_1046 = arith.select %lt3A_1043, %get3A_1040, %broadcast_in_dim3A_1045 : vector<16xi1>, vector<16xi32>
    %add3A_1047 = arith.constant 1024 : i32
    %add3A_1048 = arith.addi %mul3A_2, %add3A_1047 : i32
    %add3A_1049 = arith.constant 752 : i32
    %add3A_1050 = arith.addi %add3A_1048, %add3A_1049 : i32
    %add3A_1051 = vector.broadcast %add3A_1050 : i32 to vector<16xi32>
    %add3A_1052 = arith.addi %add3A_1051, %iota3A : vector<16xi32>
    tpu.vector_store_idx %arg6[%select_n3A_1046], %add3A_1052 masked %lt3A_1043 : memref<1024xi32, #tpu.memory_space<vmem>>[vector<16xi32>], vector<16xi32>, vector<16xi1>
    %get3A_1053 = arith.constant 768 : index
    %get3A_1054 = tpu.vector_load %arg5[%get3A_1053] {strides = array<i32>} : memref<2048xi32, #tpu.memory_space<vmem>>, vector<16xi32>,
    %lt3A_1055 = arith.constant 1024 : i32
    %lt3A_1056 = vector.broadcast %lt3A_1055 : i32 to vector<16xi32>
    %lt3A_1057 = arith.cmpi slt, %get3A_1054, %lt3A_1056 : vector<16xi32>
    %jit3A_1058 = arith.constant 0 : i32
    %broadcast_in_dim3A_1059 = vector.broadcast %jit3A_1058 : i32 to vector<16xi32>
    %select_n3A_1060 = arith.select %lt3A_1057, %get3A_1054, %broadcast_in_dim3A_1059 : vector<16xi1>, vector<16xi32>
    %add3A_1061 = arith.constant 1024 : i32
    %add3A_1062 = arith.addi %mul3A_2, %add3A_1061 : i32
    %add3A_1063 = arith.constant 768 : i32
    %add3A_1064 = arith.addi %add3A_1062, %add3A_1063 : i32
    %add3A_1065 = vector.broadcast %add3A_1064 : i32 to vector<16xi32>
    %add3A_1066 = arith.addi %add3A_1065, %iota3A : vector<16xi32>
    tpu.vector_store_idx %arg6[%select_n3A_1060], %add3A_1066 masked %lt3A_1057 : memref<1024xi32, #tpu.memory_space<vmem>>[vector<16xi32>], vector<16xi32>, vector<16xi1>
    %get3A_1067 = arith.constant 784 : index
    %get3A_1068 = tpu.vector_load %arg5[%get3A_1067] {strides = array<i32>} : memref<2048xi32, #tpu.memory_space<vmem>>, vector<16xi32>,
    %lt3A_1069 = arith.constant 1024 : i32
    %lt3A_1070 = vector.broadcast %lt3A_1069 : i32 to vector<16xi32>
    %lt3A_1071 = arith.cmpi slt, %get3A_1068, %lt3A_1070 : vector<16xi32>
    %jit3A_1072 = arith.constant 0 : i32
    %broadcast_in_dim3A_1073 = vector.broadcast %jit3A_1072 : i32 to vector<16xi32>
    %select_n3A_1074 = arith.select %lt3A_1071, %get3A_1068, %broadcast_in_dim3A_1073 : vector<16xi1>, vector<16xi32>
    %add3A_1075 = arith.constant 1024 : i32
    %add3A_1076 = arith.addi %mul3A_2, %add3A_1075 : i32
    %add3A_1077 = arith.constant 784 : i32
    %add3A_1078 = arith.addi %add3A_1076, %add3A_1077 : i32
    %add3A_1079 = vector.broadcast %add3A_1078 : i32 to vector<16xi32>
    %add3A_1080 = arith.addi %add3A_1079, %iota3A : vector<16xi32>
    tpu.vector_store_idx %arg6[%select_n3A_1074], %add3A_1080 masked %lt3A_1071 : memref<1024xi32, #tpu.memory_space<vmem>>[vector<16xi32>], vector<16xi32>, vector<16xi1>
    %get3A_1081 = arith.constant 800 : index
    %get3A_1082 = tpu.vector_load %arg5[%get3A_1081] {strides = array<i32>} : memref<2048xi32, #tpu.memory_space<vmem>>, vector<16xi32>,
    %lt3A_1083 = arith.constant 1024 : i32
    %lt3A_1084 = vector.broadcast %lt3A_1083 : i32 to vector<16xi32>
    %lt3A_1085 = arith.cmpi slt, %get3A_1082, %lt3A_1084 : vector<16xi32>
    %jit3A_1086 = arith.constant 0 : i32
    %broadcast_in_dim3A_1087 = vector.broadcast %jit3A_1086 : i32 to vector<16xi32>
    %select_n3A_1088 = arith.select %lt3A_1085, %get3A_1082, %broadcast_in_dim3A_1087 : vector<16xi1>, vector<16xi32>
    %add3A_1089 = arith.constant 1024 : i32
    %add3A_1090 = arith.addi %mul3A_2, %add3A_1089 : i32
    %add3A_1091 = arith.constant 800 : i32
    %add3A_1092 = arith.addi %add3A_1090, %add3A_1091 : i32
    %add3A_1093 = vector.broadcast %add3A_1092 : i32 to vector<16xi32>
    %add3A_1094 = arith.addi %add3A_1093, %iota3A : vector<16xi32>
    tpu.vector_store_idx %arg6[%select_n3A_1088], %add3A_1094 masked %lt3A_1085 : memref<1024xi32, #tpu.memory_space<vmem>>[vector<16xi32>], vector<16xi32>, vector<16xi1>
    %get3A_1095 = arith.constant 816 : index
    %get3A_1096 = tpu.vector_load %arg5[%get3A_1095] {strides = array<i32>} : memref<2048xi32, #tpu.memory_space<vmem>>, vector<16xi32>,
    %lt3A_1097 = arith.constant 1024 : i32
    %lt3A_1098 = vector.broadcast %lt3A_1097 : i32 to vector<16xi32>
    %lt3A_1099 = arith.cmpi slt, %get3A_1096, %lt3A_1098 : vector<16xi32>
    %jit3A_1100 = arith.constant 0 : i32
    %broadcast_in_dim3A_1101 = vector.broadcast %jit3A_1100 : i32 to vector<16xi32>
    %select_n3A_1102 = arith.select %lt3A_1099, %get3A_1096, %broadcast_in_dim3A_1101 : vector<16xi1>, vector<16xi32>
    %add3A_1103 = arith.constant 1024 : i32
    %add3A_1104 = arith.addi %mul3A_2, %add3A_1103 : i32
    %add3A_1105 = arith.constant 816 : i32
    %add3A_1106 = arith.addi %add3A_1104, %add3A_1105 : i32
    %add3A_1107 = vector.broadcast %add3A_1106 : i32 to vector<16xi32>
    %add3A_1108 = arith.addi %add3A_1107, %iota3A : vector<16xi32>
    tpu.vector_store_idx %arg6[%select_n3A_1102], %add3A_1108 masked %lt3A_1099 : memref<1024xi32, #tpu.memory_space<vmem>>[vector<16xi32>], vector<16xi32>, vector<16xi1>
    %get3A_1109 = arith.constant 832 : index
    %get3A_1110 = tpu.vector_load %arg5[%get3A_1109] {strides = array<i32>} : memref<2048xi32, #tpu.memory_space<vmem>>, vector<16xi32>,
    %lt3A_1111 = arith.constant 1024 : i32
    %lt3A_1112 = vector.broadcast %lt3A_1111 : i32 to vector<16xi32>
    %lt3A_1113 = arith.cmpi slt, %get3A_1110, %lt3A_1112 : vector<16xi32>
    %jit3A_1114 = arith.constant 0 : i32
    %broadcast_in_dim3A_1115 = vector.broadcast %jit3A_1114 : i32 to vector<16xi32>
    %select_n3A_1116 = arith.select %lt3A_1113, %get3A_1110, %broadcast_in_dim3A_1115 : vector<16xi1>, vector<16xi32>
    %add3A_1117 = arith.constant 1024 : i32
    %add3A_1118 = arith.addi %mul3A_2, %add3A_1117 : i32
    %add3A_1119 = arith.constant 832 : i32
    %add3A_1120 = arith.addi %add3A_1118, %add3A_1119 : i32
    %add3A_1121 = vector.broadcast %add3A_1120 : i32 to vector<16xi32>
    %add3A_1122 = arith.addi %add3A_1121, %iota3A : vector<16xi32>
    tpu.vector_store_idx %arg6[%select_n3A_1116], %add3A_1122 masked %lt3A_1113 : memref<1024xi32, #tpu.memory_space<vmem>>[vector<16xi32>], vector<16xi32>, vector<16xi1>
    %get3A_1123 = arith.constant 848 : index
    %get3A_1124 = tpu.vector_load %arg5[%get3A_1123] {strides = array<i32>} : memref<2048xi32, #tpu.memory_space<vmem>>, vector<16xi32>,
    %lt3A_1125 = arith.constant 1024 : i32
    %lt3A_1126 = vector.broadcast %lt3A_1125 : i32 to vector<16xi32>
    %lt3A_1127 = arith.cmpi slt, %get3A_1124, %lt3A_1126 : vector<16xi32>
    %jit3A_1128 = arith.constant 0 : i32
    %broadcast_in_dim3A_1129 = vector.broadcast %jit3A_1128 : i32 to vector<16xi32>
    %select_n3A_1130 = arith.select %lt3A_1127, %get3A_1124, %broadcast_in_dim3A_1129 : vector<16xi1>, vector<16xi32>
    %add3A_1131 = arith.constant 1024 : i32
    %add3A_1132 = arith.addi %mul3A_2, %add3A_1131 : i32
    %add3A_1133 = arith.constant 848 : i32
    %add3A_1134 = arith.addi %add3A_1132, %add3A_1133 : i32
    %add3A_1135 = vector.broadcast %add3A_1134 : i32 to vector<16xi32>
    %add3A_1136 = arith.addi %add3A_1135, %iota3A : vector<16xi32>
    tpu.vector_store_idx %arg6[%select_n3A_1130], %add3A_1136 masked %lt3A_1127 : memref<1024xi32, #tpu.memory_space<vmem>>[vector<16xi32>], vector<16xi32>, vector<16xi1>
    %get3A_1137 = arith.constant 864 : index
    %get3A_1138 = tpu.vector_load %arg5[%get3A_1137] {strides = array<i32>} : memref<2048xi32, #tpu.memory_space<vmem>>, vector<16xi32>,
    %lt3A_1139 = arith.constant 1024 : i32
    %lt3A_1140 = vector.broadcast %lt3A_1139 : i32 to vector<16xi32>
    %lt3A_1141 = arith.cmpi slt, %get3A_1138, %lt3A_1140 : vector<16xi32>
    %jit3A_1142 = arith.constant 0 : i32
    %broadcast_in_dim3A_1143 = vector.broadcast %jit3A_1142 : i32 to vector<16xi32>
    %select_n3A_1144 = arith.select %lt3A_1141, %get3A_1138, %broadcast_in_dim3A_1143 : vector<16xi1>, vector<16xi32>
    %add3A_1145 = arith.constant 1024 : i32
    %add3A_1146 = arith.addi %mul3A_2, %add3A_1145 : i32
    %add3A_1147 = arith.constant 864 : i32
    %add3A_1148 = arith.addi %add3A_1146, %add3A_1147 : i32
    %add3A_1149 = vector.broadcast %add3A_1148 : i32 to vector<16xi32>
    %add3A_1150 = arith.addi %add3A_1149, %iota3A : vector<16xi32>
    tpu.vector_store_idx %arg6[%select_n3A_1144], %add3A_1150 masked %lt3A_1141 : memref<1024xi32, #tpu.memory_space<vmem>>[vector<16xi32>], vector<16xi32>, vector<16xi1>
    %get3A_1151 = arith.constant 880 : index
    %get3A_1152 = tpu.vector_load %arg5[%get3A_1151] {strides = array<i32>} : memref<2048xi32, #tpu.memory_space<vmem>>, vector<16xi32>,
    %lt3A_1153 = arith.constant 1024 : i32
    %lt3A_1154 = vector.broadcast %lt3A_1153 : i32 to vector<16xi32>
    %lt3A_1155 = arith.cmpi slt, %get3A_1152, %lt3A_1154 : vector<16xi32>
    %jit3A_1156 = arith.constant 0 : i32
    %broadcast_in_dim3A_1157 = vector.broadcast %jit3A_1156 : i32 to vector<16xi32>
    %select_n3A_1158 = arith.select %lt3A_1155, %get3A_1152, %broadcast_in_dim3A_1157 : vector<16xi1>, vector<16xi32>
    %add3A_1159 = arith.constant 1024 : i32
    %add3A_1160 = arith.addi %mul3A_2, %add3A_1159 : i32
    %add3A_1161 = arith.constant 880 : i32
    %add3A_1162 = arith.addi %add3A_1160, %add3A_1161 : i32
    %add3A_1163 = vector.broadcast %add3A_1162 : i32 to vector<16xi32>
    %add3A_1164 = arith.addi %add3A_1163, %iota3A : vector<16xi32>
    tpu.vector_store_idx %arg6[%select_n3A_1158], %add3A_1164 masked %lt3A_1155 : memref<1024xi32, #tpu.memory_space<vmem>>[vector<16xi32>], vector<16xi32>, vector<16xi1>
    %get3A_1165 = arith.constant 896 : index
    %get3A_1166 = tpu.vector_load %arg5[%get3A_1165] {strides = array<i32>} : memref<2048xi32, #tpu.memory_space<vmem>>, vector<16xi32>,
    %lt3A_1167 = arith.constant 1024 : i32
    %lt3A_1168 = vector.broadcast %lt3A_1167 : i32 to vector<16xi32>
    %lt3A_1169 = arith.cmpi slt, %get3A_1166, %lt3A_1168 : vector<16xi32>
    %jit3A_1170 = arith.constant 0 : i32
    %broadcast_in_dim3A_1171 = vector.broadcast %jit3A_1170 : i32 to vector<16xi32>
    %select_n3A_1172 = arith.select %lt3A_1169, %get3A_1166, %broadcast_in_dim3A_1171 : vector<16xi1>, vector<16xi32>
    %add3A_1173 = arith.constant 1024 : i32
    %add3A_1174 = arith.addi %mul3A_2, %add3A_1173 : i32
    %add3A_1175 = arith.constant 896 : i32
    %add3A_1176 = arith.addi %add3A_1174, %add3A_1175 : i32
    %add3A_1177 = vector.broadcast %add3A_1176 : i32 to vector<16xi32>
    %add3A_1178 = arith.addi %add3A_1177, %iota3A : vector<16xi32>
    tpu.vector_store_idx %arg6[%select_n3A_1172], %add3A_1178 masked %lt3A_1169 : memref<1024xi32, #tpu.memory_space<vmem>>[vector<16xi32>], vector<16xi32>, vector<16xi1>
    %get3A_1179 = arith.constant 912 : index
    %get3A_1180 = tpu.vector_load %arg5[%get3A_1179] {strides = array<i32>} : memref<2048xi32, #tpu.memory_space<vmem>>, vector<16xi32>,
    %lt3A_1181 = arith.constant 1024 : i32
    %lt3A_1182 = vector.broadcast %lt3A_1181 : i32 to vector<16xi32>
    %lt3A_1183 = arith.cmpi slt, %get3A_1180, %lt3A_1182 : vector<16xi32>
    %jit3A_1184 = arith.constant 0 : i32
    %broadcast_in_dim3A_1185 = vector.broadcast %jit3A_1184 : i32 to vector<16xi32>
    %select_n3A_1186 = arith.select %lt3A_1183, %get3A_1180, %broadcast_in_dim3A_1185 : vector<16xi1>, vector<16xi32>
    %add3A_1187 = arith.constant 1024 : i32
    %add3A_1188 = arith.addi %mul3A_2, %add3A_1187 : i32
    %add3A_1189 = arith.constant 912 : i32
    %add3A_1190 = arith.addi %add3A_1188, %add3A_1189 : i32
    %add3A_1191 = vector.broadcast %add3A_1190 : i32 to vector<16xi32>
    %add3A_1192 = arith.addi %add3A_1191, %iota3A : vector<16xi32>
    tpu.vector_store_idx %arg6[%select_n3A_1186], %add3A_1192 masked %lt3A_1183 : memref<1024xi32, #tpu.memory_space<vmem>>[vector<16xi32>], vector<16xi32>, vector<16xi1>
    %get3A_1193 = arith.constant 928 : index
    %get3A_1194 = tpu.vector_load %arg5[%get3A_1193] {strides = array<i32>} : memref<2048xi32, #tpu.memory_space<vmem>>, vector<16xi32>,
    %lt3A_1195 = arith.constant 1024 : i32
    %lt3A_1196 = vector.broadcast %lt3A_1195 : i32 to vector<16xi32>
    %lt3A_1197 = arith.cmpi slt, %get3A_1194, %lt3A_1196 : vector<16xi32>
    %jit3A_1198 = arith.constant 0 : i32
    %broadcast_in_dim3A_1199 = vector.broadcast %jit3A_1198 : i32 to vector<16xi32>
    %select_n3A_1200 = arith.select %lt3A_1197, %get3A_1194, %broadcast_in_dim3A_1199 : vector<16xi1>, vector<16xi32>
    %add3A_1201 = arith.constant 1024 : i32
    %add3A_1202 = arith.addi %mul3A_2, %add3A_1201 : i32
    %add3A_1203 = arith.constant 928 : i32
    %add3A_1204 = arith.addi %add3A_1202, %add3A_1203 : i32
    %add3A_1205 = vector.broadcast %add3A_1204 : i32 to vector<16xi32>
    %add3A_1206 = arith.addi %add3A_1205, %iota3A : vector<16xi32>
    tpu.vector_store_idx %arg6[%select_n3A_1200], %add3A_1206 masked %lt3A_1197 : memref<1024xi32, #tpu.memory_space<vmem>>[vector<16xi32>], vector<16xi32>, vector<16xi1>
    %get3A_1207 = arith.constant 944 : index
    %get3A_1208 = tpu.vector_load %arg5[%get3A_1207] {strides = array<i32>} : memref<2048xi32, #tpu.memory_space<vmem>>, vector<16xi32>,
    %lt3A_1209 = arith.constant 1024 : i32
    %lt3A_1210 = vector.broadcast %lt3A_1209 : i32 to vector<16xi32>
    %lt3A_1211 = arith.cmpi slt, %get3A_1208, %lt3A_1210 : vector<16xi32>
    %jit3A_1212 = arith.constant 0 : i32
    %broadcast_in_dim3A_1213 = vector.broadcast %jit3A_1212 : i32 to vector<16xi32>
    %select_n3A_1214 = arith.select %lt3A_1211, %get3A_1208, %broadcast_in_dim3A_1213 : vector<16xi1>, vector<16xi32>
    %add3A_1215 = arith.constant 1024 : i32
    %add3A_1216 = arith.addi %mul3A_2, %add3A_1215 : i32
    %add3A_1217 = arith.constant 944 : i32
    %add3A_1218 = arith.addi %add3A_1216, %add3A_1217 : i32
    %add3A_1219 = vector.broadcast %add3A_1218 : i32 to vector<16xi32>
    %add3A_1220 = arith.addi %add3A_1219, %iota3A : vector<16xi32>
    tpu.vector_store_idx %arg6[%select_n3A_1214], %add3A_1220 masked %lt3A_1211 : memref<1024xi32, #tpu.memory_space<vmem>>[vector<16xi32>], vector<16xi32>, vector<16xi1>
    %get3A_1221 = arith.constant 960 : index
    %get3A_1222 = tpu.vector_load %arg5[%get3A_1221] {strides = array<i32>} : memref<2048xi32, #tpu.memory_space<vmem>>, vector<16xi32>,
    %lt3A_1223 = arith.constant 1024 : i32
    %lt3A_1224 = vector.broadcast %lt3A_1223 : i32 to vector<16xi32>
    %lt3A_1225 = arith.cmpi slt, %get3A_1222, %lt3A_1224 : vector<16xi32>
    %jit3A_1226 = arith.constant 0 : i32
    %broadcast_in_dim3A_1227 = vector.broadcast %jit3A_1226 : i32 to vector<16xi32>
    %select_n3A_1228 = arith.select %lt3A_1225, %get3A_1222, %broadcast_in_dim3A_1227 : vector<16xi1>, vector<16xi32>
    %add3A_1229 = arith.constant 1024 : i32
    %add3A_1230 = arith.addi %mul3A_2, %add3A_1229 : i32
    %add3A_1231 = arith.constant 960 : i32
    %add3A_1232 = arith.addi %add3A_1230, %add3A_1231 : i32
    %add3A_1233 = vector.broadcast %add3A_1232 : i32 to vector<16xi32>
    %add3A_1234 = arith.addi %add3A_1233, %iota3A : vector<16xi32>
    tpu.vector_store_idx %arg6[%select_n3A_1228], %add3A_1234 masked %lt3A_1225 : memref<1024xi32, #tpu.memory_space<vmem>>[vector<16xi32>], vector<16xi32>, vector<16xi1>
    %get3A_1235 = arith.constant 976 : index
    %get3A_1236 = tpu.vector_load %arg5[%get3A_1235] {strides = array<i32>} : memref<2048xi32, #tpu.memory_space<vmem>>, vector<16xi32>,
    %lt3A_1237 = arith.constant 1024 : i32
    %lt3A_1238 = vector.broadcast %lt3A_1237 : i32 to vector<16xi32>
    %lt3A_1239 = arith.cmpi slt, %get3A_1236, %lt3A_1238 : vector<16xi32>
    %jit3A_1240 = arith.constant 0 : i32
    %broadcast_in_dim3A_1241 = vector.broadcast %jit3A_1240 : i32 to vector<16xi32>
    %select_n3A_1242 = arith.select %lt3A_1239, %get3A_1236, %broadcast_in_dim3A_1241 : vector<16xi1>, vector<16xi32>
    %add3A_1243 = arith.constant 1024 : i32
    %add3A_1244 = arith.addi %mul3A_2, %add3A_1243 : i32
    %add3A_1245 = arith.constant 976 : i32
    %add3A_1246 = arith.addi %add3A_1244, %add3A_1245 : i32
    %add3A_1247 = vector.broadcast %add3A_1246 : i32 to vector<16xi32>
    %add3A_1248 = arith.addi %add3A_1247, %iota3A : vector<16xi32>
    tpu.vector_store_idx %arg6[%select_n3A_1242], %add3A_1248 masked %lt3A_1239 : memref<1024xi32, #tpu.memory_space<vmem>>[vector<16xi32>], vector<16xi32>, vector<16xi1>
    %get3A_1249 = arith.constant 992 : index
    %get3A_1250 = tpu.vector_load %arg5[%get3A_1249] {strides = array<i32>} : memref<2048xi32, #tpu.memory_space<vmem>>, vector<16xi32>,
    %lt3A_1251 = arith.constant 1024 : i32
    %lt3A_1252 = vector.broadcast %lt3A_1251 : i32 to vector<16xi32>
    %lt3A_1253 = arith.cmpi slt, %get3A_1250, %lt3A_1252 : vector<16xi32>
    %jit3A_1254 = arith.constant 0 : i32
    %broadcast_in_dim3A_1255 = vector.broadcast %jit3A_1254 : i32 to vector<16xi32>
    %select_n3A_1256 = arith.select %lt3A_1253, %get3A_1250, %broadcast_in_dim3A_1255 : vector<16xi1>, vector<16xi32>
    %add3A_1257 = arith.constant 1024 : i32
    %add3A_1258 = arith.addi %mul3A_2, %add3A_1257 : i32
    %add3A_1259 = arith.constant 992 : i32
    %add3A_1260 = arith.addi %add3A_1258, %add3A_1259 : i32
    %add3A_1261 = vector.broadcast %add3A_1260 : i32 to vector<16xi32>
    %add3A_1262 = arith.addi %add3A_1261, %iota3A : vector<16xi32>
    tpu.vector_store_idx %arg6[%select_n3A_1256], %add3A_1262 masked %lt3A_1253 : memref<1024xi32, #tpu.memory_space<vmem>>[vector<16xi32>], vector<16xi32>, vector<16xi1>
    %get3A_1263 = arith.constant 1008 : index
    %get3A_1264 = tpu.vector_load %arg5[%get3A_1263] {strides = array<i32>} : memref<2048xi32, #tpu.memory_space<vmem>>, vector<16xi32>,
    %lt3A_1265 = arith.constant 1024 : i32
    %lt3A_1266 = vector.broadcast %lt3A_1265 : i32 to vector<16xi32>
    %lt3A_1267 = arith.cmpi slt, %get3A_1264, %lt3A_1266 : vector<16xi32>
    %jit3A_1268 = arith.constant 0 : i32
    %broadcast_in_dim3A_1269 = vector.broadcast %jit3A_1268 : i32 to vector<16xi32>
    %select_n3A_1270 = arith.select %lt3A_1267, %get3A_1264, %broadcast_in_dim3A_1269 : vector<16xi1>, vector<16xi32>
    %add3A_1271 = arith.constant 1024 : i32
    %add3A_1272 = arith.addi %mul3A_2, %add3A_1271 : i32
    %add3A_1273 = arith.constant 1008 : i32
    %add3A_1274 = arith.addi %add3A_1272, %add3A_1273 : i32
    %add3A_1275 = vector.broadcast %add3A_1274 : i32 to vector<16xi32>
    %add3A_1276 = arith.addi %add3A_1275, %iota3A : vector<16xi32>
    tpu.vector_store_idx %arg6[%select_n3A_1270], %add3A_1276 masked %lt3A_1267 : memref<1024xi32, #tpu.memory_space<vmem>>[vector<16xi32>], vector<16xi32>, vector<16xi1>
    %get3A_1277 = arith.constant 1024 : index
    %get3A_1278 = tpu.vector_load %arg5[%get3A_1277] {strides = array<i32>} : memref<2048xi32, #tpu.memory_space<vmem>>, vector<16xi32>,
    %lt3A_1279 = arith.constant 1024 : i32
    %lt3A_1280 = vector.broadcast %lt3A_1279 : i32 to vector<16xi32>
    %lt3A_1281 = arith.cmpi slt, %get3A_1278, %lt3A_1280 : vector<16xi32>
    %jit3A_1282 = arith.constant 0 : i32
    %broadcast_in_dim3A_1283 = vector.broadcast %jit3A_1282 : i32 to vector<16xi32>
    %select_n3A_1284 = arith.select %lt3A_1281, %get3A_1278, %broadcast_in_dim3A_1283 : vector<16xi1>, vector<16xi32>
    %add3A_1285 = arith.constant 1024 : i32
    %add3A_1286 = arith.addi %mul3A_2, %add3A_1285 : i32
    %add3A_1287 = arith.constant 1024 : i32
    %add3A_1288 = arith.addi %add3A_1286, %add3A_1287 : i32
    %add3A_1289 = vector.broadcast %add3A_1288 : i32 to vector<16xi32>
    %add3A_1290 = arith.addi %add3A_1289, %iota3A : vector<16xi32>
    tpu.vector_store_idx %arg6[%select_n3A_1284], %add3A_1290 masked %lt3A_1281 : memref<1024xi32, #tpu.memory_space<vmem>>[vector<16xi32>], vector<16xi32>, vector<16xi1>
    %get3A_1291 = arith.constant 1040 : index
    %get3A_1292 = tpu.vector_load %arg5[%get3A_1291] {strides = array<i32>} : memref<2048xi32, #tpu.memory_space<vmem>>, vector<16xi32>,
    %lt3A_1293 = arith.constant 1024 : i32
    %lt3A_1294 = vector.broadcast %lt3A_1293 : i32 to vector<16xi32>
    %lt3A_1295 = arith.cmpi slt, %get3A_1292, %lt3A_1294 : vector<16xi32>
    %jit3A_1296 = arith.constant 0 : i32
    %broadcast_in_dim3A_1297 = vector.broadcast %jit3A_1296 : i32 to vector<16xi32>
    %select_n3A_1298 = arith.select %lt3A_1295, %get3A_1292, %broadcast_in_dim3A_1297 : vector<16xi1>, vector<16xi32>
    %add3A_1299 = arith.constant 1024 : i32
    %add3A_1300 = arith.addi %mul3A_2, %add3A_1299 : i32
    %add3A_1301 = arith.constant 1040 : i32
    %add3A_1302 = arith.addi %add3A_1300, %add3A_1301 : i32
    %add3A_1303 = vector.broadcast %add3A_1302 : i32 to vector<16xi32>
    %add3A_1304 = arith.addi %add3A_1303, %iota3A : vector<16xi32>
    tpu.vector_store_idx %arg6[%select_n3A_1298], %add3A_1304 masked %lt3A_1295 : memref<1024xi32, #tpu.memory_space<vmem>>[vector<16xi32>], vector<16xi32>, vector<16xi1>
    %get3A_1305 = arith.constant 1056 : index
    %get3A_1306 = tpu.vector_load %arg5[%get3A_1305] {strides = array<i32>} : memref<2048xi32, #tpu.memory_space<vmem>>, vector<16xi32>,
    %lt3A_1307 = arith.constant 1024 : i32
    %lt3A_1308 = vector.broadcast %lt3A_1307 : i32 to vector<16xi32>
    %lt3A_1309 = arith.cmpi slt, %get3A_1306, %lt3A_1308 : vector<16xi32>
    %jit3A_1310 = arith.constant 0 : i32
    %broadcast_in_dim3A_1311 = vector.broadcast %jit3A_1310 : i32 to vector<16xi32>
    %select_n3A_1312 = arith.select %lt3A_1309, %get3A_1306, %broadcast_in_dim3A_1311 : vector<16xi1>, vector<16xi32>
    %add3A_1313 = arith.constant 1024 : i32
    %add3A_1314 = arith.addi %mul3A_2, %add3A_1313 : i32
    %add3A_1315 = arith.constant 1056 : i32
    %add3A_1316 = arith.addi %add3A_1314, %add3A_1315 : i32
    %add3A_1317 = vector.broadcast %add3A_1316 : i32 to vector<16xi32>
    %add3A_1318 = arith.addi %add3A_1317, %iota3A : vector<16xi32>
    tpu.vector_store_idx %arg6[%select_n3A_1312], %add3A_1318 masked %lt3A_1309 : memref<1024xi32, #tpu.memory_space<vmem>>[vector<16xi32>], vector<16xi32>, vector<16xi1>
    %get3A_1319 = arith.constant 1072 : index
    %get3A_1320 = tpu.vector_load %arg5[%get3A_1319] {strides = array<i32>} : memref<2048xi32, #tpu.memory_space<vmem>>, vector<16xi32>,
    %lt3A_1321 = arith.constant 1024 : i32
    %lt3A_1322 = vector.broadcast %lt3A_1321 : i32 to vector<16xi32>
    %lt3A_1323 = arith.cmpi slt, %get3A_1320, %lt3A_1322 : vector<16xi32>
    %jit3A_1324 = arith.constant 0 : i32
    %broadcast_in_dim3A_1325 = vector.broadcast %jit3A_1324 : i32 to vector<16xi32>
    %select_n3A_1326 = arith.select %lt3A_1323, %get3A_1320, %broadcast_in_dim3A_1325 : vector<16xi1>, vector<16xi32>
    %add3A_1327 = arith.constant 1024 : i32
    %add3A_1328 = arith.addi %mul3A_2, %add3A_1327 : i32
    %add3A_1329 = arith.constant 1072 : i32
    %add3A_1330 = arith.addi %add3A_1328, %add3A_1329 : i32
    %add3A_1331 = vector.broadcast %add3A_1330 : i32 to vector<16xi32>
    %add3A_1332 = arith.addi %add3A_1331, %iota3A : vector<16xi32>
    tpu.vector_store_idx %arg6[%select_n3A_1326], %add3A_1332 masked %lt3A_1323 : memref<1024xi32, #tpu.memory_space<vmem>>[vector<16xi32>], vector<16xi32>, vector<16xi1>
    %get3A_1333 = arith.constant 1088 : index
    %get3A_1334 = tpu.vector_load %arg5[%get3A_1333] {strides = array<i32>} : memref<2048xi32, #tpu.memory_space<vmem>>, vector<16xi32>,
    %lt3A_1335 = arith.constant 1024 : i32
    %lt3A_1336 = vector.broadcast %lt3A_1335 : i32 to vector<16xi32>
    %lt3A_1337 = arith.cmpi slt, %get3A_1334, %lt3A_1336 : vector<16xi32>
    %jit3A_1338 = arith.constant 0 : i32
    %broadcast_in_dim3A_1339 = vector.broadcast %jit3A_1338 : i32 to vector<16xi32>
    %select_n3A_1340 = arith.select %lt3A_1337, %get3A_1334, %broadcast_in_dim3A_1339 : vector<16xi1>, vector<16xi32>
    %add3A_1341 = arith.constant 1024 : i32
    %add3A_1342 = arith.addi %mul3A_2, %add3A_1341 : i32
    %add3A_1343 = arith.constant 1088 : i32
    %add3A_1344 = arith.addi %add3A_1342, %add3A_1343 : i32
    %add3A_1345 = vector.broadcast %add3A_1344 : i32 to vector<16xi32>
    %add3A_1346 = arith.addi %add3A_1345, %iota3A : vector<16xi32>
    tpu.vector_store_idx %arg6[%select_n3A_1340], %add3A_1346 masked %lt3A_1337 : memref<1024xi32, #tpu.memory_space<vmem>>[vector<16xi32>], vector<16xi32>, vector<16xi1>
    %get3A_1347 = arith.constant 1104 : index
    %get3A_1348 = tpu.vector_load %arg5[%get3A_1347] {strides = array<i32>} : memref<2048xi32, #tpu.memory_space<vmem>>, vector<16xi32>,
    %lt3A_1349 = arith.constant 1024 : i32
    %lt3A_1350 = vector.broadcast %lt3A_1349 : i32 to vector<16xi32>
    %lt3A_1351 = arith.cmpi slt, %get3A_1348, %lt3A_1350 : vector<16xi32>
    %jit3A_1352 = arith.constant 0 : i32
    %broadcast_in_dim3A_1353 = vector.broadcast %jit3A_1352 : i32 to vector<16xi32>
    %select_n3A_1354 = arith.select %lt3A_1351, %get3A_1348, %broadcast_in_dim3A_1353 : vector<16xi1>, vector<16xi32>
    %add3A_1355 = arith.constant 1024 : i32
    %add3A_1356 = arith.addi %mul3A_2, %add3A_1355 : i32
    %add3A_1357 = arith.constant 1104 : i32
    %add3A_1358 = arith.addi %add3A_1356, %add3A_1357 : i32
    %add3A_1359 = vector.broadcast %add3A_1358 : i32 to vector<16xi32>
    %add3A_1360 = arith.addi %add3A_1359, %iota3A : vector<16xi32>
    tpu.vector_store_idx %arg6[%select_n3A_1354], %add3A_1360 masked %lt3A_1351 : memref<1024xi32, #tpu.memory_space<vmem>>[vector<16xi32>], vector<16xi32>, vector<16xi1>
    %get3A_1361 = arith.constant 1120 : index
    %get3A_1362 = tpu.vector_load %arg5[%get3A_1361] {strides = array<i32>} : memref<2048xi32, #tpu.memory_space<vmem>>, vector<16xi32>,
    %lt3A_1363 = arith.constant 1024 : i32
    %lt3A_1364 = vector.broadcast %lt3A_1363 : i32 to vector<16xi32>
    %lt3A_1365 = arith.cmpi slt, %get3A_1362, %lt3A_1364 : vector<16xi32>
    %jit3A_1366 = arith.constant 0 : i32
    %broadcast_in_dim3A_1367 = vector.broadcast %jit3A_1366 : i32 to vector<16xi32>
    %select_n3A_1368 = arith.select %lt3A_1365, %get3A_1362, %broadcast_in_dim3A_1367 : vector<16xi1>, vector<16xi32>
    %add3A_1369 = arith.constant 1024 : i32
    %add3A_1370 = arith.addi %mul3A_2, %add3A_1369 : i32
    %add3A_1371 = arith.constant 1120 : i32
    %add3A_1372 = arith.addi %add3A_1370, %add3A_1371 : i32
    %add3A_1373 = vector.broadcast %add3A_1372 : i32 to vector<16xi32>
    %add3A_1374 = arith.addi %add3A_1373, %iota3A : vector<16xi32>
    tpu.vector_store_idx %arg6[%select_n3A_1368], %add3A_1374 masked %lt3A_1365 : memref<1024xi32, #tpu.memory_space<vmem>>[vector<16xi32>], vector<16xi32>, vector<16xi1>
    %get3A_1375 = arith.constant 1136 : index
    %get3A_1376 = tpu.vector_load %arg5[%get3A_1375] {strides = array<i32>} : memref<2048xi32, #tpu.memory_space<vmem>>, vector<16xi32>,
    %lt3A_1377 = arith.constant 1024 : i32
    %lt3A_1378 = vector.broadcast %lt3A_1377 : i32 to vector<16xi32>
    %lt3A_1379 = arith.cmpi slt, %get3A_1376, %lt3A_1378 : vector<16xi32>
    %jit3A_1380 = arith.constant 0 : i32
    %broadcast_in_dim3A_1381 = vector.broadcast %jit3A_1380 : i32 to vector<16xi32>
    %select_n3A_1382 = arith.select %lt3A_1379, %get3A_1376, %broadcast_in_dim3A_1381 : vector<16xi1>, vector<16xi32>
    %add3A_1383 = arith.constant 1024 : i32
    %add3A_1384 = arith.addi %mul3A_2, %add3A_1383 : i32
    %add3A_1385 = arith.constant 1136 : i32
    %add3A_1386 = arith.addi %add3A_1384, %add3A_1385 : i32
    %add3A_1387 = vector.broadcast %add3A_1386 : i32 to vector<16xi32>
    %add3A_1388 = arith.addi %add3A_1387, %iota3A : vector<16xi32>
    tpu.vector_store_idx %arg6[%select_n3A_1382], %add3A_1388 masked %lt3A_1379 : memref<1024xi32, #tpu.memory_space<vmem>>[vector<16xi32>], vector<16xi32>, vector<16xi1>
    %get3A_1389 = arith.constant 1152 : index
    %get3A_1390 = tpu.vector_load %arg5[%get3A_1389] {strides = array<i32>} : memref<2048xi32, #tpu.memory_space<vmem>>, vector<16xi32>,
    %lt3A_1391 = arith.constant 1024 : i32
    %lt3A_1392 = vector.broadcast %lt3A_1391 : i32 to vector<16xi32>
    %lt3A_1393 = arith.cmpi slt, %get3A_1390, %lt3A_1392 : vector<16xi32>
    %jit3A_1394 = arith.constant 0 : i32
    %broadcast_in_dim3A_1395 = vector.broadcast %jit3A_1394 : i32 to vector<16xi32>
    %select_n3A_1396 = arith.select %lt3A_1393, %get3A_1390, %broadcast_in_dim3A_1395 : vector<16xi1>, vector<16xi32>
    %add3A_1397 = arith.constant 1024 : i32
    %add3A_1398 = arith.addi %mul3A_2, %add3A_1397 : i32
    %add3A_1399 = arith.constant 1152 : i32
    %add3A_1400 = arith.addi %add3A_1398, %add3A_1399 : i32
    %add3A_1401 = vector.broadcast %add3A_1400 : i32 to vector<16xi32>
    %add3A_1402 = arith.addi %add3A_1401, %iota3A : vector<16xi32>
    tpu.vector_store_idx %arg6[%select_n3A_1396], %add3A_1402 masked %lt3A_1393 : memref<1024xi32, #tpu.memory_space<vmem>>[vector<16xi32>], vector<16xi32>, vector<16xi1>
    %get3A_1403 = arith.constant 1168 : index
    %get3A_1404 = tpu.vector_load %arg5[%get3A_1403] {strides = array<i32>} : memref<2048xi32, #tpu.memory_space<vmem>>, vector<16xi32>,
    %lt3A_1405 = arith.constant 1024 : i32
    %lt3A_1406 = vector.broadcast %lt3A_1405 : i32 to vector<16xi32>
    %lt3A_1407 = arith.cmpi slt, %get3A_1404, %lt3A_1406 : vector<16xi32>
    %jit3A_1408 = arith.constant 0 : i32
    %broadcast_in_dim3A_1409 = vector.broadcast %jit3A_1408 : i32 to vector<16xi32>
    %select_n3A_1410 = arith.select %lt3A_1407, %get3A_1404, %broadcast_in_dim3A_1409 : vector<16xi1>, vector<16xi32>
    %add3A_1411 = arith.constant 1024 : i32
    %add3A_1412 = arith.addi %mul3A_2, %add3A_1411 : i32
    %add3A_1413 = arith.constant 1168 : i32
    %add3A_1414 = arith.addi %add3A_1412, %add3A_1413 : i32
    %add3A_1415 = vector.broadcast %add3A_1414 : i32 to vector<16xi32>
    %add3A_1416 = arith.addi %add3A_1415, %iota3A : vector<16xi32>
    tpu.vector_store_idx %arg6[%select_n3A_1410], %add3A_1416 masked %lt3A_1407 : memref<1024xi32, #tpu.memory_space<vmem>>[vector<16xi32>], vector<16xi32>, vector<16xi1>
    %get3A_1417 = arith.constant 1184 : index
    %get3A_1418 = tpu.vector_load %arg5[%get3A_1417] {strides = array<i32>} : memref<2048xi32, #tpu.memory_space<vmem>>, vector<16xi32>,
    %lt3A_1419 = arith.constant 1024 : i32
    %lt3A_1420 = vector.broadcast %lt3A_1419 : i32 to vector<16xi32>
    %lt3A_1421 = arith.cmpi slt, %get3A_1418, %lt3A_1420 : vector<16xi32>
    %jit3A_1422 = arith.constant 0 : i32
    %broadcast_in_dim3A_1423 = vector.broadcast %jit3A_1422 : i32 to vector<16xi32>
    %select_n3A_1424 = arith.select %lt3A_1421, %get3A_1418, %broadcast_in_dim3A_1423 : vector<16xi1>, vector<16xi32>
    %add3A_1425 = arith.constant 1024 : i32
    %add3A_1426 = arith.addi %mul3A_2, %add3A_1425 : i32
    %add3A_1427 = arith.constant 1184 : i32
    %add3A_1428 = arith.addi %add3A_1426, %add3A_1427 : i32
    %add3A_1429 = vector.broadcast %add3A_1428 : i32 to vector<16xi32>
    %add3A_1430 = arith.addi %add3A_1429, %iota3A : vector<16xi32>
    tpu.vector_store_idx %arg6[%select_n3A_1424], %add3A_1430 masked %lt3A_1421 : memref<1024xi32, #tpu.memory_space<vmem>>[vector<16xi32>], vector<16xi32>, vector<16xi1>
    %get3A_1431 = arith.constant 1200 : index
    %get3A_1432 = tpu.vector_load %arg5[%get3A_1431] {strides = array<i32>} : memref<2048xi32, #tpu.memory_space<vmem>>, vector<16xi32>,
    %lt3A_1433 = arith.constant 1024 : i32
    %lt3A_1434 = vector.broadcast %lt3A_1433 : i32 to vector<16xi32>
    %lt3A_1435 = arith.cmpi slt, %get3A_1432, %lt3A_1434 : vector<16xi32>
    %jit3A_1436 = arith.constant 0 : i32
    %broadcast_in_dim3A_1437 = vector.broadcast %jit3A_1436 : i32 to vector<16xi32>
    %select_n3A_1438 = arith.select %lt3A_1435, %get3A_1432, %broadcast_in_dim3A_1437 : vector<16xi1>, vector<16xi32>
    %add3A_1439 = arith.constant 1024 : i32
    %add3A_1440 = arith.addi %mul3A_2, %add3A_1439 : i32
    %add3A_1441 = arith.constant 1200 : i32
    %add3A_1442 = arith.addi %add3A_1440, %add3A_1441 : i32
    %add3A_1443 = vector.broadcast %add3A_1442 : i32 to vector<16xi32>
    %add3A_1444 = arith.addi %add3A_1443, %iota3A : vector<16xi32>
    tpu.vector_store_idx %arg6[%select_n3A_1438], %add3A_1444 masked %lt3A_1435 : memref<1024xi32, #tpu.memory_space<vmem>>[vector<16xi32>], vector<16xi32>, vector<16xi1>
    %get3A_1445 = arith.constant 1216 : index
    %get3A_1446 = tpu.vector_load %arg5[%get3A_1445] {strides = array<i32>} : memref<2048xi32, #tpu.memory_space<vmem>>, vector<16xi32>,
    %lt3A_1447 = arith.constant 1024 : i32
    %lt3A_1448 = vector.broadcast %lt3A_1447 : i32 to vector<16xi32>
    %lt3A_1449 = arith.cmpi slt, %get3A_1446, %lt3A_1448 : vector<16xi32>
    %jit3A_1450 = arith.constant 0 : i32
    %broadcast_in_dim3A_1451 = vector.broadcast %jit3A_1450 : i32 to vector<16xi32>
    %select_n3A_1452 = arith.select %lt3A_1449, %get3A_1446, %broadcast_in_dim3A_1451 : vector<16xi1>, vector<16xi32>
    %add3A_1453 = arith.constant 1024 : i32
    %add3A_1454 = arith.addi %mul3A_2, %add3A_1453 : i32
    %add3A_1455 = arith.constant 1216 : i32
    %add3A_1456 = arith.addi %add3A_1454, %add3A_1455 : i32
    %add3A_1457 = vector.broadcast %add3A_1456 : i32 to vector<16xi32>
    %add3A_1458 = arith.addi %add3A_1457, %iota3A : vector<16xi32>
    tpu.vector_store_idx %arg6[%select_n3A_1452], %add3A_1458 masked %lt3A_1449 : memref<1024xi32, #tpu.memory_space<vmem>>[vector<16xi32>], vector<16xi32>, vector<16xi1>
    %get3A_1459 = arith.constant 1232 : index
    %get3A_1460 = tpu.vector_load %arg5[%get3A_1459] {strides = array<i32>} : memref<2048xi32, #tpu.memory_space<vmem>>, vector<16xi32>,
    %lt3A_1461 = arith.constant 1024 : i32
    %lt3A_1462 = vector.broadcast %lt3A_1461 : i32 to vector<16xi32>
    %lt3A_1463 = arith.cmpi slt, %get3A_1460, %lt3A_1462 : vector<16xi32>
    %jit3A_1464 = arith.constant 0 : i32
    %broadcast_in_dim3A_1465 = vector.broadcast %jit3A_1464 : i32 to vector<16xi32>
    %select_n3A_1466 = arith.select %lt3A_1463, %get3A_1460, %broadcast_in_dim3A_1465 : vector<16xi1>, vector<16xi32>
    %add3A_1467 = arith.constant 1024 : i32
    %add3A_1468 = arith.addi %mul3A_2, %add3A_1467 : i32
    %add3A_1469 = arith.constant 1232 : i32
    %add3A_1470 = arith.addi %add3A_1468, %add3A_1469 : i32
    %add3A_1471 = vector.broadcast %add3A_1470 : i32 to vector<16xi32>
    %add3A_1472 = arith.addi %add3A_1471, %iota3A : vector<16xi32>
    tpu.vector_store_idx %arg6[%select_n3A_1466], %add3A_1472 masked %lt3A_1463 : memref<1024xi32, #tpu.memory_space<vmem>>[vector<16xi32>], vector<16xi32>, vector<16xi1>
    %get3A_1473 = arith.constant 1248 : index
    %get3A_1474 = tpu.vector_load %arg5[%get3A_1473] {strides = array<i32>} : memref<2048xi32, #tpu.memory_space<vmem>>, vector<16xi32>,
    %lt3A_1475 = arith.constant 1024 : i32
    %lt3A_1476 = vector.broadcast %lt3A_1475 : i32 to vector<16xi32>
    %lt3A_1477 = arith.cmpi slt, %get3A_1474, %lt3A_1476 : vector<16xi32>
    %jit3A_1478 = arith.constant 0 : i32
    %broadcast_in_dim3A_1479 = vector.broadcast %jit3A_1478 : i32 to vector<16xi32>
    %select_n3A_1480 = arith.select %lt3A_1477, %get3A_1474, %broadcast_in_dim3A_1479 : vector<16xi1>, vector<16xi32>
    %add3A_1481 = arith.constant 1024 : i32
    %add3A_1482 = arith.addi %mul3A_2, %add3A_1481 : i32
    %add3A_1483 = arith.constant 1248 : i32
    %add3A_1484 = arith.addi %add3A_1482, %add3A_1483 : i32
    %add3A_1485 = vector.broadcast %add3A_1484 : i32 to vector<16xi32>
    %add3A_1486 = arith.addi %add3A_1485, %iota3A : vector<16xi32>
    tpu.vector_store_idx %arg6[%select_n3A_1480], %add3A_1486 masked %lt3A_1477 : memref<1024xi32, #tpu.memory_space<vmem>>[vector<16xi32>], vector<16xi32>, vector<16xi1>
    %get3A_1487 = arith.constant 1264 : index
    %get3A_1488 = tpu.vector_load %arg5[%get3A_1487] {strides = array<i32>} : memref<2048xi32, #tpu.memory_space<vmem>>, vector<16xi32>,
    %lt3A_1489 = arith.constant 1024 : i32
    %lt3A_1490 = vector.broadcast %lt3A_1489 : i32 to vector<16xi32>
    %lt3A_1491 = arith.cmpi slt, %get3A_1488, %lt3A_1490 : vector<16xi32>
    %jit3A_1492 = arith.constant 0 : i32
    %broadcast_in_dim3A_1493 = vector.broadcast %jit3A_1492 : i32 to vector<16xi32>
    %select_n3A_1494 = arith.select %lt3A_1491, %get3A_1488, %broadcast_in_dim3A_1493 : vector<16xi1>, vector<16xi32>
    %add3A_1495 = arith.constant 1024 : i32
    %add3A_1496 = arith.addi %mul3A_2, %add3A_1495 : i32
    %add3A_1497 = arith.constant 1264 : i32
    %add3A_1498 = arith.addi %add3A_1496, %add3A_1497 : i32
    %add3A_1499 = vector.broadcast %add3A_1498 : i32 to vector<16xi32>
    %add3A_1500 = arith.addi %add3A_1499, %iota3A : vector<16xi32>
    tpu.vector_store_idx %arg6[%select_n3A_1494], %add3A_1500 masked %lt3A_1491 : memref<1024xi32, #tpu.memory_space<vmem>>[vector<16xi32>], vector<16xi32>, vector<16xi1>
    %get3A_1501 = arith.constant 1280 : index
    %get3A_1502 = tpu.vector_load %arg5[%get3A_1501] {strides = array<i32>} : memref<2048xi32, #tpu.memory_space<vmem>>, vector<16xi32>,
    %lt3A_1503 = arith.constant 1024 : i32
    %lt3A_1504 = vector.broadcast %lt3A_1503 : i32 to vector<16xi32>
    %lt3A_1505 = arith.cmpi slt, %get3A_1502, %lt3A_1504 : vector<16xi32>
    %jit3A_1506 = arith.constant 0 : i32
    %broadcast_in_dim3A_1507 = vector.broadcast %jit3A_1506 : i32 to vector<16xi32>
    %select_n3A_1508 = arith.select %lt3A_1505, %get3A_1502, %broadcast_in_dim3A_1507 : vector<16xi1>, vector<16xi32>
    %add3A_1509 = arith.constant 1024 : i32
    %add3A_1510 = arith.addi %mul3A_2, %add3A_1509 : i32
    %add3A_1511 = arith.constant 1280 : i32
    %add3A_1512 = arith.addi %add3A_1510, %add3A_1511 : i32
    %add3A_1513 = vector.broadcast %add3A_1512 : i32 to vector<16xi32>
    %add3A_1514 = arith.addi %add3A_1513, %iota3A : vector<16xi32>
    tpu.vector_store_idx %arg6[%select_n3A_1508], %add3A_1514 masked %lt3A_1505 : memref<1024xi32, #tpu.memory_space<vmem>>[vector<16xi32>], vector<16xi32>, vector<16xi1>
    %get3A_1515 = arith.constant 1296 : index
    %get3A_1516 = tpu.vector_load %arg5[%get3A_1515] {strides = array<i32>} : memref<2048xi32, #tpu.memory_space<vmem>>, vector<16xi32>,
    %lt3A_1517 = arith.constant 1024 : i32
    %lt3A_1518 = vector.broadcast %lt3A_1517 : i32 to vector<16xi32>
    %lt3A_1519 = arith.cmpi slt, %get3A_1516, %lt3A_1518 : vector<16xi32>
    %jit3A_1520 = arith.constant 0 : i32
    %broadcast_in_dim3A_1521 = vector.broadcast %jit3A_1520 : i32 to vector<16xi32>
    %select_n3A_1522 = arith.select %lt3A_1519, %get3A_1516, %broadcast_in_dim3A_1521 : vector<16xi1>, vector<16xi32>
    %add3A_1523 = arith.constant 1024 : i32
    %add3A_1524 = arith.addi %mul3A_2, %add3A_1523 : i32
    %add3A_1525 = arith.constant 1296 : i32
    %add3A_1526 = arith.addi %add3A_1524, %add3A_1525 : i32
    %add3A_1527 = vector.broadcast %add3A_1526 : i32 to vector<16xi32>
    %add3A_1528 = arith.addi %add3A_1527, %iota3A : vector<16xi32>
    tpu.vector_store_idx %arg6[%select_n3A_1522], %add3A_1528 masked %lt3A_1519 : memref<1024xi32, #tpu.memory_space<vmem>>[vector<16xi32>], vector<16xi32>, vector<16xi1>
    %get3A_1529 = arith.constant 1312 : index
    %get3A_1530 = tpu.vector_load %arg5[%get3A_1529] {strides = array<i32>} : memref<2048xi32, #tpu.memory_space<vmem>>, vector<16xi32>,
    %lt3A_1531 = arith.constant 1024 : i32
    %lt3A_1532 = vector.broadcast %lt3A_1531 : i32 to vector<16xi32>
    %lt3A_1533 = arith.cmpi slt, %get3A_1530, %lt3A_1532 : vector<16xi32>
    %jit3A_1534 = arith.constant 0 : i32
    %broadcast_in_dim3A_1535 = vector.broadcast %jit3A_1534 : i32 to vector<16xi32>
    %select_n3A_1536 = arith.select %lt3A_1533, %get3A_1530, %broadcast_in_dim3A_1535 : vector<16xi1>, vector<16xi32>
    %add3A_1537 = arith.constant 1024 : i32
    %add3A_1538 = arith.addi %mul3A_2, %add3A_1537 : i32
    %add3A_1539 = arith.constant 1312 : i32
    %add3A_1540 = arith.addi %add3A_1538, %add3A_1539 : i32
    %add3A_1541 = vector.broadcast %add3A_1540 : i32 to vector<16xi32>
    %add3A_1542 = arith.addi %add3A_1541, %iota3A : vector<16xi32>
    tpu.vector_store_idx %arg6[%select_n3A_1536], %add3A_1542 masked %lt3A_1533 : memref<1024xi32, #tpu.memory_space<vmem>>[vector<16xi32>], vector<16xi32>, vector<16xi1>
    %get3A_1543 = arith.constant 1328 : index
    %get3A_1544 = tpu.vector_load %arg5[%get3A_1543] {strides = array<i32>} : memref<2048xi32, #tpu.memory_space<vmem>>, vector<16xi32>,
    %lt3A_1545 = arith.constant 1024 : i32
    %lt3A_1546 = vector.broadcast %lt3A_1545 : i32 to vector<16xi32>
    %lt3A_1547 = arith.cmpi slt, %get3A_1544, %lt3A_1546 : vector<16xi32>
    %jit3A_1548 = arith.constant 0 : i32
    %broadcast_in_dim3A_1549 = vector.broadcast %jit3A_1548 : i32 to vector<16xi32>
    %select_n3A_1550 = arith.select %lt3A_1547, %get3A_1544, %broadcast_in_dim3A_1549 : vector<16xi1>, vector<16xi32>
    %add3A_1551 = arith.constant 1024 : i32
    %add3A_1552 = arith.addi %mul3A_2, %add3A_1551 : i32
    %add3A_1553 = arith.constant 1328 : i32
    %add3A_1554 = arith.addi %add3A_1552, %add3A_1553 : i32
    %add3A_1555 = vector.broadcast %add3A_1554 : i32 to vector<16xi32>
    %add3A_1556 = arith.addi %add3A_1555, %iota3A : vector<16xi32>
    tpu.vector_store_idx %arg6[%select_n3A_1550], %add3A_1556 masked %lt3A_1547 : memref<1024xi32, #tpu.memory_space<vmem>>[vector<16xi32>], vector<16xi32>, vector<16xi1>
    %get3A_1557 = arith.constant 1344 : index
    %get3A_1558 = tpu.vector_load %arg5[%get3A_1557] {strides = array<i32>} : memref<2048xi32, #tpu.memory_space<vmem>>, vector<16xi32>,
    %lt3A_1559 = arith.constant 1024 : i32
    %lt3A_1560 = vector.broadcast %lt3A_1559 : i32 to vector<16xi32>
    %lt3A_1561 = arith.cmpi slt, %get3A_1558, %lt3A_1560 : vector<16xi32>
    %jit3A_1562 = arith.constant 0 : i32
    %broadcast_in_dim3A_1563 = vector.broadcast %jit3A_1562 : i32 to vector<16xi32>
    %select_n3A_1564 = arith.select %lt3A_1561, %get3A_1558, %broadcast_in_dim3A_1563 : vector<16xi1>, vector<16xi32>
    %add3A_1565 = arith.constant 1024 : i32
    %add3A_1566 = arith.addi %mul3A_2, %add3A_1565 : i32
    %add3A_1567 = arith.constant 1344 : i32
    %add3A_1568 = arith.addi %add3A_1566, %add3A_1567 : i32
    %add3A_1569 = vector.broadcast %add3A_1568 : i32 to vector<16xi32>
    %add3A_1570 = arith.addi %add3A_1569, %iota3A : vector<16xi32>
    tpu.vector_store_idx %arg6[%select_n3A_1564], %add3A_1570 masked %lt3A_1561 : memref<1024xi32, #tpu.memory_space<vmem>>[vector<16xi32>], vector<16xi32>, vector<16xi1>
    %get3A_1571 = arith.constant 1360 : index
    %get3A_1572 = tpu.vector_load %arg5[%get3A_1571] {strides = array<i32>} : memref<2048xi32, #tpu.memory_space<vmem>>, vector<16xi32>,
    %lt3A_1573 = arith.constant 1024 : i32
    %lt3A_1574 = vector.broadcast %lt3A_1573 : i32 to vector<16xi32>
    %lt3A_1575 = arith.cmpi slt, %get3A_1572, %lt3A_1574 : vector<16xi32>
    %jit3A_1576 = arith.constant 0 : i32
    %broadcast_in_dim3A_1577 = vector.broadcast %jit3A_1576 : i32 to vector<16xi32>
    %select_n3A_1578 = arith.select %lt3A_1575, %get3A_1572, %broadcast_in_dim3A_1577 : vector<16xi1>, vector<16xi32>
    %add3A_1579 = arith.constant 1024 : i32
    %add3A_1580 = arith.addi %mul3A_2, %add3A_1579 : i32
    %add3A_1581 = arith.constant 1360 : i32
    %add3A_1582 = arith.addi %add3A_1580, %add3A_1581 : i32
    %add3A_1583 = vector.broadcast %add3A_1582 : i32 to vector<16xi32>
    %add3A_1584 = arith.addi %add3A_1583, %iota3A : vector<16xi32>
    tpu.vector_store_idx %arg6[%select_n3A_1578], %add3A_1584 masked %lt3A_1575 : memref<1024xi32, #tpu.memory_space<vmem>>[vector<16xi32>], vector<16xi32>, vector<16xi1>
    %get3A_1585 = arith.constant 1376 : index
    %get3A_1586 = tpu.vector_load %arg5[%get3A_1585] {strides = array<i32>} : memref<2048xi32, #tpu.memory_space<vmem>>, vector<16xi32>,
    %lt3A_1587 = arith.constant 1024 : i32
    %lt3A_1588 = vector.broadcast %lt3A_1587 : i32 to vector<16xi32>
    %lt3A_1589 = arith.cmpi slt, %get3A_1586, %lt3A_1588 : vector<16xi32>
    %jit3A_1590 = arith.constant 0 : i32
    %broadcast_in_dim3A_1591 = vector.broadcast %jit3A_1590 : i32 to vector<16xi32>
    %select_n3A_1592 = arith.select %lt3A_1589, %get3A_1586, %broadcast_in_dim3A_1591 : vector<16xi1>, vector<16xi32>
    %add3A_1593 = arith.constant 1024 : i32
    %add3A_1594 = arith.addi %mul3A_2, %add3A_1593 : i32
    %add3A_1595 = arith.constant 1376 : i32
    %add3A_1596 = arith.addi %add3A_1594, %add3A_1595 : i32
    %add3A_1597 = vector.broadcast %add3A_1596 : i32 to vector<16xi32>
    %add3A_1598 = arith.addi %add3A_1597, %iota3A : vector<16xi32>
    tpu.vector_store_idx %arg6[%select_n3A_1592], %add3A_1598 masked %lt3A_1589 : memref<1024xi32, #tpu.memory_space<vmem>>[vector<16xi32>], vector<16xi32>, vector<16xi1>
    %get3A_1599 = arith.constant 1392 : index
    %get3A_1600 = tpu.vector_load %arg5[%get3A_1599] {strides = array<i32>} : memref<2048xi32, #tpu.memory_space<vmem>>, vector<16xi32>,
    %lt3A_1601 = arith.constant 1024 : i32
    %lt3A_1602 = vector.broadcast %lt3A_1601 : i32 to vector<16xi32>
    %lt3A_1603 = arith.cmpi slt, %get3A_1600, %lt3A_1602 : vector<16xi32>
    %jit3A_1604 = arith.constant 0 : i32
    %broadcast_in_dim3A_1605 = vector.broadcast %jit3A_1604 : i32 to vector<16xi32>
    %select_n3A_1606 = arith.select %lt3A_1603, %get3A_1600, %broadcast_in_dim3A_1605 : vector<16xi1>, vector<16xi32>
    %add3A_1607 = arith.constant 1024 : i32
    %add3A_1608 = arith.addi %mul3A_2, %add3A_1607 : i32
    %add3A_1609 = arith.constant 1392 : i32
    %add3A_1610 = arith.addi %add3A_1608, %add3A_1609 : i32
    %add3A_1611 = vector.broadcast %add3A_1610 : i32 to vector<16xi32>
    %add3A_1612 = arith.addi %add3A_1611, %iota3A : vector<16xi32>
    tpu.vector_store_idx %arg6[%select_n3A_1606], %add3A_1612 masked %lt3A_1603 : memref<1024xi32, #tpu.memory_space<vmem>>[vector<16xi32>], vector<16xi32>, vector<16xi1>
    %get3A_1613 = arith.constant 1408 : index
    %get3A_1614 = tpu.vector_load %arg5[%get3A_1613] {strides = array<i32>} : memref<2048xi32, #tpu.memory_space<vmem>>, vector<16xi32>,
    %lt3A_1615 = arith.constant 1024 : i32
    %lt3A_1616 = vector.broadcast %lt3A_1615 : i32 to vector<16xi32>
    %lt3A_1617 = arith.cmpi slt, %get3A_1614, %lt3A_1616 : vector<16xi32>
    %jit3A_1618 = arith.constant 0 : i32
    %broadcast_in_dim3A_1619 = vector.broadcast %jit3A_1618 : i32 to vector<16xi32>
    %select_n3A_1620 = arith.select %lt3A_1617, %get3A_1614, %broadcast_in_dim3A_1619 : vector<16xi1>, vector<16xi32>
    %add3A_1621 = arith.constant 1024 : i32
    %add3A_1622 = arith.addi %mul3A_2, %add3A_1621 : i32
    %add3A_1623 = arith.constant 1408 : i32
    %add3A_1624 = arith.addi %add3A_1622, %add3A_1623 : i32
    %add3A_1625 = vector.broadcast %add3A_1624 : i32 to vector<16xi32>
    %add3A_1626 = arith.addi %add3A_1625, %iota3A : vector<16xi32>
    tpu.vector_store_idx %arg6[%select_n3A_1620], %add3A_1626 masked %lt3A_1617 : memref<1024xi32, #tpu.memory_space<vmem>>[vector<16xi32>], vector<16xi32>, vector<16xi1>
    %get3A_1627 = arith.constant 1424 : index
    %get3A_1628 = tpu.vector_load %arg5[%get3A_1627] {strides = array<i32>} : memref<2048xi32, #tpu.memory_space<vmem>>, vector<16xi32>,
    %lt3A_1629 = arith.constant 1024 : i32
    %lt3A_1630 = vector.broadcast %lt3A_1629 : i32 to vector<16xi32>
    %lt3A_1631 = arith.cmpi slt, %get3A_1628, %lt3A_1630 : vector<16xi32>
    %jit3A_1632 = arith.constant 0 : i32
    %broadcast_in_dim3A_1633 = vector.broadcast %jit3A_1632 : i32 to vector<16xi32>
    %select_n3A_1634 = arith.select %lt3A_1631, %get3A_1628, %broadcast_in_dim3A_1633 : vector<16xi1>, vector<16xi32>
    %add3A_1635 = arith.constant 1024 : i32
    %add3A_1636 = arith.addi %mul3A_2, %add3A_1635 : i32
    %add3A_1637 = arith.constant 1424 : i32
    %add3A_1638 = arith.addi %add3A_1636, %add3A_1637 : i32
    %add3A_1639 = vector.broadcast %add3A_1638 : i32 to vector<16xi32>
    %add3A_1640 = arith.addi %add3A_1639, %iota3A : vector<16xi32>
    tpu.vector_store_idx %arg6[%select_n3A_1634], %add3A_1640 masked %lt3A_1631 : memref<1024xi32, #tpu.memory_space<vmem>>[vector<16xi32>], vector<16xi32>, vector<16xi1>
    %get3A_1641 = arith.constant 1440 : index
    %get3A_1642 = tpu.vector_load %arg5[%get3A_1641] {strides = array<i32>} : memref<2048xi32, #tpu.memory_space<vmem>>, vector<16xi32>,
    %lt3A_1643 = arith.constant 1024 : i32
    %lt3A_1644 = vector.broadcast %lt3A_1643 : i32 to vector<16xi32>
    %lt3A_1645 = arith.cmpi slt, %get3A_1642, %lt3A_1644 : vector<16xi32>
    %jit3A_1646 = arith.constant 0 : i32
    %broadcast_in_dim3A_1647 = vector.broadcast %jit3A_1646 : i32 to vector<16xi32>
    %select_n3A_1648 = arith.select %lt3A_1645, %get3A_1642, %broadcast_in_dim3A_1647 : vector<16xi1>, vector<16xi32>
    %add3A_1649 = arith.constant 1024 : i32
    %add3A_1650 = arith.addi %mul3A_2, %add3A_1649 : i32
    %add3A_1651 = arith.constant 1440 : i32
    %add3A_1652 = arith.addi %add3A_1650, %add3A_1651 : i32
    %add3A_1653 = vector.broadcast %add3A_1652 : i32 to vector<16xi32>
    %add3A_1654 = arith.addi %add3A_1653, %iota3A : vector<16xi32>
    tpu.vector_store_idx %arg6[%select_n3A_1648], %add3A_1654 masked %lt3A_1645 : memref<1024xi32, #tpu.memory_space<vmem>>[vector<16xi32>], vector<16xi32>, vector<16xi1>
    %get3A_1655 = arith.constant 1456 : index
    %get3A_1656 = tpu.vector_load %arg5[%get3A_1655] {strides = array<i32>} : memref<2048xi32, #tpu.memory_space<vmem>>, vector<16xi32>,
    %lt3A_1657 = arith.constant 1024 : i32
    %lt3A_1658 = vector.broadcast %lt3A_1657 : i32 to vector<16xi32>
    %lt3A_1659 = arith.cmpi slt, %get3A_1656, %lt3A_1658 : vector<16xi32>
    %jit3A_1660 = arith.constant 0 : i32
    %broadcast_in_dim3A_1661 = vector.broadcast %jit3A_1660 : i32 to vector<16xi32>
    %select_n3A_1662 = arith.select %lt3A_1659, %get3A_1656, %broadcast_in_dim3A_1661 : vector<16xi1>, vector<16xi32>
    %add3A_1663 = arith.constant 1024 : i32
    %add3A_1664 = arith.addi %mul3A_2, %add3A_1663 : i32
    %add3A_1665 = arith.constant 1456 : i32
    %add3A_1666 = arith.addi %add3A_1664, %add3A_1665 : i32
    %add3A_1667 = vector.broadcast %add3A_1666 : i32 to vector<16xi32>
    %add3A_1668 = arith.addi %add3A_1667, %iota3A : vector<16xi32>
    tpu.vector_store_idx %arg6[%select_n3A_1662], %add3A_1668 masked %lt3A_1659 : memref<1024xi32, #tpu.memory_space<vmem>>[vector<16xi32>], vector<16xi32>, vector<16xi1>
    %get3A_1669 = arith.constant 1472 : index
    %get3A_1670 = tpu.vector_load %arg5[%get3A_1669] {strides = array<i32>} : memref<2048xi32, #tpu.memory_space<vmem>>, vector<16xi32>,
    %lt3A_1671 = arith.constant 1024 : i32
    %lt3A_1672 = vector.broadcast %lt3A_1671 : i32 to vector<16xi32>
    %lt3A_1673 = arith.cmpi slt, %get3A_1670, %lt3A_1672 : vector<16xi32>
    %jit3A_1674 = arith.constant 0 : i32
    %broadcast_in_dim3A_1675 = vector.broadcast %jit3A_1674 : i32 to vector<16xi32>
    %select_n3A_1676 = arith.select %lt3A_1673, %get3A_1670, %broadcast_in_dim3A_1675 : vector<16xi1>, vector<16xi32>
    %add3A_1677 = arith.constant 1024 : i32
    %add3A_1678 = arith.addi %mul3A_2, %add3A_1677 : i32
    %add3A_1679 = arith.constant 1472 : i32
    %add3A_1680 = arith.addi %add3A_1678, %add3A_1679 : i32
    %add3A_1681 = vector.broadcast %add3A_1680 : i32 to vector<16xi32>
    %add3A_1682 = arith.addi %add3A_1681, %iota3A : vector<16xi32>
    tpu.vector_store_idx %arg6[%select_n3A_1676], %add3A_1682 masked %lt3A_1673 : memref<1024xi32, #tpu.memory_space<vmem>>[vector<16xi32>], vector<16xi32>, vector<16xi1>
    %get3A_1683 = arith.constant 1488 : index
    %get3A_1684 = tpu.vector_load %arg5[%get3A_1683] {strides = array<i32>} : memref<2048xi32, #tpu.memory_space<vmem>>, vector<16xi32>,
    %lt3A_1685 = arith.constant 1024 : i32
    %lt3A_1686 = vector.broadcast %lt3A_1685 : i32 to vector<16xi32>
    %lt3A_1687 = arith.cmpi slt, %get3A_1684, %lt3A_1686 : vector<16xi32>
    %jit3A_1688 = arith.constant 0 : i32
    %broadcast_in_dim3A_1689 = vector.broadcast %jit3A_1688 : i32 to vector<16xi32>
    %select_n3A_1690 = arith.select %lt3A_1687, %get3A_1684, %broadcast_in_dim3A_1689 : vector<16xi1>, vector<16xi32>
    %add3A_1691 = arith.constant 1024 : i32
    %add3A_1692 = arith.addi %mul3A_2, %add3A_1691 : i32
    %add3A_1693 = arith.constant 1488 : i32
    %add3A_1694 = arith.addi %add3A_1692, %add3A_1693 : i32
    %add3A_1695 = vector.broadcast %add3A_1694 : i32 to vector<16xi32>
    %add3A_1696 = arith.addi %add3A_1695, %iota3A : vector<16xi32>
    tpu.vector_store_idx %arg6[%select_n3A_1690], %add3A_1696 masked %lt3A_1687 : memref<1024xi32, #tpu.memory_space<vmem>>[vector<16xi32>], vector<16xi32>, vector<16xi1>
    %get3A_1697 = arith.constant 1504 : index
    %get3A_1698 = tpu.vector_load %arg5[%get3A_1697] {strides = array<i32>} : memref<2048xi32, #tpu.memory_space<vmem>>, vector<16xi32>,
    %lt3A_1699 = arith.constant 1024 : i32
    %lt3A_1700 = vector.broadcast %lt3A_1699 : i32 to vector<16xi32>
    %lt3A_1701 = arith.cmpi slt, %get3A_1698, %lt3A_1700 : vector<16xi32>
    %jit3A_1702 = arith.constant 0 : i32
    %broadcast_in_dim3A_1703 = vector.broadcast %jit3A_1702 : i32 to vector<16xi32>
    %select_n3A_1704 = arith.select %lt3A_1701, %get3A_1698, %broadcast_in_dim3A_1703 : vector<16xi1>, vector<16xi32>
    %add3A_1705 = arith.constant 1024 : i32
    %add3A_1706 = arith.addi %mul3A_2, %add3A_1705 : i32
    %add3A_1707 = arith.constant 1504 : i32
    %add3A_1708 = arith.addi %add3A_1706, %add3A_1707 : i32
    %add3A_1709 = vector.broadcast %add3A_1708 : i32 to vector<16xi32>
    %add3A_1710 = arith.addi %add3A_1709, %iota3A : vector<16xi32>
    tpu.vector_store_idx %arg6[%select_n3A_1704], %add3A_1710 masked %lt3A_1701 : memref<1024xi32, #tpu.memory_space<vmem>>[vector<16xi32>], vector<16xi32>, vector<16xi1>
    %get3A_1711 = arith.constant 1520 : index
    %get3A_1712 = tpu.vector_load %arg5[%get3A_1711] {strides = array<i32>} : memref<2048xi32, #tpu.memory_space<vmem>>, vector<16xi32>,
    %lt3A_1713 = arith.constant 1024 : i32
    %lt3A_1714 = vector.broadcast %lt3A_1713 : i32 to vector<16xi32>
    %lt3A_1715 = arith.cmpi slt, %get3A_1712, %lt3A_1714 : vector<16xi32>
    %jit3A_1716 = arith.constant 0 : i32
    %broadcast_in_dim3A_1717 = vector.broadcast %jit3A_1716 : i32 to vector<16xi32>
    %select_n3A_1718 = arith.select %lt3A_1715, %get3A_1712, %broadcast_in_dim3A_1717 : vector<16xi1>, vector<16xi32>
    %add3A_1719 = arith.constant 1024 : i32
    %add3A_1720 = arith.addi %mul3A_2, %add3A_1719 : i32
    %add3A_1721 = arith.constant 1520 : i32
    %add3A_1722 = arith.addi %add3A_1720, %add3A_1721 : i32
    %add3A_1723 = vector.broadcast %add3A_1722 : i32 to vector<16xi32>
    %add3A_1724 = arith.addi %add3A_1723, %iota3A : vector<16xi32>
    tpu.vector_store_idx %arg6[%select_n3A_1718], %add3A_1724 masked %lt3A_1715 : memref<1024xi32, #tpu.memory_space<vmem>>[vector<16xi32>], vector<16xi32>, vector<16xi1>
    %get3A_1725 = arith.constant 1536 : index
    %get3A_1726 = tpu.vector_load %arg5[%get3A_1725] {strides = array<i32>} : memref<2048xi32, #tpu.memory_space<vmem>>, vector<16xi32>,
    %lt3A_1727 = arith.constant 1024 : i32
    %lt3A_1728 = vector.broadcast %lt3A_1727 : i32 to vector<16xi32>
    %lt3A_1729 = arith.cmpi slt, %get3A_1726, %lt3A_1728 : vector<16xi32>
    %jit3A_1730 = arith.constant 0 : i32
    %broadcast_in_dim3A_1731 = vector.broadcast %jit3A_1730 : i32 to vector<16xi32>
    %select_n3A_1732 = arith.select %lt3A_1729, %get3A_1726, %broadcast_in_dim3A_1731 : vector<16xi1>, vector<16xi32>
    %add3A_1733 = arith.constant 1024 : i32
    %add3A_1734 = arith.addi %mul3A_2, %add3A_1733 : i32
    %add3A_1735 = arith.constant 1536 : i32
    %add3A_1736 = arith.addi %add3A_1734, %add3A_1735 : i32
    %add3A_1737 = vector.broadcast %add3A_1736 : i32 to vector<16xi32>
    %add3A_1738 = arith.addi %add3A_1737, %iota3A : vector<16xi32>
    tpu.vector_store_idx %arg6[%select_n3A_1732], %add3A_1738 masked %lt3A_1729 : memref<1024xi32, #tpu.memory_space<vmem>>[vector<16xi32>], vector<16xi32>, vector<16xi1>
    %get3A_1739 = arith.constant 1552 : index
    %get3A_1740 = tpu.vector_load %arg5[%get3A_1739] {strides = array<i32>} : memref<2048xi32, #tpu.memory_space<vmem>>, vector<16xi32>,
    %lt3A_1741 = arith.constant 1024 : i32
    %lt3A_1742 = vector.broadcast %lt3A_1741 : i32 to vector<16xi32>
    %lt3A_1743 = arith.cmpi slt, %get3A_1740, %lt3A_1742 : vector<16xi32>
    %jit3A_1744 = arith.constant 0 : i32
    %broadcast_in_dim3A_1745 = vector.broadcast %jit3A_1744 : i32 to vector<16xi32>
    %select_n3A_1746 = arith.select %lt3A_1743, %get3A_1740, %broadcast_in_dim3A_1745 : vector<16xi1>, vector<16xi32>
    %add3A_1747 = arith.constant 1024 : i32
    %add3A_1748 = arith.addi %mul3A_2, %add3A_1747 : i32
    %add3A_1749 = arith.constant 1552 : i32
    %add3A_1750 = arith.addi %add3A_1748, %add3A_1749 : i32
    %add3A_1751 = vector.broadcast %add3A_1750 : i32 to vector<16xi32>
    %add3A_1752 = arith.addi %add3A_1751, %iota3A : vector<16xi32>
    tpu.vector_store_idx %arg6[%select_n3A_1746], %add3A_1752 masked %lt3A_1743 : memref<1024xi32, #tpu.memory_space<vmem>>[vector<16xi32>], vector<16xi32>, vector<16xi1>
    %get3A_1753 = arith.constant 1568 : index
    %get3A_1754 = tpu.vector_load %arg5[%get3A_1753] {strides = array<i32>} : memref<2048xi32, #tpu.memory_space<vmem>>, vector<16xi32>,
    %lt3A_1755 = arith.constant 1024 : i32
    %lt3A_1756 = vector.broadcast %lt3A_1755 : i32 to vector<16xi32>
    %lt3A_1757 = arith.cmpi slt, %get3A_1754, %lt3A_1756 : vector<16xi32>
    %jit3A_1758 = arith.constant 0 : i32
    %broadcast_in_dim3A_1759 = vector.broadcast %jit3A_1758 : i32 to vector<16xi32>
    %select_n3A_1760 = arith.select %lt3A_1757, %get3A_1754, %broadcast_in_dim3A_1759 : vector<16xi1>, vector<16xi32>
    %add3A_1761 = arith.constant 1024 : i32
    %add3A_1762 = arith.addi %mul3A_2, %add3A_1761 : i32
    %add3A_1763 = arith.constant 1568 : i32
    %add3A_1764 = arith.addi %add3A_1762, %add3A_1763 : i32
    %add3A_1765 = vector.broadcast %add3A_1764 : i32 to vector<16xi32>
    %add3A_1766 = arith.addi %add3A_1765, %iota3A : vector<16xi32>
    tpu.vector_store_idx %arg6[%select_n3A_1760], %add3A_1766 masked %lt3A_1757 : memref<1024xi32, #tpu.memory_space<vmem>>[vector<16xi32>], vector<16xi32>, vector<16xi1>
    %get3A_1767 = arith.constant 1584 : index
    %get3A_1768 = tpu.vector_load %arg5[%get3A_1767] {strides = array<i32>} : memref<2048xi32, #tpu.memory_space<vmem>>, vector<16xi32>,
    %lt3A_1769 = arith.constant 1024 : i32
    %lt3A_1770 = vector.broadcast %lt3A_1769 : i32 to vector<16xi32>
    %lt3A_1771 = arith.cmpi slt, %get3A_1768, %lt3A_1770 : vector<16xi32>
    %jit3A_1772 = arith.constant 0 : i32
    %broadcast_in_dim3A_1773 = vector.broadcast %jit3A_1772 : i32 to vector<16xi32>
    %select_n3A_1774 = arith.select %lt3A_1771, %get3A_1768, %broadcast_in_dim3A_1773 : vector<16xi1>, vector<16xi32>
    %add3A_1775 = arith.constant 1024 : i32
    %add3A_1776 = arith.addi %mul3A_2, %add3A_1775 : i32
    %add3A_1777 = arith.constant 1584 : i32
    %add3A_1778 = arith.addi %add3A_1776, %add3A_1777 : i32
    %add3A_1779 = vector.broadcast %add3A_1778 : i32 to vector<16xi32>
    %add3A_1780 = arith.addi %add3A_1779, %iota3A : vector<16xi32>
    tpu.vector_store_idx %arg6[%select_n3A_1774], %add3A_1780 masked %lt3A_1771 : memref<1024xi32, #tpu.memory_space<vmem>>[vector<16xi32>], vector<16xi32>, vector<16xi1>
    %get3A_1781 = arith.constant 1600 : index
    %get3A_1782 = tpu.vector_load %arg5[%get3A_1781] {strides = array<i32>} : memref<2048xi32, #tpu.memory_space<vmem>>, vector<16xi32>,
    %lt3A_1783 = arith.constant 1024 : i32
    %lt3A_1784 = vector.broadcast %lt3A_1783 : i32 to vector<16xi32>
    %lt3A_1785 = arith.cmpi slt, %get3A_1782, %lt3A_1784 : vector<16xi32>
    %jit3A_1786 = arith.constant 0 : i32
    %broadcast_in_dim3A_1787 = vector.broadcast %jit3A_1786 : i32 to vector<16xi32>
    %select_n3A_1788 = arith.select %lt3A_1785, %get3A_1782, %broadcast_in_dim3A_1787 : vector<16xi1>, vector<16xi32>
    %add3A_1789 = arith.constant 1024 : i32
    %add3A_1790 = arith.addi %mul3A_2, %add3A_1789 : i32
    %add3A_1791 = arith.constant 1600 : i32
    %add3A_1792 = arith.addi %add3A_1790, %add3A_1791 : i32
    %add3A_1793 = vector.broadcast %add3A_1792 : i32 to vector<16xi32>
    %add3A_1794 = arith.addi %add3A_1793, %iota3A : vector<16xi32>
    tpu.vector_store_idx %arg6[%select_n3A_1788], %add3A_1794 masked %lt3A_1785 : memref<1024xi32, #tpu.memory_space<vmem>>[vector<16xi32>], vector<16xi32>, vector<16xi1>
    %get3A_1795 = arith.constant 1616 : index
    %get3A_1796 = tpu.vector_load %arg5[%get3A_1795] {strides = array<i32>} : memref<2048xi32, #tpu.memory_space<vmem>>, vector<16xi32>,
    %lt3A_1797 = arith.constant 1024 : i32
    %lt3A_1798 = vector.broadcast %lt3A_1797 : i32 to vector<16xi32>
    %lt3A_1799 = arith.cmpi slt, %get3A_1796, %lt3A_1798 : vector<16xi32>
    %jit3A_1800 = arith.constant 0 : i32
    %broadcast_in_dim3A_1801 = vector.broadcast %jit3A_1800 : i32 to vector<16xi32>
    %select_n3A_1802 = arith.select %lt3A_1799, %get3A_1796, %broadcast_in_dim3A_1801 : vector<16xi1>, vector<16xi32>
    %add3A_1803 = arith.constant 1024 : i32
    %add3A_1804 = arith.addi %mul3A_2, %add3A_1803 : i32
    %add3A_1805 = arith.constant 1616 : i32
    %add3A_1806 = arith.addi %add3A_1804, %add3A_1805 : i32
    %add3A_1807 = vector.broadcast %add3A_1806 : i32 to vector<16xi32>
    %add3A_1808 = arith.addi %add3A_1807, %iota3A : vector<16xi32>
    tpu.vector_store_idx %arg6[%select_n3A_1802], %add3A_1808 masked %lt3A_1799 : memref<1024xi32, #tpu.memory_space<vmem>>[vector<16xi32>], vector<16xi32>, vector<16xi1>
    %get3A_1809 = arith.constant 1632 : index
    %get3A_1810 = tpu.vector_load %arg5[%get3A_1809] {strides = array<i32>} : memref<2048xi32, #tpu.memory_space<vmem>>, vector<16xi32>,
    %lt3A_1811 = arith.constant 1024 : i32
    %lt3A_1812 = vector.broadcast %lt3A_1811 : i32 to vector<16xi32>
    %lt3A_1813 = arith.cmpi slt, %get3A_1810, %lt3A_1812 : vector<16xi32>
    %jit3A_1814 = arith.constant 0 : i32
    %broadcast_in_dim3A_1815 = vector.broadcast %jit3A_1814 : i32 to vector<16xi32>
    %select_n3A_1816 = arith.select %lt3A_1813, %get3A_1810, %broadcast_in_dim3A_1815 : vector<16xi1>, vector<16xi32>
    %add3A_1817 = arith.constant 1024 : i32
    %add3A_1818 = arith.addi %mul3A_2, %add3A_1817 : i32
    %add3A_1819 = arith.constant 1632 : i32
    %add3A_1820 = arith.addi %add3A_1818, %add3A_1819 : i32
    %add3A_1821 = vector.broadcast %add3A_1820 : i32 to vector<16xi32>
    %add3A_1822 = arith.addi %add3A_1821, %iota3A : vector<16xi32>
    tpu.vector_store_idx %arg6[%select_n3A_1816], %add3A_1822 masked %lt3A_1813 : memref<1024xi32, #tpu.memory_space<vmem>>[vector<16xi32>], vector<16xi32>, vector<16xi1>
    %get3A_1823 = arith.constant 1648 : index
    %get3A_1824 = tpu.vector_load %arg5[%get3A_1823] {strides = array<i32>} : memref<2048xi32, #tpu.memory_space<vmem>>, vector<16xi32>,
    %lt3A_1825 = arith.constant 1024 : i32
    %lt3A_1826 = vector.broadcast %lt3A_1825 : i32 to vector<16xi32>
    %lt3A_1827 = arith.cmpi slt, %get3A_1824, %lt3A_1826 : vector<16xi32>
    %jit3A_1828 = arith.constant 0 : i32
    %broadcast_in_dim3A_1829 = vector.broadcast %jit3A_1828 : i32 to vector<16xi32>
    %select_n3A_1830 = arith.select %lt3A_1827, %get3A_1824, %broadcast_in_dim3A_1829 : vector<16xi1>, vector<16xi32>
    %add3A_1831 = arith.constant 1024 : i32
    %add3A_1832 = arith.addi %mul3A_2, %add3A_1831 : i32
    %add3A_1833 = arith.constant 1648 : i32
    %add3A_1834 = arith.addi %add3A_1832, %add3A_1833 : i32
    %add3A_1835 = vector.broadcast %add3A_1834 : i32 to vector<16xi32>
    %add3A_1836 = arith.addi %add3A_1835, %iota3A : vector<16xi32>
    tpu.vector_store_idx %arg6[%select_n3A_1830], %add3A_1836 masked %lt3A_1827 : memref<1024xi32, #tpu.memory_space<vmem>>[vector<16xi32>], vector<16xi32>, vector<16xi1>
    %get3A_1837 = arith.constant 1664 : index
    %get3A_1838 = tpu.vector_load %arg5[%get3A_1837] {strides = array<i32>} : memref<2048xi32, #tpu.memory_space<vmem>>, vector<16xi32>,
    %lt3A_1839 = arith.constant 1024 : i32
    %lt3A_1840 = vector.broadcast %lt3A_1839 : i32 to vector<16xi32>
    %lt3A_1841 = arith.cmpi slt, %get3A_1838, %lt3A_1840 : vector<16xi32>
    %jit3A_1842 = arith.constant 0 : i32
    %broadcast_in_dim3A_1843 = vector.broadcast %jit3A_1842 : i32 to vector<16xi32>
    %select_n3A_1844 = arith.select %lt3A_1841, %get3A_1838, %broadcast_in_dim3A_1843 : vector<16xi1>, vector<16xi32>
    %add3A_1845 = arith.constant 1024 : i32
    %add3A_1846 = arith.addi %mul3A_2, %add3A_1845 : i32
    %add3A_1847 = arith.constant 1664 : i32
    %add3A_1848 = arith.addi %add3A_1846, %add3A_1847 : i32
    %add3A_1849 = vector.broadcast %add3A_1848 : i32 to vector<16xi32>
    %add3A_1850 = arith.addi %add3A_1849, %iota3A : vector<16xi32>
    tpu.vector_store_idx %arg6[%select_n3A_1844], %add3A_1850 masked %lt3A_1841 : memref<1024xi32, #tpu.memory_space<vmem>>[vector<16xi32>], vector<16xi32>, vector<16xi1>
    %get3A_1851 = arith.constant 1680 : index
    %get3A_1852 = tpu.vector_load %arg5[%get3A_1851] {strides = array<i32>} : memref<2048xi32, #tpu.memory_space<vmem>>, vector<16xi32>,
    %lt3A_1853 = arith.constant 1024 : i32
    %lt3A_1854 = vector.broadcast %lt3A_1853 : i32 to vector<16xi32>
    %lt3A_1855 = arith.cmpi slt, %get3A_1852, %lt3A_1854 : vector<16xi32>
    %jit3A_1856 = arith.constant 0 : i32
    %broadcast_in_dim3A_1857 = vector.broadcast %jit3A_1856 : i32 to vector<16xi32>
    %select_n3A_1858 = arith.select %lt3A_1855, %get3A_1852, %broadcast_in_dim3A_1857 : vector<16xi1>, vector<16xi32>
    %add3A_1859 = arith.constant 1024 : i32
    %add3A_1860 = arith.addi %mul3A_2, %add3A_1859 : i32
    %add3A_1861 = arith.constant 1680 : i32
    %add3A_1862 = arith.addi %add3A_1860, %add3A_1861 : i32
    %add3A_1863 = vector.broadcast %add3A_1862 : i32 to vector<16xi32>
    %add3A_1864 = arith.addi %add3A_1863, %iota3A : vector<16xi32>
    tpu.vector_store_idx %arg6[%select_n3A_1858], %add3A_1864 masked %lt3A_1855 : memref<1024xi32, #tpu.memory_space<vmem>>[vector<16xi32>], vector<16xi32>, vector<16xi1>
    %get3A_1865 = arith.constant 1696 : index
    %get3A_1866 = tpu.vector_load %arg5[%get3A_1865] {strides = array<i32>} : memref<2048xi32, #tpu.memory_space<vmem>>, vector<16xi32>,
    %lt3A_1867 = arith.constant 1024 : i32
    %lt3A_1868 = vector.broadcast %lt3A_1867 : i32 to vector<16xi32>
    %lt3A_1869 = arith.cmpi slt, %get3A_1866, %lt3A_1868 : vector<16xi32>
    %jit3A_1870 = arith.constant 0 : i32
    %broadcast_in_dim3A_1871 = vector.broadcast %jit3A_1870 : i32 to vector<16xi32>
    %select_n3A_1872 = arith.select %lt3A_1869, %get3A_1866, %broadcast_in_dim3A_1871 : vector<16xi1>, vector<16xi32>
    %add3A_1873 = arith.constant 1024 : i32
    %add3A_1874 = arith.addi %mul3A_2, %add3A_1873 : i32
    %add3A_1875 = arith.constant 1696 : i32
    %add3A_1876 = arith.addi %add3A_1874, %add3A_1875 : i32
    %add3A_1877 = vector.broadcast %add3A_1876 : i32 to vector<16xi32>
    %add3A_1878 = arith.addi %add3A_1877, %iota3A : vector<16xi32>
    tpu.vector_store_idx %arg6[%select_n3A_1872], %add3A_1878 masked %lt3A_1869 : memref<1024xi32, #tpu.memory_space<vmem>>[vector<16xi32>], vector<16xi32>, vector<16xi1>
    %get3A_1879 = arith.constant 1712 : index
    %get3A_1880 = tpu.vector_load %arg5[%get3A_1879] {strides = array<i32>} : memref<2048xi32, #tpu.memory_space<vmem>>, vector<16xi32>,
    %lt3A_1881 = arith.constant 1024 : i32
    %lt3A_1882 = vector.broadcast %lt3A_1881 : i32 to vector<16xi32>
    %lt3A_1883 = arith.cmpi slt, %get3A_1880, %lt3A_1882 : vector<16xi32>
    %jit3A_1884 = arith.constant 0 : i32
    %broadcast_in_dim3A_1885 = vector.broadcast %jit3A_1884 : i32 to vector<16xi32>
    %select_n3A_1886 = arith.select %lt3A_1883, %get3A_1880, %broadcast_in_dim3A_1885 : vector<16xi1>, vector<16xi32>
    %add3A_1887 = arith.constant 1024 : i32
    %add3A_1888 = arith.addi %mul3A_2, %add3A_1887 : i32
    %add3A_1889 = arith.constant 1712 : i32
    %add3A_1890 = arith.addi %add3A_1888, %add3A_1889 : i32
    %add3A_1891 = vector.broadcast %add3A_1890 : i32 to vector<16xi32>
    %add3A_1892 = arith.addi %add3A_1891, %iota3A : vector<16xi32>
    tpu.vector_store_idx %arg6[%select_n3A_1886], %add3A_1892 masked %lt3A_1883 : memref<1024xi32, #tpu.memory_space<vmem>>[vector<16xi32>], vector<16xi32>, vector<16xi1>
    %get3A_1893 = arith.constant 1728 : index
    %get3A_1894 = tpu.vector_load %arg5[%get3A_1893] {strides = array<i32>} : memref<2048xi32, #tpu.memory_space<vmem>>, vector<16xi32>,
    %lt3A_1895 = arith.constant 1024 : i32
    %lt3A_1896 = vector.broadcast %lt3A_1895 : i32 to vector<16xi32>
    %lt3A_1897 = arith.cmpi slt, %get3A_1894, %lt3A_1896 : vector<16xi32>
    %jit3A_1898 = arith.constant 0 : i32
    %broadcast_in_dim3A_1899 = vector.broadcast %jit3A_1898 : i32 to vector<16xi32>
    %select_n3A_1900 = arith.select %lt3A_1897, %get3A_1894, %broadcast_in_dim3A_1899 : vector<16xi1>, vector<16xi32>
    %add3A_1901 = arith.constant 1024 : i32
    %add3A_1902 = arith.addi %mul3A_2, %add3A_1901 : i32
    %add3A_1903 = arith.constant 1728 : i32
    %add3A_1904 = arith.addi %add3A_1902, %add3A_1903 : i32
    %add3A_1905 = vector.broadcast %add3A_1904 : i32 to vector<16xi32>
    %add3A_1906 = arith.addi %add3A_1905, %iota3A : vector<16xi32>
    tpu.vector_store_idx %arg6[%select_n3A_1900], %add3A_1906 masked %lt3A_1897 : memref<1024xi32, #tpu.memory_space<vmem>>[vector<16xi32>], vector<16xi32>, vector<16xi1>
    %get3A_1907 = arith.constant 1744 : index
    %get3A_1908 = tpu.vector_load %arg5[%get3A_1907] {strides = array<i32>} : memref<2048xi32, #tpu.memory_space<vmem>>, vector<16xi32>,
    %lt3A_1909 = arith.constant 1024 : i32
    %lt3A_1910 = vector.broadcast %lt3A_1909 : i32 to vector<16xi32>
    %lt3A_1911 = arith.cmpi slt, %get3A_1908, %lt3A_1910 : vector<16xi32>
    %jit3A_1912 = arith.constant 0 : i32
    %broadcast_in_dim3A_1913 = vector.broadcast %jit3A_1912 : i32 to vector<16xi32>
    %select_n3A_1914 = arith.select %lt3A_1911, %get3A_1908, %broadcast_in_dim3A_1913 : vector<16xi1>, vector<16xi32>
    %add3A_1915 = arith.constant 1024 : i32
    %add3A_1916 = arith.addi %mul3A_2, %add3A_1915 : i32
    %add3A_1917 = arith.constant 1744 : i32
    %add3A_1918 = arith.addi %add3A_1916, %add3A_1917 : i32
    %add3A_1919 = vector.broadcast %add3A_1918 : i32 to vector<16xi32>
    %add3A_1920 = arith.addi %add3A_1919, %iota3A : vector<16xi32>
    tpu.vector_store_idx %arg6[%select_n3A_1914], %add3A_1920 masked %lt3A_1911 : memref<1024xi32, #tpu.memory_space<vmem>>[vector<16xi32>], vector<16xi32>, vector<16xi1>
    %get3A_1921 = arith.constant 1760 : index
    %get3A_1922 = tpu.vector_load %arg5[%get3A_1921] {strides = array<i32>} : memref<2048xi32, #tpu.memory_space<vmem>>, vector<16xi32>,
    %lt3A_1923 = arith.constant 1024 : i32
    %lt3A_1924 = vector.broadcast %lt3A_1923 : i32 to vector<16xi32>
    %lt3A_1925 = arith.cmpi slt, %get3A_1922, %lt3A_1924 : vector<16xi32>
    %jit3A_1926 = arith.constant 0 : i32
    %broadcast_in_dim3A_1927 = vector.broadcast %jit3A_1926 : i32 to vector<16xi32>
    %select_n3A_1928 = arith.select %lt3A_1925, %get3A_1922, %broadcast_in_dim3A_1927 : vector<16xi1>, vector<16xi32>
    %add3A_1929 = arith.constant 1024 : i32
    %add3A_1930 = arith.addi %mul3A_2, %add3A_1929 : i32
    %add3A_1931 = arith.constant 1760 : i32
    %add3A_1932 = arith.addi %add3A_1930, %add3A_1931 : i32
    %add3A_1933 = vector.broadcast %add3A_1932 : i32 to vector<16xi32>
    %add3A_1934 = arith.addi %add3A_1933, %iota3A : vector<16xi32>
    tpu.vector_store_idx %arg6[%select_n3A_1928], %add3A_1934 masked %lt3A_1925 : memref<1024xi32, #tpu.memory_space<vmem>>[vector<16xi32>], vector<16xi32>, vector<16xi1>
    %get3A_1935 = arith.constant 1776 : index
    %get3A_1936 = tpu.vector_load %arg5[%get3A_1935] {strides = array<i32>} : memref<2048xi32, #tpu.memory_space<vmem>>, vector<16xi32>,
    %lt3A_1937 = arith.constant 1024 : i32
    %lt3A_1938 = vector.broadcast %lt3A_1937 : i32 to vector<16xi32>
    %lt3A_1939 = arith.cmpi slt, %get3A_1936, %lt3A_1938 : vector<16xi32>
    %jit3A_1940 = arith.constant 0 : i32
    %broadcast_in_dim3A_1941 = vector.broadcast %jit3A_1940 : i32 to vector<16xi32>
    %select_n3A_1942 = arith.select %lt3A_1939, %get3A_1936, %broadcast_in_dim3A_1941 : vector<16xi1>, vector<16xi32>
    %add3A_1943 = arith.constant 1024 : i32
    %add3A_1944 = arith.addi %mul3A_2, %add3A_1943 : i32
    %add3A_1945 = arith.constant 1776 : i32
    %add3A_1946 = arith.addi %add3A_1944, %add3A_1945 : i32
    %add3A_1947 = vector.broadcast %add3A_1946 : i32 to vector<16xi32>
    %add3A_1948 = arith.addi %add3A_1947, %iota3A : vector<16xi32>
    tpu.vector_store_idx %arg6[%select_n3A_1942], %add3A_1948 masked %lt3A_1939 : memref<1024xi32, #tpu.memory_space<vmem>>[vector<16xi32>], vector<16xi32>, vector<16xi1>
    %get3A_1949 = arith.constant 1792 : index
    %get3A_1950 = tpu.vector_load %arg5[%get3A_1949] {strides = array<i32>} : memref<2048xi32, #tpu.memory_space<vmem>>, vector<16xi32>,
    %lt3A_1951 = arith.constant 1024 : i32
    %lt3A_1952 = vector.broadcast %lt3A_1951 : i32 to vector<16xi32>
    %lt3A_1953 = arith.cmpi slt, %get3A_1950, %lt3A_1952 : vector<16xi32>
    %jit3A_1954 = arith.constant 0 : i32
    %broadcast_in_dim3A_1955 = vector.broadcast %jit3A_1954 : i32 to vector<16xi32>
    %select_n3A_1956 = arith.select %lt3A_1953, %get3A_1950, %broadcast_in_dim3A_1955 : vector<16xi1>, vector<16xi32>
    %add3A_1957 = arith.constant 1024 : i32
    %add3A_1958 = arith.addi %mul3A_2, %add3A_1957 : i32
    %add3A_1959 = arith.constant 1792 : i32
    %add3A_1960 = arith.addi %add3A_1958, %add3A_1959 : i32
    %add3A_1961 = vector.broadcast %add3A_1960 : i32 to vector<16xi32>
    %add3A_1962 = arith.addi %add3A_1961, %iota3A : vector<16xi32>
    tpu.vector_store_idx %arg6[%select_n3A_1956], %add3A_1962 masked %lt3A_1953 : memref<1024xi32, #tpu.memory_space<vmem>>[vector<16xi32>], vector<16xi32>, vector<16xi1>
    %get3A_1963 = arith.constant 1808 : index
    %get3A_1964 = tpu.vector_load %arg5[%get3A_1963] {strides = array<i32>} : memref<2048xi32, #tpu.memory_space<vmem>>, vector<16xi32>,
    %lt3A_1965 = arith.constant 1024 : i32
    %lt3A_1966 = vector.broadcast %lt3A_1965 : i32 to vector<16xi32>
    %lt3A_1967 = arith.cmpi slt, %get3A_1964, %lt3A_1966 : vector<16xi32>
    %jit3A_1968 = arith.constant 0 : i32
    %broadcast_in_dim3A_1969 = vector.broadcast %jit3A_1968 : i32 to vector<16xi32>
    %select_n3A_1970 = arith.select %lt3A_1967, %get3A_1964, %broadcast_in_dim3A_1969 : vector<16xi1>, vector<16xi32>
    %add3A_1971 = arith.constant 1024 : i32
    %add3A_1972 = arith.addi %mul3A_2, %add3A_1971 : i32
    %add3A_1973 = arith.constant 1808 : i32
    %add3A_1974 = arith.addi %add3A_1972, %add3A_1973 : i32
    %add3A_1975 = vector.broadcast %add3A_1974 : i32 to vector<16xi32>
    %add3A_1976 = arith.addi %add3A_1975, %iota3A : vector<16xi32>
    tpu.vector_store_idx %arg6[%select_n3A_1970], %add3A_1976 masked %lt3A_1967 : memref<1024xi32, #tpu.memory_space<vmem>>[vector<16xi32>], vector<16xi32>, vector<16xi1>
    %get3A_1977 = arith.constant 1824 : index
    %get3A_1978 = tpu.vector_load %arg5[%get3A_1977] {strides = array<i32>} : memref<2048xi32, #tpu.memory_space<vmem>>, vector<16xi32>,
    %lt3A_1979 = arith.constant 1024 : i32
    %lt3A_1980 = vector.broadcast %lt3A_1979 : i32 to vector<16xi32>
    %lt3A_1981 = arith.cmpi slt, %get3A_1978, %lt3A_1980 : vector<16xi32>
    %jit3A_1982 = arith.constant 0 : i32
    %broadcast_in_dim3A_1983 = vector.broadcast %jit3A_1982 : i32 to vector<16xi32>
    %select_n3A_1984 = arith.select %lt3A_1981, %get3A_1978, %broadcast_in_dim3A_1983 : vector<16xi1>, vector<16xi32>
    %add3A_1985 = arith.constant 1024 : i32
    %add3A_1986 = arith.addi %mul3A_2, %add3A_1985 : i32
    %add3A_1987 = arith.constant 1824 : i32
    %add3A_1988 = arith.addi %add3A_1986, %add3A_1987 : i32
    %add3A_1989 = vector.broadcast %add3A_1988 : i32 to vector<16xi32>
    %add3A_1990 = arith.addi %add3A_1989, %iota3A : vector<16xi32>
    tpu.vector_store_idx %arg6[%select_n3A_1984], %add3A_1990 masked %lt3A_1981 : memref<1024xi32, #tpu.memory_space<vmem>>[vector<16xi32>], vector<16xi32>, vector<16xi1>
    %get3A_1991 = arith.constant 1840 : index
    %get3A_1992 = tpu.vector_load %arg5[%get3A_1991] {strides = array<i32>} : memref<2048xi32, #tpu.memory_space<vmem>>, vector<16xi32>,
    %lt3A_1993 = arith.constant 1024 : i32
    %lt3A_1994 = vector.broadcast %lt3A_1993 : i32 to vector<16xi32>
    %lt3A_1995 = arith.cmpi slt, %get3A_1992, %lt3A_1994 : vector<16xi32>
    %jit3A_1996 = arith.constant 0 : i32
    %broadcast_in_dim3A_1997 = vector.broadcast %jit3A_1996 : i32 to vector<16xi32>
    %select_n3A_1998 = arith.select %lt3A_1995, %get3A_1992, %broadcast_in_dim3A_1997 : vector<16xi1>, vector<16xi32>
    %add3A_1999 = arith.constant 1024 : i32
    %add3A_2000 = arith.addi %mul3A_2, %add3A_1999 : i32
    %add3A_2001 = arith.constant 1840 : i32
    %add3A_2002 = arith.addi %add3A_2000, %add3A_2001 : i32
    %add3A_2003 = vector.broadcast %add3A_2002 : i32 to vector<16xi32>
    %add3A_2004 = arith.addi %add3A_2003, %iota3A : vector<16xi32>
    tpu.vector_store_idx %arg6[%select_n3A_1998], %add3A_2004 masked %lt3A_1995 : memref<1024xi32, #tpu.memory_space<vmem>>[vector<16xi32>], vector<16xi32>, vector<16xi1>
    %get3A_2005 = arith.constant 1856 : index
    %get3A_2006 = tpu.vector_load %arg5[%get3A_2005] {strides = array<i32>} : memref<2048xi32, #tpu.memory_space<vmem>>, vector<16xi32>,
    %lt3A_2007 = arith.constant 1024 : i32
    %lt3A_2008 = vector.broadcast %lt3A_2007 : i32 to vector<16xi32>
    %lt3A_2009 = arith.cmpi slt, %get3A_2006, %lt3A_2008 : vector<16xi32>
    %jit3A_2010 = arith.constant 0 : i32
    %broadcast_in_dim3A_2011 = vector.broadcast %jit3A_2010 : i32 to vector<16xi32>
    %select_n3A_2012 = arith.select %lt3A_2009, %get3A_2006, %broadcast_in_dim3A_2011 : vector<16xi1>, vector<16xi32>
    %add3A_2013 = arith.constant 1024 : i32
    %add3A_2014 = arith.addi %mul3A_2, %add3A_2013 : i32
    %add3A_2015 = arith.constant 1856 : i32
    %add3A_2016 = arith.addi %add3A_2014, %add3A_2015 : i32
    %add3A_2017 = vector.broadcast %add3A_2016 : i32 to vector<16xi32>
    %add3A_2018 = arith.addi %add3A_2017, %iota3A : vector<16xi32>
    tpu.vector_store_idx %arg6[%select_n3A_2012], %add3A_2018 masked %lt3A_2009 : memref<1024xi32, #tpu.memory_space<vmem>>[vector<16xi32>], vector<16xi32>, vector<16xi1>
    %get3A_2019 = arith.constant 1872 : index
    %get3A_2020 = tpu.vector_load %arg5[%get3A_2019] {strides = array<i32>} : memref<2048xi32, #tpu.memory_space<vmem>>, vector<16xi32>,
    %lt3A_2021 = arith.constant 1024 : i32
    %lt3A_2022 = vector.broadcast %lt3A_2021 : i32 to vector<16xi32>
    %lt3A_2023 = arith.cmpi slt, %get3A_2020, %lt3A_2022 : vector<16xi32>
    %jit3A_2024 = arith.constant 0 : i32
    %broadcast_in_dim3A_2025 = vector.broadcast %jit3A_2024 : i32 to vector<16xi32>
    %select_n3A_2026 = arith.select %lt3A_2023, %get3A_2020, %broadcast_in_dim3A_2025 : vector<16xi1>, vector<16xi32>
    %add3A_2027 = arith.constant 1024 : i32
    %add3A_2028 = arith.addi %mul3A_2, %add3A_2027 : i32
    %add3A_2029 = arith.constant 1872 : i32
    %add3A_2030 = arith.addi %add3A_2028, %add3A_2029 : i32
    %add3A_2031 = vector.broadcast %add3A_2030 : i32 to vector<16xi32>
    %add3A_2032 = arith.addi %add3A_2031, %iota3A : vector<16xi32>
    tpu.vector_store_idx %arg6[%select_n3A_2026], %add3A_2032 masked %lt3A_2023 : memref<1024xi32, #tpu.memory_space<vmem>>[vector<16xi32>], vector<16xi32>, vector<16xi1>
    %get3A_2033 = arith.constant 1888 : index
    %get3A_2034 = tpu.vector_load %arg5[%get3A_2033] {strides = array<i32>} : memref<2048xi32, #tpu.memory_space<vmem>>, vector<16xi32>,
    %lt3A_2035 = arith.constant 1024 : i32
    %lt3A_2036 = vector.broadcast %lt3A_2035 : i32 to vector<16xi32>
    %lt3A_2037 = arith.cmpi slt, %get3A_2034, %lt3A_2036 : vector<16xi32>
    %jit3A_2038 = arith.constant 0 : i32
    %broadcast_in_dim3A_2039 = vector.broadcast %jit3A_2038 : i32 to vector<16xi32>
    %select_n3A_2040 = arith.select %lt3A_2037, %get3A_2034, %broadcast_in_dim3A_2039 : vector<16xi1>, vector<16xi32>
    %add3A_2041 = arith.constant 1024 : i32
    %add3A_2042 = arith.addi %mul3A_2, %add3A_2041 : i32
    %add3A_2043 = arith.constant 1888 : i32
    %add3A_2044 = arith.addi %add3A_2042, %add3A_2043 : i32
    %add3A_2045 = vector.broadcast %add3A_2044 : i32 to vector<16xi32>
    %add3A_2046 = arith.addi %add3A_2045, %iota3A : vector<16xi32>
    tpu.vector_store_idx %arg6[%select_n3A_2040], %add3A_2046 masked %lt3A_2037 : memref<1024xi32, #tpu.memory_space<vmem>>[vector<16xi32>], vector<16xi32>, vector<16xi1>
    %get3A_2047 = arith.constant 1904 : index
    %get3A_2048 = tpu.vector_load %arg5[%get3A_2047] {strides = array<i32>} : memref<2048xi32, #tpu.memory_space<vmem>>, vector<16xi32>,
    %lt3A_2049 = arith.constant 1024 : i32
    %lt3A_2050 = vector.broadcast %lt3A_2049 : i32 to vector<16xi32>
    %lt3A_2051 = arith.cmpi slt, %get3A_2048, %lt3A_2050 : vector<16xi32>
    %jit3A_2052 = arith.constant 0 : i32
    %broadcast_in_dim3A_2053 = vector.broadcast %jit3A_2052 : i32 to vector<16xi32>
    %select_n3A_2054 = arith.select %lt3A_2051, %get3A_2048, %broadcast_in_dim3A_2053 : vector<16xi1>, vector<16xi32>
    %add3A_2055 = arith.constant 1024 : i32
    %add3A_2056 = arith.addi %mul3A_2, %add3A_2055 : i32
    %add3A_2057 = arith.constant 1904 : i32
    %add3A_2058 = arith.addi %add3A_2056, %add3A_2057 : i32
    %add3A_2059 = vector.broadcast %add3A_2058 : i32 to vector<16xi32>
    %add3A_2060 = arith.addi %add3A_2059, %iota3A : vector<16xi32>
    tpu.vector_store_idx %arg6[%select_n3A_2054], %add3A_2060 masked %lt3A_2051 : memref<1024xi32, #tpu.memory_space<vmem>>[vector<16xi32>], vector<16xi32>, vector<16xi1>
    %get3A_2061 = arith.constant 1920 : index
    %get3A_2062 = tpu.vector_load %arg5[%get3A_2061] {strides = array<i32>} : memref<2048xi32, #tpu.memory_space<vmem>>, vector<16xi32>,
    %lt3A_2063 = arith.constant 1024 : i32
    %lt3A_2064 = vector.broadcast %lt3A_2063 : i32 to vector<16xi32>
    %lt3A_2065 = arith.cmpi slt, %get3A_2062, %lt3A_2064 : vector<16xi32>
    %jit3A_2066 = arith.constant 0 : i32
    %broadcast_in_dim3A_2067 = vector.broadcast %jit3A_2066 : i32 to vector<16xi32>
    %select_n3A_2068 = arith.select %lt3A_2065, %get3A_2062, %broadcast_in_dim3A_2067 : vector<16xi1>, vector<16xi32>
    %add3A_2069 = arith.constant 1024 : i32
    %add3A_2070 = arith.addi %mul3A_2, %add3A_2069 : i32
    %add3A_2071 = arith.constant 1920 : i32
    %add3A_2072 = arith.addi %add3A_2070, %add3A_2071 : i32
    %add3A_2073 = vector.broadcast %add3A_2072 : i32 to vector<16xi32>
    %add3A_2074 = arith.addi %add3A_2073, %iota3A : vector<16xi32>
    tpu.vector_store_idx %arg6[%select_n3A_2068], %add3A_2074 masked %lt3A_2065 : memref<1024xi32, #tpu.memory_space<vmem>>[vector<16xi32>], vector<16xi32>, vector<16xi1>
    %get3A_2075 = arith.constant 1936 : index
    %get3A_2076 = tpu.vector_load %arg5[%get3A_2075] {strides = array<i32>} : memref<2048xi32, #tpu.memory_space<vmem>>, vector<16xi32>,
    %lt3A_2077 = arith.constant 1024 : i32
    %lt3A_2078 = vector.broadcast %lt3A_2077 : i32 to vector<16xi32>
    %lt3A_2079 = arith.cmpi slt, %get3A_2076, %lt3A_2078 : vector<16xi32>
    %jit3A_2080 = arith.constant 0 : i32
    %broadcast_in_dim3A_2081 = vector.broadcast %jit3A_2080 : i32 to vector<16xi32>
    %select_n3A_2082 = arith.select %lt3A_2079, %get3A_2076, %broadcast_in_dim3A_2081 : vector<16xi1>, vector<16xi32>
    %add3A_2083 = arith.constant 1024 : i32
    %add3A_2084 = arith.addi %mul3A_2, %add3A_2083 : i32
    %add3A_2085 = arith.constant 1936 : i32
    %add3A_2086 = arith.addi %add3A_2084, %add3A_2085 : i32
    %add3A_2087 = vector.broadcast %add3A_2086 : i32 to vector<16xi32>
    %add3A_2088 = arith.addi %add3A_2087, %iota3A : vector<16xi32>
    tpu.vector_store_idx %arg6[%select_n3A_2082], %add3A_2088 masked %lt3A_2079 : memref<1024xi32, #tpu.memory_space<vmem>>[vector<16xi32>], vector<16xi32>, vector<16xi1>
    %get3A_2089 = arith.constant 1952 : index
    %get3A_2090 = tpu.vector_load %arg5[%get3A_2089] {strides = array<i32>} : memref<2048xi32, #tpu.memory_space<vmem>>, vector<16xi32>,
    %lt3A_2091 = arith.constant 1024 : i32
    %lt3A_2092 = vector.broadcast %lt3A_2091 : i32 to vector<16xi32>
    %lt3A_2093 = arith.cmpi slt, %get3A_2090, %lt3A_2092 : vector<16xi32>
    %jit3A_2094 = arith.constant 0 : i32
    %broadcast_in_dim3A_2095 = vector.broadcast %jit3A_2094 : i32 to vector<16xi32>
    %select_n3A_2096 = arith.select %lt3A_2093, %get3A_2090, %broadcast_in_dim3A_2095 : vector<16xi1>, vector<16xi32>
    %add3A_2097 = arith.constant 1024 : i32
    %add3A_2098 = arith.addi %mul3A_2, %add3A_2097 : i32
    %add3A_2099 = arith.constant 1952 : i32
    %add3A_2100 = arith.addi %add3A_2098, %add3A_2099 : i32
    %add3A_2101 = vector.broadcast %add3A_2100 : i32 to vector<16xi32>
    %add3A_2102 = arith.addi %add3A_2101, %iota3A : vector<16xi32>
    tpu.vector_store_idx %arg6[%select_n3A_2096], %add3A_2102 masked %lt3A_2093 : memref<1024xi32, #tpu.memory_space<vmem>>[vector<16xi32>], vector<16xi32>, vector<16xi1>
    %get3A_2103 = arith.constant 1968 : index
    %get3A_2104 = tpu.vector_load %arg5[%get3A_2103] {strides = array<i32>} : memref<2048xi32, #tpu.memory_space<vmem>>, vector<16xi32>,
    %lt3A_2105 = arith.constant 1024 : i32
    %lt3A_2106 = vector.broadcast %lt3A_2105 : i32 to vector<16xi32>
    %lt3A_2107 = arith.cmpi slt, %get3A_2104, %lt3A_2106 : vector<16xi32>
    %jit3A_2108 = arith.constant 0 : i32
    %broadcast_in_dim3A_2109 = vector.broadcast %jit3A_2108 : i32 to vector<16xi32>
    %select_n3A_2110 = arith.select %lt3A_2107, %get3A_2104, %broadcast_in_dim3A_2109 : vector<16xi1>, vector<16xi32>
    %add3A_2111 = arith.constant 1024 : i32
    %add3A_2112 = arith.addi %mul3A_2, %add3A_2111 : i32
    %add3A_2113 = arith.constant 1968 : i32
    %add3A_2114 = arith.addi %add3A_2112, %add3A_2113 : i32
    %add3A_2115 = vector.broadcast %add3A_2114 : i32 to vector<16xi32>
    %add3A_2116 = arith.addi %add3A_2115, %iota3A : vector<16xi32>
    tpu.vector_store_idx %arg6[%select_n3A_2110], %add3A_2116 masked %lt3A_2107 : memref<1024xi32, #tpu.memory_space<vmem>>[vector<16xi32>], vector<16xi32>, vector<16xi1>
    %get3A_2117 = arith.constant 1984 : index
    %get3A_2118 = tpu.vector_load %arg5[%get3A_2117] {strides = array<i32>} : memref<2048xi32, #tpu.memory_space<vmem>>, vector<16xi32>,
    %lt3A_2119 = arith.constant 1024 : i32
    %lt3A_2120 = vector.broadcast %lt3A_2119 : i32 to vector<16xi32>
    %lt3A_2121 = arith.cmpi slt, %get3A_2118, %lt3A_2120 : vector<16xi32>
    %jit3A_2122 = arith.constant 0 : i32
    %broadcast_in_dim3A_2123 = vector.broadcast %jit3A_2122 : i32 to vector<16xi32>
    %select_n3A_2124 = arith.select %lt3A_2121, %get3A_2118, %broadcast_in_dim3A_2123 : vector<16xi1>, vector<16xi32>
    %add3A_2125 = arith.constant 1024 : i32
    %add3A_2126 = arith.addi %mul3A_2, %add3A_2125 : i32
    %add3A_2127 = arith.constant 1984 : i32
    %add3A_2128 = arith.addi %add3A_2126, %add3A_2127 : i32
    %add3A_2129 = vector.broadcast %add3A_2128 : i32 to vector<16xi32>
    %add3A_2130 = arith.addi %add3A_2129, %iota3A : vector<16xi32>
    tpu.vector_store_idx %arg6[%select_n3A_2124], %add3A_2130 masked %lt3A_2121 : memref<1024xi32, #tpu.memory_space<vmem>>[vector<16xi32>], vector<16xi32>, vector<16xi1>
    %get3A_2131 = arith.constant 2000 : index
    %get3A_2132 = tpu.vector_load %arg5[%get3A_2131] {strides = array<i32>} : memref<2048xi32, #tpu.memory_space<vmem>>, vector<16xi32>,
    %lt3A_2133 = arith.constant 1024 : i32
    %lt3A_2134 = vector.broadcast %lt3A_2133 : i32 to vector<16xi32>
    %lt3A_2135 = arith.cmpi slt, %get3A_2132, %lt3A_2134 : vector<16xi32>
    %jit3A_2136 = arith.constant 0 : i32
    %broadcast_in_dim3A_2137 = vector.broadcast %jit3A_2136 : i32 to vector<16xi32>
    %select_n3A_2138 = arith.select %lt3A_2135, %get3A_2132, %broadcast_in_dim3A_2137 : vector<16xi1>, vector<16xi32>
    %add3A_2139 = arith.constant 1024 : i32
    %add3A_2140 = arith.addi %mul3A_2, %add3A_2139 : i32
    %add3A_2141 = arith.constant 2000 : i32
    %add3A_2142 = arith.addi %add3A_2140, %add3A_2141 : i32
    %add3A_2143 = vector.broadcast %add3A_2142 : i32 to vector<16xi32>
    %add3A_2144 = arith.addi %add3A_2143, %iota3A : vector<16xi32>
    tpu.vector_store_idx %arg6[%select_n3A_2138], %add3A_2144 masked %lt3A_2135 : memref<1024xi32, #tpu.memory_space<vmem>>[vector<16xi32>], vector<16xi32>, vector<16xi1>
    %get3A_2145 = arith.constant 2016 : index
    %get3A_2146 = tpu.vector_load %arg5[%get3A_2145] {strides = array<i32>} : memref<2048xi32, #tpu.memory_space<vmem>>, vector<16xi32>,
    %lt3A_2147 = arith.constant 1024 : i32
    %lt3A_2148 = vector.broadcast %lt3A_2147 : i32 to vector<16xi32>
    %lt3A_2149 = arith.cmpi slt, %get3A_2146, %lt3A_2148 : vector<16xi32>
    %jit3A_2150 = arith.constant 0 : i32
    %broadcast_in_dim3A_2151 = vector.broadcast %jit3A_2150 : i32 to vector<16xi32>
    %select_n3A_2152 = arith.select %lt3A_2149, %get3A_2146, %broadcast_in_dim3A_2151 : vector<16xi1>, vector<16xi32>
    %add3A_2153 = arith.constant 1024 : i32
    %add3A_2154 = arith.addi %mul3A_2, %add3A_2153 : i32
    %add3A_2155 = arith.constant 2016 : i32
    %add3A_2156 = arith.addi %add3A_2154, %add3A_2155 : i32
    %add3A_2157 = vector.broadcast %add3A_2156 : i32 to vector<16xi32>
    %add3A_2158 = arith.addi %add3A_2157, %iota3A : vector<16xi32>
    tpu.vector_store_idx %arg6[%select_n3A_2152], %add3A_2158 masked %lt3A_2149 : memref<1024xi32, #tpu.memory_space<vmem>>[vector<16xi32>], vector<16xi32>, vector<16xi1>
    %get3A_2159 = arith.constant 2032 : index
    %get3A_2160 = tpu.vector_load %arg5[%get3A_2159] {strides = array<i32>} : memref<2048xi32, #tpu.memory_space<vmem>>, vector<16xi32>,
    %lt3A_2161 = arith.constant 1024 : i32
    %lt3A_2162 = vector.broadcast %lt3A_2161 : i32 to vector<16xi32>
    %lt3A_2163 = arith.cmpi slt, %get3A_2160, %lt3A_2162 : vector<16xi32>
    %jit3A_2164 = arith.constant 0 : i32
    %broadcast_in_dim3A_2165 = vector.broadcast %jit3A_2164 : i32 to vector<16xi32>
    %select_n3A_2166 = arith.select %lt3A_2163, %get3A_2160, %broadcast_in_dim3A_2165 : vector<16xi1>, vector<16xi32>
    %add3A_2167 = arith.constant 1024 : i32
    %add3A_2168 = arith.addi %mul3A_2, %add3A_2167 : i32
    %add3A_2169 = arith.constant 2032 : i32
    %add3A_2170 = arith.addi %add3A_2168, %add3A_2169 : i32
    %add3A_2171 = vector.broadcast %add3A_2170 : i32 to vector<16xi32>
    %add3A_2172 = arith.addi %add3A_2171, %iota3A : vector<16xi32>
    tpu.vector_store_idx %arg6[%select_n3A_2166], %add3A_2172 masked %lt3A_2163 : memref<1024xi32, #tpu.memory_space<vmem>>[vector<16xi32>], vector<16xi32>, vector<16xi1>
    %dma_start3A = arith.constant 0 : i32
    %dma_start3A_2173 = tpu.memref_slice %arg6[%dma_start3A] : memref<1024xi32, #tpu.memory_space<vmem>> -> memref<128xi32, #tpu.memory_space<vmem>>
    %dma_start3A_2174 = arith.constant 0 : i32
    %dma_start3A_2175 = arith.constant 0 : i32
    %dma_start3A_2176 = tpu.memref_slice %arg2[%dma_start3A_2174, %dma_start3A_2175] : memref<98304x128xf32, #tpu.memory_space<hbm>> -> memref<98304x128xf32, #tpu.memory_space<hbm>>
    tpu.enqueue_indirect_dma source(%dma_start3A_2176 : memref<98304x128xf32, #tpu.memory_space<hbm>>) target(%arg7 : memref<128x128xf32, #tpu.memory_space<vmem>>) offsets(%dma_start3A_2173 : memref<128xi32, #tpu.memory_space<vmem>>) semaphore(%arg9 : memref<!tpu.dma_semaphore, #tpu.memory_space<semaphore_mem>>)
    %dma_start3A_2177 = arith.constant 128 : i32
    %dma_start3A_2178 = tpu.memref_slice %arg6[%dma_start3A_2177] : memref<1024xi32, #tpu.memory_space<vmem>> -> memref<128xi32, #tpu.memory_space<vmem>>
    %dma_start3A_2179 = arith.constant 0 : i32
    %dma_start3A_2180 = arith.constant 0 : i32
    %dma_start3A_2181 = tpu.memref_slice %arg2[%dma_start3A_2179, %dma_start3A_2180] : memref<98304x128xf32, #tpu.memory_space<hbm>> -> memref<98304x128xf32, #tpu.memory_space<hbm>>
    tpu.enqueue_indirect_dma source(%dma_start3A_2181 : memref<98304x128xf32, #tpu.memory_space<hbm>>) target(%arg8 : memref<128x128xf32, #tpu.memory_space<vmem>>) offsets(%dma_start3A_2178 : memref<128xi32, #tpu.memory_space<vmem>>) semaphore(%arg10 : memref<!tpu.dma_semaphore, #tpu.memory_space<semaphore_mem>>)
    %dma_wait3A = arith.constant 0 : i32
    %dma_wait3A_2182 = tpu.memref_slice %arg6[%dma_wait3A] : memref<1024xi32, #tpu.memory_space<vmem>> -> memref<128xi32, #tpu.memory_space<vmem>>
    %dma_wait3A_2183 = arith.constant 0 : i32
    %dma_wait3A_2184 = arith.constant 0 : i32
    %dma_wait3A_2185 = tpu.memref_slice %arg2[%dma_wait3A_2183, %dma_wait3A_2184] : memref<98304x128xf32, #tpu.memory_space<hbm>> -> memref<98304x128xf32, #tpu.memory_space<hbm>>
    tpu.wait_indirect_dma semaphore(%arg9 : memref<!tpu.dma_semaphore, #tpu.memory_space<semaphore_mem>>) src(%dma_wait3A_2185 : memref<98304x128xf32, #tpu.memory_space<hbm>>) dst(%arg7 : memref<128x128xf32, #tpu.memory_space<vmem>>)
    %mul3A_2186 = arith.constant 1024 : i32
    %mul3A_2187 = arith.muli %add3A, %mul3A_2186 : i32
    %add3A_2188 = arith.constant 0 : i32
    %add3A_2189 = arith.addi %mul3A_2187, %add3A_2188 : i32
    "tpu.region"() ({
      %run_scoped3A = tpu.sem_alloc : memref<!tpu.dma_semaphore, #tpu.memory_space<semaphore_mem>>
      %dma_start3A_2283 = arith.constant 0 : i32
      %dma_start3A_2284 = tpu.memref_slice %arg4[%add3A_2189, %dma_start3A_2283] : memref<32768x128xf32, #tpu.memory_space<hbm>> -> memref<128x128xf32, #tpu.memory_space<hbm>>
      %dma_start3A_2285 = arith.constant 0 : i32
      %dma_start3A_2286 = tpu.memref_slice %arg4[%add3A_2189, %dma_start3A_2285] : memref<32768x128xf32, #tpu.memory_space<hbm>> -> memref<128x128xf32, #tpu.memory_space<hbm>>
      tpu.enqueue_dma source(%arg7 : memref<128x128xf32, #tpu.memory_space<vmem>>) target(%dma_start3A_2286 : memref<128x128xf32, #tpu.memory_space<hbm>>) target_semaphore(%run_scoped3A : memref<!tpu.dma_semaphore, #tpu.memory_space<semaphore_mem>>)
      %dma_wait3A_2287 = arith.constant 0 : i32
      %dma_wait3A_2288 = tpu.memref_slice %arg4[%add3A_2189, %dma_wait3A_2287] : memref<32768x128xf32, #tpu.memory_space<hbm>> -> memref<128x128xf32, #tpu.memory_space<hbm>>
      %dma_wait3A_2289 = arith.constant 0 : i32
      %dma_wait3A_2290 = tpu.memref_slice %arg4[%add3A_2189, %dma_wait3A_2289] : memref<32768x128xf32, #tpu.memory_space<hbm>> -> memref<128x128xf32, #tpu.memory_space<hbm>>
      tpu.wait_dma2 semaphore(%run_scoped3A : memref<!tpu.dma_semaphore, #tpu.memory_space<semaphore_mem>>) src(%arg7 : memref<128x128xf32, #tpu.memory_space<vmem>>) dst(%dma_wait3A_2290 : memref<128x128xf32, #tpu.memory_space<hbm>>)
      tpu.yield
    }) : () -> ()
    %dma_start3A_2190 = arith.constant 256 : i32
    %dma_start3A_2191 = tpu.memref_slice %arg6[%dma_start3A_2190] : memref<1024xi32, #tpu.memory_space<vmem>> -> memref<128xi32, #tpu.memory_space<vmem>>
    %dma_start3A_2192 = arith.constant 0 : i32
    %dma_start3A_2193 = arith.constant 0 : i32
    %dma_start3A_2194 = tpu.memref_slice %arg2[%dma_start3A_2192, %dma_start3A_2193] : memref<98304x128xf32, #tpu.memory_space<hbm>> -> memref<98304x128xf32, #tpu.memory_space<hbm>>
    tpu.enqueue_indirect_dma source(%dma_start3A_2194 : memref<98304x128xf32, #tpu.memory_space<hbm>>) target(%arg7 : memref<128x128xf32, #tpu.memory_space<vmem>>) offsets(%dma_start3A_2191 : memref<128xi32, #tpu.memory_space<vmem>>) semaphore(%arg9 : memref<!tpu.dma_semaphore, #tpu.memory_space<semaphore_mem>>)
    %dma_wait3A_2195 = arith.constant 128 : i32
    %dma_wait3A_2196 = tpu.memref_slice %arg6[%dma_wait3A_2195] : memref<1024xi32, #tpu.memory_space<vmem>> -> memref<128xi32, #tpu.memory_space<vmem>>
    %dma_wait3A_2197 = arith.constant 0 : i32
    %dma_wait3A_2198 = arith.constant 0 : i32
    %dma_wait3A_2199 = tpu.memref_slice %arg2[%dma_wait3A_2197, %dma_wait3A_2198] : memref<98304x128xf32, #tpu.memory_space<hbm>> -> memref<98304x128xf32, #tpu.memory_space<hbm>>
    tpu.wait_indirect_dma semaphore(%arg10 : memref<!tpu.dma_semaphore, #tpu.memory_space<semaphore_mem>>) src(%dma_wait3A_2199 : memref<98304x128xf32, #tpu.memory_space<hbm>>) dst(%arg8 : memref<128x128xf32, #tpu.memory_space<vmem>>)
    %mul3A_2200 = arith.constant 1024 : i32
    %mul3A_2201 = arith.muli %add3A, %mul3A_2200 : i32
    %add3A_2202 = arith.constant 128 : i32
    %add3A_2203 = arith.addi %mul3A_2201, %add3A_2202 : i32
    "tpu.region"() ({
      %run_scoped3A = tpu.sem_alloc : memref<!tpu.dma_semaphore, #tpu.memory_space<semaphore_mem>>
      %dma_start3A_2283 = arith.constant 0 : i32
      %dma_start3A_2284 = tpu.memref_slice %arg4[%add3A_2203, %dma_start3A_2283] : memref<32768x128xf32, #tpu.memory_space<hbm>> -> memref<128x128xf32, #tpu.memory_space<hbm>>
      %dma_start3A_2285 = arith.constant 0 : i32
      %dma_start3A_2286 = tpu.memref_slice %arg4[%add3A_2203, %dma_start3A_2285] : memref<32768x128xf32, #tpu.memory_space<hbm>> -> memref<128x128xf32, #tpu.memory_space<hbm>>
      tpu.enqueue_dma source(%arg8 : memref<128x128xf32, #tpu.memory_space<vmem>>) target(%dma_start3A_2286 : memref<128x128xf32, #tpu.memory_space<hbm>>) target_semaphore(%run_scoped3A : memref<!tpu.dma_semaphore, #tpu.memory_space<semaphore_mem>>)
      %dma_wait3A_2287 = arith.constant 0 : i32
      %dma_wait3A_2288 = tpu.memref_slice %arg4[%add3A_2203, %dma_wait3A_2287] : memref<32768x128xf32, #tpu.memory_space<hbm>> -> memref<128x128xf32, #tpu.memory_space<hbm>>
      %dma_wait3A_2289 = arith.constant 0 : i32
      %dma_wait3A_2290 = tpu.memref_slice %arg4[%add3A_2203, %dma_wait3A_2289] : memref<32768x128xf32, #tpu.memory_space<hbm>> -> memref<128x128xf32, #tpu.memory_space<hbm>>
      tpu.wait_dma2 semaphore(%run_scoped3A : memref<!tpu.dma_semaphore, #tpu.memory_space<semaphore_mem>>) src(%arg8 : memref<128x128xf32, #tpu.memory_space<vmem>>) dst(%dma_wait3A_2290 : memref<128x128xf32, #tpu.memory_space<hbm>>)
      tpu.yield
    }) : () -> ()
    %dma_start3A_2204 = arith.constant 384 : i32
    %dma_start3A_2205 = tpu.memref_slice %arg6[%dma_start3A_2204] : memref<1024xi32, #tpu.memory_space<vmem>> -> memref<128xi32, #tpu.memory_space<vmem>>
    %dma_start3A_2206 = arith.constant 0 : i32
    %dma_start3A_2207 = arith.constant 0 : i32
    %dma_start3A_2208 = tpu.memref_slice %arg2[%dma_start3A_2206, %dma_start3A_2207] : memref<98304x128xf32, #tpu.memory_space<hbm>> -> memref<98304x128xf32, #tpu.memory_space<hbm>>
    tpu.enqueue_indirect_dma source(%dma_start3A_2208 : memref<98304x128xf32, #tpu.memory_space<hbm>>) target(%arg8 : memref<128x128xf32, #tpu.memory_space<vmem>>) offsets(%dma_start3A_2205 : memref<128xi32, #tpu.memory_space<vmem>>) semaphore(%arg10 : memref<!tpu.dma_semaphore, #tpu.memory_space<semaphore_mem>>)
    %dma_wait3A_2209 = arith.constant 256 : i32
    %dma_wait3A_2210 = tpu.memref_slice %arg6[%dma_wait3A_2209] : memref<1024xi32, #tpu.memory_space<vmem>> -> memref<128xi32, #tpu.memory_space<vmem>>
    %dma_wait3A_2211 = arith.constant 0 : i32
    %dma_wait3A_2212 = arith.constant 0 : i32
    %dma_wait3A_2213 = tpu.memref_slice %arg2[%dma_wait3A_2211, %dma_wait3A_2212] : memref<98304x128xf32, #tpu.memory_space<hbm>> -> memref<98304x128xf32, #tpu.memory_space<hbm>>
    tpu.wait_indirect_dma semaphore(%arg9 : memref<!tpu.dma_semaphore, #tpu.memory_space<semaphore_mem>>) src(%dma_wait3A_2213 : memref<98304x128xf32, #tpu.memory_space<hbm>>) dst(%arg7 : memref<128x128xf32, #tpu.memory_space<vmem>>)
    %mul3A_2214 = arith.constant 1024 : i32
    %mul3A_2215 = arith.muli %add3A, %mul3A_2214 : i32
    %add3A_2216 = arith.constant 256 : i32
    %add3A_2217 = arith.addi %mul3A_2215, %add3A_2216 : i32
    "tpu.region"() ({
      %run_scoped3A = tpu.sem_alloc : memref<!tpu.dma_semaphore, #tpu.memory_space<semaphore_mem>>
      %dma_start3A_2283 = arith.constant 0 : i32
      %dma_start3A_2284 = tpu.memref_slice %arg4[%add3A_2217, %dma_start3A_2283] : memref<32768x128xf32, #tpu.memory_space<hbm>> -> memref<128x128xf32, #tpu.memory_space<hbm>>
      %dma_start3A_2285 = arith.constant 0 : i32
      %dma_start3A_2286 = tpu.memref_slice %arg4[%add3A_2217, %dma_start3A_2285] : memref<32768x128xf32, #tpu.memory_space<hbm>> -> memref<128x128xf32, #tpu.memory_space<hbm>>
      tpu.enqueue_dma source(%arg7 : memref<128x128xf32, #tpu.memory_space<vmem>>) target(%dma_start3A_2286 : memref<128x128xf32, #tpu.memory_space<hbm>>) target_semaphore(%run_scoped3A : memref<!tpu.dma_semaphore, #tpu.memory_space<semaphore_mem>>)
      %dma_wait3A_2287 = arith.constant 0 : i32
      %dma_wait3A_2288 = tpu.memref_slice %arg4[%add3A_2217, %dma_wait3A_2287] : memref<32768x128xf32, #tpu.memory_space<hbm>> -> memref<128x128xf32, #tpu.memory_space<hbm>>
      %dma_wait3A_2289 = arith.constant 0 : i32
      %dma_wait3A_2290 = tpu.memref_slice %arg4[%add3A_2217, %dma_wait3A_2289] : memref<32768x128xf32, #tpu.memory_space<hbm>> -> memref<128x128xf32, #tpu.memory_space<hbm>>
      tpu.wait_dma2 semaphore(%run_scoped3A : memref<!tpu.dma_semaphore, #tpu.memory_space<semaphore_mem>>) src(%arg7 : memref<128x128xf32, #tpu.memory_space<vmem>>) dst(%dma_wait3A_2290 : memref<128x128xf32, #tpu.memory_space<hbm>>)
      tpu.yield
    }) : () -> ()
    %dma_start3A_2218 = arith.constant 512 : i32
    %dma_start3A_2219 = tpu.memref_slice %arg6[%dma_start3A_2218] : memref<1024xi32, #tpu.memory_space<vmem>> -> memref<128xi32, #tpu.memory_space<vmem>>
    %dma_start3A_2220 = arith.constant 0 : i32
    %dma_start3A_2221 = arith.constant 0 : i32
    %dma_start3A_2222 = tpu.memref_slice %arg2[%dma_start3A_2220, %dma_start3A_2221] : memref<98304x128xf32, #tpu.memory_space<hbm>> -> memref<98304x128xf32, #tpu.memory_space<hbm>>
    tpu.enqueue_indirect_dma source(%dma_start3A_2222 : memref<98304x128xf32, #tpu.memory_space<hbm>>) target(%arg7 : memref<128x128xf32, #tpu.memory_space<vmem>>) offsets(%dma_start3A_2219 : memref<128xi32, #tpu.memory_space<vmem>>) semaphore(%arg9 : memref<!tpu.dma_semaphore, #tpu.memory_space<semaphore_mem>>)
    %dma_wait3A_2223 = arith.constant 384 : i32
    %dma_wait3A_2224 = tpu.memref_slice %arg6[%dma_wait3A_2223] : memref<1024xi32, #tpu.memory_space<vmem>> -> memref<128xi32, #tpu.memory_space<vmem>>
    %dma_wait3A_2225 = arith.constant 0 : i32
    %dma_wait3A_2226 = arith.constant 0 : i32
    %dma_wait3A_2227 = tpu.memref_slice %arg2[%dma_wait3A_2225, %dma_wait3A_2226] : memref<98304x128xf32, #tpu.memory_space<hbm>> -> memref<98304x128xf32, #tpu.memory_space<hbm>>
    tpu.wait_indirect_dma semaphore(%arg10 : memref<!tpu.dma_semaphore, #tpu.memory_space<semaphore_mem>>) src(%dma_wait3A_2227 : memref<98304x128xf32, #tpu.memory_space<hbm>>) dst(%arg8 : memref<128x128xf32, #tpu.memory_space<vmem>>)
    %mul3A_2228 = arith.constant 1024 : i32
    %mul3A_2229 = arith.muli %add3A, %mul3A_2228 : i32
    %add3A_2230 = arith.constant 384 : i32
    %add3A_2231 = arith.addi %mul3A_2229, %add3A_2230 : i32
    "tpu.region"() ({
      %run_scoped3A = tpu.sem_alloc : memref<!tpu.dma_semaphore, #tpu.memory_space<semaphore_mem>>
      %dma_start3A_2283 = arith.constant 0 : i32
      %dma_start3A_2284 = tpu.memref_slice %arg4[%add3A_2231, %dma_start3A_2283] : memref<32768x128xf32, #tpu.memory_space<hbm>> -> memref<128x128xf32, #tpu.memory_space<hbm>>
      %dma_start3A_2285 = arith.constant 0 : i32
      %dma_start3A_2286 = tpu.memref_slice %arg4[%add3A_2231, %dma_start3A_2285] : memref<32768x128xf32, #tpu.memory_space<hbm>> -> memref<128x128xf32, #tpu.memory_space<hbm>>
      tpu.enqueue_dma source(%arg8 : memref<128x128xf32, #tpu.memory_space<vmem>>) target(%dma_start3A_2286 : memref<128x128xf32, #tpu.memory_space<hbm>>) target_semaphore(%run_scoped3A : memref<!tpu.dma_semaphore, #tpu.memory_space<semaphore_mem>>)
      %dma_wait3A_2287 = arith.constant 0 : i32
      %dma_wait3A_2288 = tpu.memref_slice %arg4[%add3A_2231, %dma_wait3A_2287] : memref<32768x128xf32, #tpu.memory_space<hbm>> -> memref<128x128xf32, #tpu.memory_space<hbm>>
      %dma_wait3A_2289 = arith.constant 0 : i32
      %dma_wait3A_2290 = tpu.memref_slice %arg4[%add3A_2231, %dma_wait3A_2289] : memref<32768x128xf32, #tpu.memory_space<hbm>> -> memref<128x128xf32, #tpu.memory_space<hbm>>
      tpu.wait_dma2 semaphore(%run_scoped3A : memref<!tpu.dma_semaphore, #tpu.memory_space<semaphore_mem>>) src(%arg8 : memref<128x128xf32, #tpu.memory_space<vmem>>) dst(%dma_wait3A_2290 : memref<128x128xf32, #tpu.memory_space<hbm>>)
      tpu.yield
    }) : () -> ()
    %dma_start3A_2232 = arith.constant 640 : i32
    %dma_start3A_2233 = tpu.memref_slice %arg6[%dma_start3A_2232] : memref<1024xi32, #tpu.memory_space<vmem>> -> memref<128xi32, #tpu.memory_space<vmem>>
    %dma_start3A_2234 = arith.constant 0 : i32
    %dma_start3A_2235 = arith.constant 0 : i32
    %dma_start3A_2236 = tpu.memref_slice %arg2[%dma_start3A_2234, %dma_start3A_2235] : memref<98304x128xf32, #tpu.memory_space<hbm>> -> memref<98304x128xf32, #tpu.memory_space<hbm>>
    tpu.enqueue_indirect_dma source(%dma_start3A_2236 : memref<98304x128xf32, #tpu.memory_space<hbm>>) target(%arg8 : memref<128x128xf32, #tpu.memory_space<vmem>>) offsets(%dma_start3A_2233 : memref<128xi32, #tpu.memory_space<vmem>>) semaphore(%arg10 : memref<!tpu.dma_semaphore, #tpu.memory_space<semaphore_mem>>)
    %dma_wait3A_2237 = arith.constant 512 : i32
    %dma_wait3A_2238 = tpu.memref_slice %arg6[%dma_wait3A_2237] : memref<1024xi32, #tpu.memory_space<vmem>> -> memref<128xi32, #tpu.memory_space<vmem>>
    %dma_wait3A_2239 = arith.constant 0 : i32
    %dma_wait3A_2240 = arith.constant 0 : i32
    %dma_wait3A_2241 = tpu.memref_slice %arg2[%dma_wait3A_2239, %dma_wait3A_2240] : memref<98304x128xf32, #tpu.memory_space<hbm>> -> memref<98304x128xf32, #tpu.memory_space<hbm>>
    tpu.wait_indirect_dma semaphore(%arg9 : memref<!tpu.dma_semaphore, #tpu.memory_space<semaphore_mem>>) src(%dma_wait3A_2241 : memref<98304x128xf32, #tpu.memory_space<hbm>>) dst(%arg7 : memref<128x128xf32, #tpu.memory_space<vmem>>)
    %mul3A_2242 = arith.constant 1024 : i32
    %mul3A_2243 = arith.muli %add3A, %mul3A_2242 : i32
    %add3A_2244 = arith.constant 512 : i32
    %add3A_2245 = arith.addi %mul3A_2243, %add3A_2244 : i32
    "tpu.region"() ({
      %run_scoped3A = tpu.sem_alloc : memref<!tpu.dma_semaphore, #tpu.memory_space<semaphore_mem>>
      %dma_start3A_2283 = arith.constant 0 : i32
      %dma_start3A_2284 = tpu.memref_slice %arg4[%add3A_2245, %dma_start3A_2283] : memref<32768x128xf32, #tpu.memory_space<hbm>> -> memref<128x128xf32, #tpu.memory_space<hbm>>
      %dma_start3A_2285 = arith.constant 0 : i32
      %dma_start3A_2286 = tpu.memref_slice %arg4[%add3A_2245, %dma_start3A_2285] : memref<32768x128xf32, #tpu.memory_space<hbm>> -> memref<128x128xf32, #tpu.memory_space<hbm>>
      tpu.enqueue_dma source(%arg7 : memref<128x128xf32, #tpu.memory_space<vmem>>) target(%dma_start3A_2286 : memref<128x128xf32, #tpu.memory_space<hbm>>) target_semaphore(%run_scoped3A : memref<!tpu.dma_semaphore, #tpu.memory_space<semaphore_mem>>)
      %dma_wait3A_2287 = arith.constant 0 : i32
      %dma_wait3A_2288 = tpu.memref_slice %arg4[%add3A_2245, %dma_wait3A_2287] : memref<32768x128xf32, #tpu.memory_space<hbm>> -> memref<128x128xf32, #tpu.memory_space<hbm>>
      %dma_wait3A_2289 = arith.constant 0 : i32
      %dma_wait3A_2290 = tpu.memref_slice %arg4[%add3A_2245, %dma_wait3A_2289] : memref<32768x128xf32, #tpu.memory_space<hbm>> -> memref<128x128xf32, #tpu.memory_space<hbm>>
      tpu.wait_dma2 semaphore(%run_scoped3A : memref<!tpu.dma_semaphore, #tpu.memory_space<semaphore_mem>>) src(%arg7 : memref<128x128xf32, #tpu.memory_space<vmem>>) dst(%dma_wait3A_2290 : memref<128x128xf32, #tpu.memory_space<hbm>>)
      tpu.yield
    }) : () -> ()
    %dma_start3A_2246 = arith.constant 768 : i32
    %dma_start3A_2247 = tpu.memref_slice %arg6[%dma_start3A_2246] : memref<1024xi32, #tpu.memory_space<vmem>> -> memref<128xi32, #tpu.memory_space<vmem>>
    %dma_start3A_2248 = arith.constant 0 : i32
    %dma_start3A_2249 = arith.constant 0 : i32
    %dma_start3A_2250 = tpu.memref_slice %arg2[%dma_start3A_2248, %dma_start3A_2249] : memref<98304x128xf32, #tpu.memory_space<hbm>> -> memref<98304x128xf32, #tpu.memory_space<hbm>>
    tpu.enqueue_indirect_dma source(%dma_start3A_2250 : memref<98304x128xf32, #tpu.memory_space<hbm>>) target(%arg7 : memref<128x128xf32, #tpu.memory_space<vmem>>) offsets(%dma_start3A_2247 : memref<128xi32, #tpu.memory_space<vmem>>) semaphore(%arg9 : memref<!tpu.dma_semaphore, #tpu.memory_space<semaphore_mem>>)
    %dma_wait3A_2251 = arith.constant 640 : i32
    %dma_wait3A_2252 = tpu.memref_slice %arg6[%dma_wait3A_2251] : memref<1024xi32, #tpu.memory_space<vmem>> -> memref<128xi32, #tpu.memory_space<vmem>>
    %dma_wait3A_2253 = arith.constant 0 : i32
    %dma_wait3A_2254 = arith.constant 0 : i32
    %dma_wait3A_2255 = tpu.memref_slice %arg2[%dma_wait3A_2253, %dma_wait3A_2254] : memref<98304x128xf32, #tpu.memory_space<hbm>> -> memref<98304x128xf32, #tpu.memory_space<hbm>>
    tpu.wait_indirect_dma semaphore(%arg10 : memref<!tpu.dma_semaphore, #tpu.memory_space<semaphore_mem>>) src(%dma_wait3A_2255 : memref<98304x128xf32, #tpu.memory_space<hbm>>) dst(%arg8 : memref<128x128xf32, #tpu.memory_space<vmem>>)
    %mul3A_2256 = arith.constant 1024 : i32
    %mul3A_2257 = arith.muli %add3A, %mul3A_2256 : i32
    %add3A_2258 = arith.constant 640 : i32
    %add3A_2259 = arith.addi %mul3A_2257, %add3A_2258 : i32
    "tpu.region"() ({
      %run_scoped3A = tpu.sem_alloc : memref<!tpu.dma_semaphore, #tpu.memory_space<semaphore_mem>>
      %dma_start3A_2283 = arith.constant 0 : i32
      %dma_start3A_2284 = tpu.memref_slice %arg4[%add3A_2259, %dma_start3A_2283] : memref<32768x128xf32, #tpu.memory_space<hbm>> -> memref<128x128xf32, #tpu.memory_space<hbm>>
      %dma_start3A_2285 = arith.constant 0 : i32
      %dma_start3A_2286 = tpu.memref_slice %arg4[%add3A_2259, %dma_start3A_2285] : memref<32768x128xf32, #tpu.memory_space<hbm>> -> memref<128x128xf32, #tpu.memory_space<hbm>>
      tpu.enqueue_dma source(%arg8 : memref<128x128xf32, #tpu.memory_space<vmem>>) target(%dma_start3A_2286 : memref<128x128xf32, #tpu.memory_space<hbm>>) target_semaphore(%run_scoped3A : memref<!tpu.dma_semaphore, #tpu.memory_space<semaphore_mem>>)
      %dma_wait3A_2287 = arith.constant 0 : i32
      %dma_wait3A_2288 = tpu.memref_slice %arg4[%add3A_2259, %dma_wait3A_2287] : memref<32768x128xf32, #tpu.memory_space<hbm>> -> memref<128x128xf32, #tpu.memory_space<hbm>>
      %dma_wait3A_2289 = arith.constant 0 : i32
      %dma_wait3A_2290 = tpu.memref_slice %arg4[%add3A_2259, %dma_wait3A_2289] : memref<32768x128xf32, #tpu.memory_space<hbm>> -> memref<128x128xf32, #tpu.memory_space<hbm>>
      tpu.wait_dma2 semaphore(%run_scoped3A : memref<!tpu.dma_semaphore, #tpu.memory_space<semaphore_mem>>) src(%arg8 : memref<128x128xf32, #tpu.memory_space<vmem>>) dst(%dma_wait3A_2290 : memref<128x128xf32, #tpu.memory_space<hbm>>)
      tpu.yield
    }) : () -> ()
    %dma_start3A_2260 = arith.constant 896 : i32
    %dma_start3A_2261 = tpu.memref_slice %arg6[%dma_start3A_2260] : memref<1024xi32, #tpu.memory_space<vmem>> -> memref<128xi32, #tpu.memory_space<vmem>>
    %dma_start3A_2262 = arith.constant 0 : i32
    %dma_start3A_2263 = arith.constant 0 : i32
    %dma_start3A_2264 = tpu.memref_slice %arg2[%dma_start3A_2262, %dma_start3A_2263] : memref<98304x128xf32, #tpu.memory_space<hbm>> -> memref<98304x128xf32, #tpu.memory_space<hbm>>
    tpu.enqueue_indirect_dma source(%dma_start3A_2264 : memref<98304x128xf32, #tpu.memory_space<hbm>>) target(%arg8 : memref<128x128xf32, #tpu.memory_space<vmem>>) offsets(%dma_start3A_2261 : memref<128xi32, #tpu.memory_space<vmem>>) semaphore(%arg10 : memref<!tpu.dma_semaphore, #tpu.memory_space<semaphore_mem>>)
    %dma_wait3A_2265 = arith.constant 768 : i32
    %dma_wait3A_2266 = tpu.memref_slice %arg6[%dma_wait3A_2265] : memref<1024xi32, #tpu.memory_space<vmem>> -> memref<128xi32, #tpu.memory_space<vmem>>
    %dma_wait3A_2267 = arith.constant 0 : i32
    %dma_wait3A_2268 = arith.constant 0 : i32
    %dma_wait3A_2269 = tpu.memref_slice %arg2[%dma_wait3A_2267, %dma_wait3A_2268] : memref<98304x128xf32, #tpu.memory_space<hbm>> -> memref<98304x128xf32, #tpu.memory_space<hbm>>
    tpu.wait_indirect_dma semaphore(%arg9 : memref<!tpu.dma_semaphore, #tpu.memory_space<semaphore_mem>>) src(%dma_wait3A_2269 : memref<98304x128xf32, #tpu.memory_space<hbm>>) dst(%arg7 : memref<128x128xf32, #tpu.memory_space<vmem>>)
    %mul3A_2270 = arith.constant 1024 : i32
    %mul3A_2271 = arith.muli %add3A, %mul3A_2270 : i32
    %add3A_2272 = arith.constant 768 : i32
    %add3A_2273 = arith.addi %mul3A_2271, %add3A_2272 : i32
    "tpu.region"() ({
      %run_scoped3A = tpu.sem_alloc : memref<!tpu.dma_semaphore, #tpu.memory_space<semaphore_mem>>
      %dma_start3A_2283 = arith.constant 0 : i32
      %dma_start3A_2284 = tpu.memref_slice %arg4[%add3A_2273, %dma_start3A_2283] : memref<32768x128xf32, #tpu.memory_space<hbm>> -> memref<128x128xf32, #tpu.memory_space<hbm>>
      %dma_start3A_2285 = arith.constant 0 : i32
      %dma_start3A_2286 = tpu.memref_slice %arg4[%add3A_2273, %dma_start3A_2285] : memref<32768x128xf32, #tpu.memory_space<hbm>> -> memref<128x128xf32, #tpu.memory_space<hbm>>
      tpu.enqueue_dma source(%arg7 : memref<128x128xf32, #tpu.memory_space<vmem>>) target(%dma_start3A_2286 : memref<128x128xf32, #tpu.memory_space<hbm>>) target_semaphore(%run_scoped3A : memref<!tpu.dma_semaphore, #tpu.memory_space<semaphore_mem>>)
      %dma_wait3A_2287 = arith.constant 0 : i32
      %dma_wait3A_2288 = tpu.memref_slice %arg4[%add3A_2273, %dma_wait3A_2287] : memref<32768x128xf32, #tpu.memory_space<hbm>> -> memref<128x128xf32, #tpu.memory_space<hbm>>
      %dma_wait3A_2289 = arith.constant 0 : i32
      %dma_wait3A_2290 = tpu.memref_slice %arg4[%add3A_2273, %dma_wait3A_2289] : memref<32768x128xf32, #tpu.memory_space<hbm>> -> memref<128x128xf32, #tpu.memory_space<hbm>>
      tpu.wait_dma2 semaphore(%run_scoped3A : memref<!tpu.dma_semaphore, #tpu.memory_space<semaphore_mem>>) src(%arg7 : memref<128x128xf32, #tpu.memory_space<vmem>>) dst(%dma_wait3A_2290 : memref<128x128xf32, #tpu.memory_space<hbm>>)
      tpu.yield
    }) : () -> ()
    %dma_wait3A_2274 = arith.constant 896 : i32
    %dma_wait3A_2275 = tpu.memref_slice %arg6[%dma_wait3A_2274] : memref<1024xi32, #tpu.memory_space<vmem>> -> memref<128xi32, #tpu.memory_space<vmem>>
    %dma_wait3A_2276 = arith.constant 0 : i32
    %dma_wait3A_2277 = arith.constant 0 : i32
    %dma_wait3A_2278 = tpu.memref_slice %arg2[%dma_wait3A_2276, %dma_wait3A_2277] : memref<98304x128xf32, #tpu.memory_space<hbm>> -> memref<98304x128xf32, #tpu.memory_space<hbm>>
    tpu.wait_indirect_dma semaphore(%arg10 : memref<!tpu.dma_semaphore, #tpu.memory_space<semaphore_mem>>) src(%dma_wait3A_2278 : memref<98304x128xf32, #tpu.memory_space<hbm>>) dst(%arg8 : memref<128x128xf32, #tpu.memory_space<vmem>>)
    %mul3A_2279 = arith.constant 1024 : i32
    %mul3A_2280 = arith.muli %add3A, %mul3A_2279 : i32
    %add3A_2281 = arith.constant 896 : i32
    %add3A_2282 = arith.addi %mul3A_2280, %add3A_2281 : i32
    "tpu.region"() ({
      %run_scoped3A = tpu.sem_alloc : memref<!tpu.dma_semaphore, #tpu.memory_space<semaphore_mem>>
      %dma_start3A_2283 = arith.constant 0 : i32
      %dma_start3A_2284 = tpu.memref_slice %arg4[%add3A_2282, %dma_start3A_2283] : memref<32768x128xf32, #tpu.memory_space<hbm>> -> memref<128x128xf32, #tpu.memory_space<hbm>>
      %dma_start3A_2285 = arith.constant 0 : i32
      %dma_start3A_2286 = tpu.memref_slice %arg4[%add3A_2282, %dma_start3A_2285] : memref<32768x128xf32, #tpu.memory_space<hbm>> -> memref<128x128xf32, #tpu.memory_space<hbm>>
      tpu.enqueue_dma source(%arg8 : memref<128x128xf32, #tpu.memory_space<vmem>>) target(%dma_start3A_2286 : memref<128x128xf32, #tpu.memory_space<hbm>>) target_semaphore(%run_scoped3A : memref<!tpu.dma_semaphore, #tpu.memory_space<semaphore_mem>>)
      %dma_wait3A_2287 = arith.constant 0 : i32
      %dma_wait3A_2288 = tpu.memref_slice %arg4[%add3A_2282, %dma_wait3A_2287] : memref<32768x128xf32, #tpu.memory_space<hbm>> -> memref<128x128xf32, #tpu.memory_space<hbm>>
      %dma_wait3A_2289 = arith.constant 0 : i32
      %dma_wait3A_2290 = tpu.memref_slice %arg4[%add3A_2282, %dma_wait3A_2289] : memref<32768x128xf32, #tpu.memory_space<hbm>> -> memref<128x128xf32, #tpu.memory_space<hbm>>
      tpu.wait_dma2 semaphore(%run_scoped3A : memref<!tpu.dma_semaphore, #tpu.memory_space<semaphore_mem>>) src(%arg8 : memref<128x128xf32, #tpu.memory_space<vmem>>) dst(%dma_wait3A_2290 : memref<128x128xf32, #tpu.memory_space<hbm>>)
      tpu.yield
    }) : () -> ()
    return
  }
}

module attributes {stable_mosaic.version = 14 : i64} {
  func.func @_stage2(%arg0: memref<32x2048xf32, #tpu.memory_space<vmem>>, %arg1: memref<2048x2048xf32, #tpu.memory_space<vmem>>, %arg2: memref<32x2048xi32, #tpu.memory_space<vmem>>) attributes {dimension_semantics = [], scalar_prefetch = 0 : i64, scratch_operands = 0 : i64, tpu.core_type = #tpu.core_type<tc>} {
    %get3A = arith.constant 0 : index
    %get3A_0 = arith.constant 0 : index
    %get3A_1 = vector.load %arg0[%get3A, %get3A_0] : memref<32x2048xf32, #tpu.memory_space<vmem>>, vector<32x2048xf32>
    %bitcast_convert_type3A = tpu.bitcast %get3A_1 : vector<32x2048xf32> -> vector<32x2048xi32>
    %broadcast_in_dim3A = arith.constant -1 : i32
    %broadcast_in_dim3A_2 = vector.broadcast %broadcast_in_dim3A : i32 to vector<32x1xi32>
    %broadcast_in_dim3A_3 = arith.constant 1065353216 : i32
    %broadcast_in_dim3A_4 = vector.broadcast %broadcast_in_dim3A_3 : i32 to vector<32x1xi32>
    %scan3A = arith.constant 0 : i32
    %scan3A_5 = arith.constant 32 : i32
    %scan3A_6 = arith.addi %scan3A, %scan3A_5 : i32
    %scan3A_7 = arith.constant 1 : i32
    %scan3A_8:2 = scf.for %scan3A_48 = %scan3A to %scan3A_6 step %scan3A_7 iter_args(%scan3A_49 = %broadcast_in_dim3A_2, %scan3A_50 = %broadcast_in_dim3A_4) -> (vector<32x1xi32>, vector<32x1xi32>)  : i32 {
      %add3A_51 = arith.addi %scan3A_49, %scan3A_50 : vector<32x1xi32>
      %jit3A_52 = arith.constant 2 : i32
      %div3A = vector.broadcast %jit3A_52 : i32 to vector<32x1xi32>
      %div3A_53 = arith.divsi %add3A_51, %div3A : vector<32x1xi32>
      %sign3A = arith.constant 0 : i32
      %sign3A_54 = vector.broadcast %sign3A : i32 to vector<32x1xi32>
      %sign3A_55 = arith.cmpi sgt, %add3A_51, %sign3A_54 : vector<32x1xi32>
      %sign3A_56 = arith.extui %sign3A_55 : vector<32x1xi1> to vector<32x1xi32>
      %sign3A_57 = arith.constant 0 : i32
      %sign3A_58 = vector.broadcast %sign3A_57 : i32 to vector<32x1xi32>
      %sign3A_59 = arith.cmpi slt, %add3A_51, %sign3A_58 : vector<32x1xi32>
      %sign3A_60 = arith.extui %sign3A_59 : vector<32x1xi1> to vector<32x1xi32>
      %sign3A_61 = arith.subi %sign3A_56, %sign3A_60 : vector<32x1xi32>
      %sign3A_62 = arith.constant 0 : i32
      %sign3A_63 = arith.cmpi sgt, %jit3A_52, %sign3A_62 : i32
      %sign3A_64 = arith.extui %sign3A_63 : i1 to i32
      %sign3A_65 = arith.constant 0 : i32
      %sign3A_66 = arith.cmpi slt, %jit3A_52, %sign3A_65 : i32
      %sign3A_67 = arith.extui %sign3A_66 : i1 to i32
      %sign3A_68 = arith.subi %sign3A_64, %sign3A_67 : i32
      %ne3A = vector.broadcast %sign3A_68 : i32 to vector<32x1xi32>
      %ne3A_69 = arith.cmpi ne, %sign3A_61, %ne3A : vector<32x1xi32>
      %rem3A = vector.broadcast %jit3A_52 : i32 to vector<32x1xi32>
      %rem3A_70 = arith.remsi %add3A_51, %rem3A : vector<32x1xi32>
      %ne3A_71 = arith.constant 0 : i32
      %ne3A_72 = vector.broadcast %ne3A_71 : i32 to vector<32x1xi32>
      %ne3A_73 = arith.cmpi ne, %rem3A_70, %ne3A_72 : vector<32x1xi32>
      %and3A_74 = arith.andi %ne3A_69, %ne3A_73 : vector<32x1xi1>
      %sub3A_75 = arith.constant 1 : i32
      %sub3A_76 = vector.broadcast %sub3A_75 : i32 to vector<32x1xi32>
      %sub3A_77 = arith.subi %div3A_53, %sub3A_76 : vector<32x1xi32>
      %select_n3A_78 = arith.select %and3A_74, %sub3A_77, %div3A_53 : vector<32x1xi1>, vector<32x1xi32>
      %gt3A_79 = vector.broadcast %select_n3A_78 : vector<32x1xi32> to vector<32x2048xi32>
      %gt3A_80 = arith.cmpi sgt, %bitcast_convert_type3A, %gt3A_79 : vector<32x2048xi32>
      %convert_element_type3A_81 = arith.extui %gt3A_80 : vector<32x2048xi1> to vector<32x2048xi32>
      %reduce_sum3A_82 = arith.constant dense<0> : vector<32xi32>
      %reduce_sum3A_83 = vector.multi_reduction <add>, %convert_element_type3A_81, %reduce_sum3A_82 [1] : vector<32x2048xi32> to vector<32xi32>
      %broadcast_in_dim3A_84 = vector.shape_cast %reduce_sum3A_83 : vector<32xi32> to vector<32x1xi32>
      %lt3A = arith.constant 1024 : i32
      %lt3A_85 = vector.broadcast %lt3A : i32 to vector<32x1xi32>
      %lt3A_86 = arith.cmpi slt, %broadcast_in_dim3A_84, %lt3A_85 : vector<32x1xi32>
      %select_n3A_87 = arith.select %lt3A_86, %scan3A_49, %select_n3A_78 : vector<32x1xi1>, vector<32x1xi32>
      %select_n3A_88 = arith.select %lt3A_86, %select_n3A_78, %scan3A_50 : vector<32x1xi1>, vector<32x1xi32>
      scf.yield %select_n3A_87, %select_n3A_88 : vector<32x1xi32>, vector<32x1xi32>
    }
    %max3A = arith.constant 1056964608 : i32
    %max3A_9 = vector.broadcast %max3A : i32 to vector<32x1xi32>
    %max3A_10 = arith.maxsi %scan3A_8#1, %max3A_9 : vector<32x1xi32>
    %gt3A = vector.broadcast %max3A_10 : vector<32x1xi32> to vector<32x2048xi32>
    %gt3A_11 = arith.cmpi sgt, %bitcast_convert_type3A, %gt3A : vector<32x2048xi32>
    %eq3A = vector.broadcast %max3A_10 : vector<32x1xi32> to vector<32x2048xi32>
    %eq3A_12 = arith.cmpi eq, %bitcast_convert_type3A, %eq3A : vector<32x2048xi32>
    %gt3A_13 = arith.constant 1056964608 : i32
    %gt3A_14 = vector.broadcast %gt3A_13 : i32 to vector<32x1xi32>
    %gt3A_15 = arith.cmpi sgt, %scan3A_8#1, %gt3A_14 : vector<32x1xi32>
    %and3A = vector.broadcast %gt3A_15 : vector<32x1xi1> to vector<32x2048xi1>
    %and3A_16 = arith.andi %eq3A_12, %and3A : vector<32x2048xi1>
    %convert_element_type3A = arith.extui %gt3A_11 : vector<32x2048xi1> to vector<32x2048xi32>
    %convert_element_type3A_17 = arith.sitofp %convert_element_type3A : vector<32x2048xi32> to vector<32x2048xf32>
    %convert_element_type3A_18 = arith.extui %and3A_16 : vector<32x2048xi1> to vector<32x2048xi32>
    %convert_element_type3A_19 = arith.sitofp %convert_element_type3A_18 : vector<32x2048xi32> to vector<32x2048xf32>
    %reduce_sum3A = arith.constant dense<0.000000e+00> : vector<32xf32>
    %reduce_sum3A_20 = vector.multi_reduction <add>, %convert_element_type3A_17, %reduce_sum3A [1] : vector<32x2048xf32> to vector<32xf32>
    %broadcast_in_dim3A_21 = vector.shape_cast %reduce_sum3A_20 : vector<32xf32> to vector<32x1xf32>
    %sub3A = arith.constant 1.024000e+03 : f32
    %sub3A_22 = vector.broadcast %sub3A : f32 to vector<32x1xf32>
    %sub3A_23 = arith.subf %sub3A_22, %broadcast_in_dim3A_21 : vector<32x1xf32>
    %get3A_24 = arith.constant 0 : index
    %get3A_25 = arith.constant 0 : index
    %get3A_26 = vector.load %arg1[%get3A_24, %get3A_25] : memref<2048x2048xf32, #tpu.memory_space<vmem>>, vector<2048x2048xf32>
    %dot_general3A = arith.constant dense<0.000000e+00> : vector<32x2048xf32>
    %dot_general3A_27 = tpu.matmul %convert_element_type3A_19, %get3A_26, %dot_general3A {dimension_numbers = #tpu.dot_dimension_numbers<[1], [0], [0], [1], [0, 0, 1, 1], [], []>, transpose_lhs_hint = false} : vector<32x2048xf32>, vector<2048x2048xf32>, vector<32x2048xf32> -> vector<32x2048xf32>
    %le3A = vector.broadcast %sub3A_23 : vector<32x1xf32> to vector<32x2048xf32>
    %le3A_28 = arith.cmpf ole, %dot_general3A_27, %le3A : vector<32x2048xf32>
    %and3A_29 = arith.andi %and3A_16, %le3A_28 : vector<32x2048xi1>
    %or3A = arith.ori %gt3A_11, %and3A_29 : vector<32x2048xi1>
    %convert_element_type3A_30 = arith.extui %or3A : vector<32x2048xi1> to vector<32x2048xi32>
    %convert_element_type3A_31 = arith.sitofp %convert_element_type3A_30 : vector<32x2048xi32> to vector<32x2048xf32>
    %dot_general3A_32 = arith.constant dense<0.000000e+00> : vector<32x2048xf32>
    %dot_general3A_33 = tpu.matmul %convert_element_type3A_31, %get3A_26, %dot_general3A_32 {dimension_numbers = #tpu.dot_dimension_numbers<[1], [0], [0], [1], [0, 0, 1, 1], [], []>, transpose_lhs_hint = false} : vector<32x2048xf32>, vector<2048x2048xf32>, vector<32x2048xf32> -> vector<32x2048xf32>
    %reduce_sum3A_34 = arith.constant dense<0.000000e+00> : vector<32xf32>
    %reduce_sum3A_35 = vector.multi_reduction <add>, %convert_element_type3A_31, %reduce_sum3A_34 [1] : vector<32x2048xf32> to vector<32xf32>
    %broadcast_in_dim3A_36 = vector.shape_cast %reduce_sum3A_35 : vector<32xf32> to vector<32x1xf32>
    %sub3A_37 = arith.constant 1.024000e+03 : f32
    %sub3A_38 = vector.broadcast %sub3A_37 : f32 to vector<32x1xf32>
    %sub3A_39 = arith.subf %sub3A_38, %broadcast_in_dim3A_36 : vector<32x1xf32>
    %add3A = vector.broadcast %sub3A_39 : vector<32x1xf32> to vector<32x2048xf32>
    %add3A_40 = arith.addf %add3A, %dot_general3A_33 : vector<32x2048xf32>
    %sub3A_41 = arith.constant 1.000000e+00 : f32
    %sub3A_42 = vector.broadcast %sub3A_41 : f32 to vector<32x2048xf32>
    %sub3A_43 = arith.subf %add3A_40, %sub3A_42 : vector<32x2048xf32>
    %convert_element_type3A_44 = arith.fptosi %sub3A_43 : vector<32x2048xf32> to vector<32x2048xi32>
    %jit3A = arith.constant 1048576 : i32
    %broadcast_in_dim3A_45 = vector.broadcast %jit3A : i32 to vector<32x2048xi32>
    %select_n3A = arith.select %or3A, %convert_element_type3A_44, %broadcast_in_dim3A_45 : vector<32x2048xi1>, vector<32x2048xi32>
    %swap3A = arith.constant 0 : index
    %swap3A_46 = arith.constant 0 : index
    %swap3A_47 = vector.load %arg2[%swap3A, %swap3A_46] : memref<32x2048xi32, #tpu.memory_space<vmem>>, vector<32x2048xi32>
    tpu.vector_store %arg2[%swap3A, %swap3A_46], %select_n3A {strides = array<i32>} : memref<32x2048xi32, #tpu.memory_space<vmem>>, vector<32x2048xi32>,
    return
  }
}

module attributes {stable_mosaic.version = 14 : i64} {
  func.func @_stage1(%arg0: i32, %arg1: memref<1x2048x128xf32, #tpu.memory_space<vmem>>, %arg2: memref<1x1024x128xf32, #tpu.memory_space<vmem>>, %arg3: memref<1x2048x1xf32, #tpu.memory_space<vmem>>, %arg4: memref<128x128xbf16, #tpu.memory_space<vmem>>, %arg5: memref<1x128xf32, #tpu.memory_space<vmem>>, %arg6: memref<128x128xbf16, #tpu.memory_space<vmem>>, %arg7: memref<1x128xf32, #tpu.memory_space<vmem>>, %arg8: memref<128x128xbf16, #tpu.memory_space<vmem>>, %arg9: memref<1x128xf32, #tpu.memory_space<vmem>>, %arg10: memref<128x128xbf16, #tpu.memory_space<vmem>>, %arg11: memref<1x128xf32, #tpu.memory_space<vmem>>, %arg12: memref<1x128xf32, #tpu.memory_space<vmem>>, %arg13: memref<1x128xf32, #tpu.memory_space<vmem>>, %arg14: memref<1x128xf32, #tpu.memory_space<vmem>>, %arg15: memref<1x128xf32, #tpu.memory_space<vmem>>, %arg16: memref<1x2048x128xf32, #tpu.memory_space<vmem>>, %arg17: memref<1x3072x128xf32, #tpu.memory_space<vmem>>) attributes {dimension_semantics = [#tpu.dimension_semantics<arbitrary>], iteration_bounds = array<i64: 32>, scalar_prefetch = 0 : i64, scratch_operands = 0 : i64, tpu.core_type = #tpu.core_type<tc>, window_params = [{transform_indices = @transform_0, window_bounds = array<i64: 1, 2048, 128>}, {transform_indices = @transform_1, window_bounds = array<i64: 1, 1024, 128>}, {transform_indices = @transform_2, window_bounds = array<i64: 1, 2048, 1>}, {pipeline_mode = #tpu.pipeline_mode<synchronous>, transform_indices = @transform_3, window_bounds = array<i64: 128, 128>}, {pipeline_mode = #tpu.pipeline_mode<synchronous>, transform_indices = @transform_4, window_bounds = array<i64: 1, 128>}, {pipeline_mode = #tpu.pipeline_mode<synchronous>, transform_indices = @transform_5, window_bounds = array<i64: 128, 128>}, {pipeline_mode = #tpu.pipeline_mode<synchronous>, transform_indices = @transform_6, window_bounds = array<i64: 1, 128>}, {pipeline_mode = #tpu.pipeline_mode<synchronous>, transform_indices = @transform_7, window_bounds = array<i64: 128, 128>}, {pipeline_mode = #tpu.pipeline_mode<synchronous>, transform_indices = @transform_8, window_bounds = array<i64: 1, 128>}, {pipeline_mode = #tpu.pipeline_mode<synchronous>, transform_indices = @transform_9, window_bounds = array<i64: 128, 128>}, {pipeline_mode = #tpu.pipeline_mode<synchronous>, transform_indices = @transform_10, window_bounds = array<i64: 1, 128>}, {pipeline_mode = #tpu.pipeline_mode<synchronous>, transform_indices = @transform_11, window_bounds = array<i64: 1, 128>}, {pipeline_mode = #tpu.pipeline_mode<synchronous>, transform_indices = @transform_12, window_bounds = array<i64: 1, 128>}, {pipeline_mode = #tpu.pipeline_mode<synchronous>, transform_indices = @transform_13, window_bounds = array<i64: 1, 128>}, {pipeline_mode = #tpu.pipeline_mode<synchronous>, transform_indices = @transform_14, window_bounds = array<i64: 1, 128>}, {transform_indices = @transform_15, window_bounds = array<i64: 1, 2048, 128>}, {transform_indices = @transform_16, window_bounds = array<i64: 1, 3072, 128>}]} {
    %get3A = arith.constant 0 : index
    %get3A_0 = arith.constant 0 : index
    %get3A_1 = arith.constant 0 : index
    %get3A_2 = vector.load %arg1[%get3A, %get3A_0, %get3A_1] : memref<1x2048x128xf32, #tpu.memory_space<vmem>>, vector<1x2048x128xf32>
    %get3A_3 = vector.shape_cast %get3A_2 : vector<1x2048x128xf32> to vector<2048x128xf32>
    %get3A_4 = arith.constant 0 : index
    %get3A_5 = arith.constant 0 : index
    %get3A_6 = arith.constant 0 : index
    %get3A_7 = vector.load %arg2[%get3A_4, %get3A_5, %get3A_6] : memref<1x1024x128xf32, #tpu.memory_space<vmem>>, vector<1x1024x128xf32>
    %get3A_8 = vector.shape_cast %get3A_7 : vector<1x1024x128xf32> to vector<1024x128xf32>
    %get3A_9 = arith.constant 0 : index
    %get3A_10 = arith.constant 0 : index
    %get3A_11 = arith.constant 0 : index
    %get3A_12 = vector.load %arg3[%get3A_9, %get3A_10, %get3A_11] : memref<1x2048x1xf32, #tpu.memory_space<vmem>>, vector<1x2048x1xf32>
    %get3A_13 = vector.shape_cast %get3A_12 : vector<1x2048x1xf32> to vector<2048x1xf32>
    %mul3A = arith.mulf %get3A_3, %get3A_3 : vector<2048x128xf32>
    %reduce_sum3A = arith.constant dense<0.000000e+00> : vector<2048xf32>
    %reduce_sum3A_14 = vector.multi_reduction <add>, %mul3A, %reduce_sum3A [1] : vector<2048x128xf32> to vector<2048xf32>
    %broadcast_in_dim3A = vector.shape_cast %reduce_sum3A_14 : vector<2048xf32> to vector<2048x1xf32>
    %sqrt3A = math.sqrt %broadcast_in_dim3A : vector<2048x1xf32>
    %gt3A = arith.constant 5.000000e-01 : f32
    %gt3A_15 = vector.broadcast %gt3A : f32 to vector<2048x1xf32>
    %gt3A_16 = arith.cmpf ogt, %get3A_13, %gt3A_15 : vector<2048x1xf32>
    %jit3A = arith.constant 0.000000e+00 : f32
    %broadcast_in_dim3A_17 = vector.broadcast %jit3A : f32 to vector<2048x1xf32>
    %select_n3A = arith.select %gt3A_16, %get3A_13, %broadcast_in_dim3A_17 : vector<2048x1xi1>, vector<2048x1xf32>
    %max3A = arith.constant 9.99999996E-13 : f32
    %max3A_18 = vector.broadcast %max3A : f32 to vector<2048x1xf32>
    %max3A_19 = arith.maximumf %sqrt3A, %max3A_18 : vector<2048x1xf32>
    %div3A = arith.divf %select_n3A, %max3A_19 : vector<2048x1xf32>
    %mul3A_20 = vector.broadcast %div3A : vector<2048x1xf32> to vector<2048x128xf32>
    %mul3A_21 = arith.mulf %get3A_3, %mul3A_20 : vector<2048x128xf32>
    %swap3A = arith.constant 0 : index
    %swap3A_22 = arith.constant 0 : index
    %swap3A_23 = arith.constant 0 : index
    %swap3A_24 = vector.load %arg17[%swap3A, %swap3A_22, %swap3A_23] : memref<1x3072x128xf32, #tpu.memory_space<vmem>>, vector<1x1024x128xf32>
    %swap3A_25 = vector.shape_cast %swap3A_24 : vector<1x1024x128xf32> to vector<1024x128xf32>
    %swap3A_26 = vector.shape_cast %get3A_8 : vector<1024x128xf32> to vector<1x1024x128xf32>
    tpu.vector_store %arg17[%swap3A, %swap3A_22, %swap3A_23], %swap3A_26 {strides = array<i32>} : memref<1x3072x128xf32, #tpu.memory_space<vmem>>, vector<1x1024x128xf32>,
    %swap3A_27 = arith.constant 0 : index
    %swap3A_28 = arith.constant 1024 : index
    %swap3A_29 = arith.constant 0 : index
    %swap3A_30 = vector.load %arg17[%swap3A_27, %swap3A_28, %swap3A_29] : memref<1x3072x128xf32, #tpu.memory_space<vmem>>, vector<1x2048x128xf32>
    %swap3A_31 = vector.shape_cast %swap3A_30 : vector<1x2048x128xf32> to vector<2048x128xf32>
    %swap3A_32 = vector.shape_cast %mul3A_21 : vector<2048x128xf32> to vector<1x2048x128xf32>
    tpu.vector_store %arg17[%swap3A_27, %swap3A_28, %swap3A_29], %swap3A_32 {strides = array<i32>} : memref<1x3072x128xf32, #tpu.memory_space<vmem>>, vector<1x2048x128xf32>,
    %reduce_sum3A_33 = arith.constant dense<0.000000e+00> : vector<2048xf32>
    %reduce_sum3A_34 = vector.multi_reduction <add>, %get3A_3, %reduce_sum3A_33 [1] : vector<2048x128xf32> to vector<2048xf32>
    %broadcast_in_dim3A_35 = vector.shape_cast %reduce_sum3A_34 : vector<2048xf32> to vector<2048x1xf32>
    %div3A_36 = arith.constant 1.280000e+02 : f32
    %div3A_37 = vector.broadcast %div3A_36 : f32 to vector<2048x1xf32>
    %div3A_38 = arith.divf %broadcast_in_dim3A_35, %div3A_37 : vector<2048x1xf32>
    %sub3A = vector.broadcast %div3A_38 : vector<2048x1xf32> to vector<2048x128xf32>
    %sub3A_39 = arith.subf %get3A_3, %sub3A : vector<2048x128xf32>
    %integer_pow3A = arith.mulf %sub3A_39, %sub3A_39 : vector<2048x128xf32>
    %reduce_sum3A_40 = arith.constant dense<0.000000e+00> : vector<2048xf32>
    %reduce_sum3A_41 = vector.multi_reduction <add>, %integer_pow3A, %reduce_sum3A_40 [1] : vector<2048x128xf32> to vector<2048xf32>
    %broadcast_in_dim3A_42 = vector.shape_cast %reduce_sum3A_41 : vector<2048xf32> to vector<2048x1xf32>
    %div3A_43 = arith.constant 1.280000e+02 : f32
    %div3A_44 = vector.broadcast %div3A_43 : f32 to vector<2048x1xf32>
    %div3A_45 = arith.divf %broadcast_in_dim3A_42, %div3A_44 : vector<2048x1xf32>
    %sub3A_46 = vector.broadcast %div3A_38 : vector<2048x1xf32> to vector<2048x128xf32>
    %sub3A_47 = arith.subf %get3A_3, %sub3A_46 : vector<2048x128xf32>
    %add3A = arith.constant 9.99999974E-6 : f32
    %add3A_48 = vector.broadcast %add3A : f32 to vector<2048x1xf32>
    %add3A_49 = arith.addf %div3A_45, %add3A_48 : vector<2048x1xf32>
    %sqrt3A_50 = math.sqrt %add3A_49 : vector<2048x1xf32>
    %div3A_51 = vector.broadcast %sqrt3A_50 : vector<2048x1xf32> to vector<2048x128xf32>
    %div3A_52 = arith.divf %sub3A_47, %div3A_51 : vector<2048x128xf32>
    %get3A_53 = arith.constant 0 : index
    %get3A_54 = arith.constant 0 : index
    %get3A_55 = vector.load %arg12[%get3A_53, %get3A_54] : memref<1x128xf32, #tpu.memory_space<vmem>>, vector<1x128xf32>
    %mul3A_56 = vector.broadcast %get3A_55 : vector<1x128xf32> to vector<2048x128xf32>
    %mul3A_57 = arith.mulf %div3A_52, %mul3A_56 : vector<2048x128xf32>
    %get3A_58 = arith.constant 0 : index
    %get3A_59 = arith.constant 0 : index
    %get3A_60 = vector.load %arg13[%get3A_58, %get3A_59] : memref<1x128xf32, #tpu.memory_space<vmem>>, vector<1x128xf32>
    %add3A_61 = vector.broadcast %get3A_60 : vector<1x128xf32> to vector<2048x128xf32>
    %add3A_62 = arith.addf %mul3A_57, %add3A_61 : vector<2048x128xf32>
    %convert_element_type3A = arith.truncf %get3A_8 : vector<1024x128xf32> to vector<1024x128xbf16>
    %convert_element_type3A_63 = arith.truncf %add3A_62 : vector<2048x128xf32> to vector<2048x128xbf16>
    %get3A_64 = arith.constant 0 : index
    %get3A_65 = arith.constant 0 : index
    %get3A_66 = vector.load %arg4[%get3A_64, %get3A_65] : memref<128x128xbf16, #tpu.memory_space<vmem>>, vector<128x128xbf16>
    %dot_general3A = arith.constant dense<0.000000e+00> : vector<2048x128xf32>
    %dot_general3A_67 = tpu.matmul %convert_element_type3A_63, %get3A_66, %dot_general3A {dimension_numbers = #tpu.dot_dimension_numbers<[1], [0], [0], [1], [0, 0, 1, 1], [], []>, transpose_lhs_hint = false} : vector<2048x128xbf16>, vector<128x128xbf16>, vector<2048x128xf32> -> vector<2048x128xf32>
    %get3A_68 = arith.constant 0 : index
    %get3A_69 = arith.constant 0 : index
    %get3A_70 = vector.load %arg5[%get3A_68, %get3A_69] : memref<1x128xf32, #tpu.memory_space<vmem>>, vector<1x128xf32>
    %add3A_71 = vector.broadcast %get3A_70 : vector<1x128xf32> to vector<2048x128xf32>
    %add3A_72 = arith.addf %dot_general3A_67, %add3A_71 : vector<2048x128xf32>
    %convert_element_type3A_73 = arith.truncf %add3A_72 : vector<2048x128xf32> to vector<2048x128xbf16>
    %get3A_74 = arith.constant 0 : index
    %get3A_75 = arith.constant 0 : index
    %get3A_76 = vector.load %arg6[%get3A_74, %get3A_75] : memref<128x128xbf16, #tpu.memory_space<vmem>>, vector<128x128xbf16>
    %dot_general3A_77 = arith.constant dense<0.000000e+00> : vector<1024x128xf32>
    %dot_general3A_78 = tpu.matmul %convert_element_type3A, %get3A_76, %dot_general3A_77 {dimension_numbers = #tpu.dot_dimension_numbers<[1], [0], [0], [1], [0, 0, 1, 1], [], []>, transpose_lhs_hint = false} : vector<1024x128xbf16>, vector<128x128xbf16>, vector<1024x128xf32> -> vector<1024x128xf32>
    %get3A_79 = arith.constant 0 : index
    %get3A_80 = arith.constant 0 : index
    %get3A_81 = vector.load %arg7[%get3A_79, %get3A_80] : memref<1x128xf32, #tpu.memory_space<vmem>>, vector<1x128xf32>
    %add3A_82 = vector.broadcast %get3A_81 : vector<1x128xf32> to vector<1024x128xf32>
    %add3A_83 = arith.addf %dot_general3A_78, %add3A_82 : vector<1024x128xf32>
    %convert_element_type3A_84 = arith.truncf %add3A_83 : vector<1024x128xf32> to vector<1024x128xbf16>
    %get3A_85 = arith.constant 0 : index
    %get3A_86 = arith.constant 0 : index
    %get3A_87 = vector.load %arg8[%get3A_85, %get3A_86] : memref<128x128xbf16, #tpu.memory_space<vmem>>, vector<128x128xbf16>
    %dot_general3A_88 = arith.constant dense<0.000000e+00> : vector<1024x128xf32>
    %dot_general3A_89 = tpu.matmul %convert_element_type3A, %get3A_87, %dot_general3A_88 {dimension_numbers = #tpu.dot_dimension_numbers<[1], [0], [0], [1], [0, 0, 1, 1], [], []>, transpose_lhs_hint = false} : vector<1024x128xbf16>, vector<128x128xbf16>, vector<1024x128xf32> -> vector<1024x128xf32>
    %get3A_90 = arith.constant 0 : index
    %get3A_91 = arith.constant 0 : index
    %get3A_92 = vector.load %arg9[%get3A_90, %get3A_91] : memref<1x128xf32, #tpu.memory_space<vmem>>, vector<1x128xf32>
    %add3A_93 = vector.broadcast %get3A_92 : vector<1x128xf32> to vector<1024x128xf32>
    %add3A_94 = arith.addf %dot_general3A_89, %add3A_93 : vector<1024x128xf32>
    %convert_element_type3A_95 = arith.truncf %add3A_94 : vector<1024x128xf32> to vector<1024x128xbf16>
    %broadcast_in_dim3A_96 = arith.constant 1.000000e+00 : bf16
    %broadcast_in_dim3A_97 = vector.broadcast %broadcast_in_dim3A_96 : bf16 to vector<1024x1xbf16>
    %broadcast_in_dim3A_98 = arith.constant 0.000000e+00 : bf16
    %broadcast_in_dim3A_99 = vector.broadcast %broadcast_in_dim3A_98 : bf16 to vector<1024x31xbf16>
    %transpose3A = tpu.transpose %convert_element_type3A_84, [1, 0] : vector<1024x128xbf16> -> vector<128x1024xbf16>
    %slice3A = vector.extract_strided_slice %convert_element_type3A_73 {offsets = [0, 0], sizes = [2048, 32], strides = [1, 1]} : vector<2048x128xbf16> to vector<2048x32xbf16>
    %slice3A_100 = vector.extract_strided_slice %convert_element_type3A_95 {offsets = [0, 0], sizes = [1024, 32], strides = [1, 1]} : vector<1024x128xbf16> to vector<1024x32xbf16>
    %slice3A_101 = vector.extract_strided_slice %transpose3A {offsets = [0, 0], sizes = [32, 1024], strides = [1, 1]} : vector<128x1024xbf16> to vector<32x1024xbf16>
    %dot_general3A_102 = arith.constant dense<0.000000e+00> : vector<2048x1024xf32>
    %dot_general3A_103 = tpu.matmul %slice3A, %slice3A_101, %dot_general3A_102 {dimension_numbers = #tpu.dot_dimension_numbers<[1], [0], [0], [1], [0, 0, 1, 1], [], []>, transpose_lhs_hint = false} : vector<2048x32xbf16>, vector<32x1024xbf16>, vector<2048x1024xf32> -> vector<2048x1024xf32>
    %convert_element_type3A_104 = arith.truncf %dot_general3A_103 : vector<2048x1024xf32> to vector<2048x1024xbf16>
    %exp3A = math.exp %convert_element_type3A_104 : vector<2048x1024xbf16>
    %concatenate3A = tpu.concatenate %slice3A_100, %broadcast_in_dim3A_97, %broadcast_in_dim3A_99 in 1 : vector<1024x32xbf16>, vector<1024x1xbf16>, vector<1024x31xbf16> -> vector<1024x64xbf16>
    %dot_general3A_105 = arith.constant dense<0.000000e+00> : vector<2048x64xf32>
    %dot_general3A_106 = tpu.matmul %exp3A, %concatenate3A, %dot_general3A_105 {dimension_numbers = #tpu.dot_dimension_numbers<[1], [0], [0], [1], [0, 0, 1, 1], [], []>, transpose_lhs_hint = false} : vector<2048x1024xbf16>, vector<1024x64xbf16>, vector<2048x64xf32> -> vector<2048x64xf32>
    %slice3A_107 = vector.extract_strided_slice %dot_general3A_106 {offsets = [0, 0], sizes = [2048, 32], strides = [1, 1]} : vector<2048x64xf32> to vector<2048x32xf32>
    %slice3A_108 = vector.extract_strided_slice %dot_general3A_106 {offsets = [0, 32], sizes = [2048, 1], strides = [1, 1]} : vector<2048x64xf32> to vector<2048x1xf32>
    %div3A_109 = arith.constant 1.000000e+00 : f32
    %div3A_110 = vector.broadcast %div3A_109 : f32 to vector<2048x1xf32>
    %div3A_111 = arith.divf %div3A_110, %slice3A_108 : vector<2048x1xf32>
    %mul3A_112 = vector.broadcast %div3A_111 : vector<2048x1xf32> to vector<2048x32xf32>
    %mul3A_113 = arith.mulf %slice3A_107, %mul3A_112 : vector<2048x32xf32>
    %slice3A_114 = vector.extract_strided_slice %convert_element_type3A_73 {offsets = [0, 32], sizes = [2048, 32], strides = [1, 1]} : vector<2048x128xbf16> to vector<2048x32xbf16>
    %slice3A_115 = vector.extract_strided_slice %convert_element_type3A_95 {offsets = [0, 32], sizes = [1024, 32], strides = [1, 1]} : vector<1024x128xbf16> to vector<1024x32xbf16>
    %slice3A_116 = vector.extract_strided_slice %transpose3A {offsets = [32, 0], sizes = [32, 1024], strides = [1, 1]} : vector<128x1024xbf16> to vector<32x1024xbf16>
    %dot_general3A_117 = arith.constant dense<0.000000e+00> : vector<2048x1024xf32>
    %dot_general3A_118 = tpu.matmul %slice3A_114, %slice3A_116, %dot_general3A_117 {dimension_numbers = #tpu.dot_dimension_numbers<[1], [0], [0], [1], [0, 0, 1, 1], [], []>, transpose_lhs_hint = false} : vector<2048x32xbf16>, vector<32x1024xbf16>, vector<2048x1024xf32> -> vector<2048x1024xf32>
    %convert_element_type3A_119 = arith.truncf %dot_general3A_118 : vector<2048x1024xf32> to vector<2048x1024xbf16>
    %exp3A_120 = math.exp %convert_element_type3A_119 : vector<2048x1024xbf16>
    %concatenate3A_121 = tpu.concatenate %slice3A_115, %broadcast_in_dim3A_97, %broadcast_in_dim3A_99 in 1 : vector<1024x32xbf16>, vector<1024x1xbf16>, vector<1024x31xbf16> -> vector<1024x64xbf16>
    %dot_general3A_122 = arith.constant dense<0.000000e+00> : vector<2048x64xf32>
    %dot_general3A_123 = tpu.matmul %exp3A_120, %concatenate3A_121, %dot_general3A_122 {dimension_numbers = #tpu.dot_dimension_numbers<[1], [0], [0], [1], [0, 0, 1, 1], [], []>, transpose_lhs_hint = false} : vector<2048x1024xbf16>, vector<1024x64xbf16>, vector<2048x64xf32> -> vector<2048x64xf32>
    %slice3A_124 = vector.extract_strided_slice %dot_general3A_123 {offsets = [0, 0], sizes = [2048, 32], strides = [1, 1]} : vector<2048x64xf32> to vector<2048x32xf32>
    %slice3A_125 = vector.extract_strided_slice %dot_general3A_123 {offsets = [0, 32], sizes = [2048, 1], strides = [1, 1]} : vector<2048x64xf32> to vector<2048x1xf32>
    %div3A_126 = arith.constant 1.000000e+00 : f32
    %div3A_127 = vector.broadcast %div3A_126 : f32 to vector<2048x1xf32>
    %div3A_128 = arith.divf %div3A_127, %slice3A_125 : vector<2048x1xf32>
    %mul3A_129 = vector.broadcast %div3A_128 : vector<2048x1xf32> to vector<2048x32xf32>
    %mul3A_130 = arith.mulf %slice3A_124, %mul3A_129 : vector<2048x32xf32>
    %slice3A_131 = vector.extract_strided_slice %convert_element_type3A_73 {offsets = [0, 64], sizes = [2048, 32], strides = [1, 1]} : vector<2048x128xbf16> to vector<2048x32xbf16>
    %slice3A_132 = vector.extract_strided_slice %convert_element_type3A_95 {offsets = [0, 64], sizes = [1024, 32], strides = [1, 1]} : vector<1024x128xbf16> to vector<1024x32xbf16>
    %slice3A_133 = vector.extract_strided_slice %transpose3A {offsets = [64, 0], sizes = [32, 1024], strides = [1, 1]} : vector<128x1024xbf16> to vector<32x1024xbf16>
    %dot_general3A_134 = arith.constant dense<0.000000e+00> : vector<2048x1024xf32>
    %dot_general3A_135 = tpu.matmul %slice3A_131, %slice3A_133, %dot_general3A_134 {dimension_numbers = #tpu.dot_dimension_numbers<[1], [0], [0], [1], [0, 0, 1, 1], [], []>, transpose_lhs_hint = false} : vector<2048x32xbf16>, vector<32x1024xbf16>, vector<2048x1024xf32> -> vector<2048x1024xf32>
    %convert_element_type3A_136 = arith.truncf %dot_general3A_135 : vector<2048x1024xf32> to vector<2048x1024xbf16>
    %exp3A_137 = math.exp %convert_element_type3A_136 : vector<2048x1024xbf16>
    %concatenate3A_138 = tpu.concatenate %slice3A_132, %broadcast_in_dim3A_97, %broadcast_in_dim3A_99 in 1 : vector<1024x32xbf16>, vector<1024x1xbf16>, vector<1024x31xbf16> -> vector<1024x64xbf16>
    %dot_general3A_139 = arith.constant dense<0.000000e+00> : vector<2048x64xf32>
    %dot_general3A_140 = tpu.matmul %exp3A_137, %concatenate3A_138, %dot_general3A_139 {dimension_numbers = #tpu.dot_dimension_numbers<[1], [0], [0], [1], [0, 0, 1, 1], [], []>, transpose_lhs_hint = false} : vector<2048x1024xbf16>, vector<1024x64xbf16>, vector<2048x64xf32> -> vector<2048x64xf32>
    %slice3A_141 = vector.extract_strided_slice %dot_general3A_140 {offsets = [0, 0], sizes = [2048, 32], strides = [1, 1]} : vector<2048x64xf32> to vector<2048x32xf32>
    %slice3A_142 = vector.extract_strided_slice %dot_general3A_140 {offsets = [0, 32], sizes = [2048, 1], strides = [1, 1]} : vector<2048x64xf32> to vector<2048x1xf32>
    %div3A_143 = arith.constant 1.000000e+00 : f32
    %div3A_144 = vector.broadcast %div3A_143 : f32 to vector<2048x1xf32>
    %div3A_145 = arith.divf %div3A_144, %slice3A_142 : vector<2048x1xf32>
    %mul3A_146 = vector.broadcast %div3A_145 : vector<2048x1xf32> to vector<2048x32xf32>
    %mul3A_147 = arith.mulf %slice3A_141, %mul3A_146 : vector<2048x32xf32>
    %slice3A_148 = vector.extract_strided_slice %convert_element_type3A_73 {offsets = [0, 96], sizes = [2048, 32], strides = [1, 1]} : vector<2048x128xbf16> to vector<2048x32xbf16>
    %slice3A_149 = vector.extract_strided_slice %convert_element_type3A_95 {offsets = [0, 96], sizes = [1024, 32], strides = [1, 1]} : vector<1024x128xbf16> to vector<1024x32xbf16>
    %slice3A_150 = vector.extract_strided_slice %transpose3A {offsets = [96, 0], sizes = [32, 1024], strides = [1, 1]} : vector<128x1024xbf16> to vector<32x1024xbf16>
    %dot_general3A_151 = arith.constant dense<0.000000e+00> : vector<2048x1024xf32>
    %dot_general3A_152 = tpu.matmul %slice3A_148, %slice3A_150, %dot_general3A_151 {dimension_numbers = #tpu.dot_dimension_numbers<[1], [0], [0], [1], [0, 0, 1, 1], [], []>, transpose_lhs_hint = false} : vector<2048x32xbf16>, vector<32x1024xbf16>, vector<2048x1024xf32> -> vector<2048x1024xf32>
    %convert_element_type3A_153 = arith.truncf %dot_general3A_152 : vector<2048x1024xf32> to vector<2048x1024xbf16>
    %exp3A_154 = math.exp %convert_element_type3A_153 : vector<2048x1024xbf16>
    %concatenate3A_155 = tpu.concatenate %slice3A_149, %broadcast_in_dim3A_97, %broadcast_in_dim3A_99 in 1 : vector<1024x32xbf16>, vector<1024x1xbf16>, vector<1024x31xbf16> -> vector<1024x64xbf16>
    %dot_general3A_156 = arith.constant dense<0.000000e+00> : vector<2048x64xf32>
    %dot_general3A_157 = tpu.matmul %exp3A_154, %concatenate3A_155, %dot_general3A_156 {dimension_numbers = #tpu.dot_dimension_numbers<[1], [0], [0], [1], [0, 0, 1, 1], [], []>, transpose_lhs_hint = false} : vector<2048x1024xbf16>, vector<1024x64xbf16>, vector<2048x64xf32> -> vector<2048x64xf32>
    %slice3A_158 = vector.extract_strided_slice %dot_general3A_157 {offsets = [0, 0], sizes = [2048, 32], strides = [1, 1]} : vector<2048x64xf32> to vector<2048x32xf32>
    %slice3A_159 = vector.extract_strided_slice %dot_general3A_157 {offsets = [0, 32], sizes = [2048, 1], strides = [1, 1]} : vector<2048x64xf32> to vector<2048x1xf32>
    %div3A_160 = arith.constant 1.000000e+00 : f32
    %div3A_161 = vector.broadcast %div3A_160 : f32 to vector<2048x1xf32>
    %div3A_162 = arith.divf %div3A_161, %slice3A_159 : vector<2048x1xf32>
    %mul3A_163 = vector.broadcast %div3A_162 : vector<2048x1xf32> to vector<2048x32xf32>
    %mul3A_164 = arith.mulf %slice3A_158, %mul3A_163 : vector<2048x32xf32>
    %concatenate3A_165 = tpu.concatenate %mul3A_113, %mul3A_130, %mul3A_147, %mul3A_164 in 1 : vector<2048x32xf32>, vector<2048x32xf32>, vector<2048x32xf32>, vector<2048x32xf32> -> vector<2048x128xf32>
    %convert_element_type3A_166 = arith.truncf %concatenate3A_165 : vector<2048x128xf32> to vector<2048x128xbf16>
    %get3A_167 = arith.constant 0 : index
    %get3A_168 = arith.constant 0 : index
    %get3A_169 = vector.load %arg10[%get3A_167, %get3A_168] : memref<128x128xbf16, #tpu.memory_space<vmem>>, vector<128x128xbf16>
    %dot_general3A_170 = arith.constant dense<0.000000e+00> : vector<2048x128xf32>
    %dot_general3A_171 = tpu.matmul %convert_element_type3A_166, %get3A_169, %dot_general3A_170 {dimension_numbers = #tpu.dot_dimension_numbers<[1], [0], [0], [1], [0, 0, 1, 1], [], []>, transpose_lhs_hint = false} : vector<2048x128xbf16>, vector<128x128xbf16>, vector<2048x128xf32> -> vector<2048x128xf32>
    %get3A_172 = arith.constant 0 : index
    %get3A_173 = arith.constant 0 : index
    %get3A_174 = vector.load %arg11[%get3A_172, %get3A_173] : memref<1x128xf32, #tpu.memory_space<vmem>>, vector<1x128xf32>
    %add3A_175 = vector.broadcast %get3A_174 : vector<1x128xf32> to vector<2048x128xf32>
    %add3A_176 = arith.addf %dot_general3A_171, %add3A_175 : vector<2048x128xf32>
    %add3A_177 = arith.addf %get3A_3, %add3A_176 : vector<2048x128xf32>
    %reduce_sum3A_178 = arith.constant dense<0.000000e+00> : vector<2048xf32>
    %reduce_sum3A_179 = vector.multi_reduction <add>, %add3A_177, %reduce_sum3A_178 [1] : vector<2048x128xf32> to vector<2048xf32>
    %broadcast_in_dim3A_180 = vector.shape_cast %reduce_sum3A_179 : vector<2048xf32> to vector<2048x1xf32>
    %div3A_181 = arith.constant 1.280000e+02 : f32
    %div3A_182 = vector.broadcast %div3A_181 : f32 to vector<2048x1xf32>
    %div3A_183 = arith.divf %broadcast_in_dim3A_180, %div3A_182 : vector<2048x1xf32>
    %sub3A_184 = vector.broadcast %div3A_183 : vector<2048x1xf32> to vector<2048x128xf32>
    %sub3A_185 = arith.subf %add3A_177, %sub3A_184 : vector<2048x128xf32>
    %integer_pow3A_186 = arith.mulf %sub3A_185, %sub3A_185 : vector<2048x128xf32>
    %reduce_sum3A_187 = arith.constant dense<0.000000e+00> : vector<2048xf32>
    %reduce_sum3A_188 = vector.multi_reduction <add>, %integer_pow3A_186, %reduce_sum3A_187 [1] : vector<2048x128xf32> to vector<2048xf32>
    %broadcast_in_dim3A_189 = vector.shape_cast %reduce_sum3A_188 : vector<2048xf32> to vector<2048x1xf32>
    %div3A_190 = arith.constant 1.280000e+02 : f32
    %div3A_191 = vector.broadcast %div3A_190 : f32 to vector<2048x1xf32>
    %div3A_192 = arith.divf %broadcast_in_dim3A_189, %div3A_191 : vector<2048x1xf32>
    %sub3A_193 = vector.broadcast %div3A_183 : vector<2048x1xf32> to vector<2048x128xf32>
    %sub3A_194 = arith.subf %add3A_177, %sub3A_193 : vector<2048x128xf32>
    %add3A_195 = arith.constant 9.99999974E-6 : f32
    %add3A_196 = vector.broadcast %add3A_195 : f32 to vector<2048x1xf32>
    %add3A_197 = arith.addf %div3A_192, %add3A_196 : vector<2048x1xf32>
    %sqrt3A_198 = math.sqrt %add3A_197 : vector<2048x1xf32>
    %div3A_199 = vector.broadcast %sqrt3A_198 : vector<2048x1xf32> to vector<2048x128xf32>
    %div3A_200 = arith.divf %sub3A_194, %div3A_199 : vector<2048x128xf32>
    %get3A_201 = arith.constant 0 : index
    %get3A_202 = arith.constant 0 : index
    %get3A_203 = vector.load %arg14[%get3A_201, %get3A_202] : memref<1x128xf32, #tpu.memory_space<vmem>>, vector<1x128xf32>
    %mul3A_204 = vector.broadcast %get3A_203 : vector<1x128xf32> to vector<2048x128xf32>
    %mul3A_205 = arith.mulf %div3A_200, %mul3A_204 : vector<2048x128xf32>
    %get3A_206 = arith.constant 0 : index
    %get3A_207 = arith.constant 0 : index
    %get3A_208 = vector.load %arg15[%get3A_206, %get3A_207] : memref<1x128xf32, #tpu.memory_space<vmem>>, vector<1x128xf32>
    %add3A_209 = vector.broadcast %get3A_208 : vector<1x128xf32> to vector<2048x128xf32>
    %add3A_210 = arith.addf %mul3A_205, %add3A_209 : vector<2048x128xf32>
    %swap3A_211 = arith.constant 0 : index
    %swap3A_212 = arith.constant 0 : index
    %swap3A_213 = arith.constant 0 : index
    %swap3A_214 = vector.load %arg16[%swap3A_211, %swap3A_212, %swap3A_213] : memref<1x2048x128xf32, #tpu.memory_space<vmem>>, vector<1x2048x128xf32>
    %swap3A_215 = vector.shape_cast %swap3A_214 : vector<1x2048x128xf32> to vector<2048x128xf32>
    %swap3A_216 = vector.shape_cast %add3A_210 : vector<2048x128xf32> to vector<1x2048x128xf32>
    tpu.vector_store %arg16[%swap3A_211, %swap3A_212, %swap3A_213], %swap3A_216 {strides = array<i32>} : memref<1x2048x128xf32, #tpu.memory_space<vmem>>, vector<1x2048x128xf32>,
    return
  }
  func.func @transform_0(%arg0: i32) -> (i32, i32, i32) {
    %c0_i32 = arith.constant 0 : i32
    %c0_i32_0 = arith.constant 0 : i32
    %c0_i32_1 = arith.constant 0 : i32
    return %arg0, %c0_i32, %c0_i32_0 : i32, i32, i32
  }
  func.func @transform_1(%arg0: i32) -> (i32, i32, i32) {
    %c0_i32 = arith.constant 0 : i32
    %c0_i32_0 = arith.constant 0 : i32
    %c0_i32_1 = arith.constant 0 : i32
    return %arg0, %c0_i32, %c0_i32_0 : i32, i32, i32
  }
  func.func @transform_2(%arg0: i32) -> (i32, i32, i32) {
    %c0_i32 = arith.constant 0 : i32
    %c0_i32_0 = arith.constant 0 : i32
    %c0_i32_1 = arith.constant 0 : i32
    return %arg0, %c0_i32, %c0_i32_0 : i32, i32, i32
  }
  func.func @transform_3(%arg0: i32) -> (i32, i32) {
    %c0_i32 = arith.constant 0 : i32
    %c0_i32_0 = arith.constant 0 : i32
    %c0_i32_1 = arith.constant 0 : i32
    return %c0_i32, %c0_i32_0 : i32, i32
  }
  func.func @transform_4(%arg0: i32) -> (i32, i32) {
    %c0_i32 = arith.constant 0 : i32
    %c0_i32_0 = arith.constant 0 : i32
    %c0_i32_1 = arith.constant 0 : i32
    return %c0_i32, %c0_i32_0 : i32, i32
  }
  func.func @transform_5(%arg0: i32) -> (i32, i32) {
    %c0_i32 = arith.constant 0 : i32
    %c0_i32_0 = arith.constant 0 : i32
    %c0_i32_1 = arith.constant 0 : i32
    return %c0_i32, %c0_i32_0 : i32, i32
  }
  func.func @transform_6(%arg0: i32) -> (i32, i32) {
    %c0_i32 = arith.constant 0 : i32
    %c0_i32_0 = arith.constant 0 : i32
    %c0_i32_1 = arith.constant 0 : i32
    return %c0_i32, %c0_i32_0 : i32, i32
  }
  func.func @transform_7(%arg0: i32) -> (i32, i32) {
    %c0_i32 = arith.constant 0 : i32
    %c0_i32_0 = arith.constant 0 : i32
    %c0_i32_1 = arith.constant 0 : i32
    return %c0_i32, %c0_i32_0 : i32, i32
  }
  func.func @transform_8(%arg0: i32) -> (i32, i32) {
    %c0_i32 = arith.constant 0 : i32
    %c0_i32_0 = arith.constant 0 : i32
    %c0_i32_1 = arith.constant 0 : i32
    return %c0_i32, %c0_i32_0 : i32, i32
  }
  func.func @transform_9(%arg0: i32) -> (i32, i32) {
    %c0_i32 = arith.constant 0 : i32
    %c0_i32_0 = arith.constant 0 : i32
    %c0_i32_1 = arith.constant 0 : i32
    return %c0_i32, %c0_i32_0 : i32, i32
  }
  func.func @transform_10(%arg0: i32) -> (i32, i32) {
    %c0_i32 = arith.constant 0 : i32
    %c0_i32_0 = arith.constant 0 : i32
    %c0_i32_1 = arith.constant 0 : i32
    return %c0_i32, %c0_i32_0 : i32, i32
  }
  func.func @transform_11(%arg0: i32) -> (i32, i32) {
    %c0_i32 = arith.constant 0 : i32
    %c0_i32_0 = arith.constant 0 : i32
    %c0_i32_1 = arith.constant 0 : i32
    return %c0_i32, %c0_i32_0 : i32, i32
  }
  func.func @transform_12(%arg0: i32) -> (i32, i32) {
    %c0_i32 = arith.constant 0 : i32
    %c0_i32_0 = arith.constant 0 : i32
    %c0_i32_1 = arith.constant 0 : i32
    return %c0_i32, %c0_i32_0 : i32, i32
  }
  func.func @transform_13(%arg0: i32) -> (i32, i32) {
    %c0_i32 = arith.constant 0 : i32
    %c0_i32_0 = arith.constant 0 : i32
    %c0_i32_1 = arith.constant 0 : i32
    return %c0_i32, %c0_i32_0 : i32, i32
  }
  func.func @transform_14(%arg0: i32) -> (i32, i32) {
    %c0_i32 = arith.constant 0 : i32
    %c0_i32_0 = arith.constant 0 : i32
    %c0_i32_1 = arith.constant 0 : i32
    return %c0_i32, %c0_i32_0 : i32, i32
  }
  func.func @transform_15(%arg0: i32) -> (i32, i32, i32) {
    %c0_i32 = arith.constant 0 : i32
    %c0_i32_0 = arith.constant 0 : i32
    %c0_i32_1 = arith.constant 0 : i32
    return %arg0, %c0_i32, %c0_i32_0 : i32, i32, i32
  }
  func.func @transform_16(%arg0: i32) -> (i32, i32, i32) {
    %c0_i32 = arith.constant 0 : i32
    %c0_i32_0 = arith.constant 0 : i32
    %c0_i32_1 = arith.constant 0 : i32
    return %arg0, %c0_i32, %c0_i32_0 : i32, i32, i32
  }
}

</mosaic_0001>

<sc_bundles>
// kernel: kernel.5.cloned.1.call-start
scs
__scs_entry_jumppad:
0x0: {  	(pc) =	sbr.rel $0x88, $3  }
0x1: {  	(tag) =	ssettag $0x0;
	lr =	simm.s32 $0x1  }
0x2: {  	[smem:$0x3F91] =	sst lr;
	_ =	strace $0xD0000000  }
0x3: {  	_ = 	snop  }
0x4: {  	_ = 	snop  }
0x5: {  	_ = 	snop  }
0x6: {  	_ = 	snop  }
0x7: {  	_ = 	snop  }
__scs_overlays_trampoline_lowered:
0x8: {  	[smem:$0x3FA0] =	sst s0  }
0x9: {  	[smem:$0x3FA1] =	sst s1  }
0xa: {  	[smem:$0x3FA2] =	sst s2  }
0xb: {  	[smem:$0x3FA3] =	sst s3  }
0xc: {  	[smem:$0x3FA4] =	sst s4  }
0xd: {  	[smem:$0x3FA5] =	sst s5  }
0xe: {  	[smem:$0x3FA6] =	sst s6  }
0xf: {  	[smem:$0x3FA7] =	sst s7  }
0x10: {  	[smem:$0x3FA8] =	sst s8  }
0x11: {  	[smem:$0x3FA9] =	sst s9;
	s0 =	simm.s32 @!p0 $0x0  }
0x12: {  	s1 =	sld [smem:$0x3F8F];
	s0 =	simm.s32 @p0 $0x1  }
0x13: {  	[smem:$0x3FAA] =	sst s0;
	s0 =	simm.s32 @!p1 $0x0  }
0x14: {  	s2 =	sld [smem:$0x3F8E];
	s0 =	simm.s32 @p1 $0x1  }
0x15: {  	[smem:$0x3FAB] =	sst s0;
	s0 =	simm.s32 @!p2 $0x0  }
0x16: {  	s3 =	sld [smem:$0x3FDB];
	s0 =	simm.s32 @p2 $0x1  }
0x17: {  	s4 =	simm.s32 $0x1BF5;
	[smem:$0x3FAD] =	sst s0  }
0x18: {  	s0 =	sld [smem:$0x3F90];
	_ =	swait.ge [sflag:s4], $0x0  }
0x19: {  	s7 =	sld [smem:$0x3F91]  }
0x1a: {  	s8 =	sadd.s32 $0xFFFFE003, lr  }
0x1b: {  	s9 =	sadd.s32 $0xFFFFFEF7, lr;
	s5 =	simm.s32 $0xFFFFFFFF;
	p2 =	slt.u32 s8, $0xFFFFF086  }
0x1c: {  	p1 =	slt.u32 s9, $0xF7A;
	s5 =	simm.s32 @!p2 $0x0  }
0x1d: {  	s5 =	simm.s32 @p1 $0x1;
	p0 =	seq.s32 s7, s2  }
0x1e: {  	s7 =	smul.u32 @!p0 $0xF7A, s2;
	p2 =	seq.s32 @!p0 s5, $0x0  }
0x1f: {  	s9 =	smul.u32 $0xF7A, s1;
	s8 =	simm.s32 @!p0 $0x1BF5;
	p2 =	por !p2, p0  }
0x20: {  	[sflag:s8] =	ssyncset.s32 @!p0 $0xFFFFF086;
	s6 =	sadd.s32 @!p0 s3, s7;
	s7 =	simm.s32 @!p0 $0x108  }
0x21: {  	s3 =	sadd.s32 s3, s9;
	s6 =	sadd.s32 @!p0 $0x88, s6;
	s7 =	simm.s32 @p2 $0x1082  }
0x22: {  	[simem:s7], [sflag:s8] =	dma.local @!p0 [hbm:s6], $0xF7A  }
0x23: {  	s9 =	sor.u32 $0xD0000000, s2;
	s6 =	simm.s32 $0x108;
	_ =	swait.ge @!p0 [sflag:s8], $0x0  }
0x24: {  	s3 =	sadd.s32 $0x88, s3;
	s6 =	simm.s32 @!p1 $0x1082;
	[sflag:s4] =	ssyncset.s32 $0xFFFFF086  }
0x25: {  	[simem:s6], [sflag:s4] =	dma.local [hbm:s3], $0xF7A  }
0x26: {  	[smem:$0x3F91] =	sst s1;
	(tag) =	ssettag s2;
	_ =	strace s9  }
0x27: {  	s1 =	sld [smem:$0x3FA1]  }
0x28: {  	s2 =	sld [smem:$0x3FA2]  }
0x29: {  	s4 =	sld [smem:$0x3FA4]  }
0x2a: {  	p0 =	seq.s32 s5, $0x0;
	s5 =	sld [smem:$0x3FA5]  }
0x2b: {  	s6 =	sld [smem:$0x3FA6]  }
0x2c: {  	s7 =	sld [smem:$0x3FA7]  }
0x2d: {  	s3 =	simm.s32 $0x108;
	s8 =	sld [smem:$0x3FA8]  }
0x2e: {  	s3 =	simm.s32 @!p0 $0x1082;
	s9 =	sld [smem:$0x3FA9]  }
0x2f: {  	lr =	sadd.s32 s0, s3;
	s0 =	sld [smem:$0x3FA0]  }
0x30: {  	s3 =	sld [smem:$0x3FA3]  }
0x31: {  	[smem:$0x3FAC] =	sst s10  }
0x32: {  	s10 =	sld [smem:$0x3FAA];
	_ =	sdelay $0x3  }
0x33: {  	p0 =	seq.s32 s10, $0x1;
	s10 =	sld [smem:$0x3FAC];
	_ =	sdelay $0x3  }
0x34: {  	[smem:$0x3FAC] =	sst s10  }
0x35: {  	s10 =	sld [smem:$0x3FAB];
	_ =	sdelay $0x3  }
0x36: {  	p1 =	seq.s32 s10, $0x1;
	s10 =	sld [smem:$0x3FAC];
	_ =	sdelay $0x3  }
0x37: {  	[smem:$0x3FAC] =	sst s10  }
0x38: {  	s10 =	sld [smem:$0x3FAD]  }
0x39: {  	_ = 	snop;
	(pc) =	sbr.ind lr, $3  }
0x3a: {  	_ = 	snop  }
0x3b: {  	_ = 	snop  }
0x3c: {  	p2 =	seq.s32 s10, $0x1;
	s10 =	sld [smem:$0x3FAC]  }
0x3d: {  	_ =	shalt  }
0x3e: {  	_ =	shalt  }
0x3f: {  	_ =	shalt  }
0x40: {  	_ =	shalt  }
0x41: {  	_ =	shalt  }
0x42: {  	_ =	shalt  }
0x43: {  	_ =	shalt  }
0x44: {  	_ =	shalt  }
0x45: {  	_ =	shalt  }
0x46: {  	_ =	shalt  }
0x47: {  	_ =	shalt  }
0x48: {  	_ =	shalt  }
0x49: {  	_ =	shalt  }
0x4a: {  	_ =	shalt  }
0x4b: {  	_ =	shalt  }
0x4c: {  	_ =	shalt  }
0x4d: {  	_ =	shalt  }
0x4e: {  	_ =	shalt  }
0x4f: {  	_ =	shalt  }
0x50: {  	_ =	shalt  }
0x51: {  	_ =	shalt  }
0x52: {  	_ =	shalt  }
0x53: {  	_ =	shalt  }
0x54: {  	_ =	shalt  }
0x55: {  	_ =	shalt  }
0x56: {  	_ =	shalt  }
0x57: {  	_ =	shalt  }
0x58: {  	_ =	shalt  }
0x59: {  	_ =	shalt  }
0x5a: {  	_ =	shalt  }
0x5b: {  	_ =	shalt  }
0x5c: {  	_ =	shalt  }
0x5d: {  	_ =	shalt  }
0x5e: {  	_ =	shalt  }
0x5f: {  	_ =	shalt  }
0x60: {  	_ =	shalt  }
0x61: {  	_ =	shalt  }
0x62: {  	_ =	shalt  }
0x63: {  	_ =	shalt  }
0x64: {  	_ =	shalt  }
0x65: {  	_ =	shalt  }
0x66: {  	_ =	shalt  }
0x67: {  	_ =	shalt  }
0x68: {  	_ =	shalt  }
0x69: {  	_ =	shalt  }
0x6a: {  	_ =	shalt  }
0x6b: {  	_ =	shalt  }
0x6c: {  	_ =	shalt  }
0x6d: {  	_ =	shalt  }
0x6e: {  	_ =	shalt  }
0x6f: {  	_ =	shalt  }
0x70: {  	_ =	shalt  }
0x71: {  	_ =	shalt  }
0x72: {  	_ =	shalt  }
0x73: {  	_ =	shalt  }
0x74: {  	_ =	shalt  }
0x75: {  	_ =	shalt  }
0x76: {  	_ =	shalt  }
0x77: {  	_ =	shalt  }
0x78: {  	_ =	shalt  }
0x79: {  	_ =	shalt  }
0x7a: {  	_ =	shalt  }
0x7b: {  	_ =	shalt  }
0x7c: {  	_ =	shalt  }
0x7d: {  	_ =	shalt  }
0x7e: {  	_ =	shalt  }
0x7f: {  	_ =	shalt  }
0x80: {  	_ =	shalt  }
0x81: {  	_ =	shalt  }
0x82: {  	_ =	shalt  }
0x83: {  	_ =	shalt  }
0x84: {  	_ =	shalt  }
0x85: {  	_ =	shalt  }
0x86: {  	_ =	shalt  }
0x87: {  	_ =	shalt  }
.Lfunc_end0:
.L_simem_size_0:
called_computation_lowered:
.L_overlay_start_0:
0x88: {  	s2 =	sld [smem:$0x3FD9]  }
0x89: {  	s3 =	sld [smem:$0x3FFE];
	_ =	sdelay $0x1  }
0x8a: {  	s1 =	srdreg.scid  }
0x8b: {  	s0 =	sand.u32 $0x1, s1  }
0x8c: {  	s14 =	sshll.u32 s0, $0xA;
	s2 =	sadd.s32 s3, s2  }
0x8d: {  	s2 =	sadd.s32 s2, s14  }
0x8e: {  	[smem:$0x3FB8] =	sst s2  }
0x8f: {  	_ = 	snop  }
0x90: {  	s2 =	sld [smem:$0x3FD0];
	_ =	sdelay $0x2  }
0x91: {  	s15 =	simm.s32 $0xA;
	s4 =	simm.s32 $0x10  }
0x92: {  	[smem:s4], [sflag:s15] =	dma.local [hbm:s2], $0x1  }
0x93: {  	_ =	swait.eq [sflag:s15], $0x1  }
0x94: {  	[sflag:s15] =	ssyncset.done $0x0  }
0x95: {  	[sflag:s15] =	ssyncadd.s32 $0xFFFFFFFF  }
0x96: {  	s16 =	sld [smem:$0x11];
	(tm) =	ssettm $0x1  }
0x97: {  	s17 =	sld [smem:$0x3FFB];
	_ =	sdelay $0x3  }
0x98: {  	_ =	strace s17  }
0x99: {  	s3 =	sld [smem:$0x3FFC];
	_ =	sdelay $0x3  }
0x9a: {  	_ =	strace s3  }
0x9b: {  	s3 =	sld [smem:$0x3FFD];
	_ =	sdelay $0x3  }
0x9c: {  	_ =	strace s3  }
0x9d: {  	_ =	strace $0x8FFFFFFF  }
0x9e: {  	s18 =	sld [smem:$0x3FDB];
	_ =	sdelay $0x1  }
0x9f: {  	s19 =	simm.s32 $_scs_section_size  }
0xa0: {  	s5 =	simm.s32 $_size__tile_overlayer_lowered;
	s6 =	simm.s32 $_tile_overlayer_lowered  }
0xa1: {  	s22 =	simm.s32 $0x1BFF;
	s21 =	sshll.u32 s6, $0x1;
	s3 =	sadd.s32 s19, s18  }
0xa2: {  	s7 =	simm.s32 $0x0;
	s20 =	sshll.u32 s5, $0x1;
	s5 =	sadd.s32 s21, s3  }
0xa3: {  	[timem:s7], [sflag:s22] =	dma.local [hbm:s5], s20  }
0xa4: {  	_ =	swait.ge [sflag:s22], s20  }
0xa5: {  	s4 =	ssub.s32 $0x0, s20;
	[sflag:s22] =	ssyncset.done $0x0  }
0xa6: {  	[sflag:s22] =	ssyncadd.s32 s4;
	_ =	sdelay $0x1  }
0xa7: {  	s23 =	simm.s32 $0x1B8B  }
0xa8: {  	_ =	swait.ge [sflag:s23], $0x1  }
0xa9: {  	[sflag:s23] =	ssyncset.done $0x0  }
0xaa: {  	s25 =	simm.s32 $0x1B8E;
	s24 =	sld [smem:$0x3FFE];
	[sflag:s23] =	ssyncadd.s32 $0xFFFFFFFF  }
0xab: {  	s26 =	simm.s32 $execute0_lowered;
	[smem:$0x3FD2] =	sst s25  }
0xac: {  	s5 =	sshll.u32 s26, $0x1;
	_ =	strace $0x80000046;
	[dreg:$0x1] =	wrdreg $0xFFFFFFFF  }
0xad: {  	s28 =	simm.s32 $_size_execute0_lowered;
	s3 =	sadd.s32 s3, s5;
	[dreg:$0x0] =	wrdreg $0x0  }
0xae: {  	s5 =	sshll.u32 s28, $0x1;
	[dreg:$0x2] =	wrdreg s3  }
0xaf: {  	[dreg:$0x3] =	wrdreg s5  }
0xb0: {  	[dreg:$0x4] =	wrdreg $0xC0  }
0xb1: {  	_ =	task [dreg:s7], $0x5FFFF  }
0xb2: {  	[dreg:$0x1] =	wrdreg $0xFFFFFFFF  }
0xb3: {  	[dreg:$0x0] =	wrdreg $0x60  }
0xb4: {  	[dreg:$0x2] =	wrdreg s24  }
0xb5: {  	[dreg:$0x3] =	wrdreg s16  }
0xb6: {  	[dreg:$0x4] =	wrdreg $0x9  }
0xb7: {  	_ =	task.clear_ibuf [dreg:s7], $0x5FFFF;
	_ =	strace $0x90000046  }
0xb8: {  	s29 =	simm.s32 $0x9;
	_ =	strace $0x80000048  }
0xb9: {  	_ =	swait.ge [sflag:s29], $0x1  }
0xba: {  	[sflag:s29] =	ssyncadd.s32 $0xFFFFFFFF  }
0xbb: {  	_ =	strace $0x90000048  }
0xbc: {  	_ =	sfence  }
0xbd: {  	s30 =	sld [smem:$0x0];
	_ =	sdelay $0x2  }
0xbe: {  	s31 =	sshll.u32 s1, $0xD;
	s1 =	sshrl.u32 s1, $0x2  }
0xbf: {  	s3 =	sand.u32 $0x4000, s31;
	s1 =	sadd.s32 s1, s30  }
0xc0: {  	s0 =	sor.u32 s3, s0;
	s1 =	sshll.u32 s1, $0x11  }
0xc1: {  	s0 =	sor.u32 s1, s0  }
0xc2: {  	s0 =	sadd.s32 $0x8F2B, s0  }
0xc3: {  	[sflag:s0] =	ssyncadd.remote.s32 $0x1  }
0xc4: {  	_ =	sfence.sel $0xFFFF  }
0xc5: {  	[dreg:$0x0] =	wrdreg $0xFFFFFFFF;
	(pc) =	sbr.abs _section_cstart, $3  }
0xc6: {  	[dreg:$0x1] =	wrdreg $0xFFFFFFFF  }
0xc7: {  	_ =	task.clear_ibuf [dreg:s7], $0x2FFFF;
	_ =	strace $0x9FFFFFFF  }
0xc8: {  	(tm) =	ssettm $0x7FFFFFFF  }
0xc9: {  	_ =	shalt  }
tec
execute0_lowered:
.L_overlay_start_1:
0x0: {  	(tag) =	ssettag $0x1  }
0x1: {  	s3 =	rddreg [dreg:$0x0]  }
0x2: {  	s0 =	stileid.u32;
	s4 =	srdreg.scid  }
0x3: {  	s4 =	sand.u32 $0x1, s4;
	s6 =	sshll.u32 s0, $0x1;
	s7 =	sshll.u32 s0, $0x9  }
0x4: {  	s2 =	simm.s32 $0x0;
	s8 =	sor.u32 s4, s6;
	s0 =	sand.u32 $0x1800, s7  }
0x5: {  	s4 =	ssub.s32 $0x2, s4;
	s1 =	sshll.u32 s8, $0x4;
	s6 =	smul.u32 $0xC00, s8  }
0x6: {  	s9 =	sadd.s32 s0, s3;
	s10 =	sshrl.u32 s4, $0x1;
	s7 =	sand.u32 $0x70, s1  }
0x7: {  	v63 =	vlaneseq.u32;
	s9 =	sadd.s32 s7, s9;
	s7 =	ssub.s32 s4, s10;
	s10 =	sor.u32 $0x10, s6  }
0x8: {  	[smem:$0x7FF] =	sst s2;
	s0 =	sor.u32 $0x20, s6;
	v0 =	vor.u32 s10, v63  }
0x9: {  	s5 =	rddreg [dreg:$0x1];
	_ =	strace $0x80000047;
	s11 =	sor.u32 $0x30, s6;
	[tilespmem:$0x1F7E0] =	vst v0;
	v0 =	vor.u32 s0, v63  }
0xa: {  	s12 =	sor.u32 $0x40, s6;
	[tilespmem:$0x1F7F0] =	vst v0;
	v0 =	vor.u32 s11, v63  }
0xb: {  	s13 =	sor.u32 $0x50, s6;
	[tilespmem:$0x1F800] =	vst v0;
	v0 =	vor.u32 s12, v63  }
0xc: {  	s14 =	sor.u32 $0x60, s6;
	[tilespmem:$0x1F810] =	vst v0;
	v0 =	vor.u32 s13, v63  }
0xd: {  	s15 =	sor.u32 $0x70, s6;
	[tilespmem:$0x1F820] =	vst v0;
	v0 =	vor.u32 s14, v63  }
0xe: {  	s16 =	sor.u32 $0x80, s6;
	[tilespmem:$0x1F830] =	vst v0;
	v0 =	vor.u32 s15, v63  }
0xf: {  	s17 =	sor.u32 $0x90, s6;
	[tilespmem:$0x1F840] =	vst v0;
	v0 =	vor.u32 s16, v63  }
0x10: {  	s18 =	sor.u32 $0xA0, s6;
	[tilespmem:$0x1F850] =	vst v0;
	v0 =	vor.u32 s17, v63  }
0x11: {  	s19 =	sor.u32 $0xB0, s6;
	[tilespmem:$0x1F860] =	vst v0;
	v0 =	vor.u32 s18, v63  }
0x12: {  	s20 =	sor.u32 $0xC0, s6;
	[tilespmem:$0x1F870] =	vst v0;
	v0 =	vor.u32 s19, v63  }
0x13: {  	s21 =	sor.u32 $0xD0, s6;
	[tilespmem:$0x1F880] =	vst v0;
	v0 =	vor.u32 s20, v63  }
0x14: {  	s22 =	sor.u32 $0xE0, s6;
	[tilespmem:$0x1F890] =	vst v0;
	v0 =	vor.u32 s21, v63  }
0x15: {  	s23 =	sor.u32 $0xF0, s6;
	[tilespmem:$0x1F8A0] =	vst v0;
	v0 =	vor.u32 s22, v63  }
0x16: {  	s24 =	sor.u32 $0x100, s6;
	[tilespmem:$0x1F8B0] =	vst v0;
	v0 =	vor.u32 s23, v63  }
0x17: {  	s25 =	sor.u32 $0x110, s6;
	[tilespmem:$0x1F8C0] =	vst v0;
	v0 =	vor.u32 s24, v63  }
0x18: {  	s1 =	sor.u32 $0x120, s6;
	[tilespmem:$0x1F8D0] =	vst v0;
	v0 =	vor.u32 s25, v63  }
0x19: {  	s26 =	sor.u32 $0x130, s6;
	[tilespmem:$0x1F8E0] =	vst v0;
	v0 =	vor.u32 s1, v63  }
0x1a: {  	s28 =	sor.u32 $0x140, s6;
	[tilespmem:$0x1F8F0] =	vst v0;
	v0 =	vor.u32 s26, v63  }
0x1b: {  	s29 =	sor.u32 $0x150, s6;
	[tilespmem:$0x1F900] =	vst v0;
	v0 =	vor.u32 s28, v63  }
0x1c: {  	s30 =	sor.u32 $0x160, s6;
	[tilespmem:$0x1F910] =	vst v0;
	v0 =	vor.u32 s29, v63  }
0x1d: {  	s4 =	sadd.s32 $0x102E00, s9;
	s9 =	sor.u32 $0x170, s6;
	[tilespmem:$0x1F920] =	vst v0;
	v0 =	vor.u32 s30, v63  }
0x1e: {  	s10 =	sor.u32 $0x180, s6;
	[tilespmem:$0x1F930] =	vst v0;
	v0 =	vor.u32 s9, v63  }
0x1f: {  	s11 =	sor.u32 $0x190, s6;
	[tilespmem:$0x1F940] =	vst v0;
	v0 =	vor.u32 s10, v63  }
0x20: {  	s12 =	sor.u32 $0x1A0, s6;
	[tilespmem:$0x1F950] =	vst v0;
	v0 =	vor.u32 s11, v63  }
0x21: {  	s13 =	sor.u32 $0x1B0, s6;
	[tilespmem:$0x1F960] =	vst v0;
	v0 =	vor.u32 s12, v63  }
0x22: {  	s14 =	sor.u32 $0x1C0, s6;
	[tilespmem:$0x1F970] =	vst v0;
	v0 =	vor.u32 s13, v63  }
0x23: {  	s15 =	sor.u32 $0x1D0, s6;
	[tilespmem:$0x1F980] =	vst v0;
	v0 =	vor.u32 s14, v63  }
0x24: {  	s16 =	sor.u32 $0x1E0, s6;
	[tilespmem:$0x1F990] =	vst v0;
	v0 =	vor.u32 s15, v63  }
0x25: {  	s17 =	sor.u32 $0x1F0, s6;
	[tilespmem:$0x1F9A0] =	vst v0;
	v0 =	vor.u32 s16, v63  }
0x26: {  	s18 =	sor.u32 $0x200, s6;
	[tilespmem:$0x1F9B0] =	vst v0;
	v0 =	vor.u32 s17, v63  }
0x27: {  	s19 =	sor.u32 $0x210, s6;
	[tilespmem:$0x1F9C0] =	vst v0;
	v0 =	vor.u32 s18, v63  }
0x28: {  	s20 =	sor.u32 $0x220, s6;
	[tilespmem:$0x1F9D0] =	vst v0;
	v0 =	vor.u32 s19, v63  }
0x29: {  	s22 =	sor.u32 $0x230, s6;
	[tilespmem:$0x1F9E0] =	vst v0;
	v0 =	vor.u32 s20, v63  }
0x2a: {  	s0 =	sor.u32 $0x240, s6;
	[tilespmem:$0x1F9F0] =	vst v0;
	v0 =	vor.u32 s22, v63  }
0x2b: {  	s23 =	sor.u32 $0x250, s6;
	[tilespmem:$0x1FA00] =	vst v0;
	v0 =	vor.u32 s0, v63  }
0x2c: {  	s24 =	sor.u32 $0x260, s6;
	[tilespmem:$0x1FA10] =	vst v0;
	v0 =	vor.u32 s23, v63  }
0x2d: {  	s1 =	sor.u32 $0x270, s6;
	[tilespmem:$0x1FA20] =	vst v0;
	v0 =	vor.u32 s24, v63  }
0x2e: {  	s25 =	sor.u32 $0x280, s6;
	[tilespmem:$0x1FA30] =	vst v0;
	v0 =	vor.u32 s1, v63  }
0x2f: {  	s26 =	sor.u32 $0x290, s6;
	[tilespmem:$0x1FA40] =	vst v0;
	v0 =	vor.u32 s25, v63  }
0x30: {  	s28 =	sor.u32 $0x2A0, s6;
	[tilespmem:$0x1FA50] =	vst v0;
	v0 =	vor.u32 s26, v63  }
0x31: {  	s29 =	sor.u32 $0x2B0, s6;
	[tilespmem:$0x1FA60] =	vst v0;
	v0 =	vor.u32 s28, v63  }
0x32: {  	s9 =	sor.u32 $0x2C0, s6;
	[tilespmem:$0x1FA70] =	vst v0;
	v0 =	vor.u32 s29, v63  }
0x33: {  	s10 =	sor.u32 $0x2D0, s6;
	[tilespmem:$0x1FA80] =	vst v0;
	v0 =	vor.u32 s9, v63  }
0x34: {  	s30 =	sor.u32 $0x2E0, s6;
	[tilespmem:$0x1FA90] =	vst v0;
	v0 =	vor.u32 s10, v63  }
0x35: {  	s11 =	sor.u32 $0x2F0, s6;
	[tilespmem:$0x1FAA0] =	vst v0;
	v0 =	vor.u32 s30, v63  }
0x36: {  	s12 =	sor.u32 $0x300, s6;
	[tilespmem:$0x1FAB0] =	vst v0;
	v0 =	vor.u32 s11, v63  }
0x37: {  	s13 =	sor.u32 $0x310, s6;
	[tilespmem:$0x1FAC0] =	vst v0;
	v0 =	vor.u32 s12, v63  }
0x38: {  	s14 =	sor.u32 $0x320, s6;
	[tilespmem:$0x1FAD0] =	vst v0;
	v0 =	vor.u32 s13, v63  }
0x39: {  	s15 =	sor.u32 $0x330, s6;
	[tilespmem:$0x1FAE0] =	vst v0;
	v0 =	vor.u32 s14, v63  }
0x3a: {  	s16 =	sor.u32 $0x340, s6;
	[tilespmem:$0x1FAF0] =	vst v0;
	v0 =	vor.u32 s15, v63  }
0x3b: {  	s17 =	sor.u32 $0x350, s6;
	[tilespmem:$0x1FB00] =	vst v0;
	v0 =	vor.u32 s16, v63  }
0x3c: {  	s18 =	sor.u32 $0x360, s6;
	[tilespmem:$0x1FB10] =	vst v0;
	v0 =	vor.u32 s17, v63  }
0x3d: {  	s19 =	sor.u32 $0x370, s6;
	[tilespmem:$0x1FB20] =	vst v0;
	v0 =	vor.u32 s18, v63  }
0x3e: {  	s21 =	sor.u32 $0x380, s6;
	[tilespmem:$0x1FB30] =	vst v0;
	v0 =	vor.u32 s19, v63  }
0x3f: {  	s0 =	sor.u32 $0x390, s6;
	[tilespmem:$0x1FB40] =	vst v0;
	v0 =	vor.u32 s21, v63  }
0x40: {  	s22 =	sor.u32 $0x3A0, s6;
	[tilespmem:$0x1FB50] =	vst v0;
	v0 =	vor.u32 s0, v63  }
0x41: {  	s23 =	sor.u32 $0x3B0, s6;
	[tilespmem:$0x1FB60] =	vst v0;
	v0 =	vor.u32 s22, v63  }
0x42: {  	s1 =	sor.u32 $0x3C0, s6;
	[tilespmem:$0x1FB70] =	vst v0;
	v0 =	vor.u32 s23, v63  }
0x43: {  	s24 =	sor.u32 $0x3D0, s6;
	[tilespmem:$0x1FB80] =	vst v0;
	v0 =	vor.u32 s1, v63  }
0x44: {  	s25 =	sor.u32 $0x3E0, s6;
	[tilespmem:$0x1FB90] =	vst v0;
	v0 =	vor.u32 s24, v63  }
0x45: {  	s26 =	sor.u32 $0x3F0, s6;
	[tilespmem:$0x1FBA0] =	vst v0;
	v0 =	vor.u32 s25, v63  }
0x46: {  	s28 =	sadd.s32 $0x400, s6;
	[tilespmem:$0x1FBB0] =	vst v0;
	v0 =	vor.u32 s26, v63  }
0x47: {  	s9 =	sadd.s32 $0x410, s6;
	[tilespmem:$0x1FBC0] =	vst v0;
	v0 =	vor.u32 s28, v63  }
0x48: {  	s10 =	sadd.s32 $0x420, s6;
	[tilespmem:$0x1FBD0] =	vst v0;
	v0 =	vor.u32 s9, v63  }
0x49: {  	s29 =	sadd.s32 $0x430, s6;
	[tilespmem:$0x1FBE0] =	vst v0;
	v0 =	vor.u32 s10, v63  }
0x4a: {  	s11 =	sadd.s32 $0x440, s6;
	[tilespmem:$0x1FBF0] =	vst v0;
	v0 =	vor.u32 s29, v63  }
0x4b: {  	s12 =	sadd.s32 $0x450, s6;
	[tilespmem:$0x1FC00] =	vst v0;
	v0 =	vor.u32 s11, v63  }
0x4c: {  	s30 =	sadd.s32 $0x460, s6;
	[tilespmem:$0x1FC10] =	vst v0;
	v0 =	vor.u32 s12, v63  }
0x4d: {  	s13 =	sadd.s32 $0x470, s6;
	[tilespmem:$0x1FC20] =	vst v0;
	v0 =	vor.u32 s30, v63  }
0x4e: {  	s14 =	sadd.s32 $0x480, s6;
	[tilespmem:$0x1FC30] =	vst v0;
	v0 =	vor.u32 s13, v63  }
0x4f: {  	s15 =	sadd.s32 $0x490, s6;
	[tilespmem:$0x1FC40] =	vst v0;
	v0 =	vor.u32 s14, v63  }
0x50: {  	s16 =	sadd.s32 $0x4A0, s6;
	[tilespmem:$0x1FC50] =	vst v0;
	v0 =	vor.u32 s15, v63  }
0x51: {  	s17 =	sadd.s32 $0x4B0, s6;
	[tilespmem:$0x1FC60] =	vst v0;
	v0 =	vor.u32 s16, v63  }
0x52: {  	s18 =	sadd.s32 $0x4C0, s6;
	[tilespmem:$0x1FC70] =	vst v0;
	v0 =	vor.u32 s17, v63  }
0x53: {  	s20 =	sadd.s32 $0x4D0, s6;
	[tilespmem:$0x1FC80] =	vst v0;
	v0 =	vor.u32 s18, v63  }
0x54: {  	s0 =	sadd.s32 $0x4E0, s6;
	[tilespmem:$0x1FC90] =	vst v0;
	v0 =	vor.u32 s20, v63  }
0x55: {  	s21 =	sadd.s32 $0x4F0, s6;
	[tilespmem:$0x1FCA0] =	vst v0;
	v0 =	vor.u32 s0, v63  }
0x56: {  	s22 =	sadd.s32 $0x500, s6;
	[tilespmem:$0x1FCB0] =	vst v0;
	v0 =	vor.u32 s21, v63  }
0x57: {  	s1 =	sadd.s32 $0x510, s6;
	[tilespmem:$0x1FCC0] =	vst v0;
	v0 =	vor.u32 s22, v63  }
0x58: {  	s23 =	sadd.s32 $0x520, s6;
	[tilespmem:$0x1FCD0] =	vst v0;
	v0 =	vor.u32 s1, v63  }
0x59: {  	s24 =	sadd.s32 $0x530, s6;
	[tilespmem:$0x1FCE0] =	vst v0;
	v0 =	vor.u32 s23, v63  }
0x5a: {  	s25 =	sadd.s32 $0x540, s6;
	[tilespmem:$0x1FCF0] =	vst v0;
	v0 =	vor.u32 s24, v63  }
0x5b: {  	s26 =	sadd.s32 $0x550, s6;
	[tilespmem:$0x1FD00] =	vst v0;
	v0 =	vor.u32 s25, v63  }
0x5c: {  	s9 =	sadd.s32 $0x560, s6;
	[tilespmem:$0x1FD10] =	vst v0;
	v0 =	vor.u32 s26, v63  }
0x5d: {  	s10 =	sadd.s32 $0x570, s6;
	[tilespmem:$0x1FD20] =	vst v0;
	v0 =	vor.u32 s9, v63  }
0x5e: {  	s28 =	sadd.s32 $0x580, s6;
	[tilespmem:$0x1FD30] =	vst v0;
	v0 =	vor.u32 s10, v63  }
0x5f: {  	s11 =	sadd.s32 $0x590, s6;
	[tilespmem:$0x1FD40] =	vst v0;
	v0 =	vor.u32 s28, v63  }
0x60: {  	s12 =	sadd.s32 $0x5A0, s6;
	[tilespmem:$0x1FD50] =	vst v0;
	v0 =	vor.u32 s11, v63  }
0x61: {  	s29 =	sadd.s32 $0x5B0, s6;
	[tilespmem:$0x1FD60] =	vst v0;
	v0 =	vor.u32 s12, v63  }
0x62: {  	s13 =	sadd.s32 $0x5C0, s6;
	[tilespmem:$0x1FD70] =	vst v0;
	v0 =	vor.u32 s29, v63  }
0x63: {  	s14 =	sadd.s32 $0x5D0, s6;
	[tilespmem:$0x1FD80] =	vst v0;
	v0 =	vor.u32 s13, v63  }
0x64: {  	s30 =	sadd.s32 $0x5E0, s6;
	[tilespmem:$0x1FD90] =	vst v0;
	v0 =	vor.u32 s14, v63  }
0x65: {  	s15 =	sadd.s32 $0x5F0, s6;
	[tilespmem:$0x1FDA0] =	vst v0;
	v0 =	vor.u32 s30, v63  }
0x66: {  	s16 =	sadd.s32 $0x600, s6;
	[tilespmem:$0x1FDB0] =	vst v0;
	v0 =	vor.u32 s15, v63  }
0x67: {  	s8 =	sshll.u32 s8, $0xE;
	s17 =	sadd.s32 $0x610, s6;
	[tilespmem:$0x1FDC0] =	vst v0;
	v0 =	vor.u32 s16, v63  }
0x68: {  	s3 =	sadd.s32 $0x104E00, s3;
	s5 =	sadd.s32 s5, s8;
	s19 =	sadd.s32 $0x620, s6;
	[tilespmem:$0x1FDD0] =	vst v0;
	v0 =	vor.u32 s17, v63  }
0x69: {  	s31 =	sadd.s32 $0xB50, s6;
	s8 =	sadd.s32 $0x1000, s5;
	s0 =	sadd.s32 $0x630, s6;
	[tilespmem:$0x1FDE0] =	vst v0;
	v0 =	vor.u32 s19, v63  }
0x6a: {  	v53 =	vor.u32 s31, v63;
	s31 =	simm.s32 $0x880;
	s18 =	sadd.s32 $0x770, s6;
	s20 =	sadd.s32 $0x640, s6;
	[tilespmem:$0x1FDF0] =	vst v0;
	v0 =	vor.u32 s0, v63  }
0x6b: {  	s21 =	sadd.s32 $0x650, s6;
	s22 =	sadd.s32 $0x670, s6;
	s1 =	sadd.s32 $0x660, s6;
	[tilespmem:$0x1FE00] =	vst v0;
	v0 =	vor.u32 s20, v63  }
0x6c: {  	s23 =	sadd.s32 $0x680, s6;
	s24 =	sadd.s32 $0x690, s6;
	s25 =	sadd.s32 $0x6A0, s6;
	[tilespmem:$0x1FE10] =	vst v0;
	v0 =	vor.u32 s21, v63  }
0x6d: {  	s26 =	sadd.s32 $0x6D0, s6;
	s9 =	sadd.s32 $0x6B0, s6;
	s10 =	sadd.s32 $0x6C0, s6;
	[tilespmem:$0x1FE20] =	vst v0;
	v0 =	vor.u32 s1, v63  }
0x6e: {  	s28 =	sadd.s32 $0x700, s6;
	s11 =	sadd.s32 $0x6E0, s6;
	s12 =	sadd.s32 $0x6F0, s6;
	[tilespmem:$0x1FE30] =	vst v0;
	v0 =	vor.u32 s22, v63  }
0x6f: {  	s29 =	sadd.s32 $0x730, s6;
	s13 =	sadd.s32 $0x710, s6;
	s14 =	sadd.s32 $0x720, s6;
	[tilespmem:$0x1FE40] =	vst v0;
	v0 =	vor.u32 s23, v63  }
0x70: {  	s30 =	sadd.s32 $0x760, s6;
	s15 =	sadd.s32 $0x740, s6;
	s16 =	sadd.s32 $0x750, s6;
	[tilespmem:$0x1FE50] =	vst v0;
	v0 =	vor.u32 s24, v63  }
0x71: {  	s17 =	simm.s32 $0x800;
	s19 =	sadd.s32 $0x790, s6;
	s0 =	sadd.s32 $0x780, s6;
	[tilespmem:$0x1FE60] =	vst v0;
	v0 =	vor.u32 s25, v63  }
0x72: {  	s20 =	sadd.s32 $0x7A0, s6;
	s21 =	sadd.s32 $0x7C0, s6;
	s1 =	sadd.s32 $0x7B0, s6;
	[tilespmem:$0x1FE70] =	vst v0;
	v0 =	vor.u32 s9, v63  }
0x73: {  	s22 =	sadd.s32 $0x7D0, s6;
	s23 =	sadd.s32 $0x7E0, s6;
	s24 =	sadd.s32 $0x7F0, s6;
	[tilespmem:$0x1FE80] =	vst v0;
	v0 =	vor.u32 s10, v63  }
0x74: {  	s25 =	sadd.s32 $0x820, s6;
	s9 =	sadd.s32 $0x800, s6;
	[tilespmem:$0x1FE90] =	vst v0;
	v0 =	vor.u32 s26, v63;
	s26 =	sadd.s32 $0x850, s6  }
0x75: {  	s10 =	sadd.s32 $0x810, s6;
	[tilespmem:$0x1FEA0] =	vst v0;
	v0 =	vor.u32 s11, v63;
	s11 =	sadd.s32 $0x830, s6;
	v4 =	vor.u32 s26, v63;
	s26 =	sadd.s32 $0x9D0, s6  }
0x76: {  	[tilespmem:$0x1FEB0] =	vst v0;
	v0 =	vor.u32 s12, v63;
	s12 =	sadd.s32 $0x840, s6;
	v2 =	vor.u32 s11, v63;
	s11 =	sadd.s32 $0x980, s6;
	v28 =	vor.u32 s26, v63;
	s26 =	sadd.s32 $0xB40, s6  }
0x77: {  	[tilespmem:$0x1FEC0] =	vst v0;
	v0 =	vor.u32 s28, v63;
	s28 =	sadd.s32 $0x880, s6;
	v3 =	vor.u32 s12, v63;
	s12 =	sadd.s32 $0x990, s6;
	v23 =	vor.u32 s11, v63;
	s11 =	sadd.s32 $0xAD0, s6  }
0x78: {  	[tilespmem:$0x1FED0] =	vst v0;
	v0 =	vor.u32 s13, v63;
	s13 =	sadd.s32 $0x860, s6;
	v7 =	vor.u32 s28, v63;
	s28 =	sadd.s32 $0xA00, s6;
	v24 =	vor.u32 s12, v63;
	s12 =	sadd.s32 $0xAE0, s6  }
0x79: {  	v45 =	vor.u32 s11, v63;
	s11 =	sadd.s32 $0x2800, s5;
	[tilespmem:$0x1FEE0] =	vst v0;
	v0 =	vor.u32 s14, v63;
	s14 =	sadd.s32 $0x870, s6;
	v5 =	vor.u32 s13, v63;
	s13 =	sadd.s32 $0x9B0, s6  }
0x7a: {  	v31 =	vor.u32 s28, v63;
	s28 =	sadd.s32 $0xB70, s6;
	v46 =	vor.u32 s12, v63;
	s12 =	sadd.s32 $0x3000, s5;
	[tilespmem:$0x1FEF0] =	vst v0;
	v0 =	vor.u32 s29, v63;
	s29 =	sadd.s32 $0x8B0, s6  }
0x7b: {  	v6 =	vor.u32 s14, v63;
	s14 =	sadd.s32 $0x9C0, s6;
	v26 =	vor.u32 s13, v63;
	s13 =	sadd.s32 $0xB00, s6;
	v55 =	vor.u32 s28, v63;
	s28 =	simm.s32 $0xB00  }
0x7c: {  	[tilespmem:$0x1FF00] =	vst v0;
	v0 =	vor.u32 s15, v63;
	s15 =	sadd.s32 $0x890, s6;
	v10 =	vor.u32 s29, v63;
	s29 =	sadd.s32 $0xA30, s6;
	v27 =	vor.u32 s14, v63;
	s14 =	sadd.s32 $0xB10, s6  }
0x7d: {  	v48 =	vor.u32 s13, v63;
	s13 =	sadd.s32 $0x3800, s5;
	[tilespmem:$0x1FF10] =	vst v0;
	v0 =	vor.u32 s16, v63;
	s16 =	sadd.s32 $0x8A0, s6;
	v8 =	vor.u32 s15, v63;
	s15 =	sadd.s32 $0x9E0, s6  }
0x7e: {  	v34 =	vor.u32 s29, v63;
	s29 =	sadd.s32 $0xB90, s6;
	v49 =	vor.u32 s14, v63;
	s14 =	simm.s32 $0x80;
	[tilespmem:$0x1FF20] =	vst v0;
	v0 =	vor.u32 s30, v63;
	s30 =	sadd.s32 $0x8E0, s6  }
0x7f: {  	v9 =	vor.u32 s16, v63;
	s16 =	sadd.s32 $0x9F0, s6;
	v29 =	vor.u32 s15, v63;
	s15 =	simm.s32 $0x400;
	v57 =	vor.u32 s29, v63;
	s29 =	simm.s32 $0xB80  }
0x80: {  	[tilespmem:$0x1FF30] =	vst v0;
	v0 =	vor.u32 s18, v63;
	s18 =	sadd.s32 $0x8C0, s6;
	v13 =	vor.u32 s30, v63;
	s30 =	sadd.s32 $0xA60, s6;
	v30 =	vor.u32 s16, v63;
	s16 =	sadd.s32 $0xB30, s6  }
0x81: {  	[tilespmem:$0x1FF40] =	vst v0;
	v0 =	vor.u32 s0, v63;
	s0 =	sadd.s32 $0x8D0, s6;
	v11 =	vor.u32 s18, v63;
	s18 =	sadd.s32 $0xA10, s6;
	v37 =	vor.u32 s30, v63;
	s30 =	sadd.s32 $0xBC0, s6  }
0x82: {  	v51 =	vor.u32 s16, v63;
	s16 =	simm.s32 $0x3;
	[tilespmem:$0x1FF50] =	vst v0;
	v0 =	vor.u32 s19, v63;
	s19 =	sadd.s32 $0x8F0, s6;
	v12 =	vor.u32 s0, v63;
	s0 =	sadd.s32 $0xA20, s6  }
0x83: {  	v32 =	vor.u32 s18, v63;
	s18 =	sadd.s32 $0xB60, s6;
	[tilespmem:$0x1FF60] =	vst v0;
	v0 =	vor.u32 s20, v63;
	s20 =	sadd.s32 $0x910, s6;
	v14 =	vor.u32 s19, v63;
	s19 =	sadd.s32 $0xA40, s6  }
0x84: {  	v33 =	vor.u32 s0, v63;
	s0 =	sadd.s32 $0xB80, s6;
	v54 =	vor.u32 s18, v63;
	s18 =	simm.s32 $0xC00;
	[tilespmem:$0x1FF70] =	vst v0;
	v0 =	vor.u32 s1, v63;
	s1 =	sadd.s32 $0x900, s6  }
0x85: {  	v16 =	vor.u32 s20, v63;
	s20 =	sadd.s32 $0xA70, s6;
	v35 =	vor.u32 s19, v63;
	s19 =	sadd.s32 $0xBB0, s6;
	v56 =	vor.u32 s0, v63;
	s0 =	simm.s32 $0x900  }
0x86: {  	[tilespmem:$0x1FF80] =	vst v0;
	v0 =	vor.u32 s21, v63;
	s21 =	sadd.s32 $0x920, s6;
	v15 =	vor.u32 s1, v63;
	s1 =	sadd.s32 $0xA50, s6;
	v38 =	vor.u32 s20, v63;
	s20 =	sadd.s32 $0xBD0, s6  }
0x87: {  	[tilespmem:$0x1FF90] =	vst v0;
	v0 =	vor.u32 s22, v63;
	s22 =	sadd.s32 $0x930, s6;
	v17 =	vor.u32 s21, v63;
	s21 =	sadd.s32 $0xA80, s6;
	v36 =	vor.u32 s1, v63;
	s1 =	sadd.s32 $0xBA0, s6  }
0x88: {  	v42 =	vor.u32 s6, v63;
	[dreg:$0x3] =	wrdreg s20;
	s20 =	simm.s32 $0x4C00;
	[tilespmem:$0x1FFA0] =	vst v0;
	v0 =	vor.u32 s23, v63;
	s23 =	sadd.s32 $0x940, s6  }
0x89: {  	v52 =	vor.u32 s26, v63;
	v18 =	vor.u32 s22, v63;
	s22 =	sadd.s32 $0xA90, s6;
	v39 =	vor.u32 s21, v63;
	s21 =	sadd.s32 $0xBE0, s6;
	s26 =	rddreg [dreg:$0x3]  }
0x8a: {  	v60 =	vor.u32 s30, v63;
	[tilespmem:$0x1FFB0] =	vst v0;
	v0 =	vor.u32 s24, v63;
	s24 =	sadd.s32 $0x970, s6;
	v19 =	vor.u32 s23, v63;
	s23 =	sadd.s32 $0xAC0, s6;
	[dreg:$0x4] =	wrdreg s21  }
0x8b: {  	v59 =	vor.u32 s19, v63;
	v40 =	vor.u32 s22, v63;
	s22 =	sadd.s32 $0xBF0, s6;
	s21 =	simm.s32 $0x1;
	v61 =	vor.u32 s26, v63;
	s26 =	simm.s32 $0xA80  }
0x8c: {  	[tilespmem:$0x1FFC0] =	vst v0;
	v0 =	vor.u32 s9, v63;
	s9 =	sadd.s32 $0x950, s6;
	v22 =	vor.u32 s24, v63;
	s24 =	sadd.s32 $0xAF0, s6;
	v44 =	vor.u32 s23, v63;
	s23 =	simm.s32 $0x2  }
0x8d: {  	v58 =	vor.u32 s1, v63;
	s30 =	rddreg [dreg:$0x4];
	[tilespmem:$0x1FFD0] =	vst v0;
	v0 =	vor.u32 s10, v63;
	s10 =	sadd.s32 $0x960, s6;
	v20 =	vor.u32 s9, v63;
	s9 =	sadd.s32 $0xAA0, s6  }
0x8e: {  	v47 =	vor.u32 s24, v63;
	s24 =	simm.s32 $0x980;
	[tilespmem:$0x1FFE0] =	vst v0;
	v0 =	vor.u32 s25, v63;
	s25 =	sadd.s32 $0x9A0, s6;
	v21 =	vor.u32 s10, v63;
	s10 =	sadd.s32 $0xAB0, s6  }
0x8f: {  	v62 =	vor.u32 s30, v63;
	v41 =	vor.u32 s9, v63;
	s9 =	sadd.s32 $0x1800, s5;
	v25 =	vor.u32 s25, v63;
	s25 =	sadd.s32 $0xB20, s6;
	s6 =	smax.u32 s7, $0x1  }
0x90: {  	[tilespmem:$0x1FFF0] =	vst v0;
	s7 =	sadd.s32 $0x800, s5;
	v43 =	vor.u32 s10, v63;
	s10 =	sadd.s32 $0x2000, s5;
	v50 =	vor.u32 s25, v63;
	s25 =	simm.s32 $0xA00;
	v63 =	vor.u32 s22, v63  }
.LBB2_1:
0x91: {  	[tilespmem:s2], [sflag:$0x3] =	stream.strided.gather [hbm4b:s4+s14], $0x800, s15, s14, $0x38;
	[tilespmem:$0x8C00] =	vst v63  }
0x92: {  	_ =	swait.ge [sflag:s16], $0x800  }
0x93: {  	[sflag:s16] =	ssyncset.done $0x0  }
0x94: {  	v0 =	vld [tilespmem:$0x1F7E0];
	_ =	sdelay $0x3  }
0x95: {  	[sflag:s16] =	ssyncadd.s32 $0xFFFFF800  }
0x96: {  	[tilespmem:$0x810] =	vst v0;
	v0 =	vld [tilespmem:$0x1F7F0];
	_ =	sdelay $0x4  }
0x97: {  	[tilespmem:$0x820] =	vst v0;
	v0 =	vld [tilespmem:$0x1F800];
	_ =	sdelay $0x4  }
0x98: {  	[tilespmem:$0x830] =	vst v0;
	v0 =	vld [tilespmem:$0x1F810];
	_ =	sdelay $0x4  }
0x99: {  	[tilespmem:$0x840] =	vst v0;
	v0 =	vld [tilespmem:$0x1F820];
	_ =	sdelay $0x4  }
0x9a: {  	[tilespmem:$0x850] =	vst v0;
	v0 =	vld [tilespmem:$0x1F830];
	_ =	sdelay $0x4  }
0x9b: {  	[tilespmem:$0x860] =	vst v0;
	v0 =	vld [tilespmem:$0x1F840];
	_ =	sdelay $0x4  }
0x9c: {  	[tilespmem:$0x870] =	vst v0;
	v0 =	vld [tilespmem:$0x1F850];
	_ =	sdelay $0x4  }
0x9d: {  	[tilespmem:$0x880] =	vst v0;
	v0 =	vld [tilespmem:$0x1F860];
	_ =	sdelay $0x4  }
0x9e: {  	[tilespmem:$0x890] =	vst v0;
	v0 =	vld [tilespmem:$0x1F870];
	_ =	sdelay $0x4  }
0x9f: {  	[tilespmem:$0x8A0] =	vst v0;
	v0 =	vld [tilespmem:$0x1F880];
	_ =	sdelay $0x4  }
0xa0: {  	[tilespmem:$0x8B0] =	vst v0;
	v0 =	vld [tilespmem:$0x1F890];
	_ =	sdelay $0x4  }
0xa1: {  	[tilespmem:$0x8C0] =	vst v0;
	v0 =	vld [tilespmem:$0x1F8A0];
	_ =	sdelay $0x4  }
0xa2: {  	[tilespmem:$0x8D0] =	vst v0;
	v0 =	vld [tilespmem:$0x1F8B0];
	_ =	sdelay $0x4  }
0xa3: {  	[tilespmem:$0x8E0] =	vst v0;
	v0 =	vld [tilespmem:$0x1F8C0];
	_ =	sdelay $0x4  }
0xa4: {  	[tilespmem:$0x8F0] =	vst v0;
	v0 =	vld [tilespmem:$0x1F8D0];
	_ =	sdelay $0x4  }
0xa5: {  	[tilespmem:$0x900] =	vst v0;
	v0 =	vld [tilespmem:$0x1F8E0];
	_ =	sdelay $0x4  }
0xa6: {  	[tilespmem:$0x910] =	vst v0;
	v0 =	vld [tilespmem:$0x1F8F0];
	_ =	sdelay $0x4  }
0xa7: {  	[tilespmem:$0x920] =	vst v0;
	v0 =	vld [tilespmem:$0x1F900];
	_ =	sdelay $0x4  }
0xa8: {  	[tilespmem:$0x930] =	vst v0;
	v0 =	vld [tilespmem:$0x1F910];
	_ =	sdelay $0x4  }
0xa9: {  	[tilespmem:$0x940] =	vst v0;
	v0 =	vld [tilespmem:$0x1F920];
	_ =	sdelay $0x4  }
0xaa: {  	[tilespmem:$0x950] =	vst v0;
	v0 =	vld [tilespmem:$0x1F930];
	_ =	sdelay $0x4  }
0xab: {  	[tilespmem:$0x960] =	vst v0;
	v0 =	vld [tilespmem:$0x1F940];
	_ =	sdelay $0x4  }
0xac: {  	[tilespmem:$0x970] =	vst v0;
	v0 =	vld [tilespmem:$0x1F950];
	_ =	sdelay $0x4  }
0xad: {  	[tilespmem:$0x980] =	vst v0;
	v0 =	vld [tilespmem:$0x1F960];
	_ =	sdelay $0x4  }
0xae: {  	[tilespmem:$0x990] =	vst v0;
	v0 =	vld [tilespmem:$0x1F970];
	_ =	sdelay $0x4  }
0xaf: {  	[tilespmem:$0x9A0] =	vst v0;
	v0 =	vld [tilespmem:$0x1F980];
	_ =	sdelay $0x4  }
0xb0: {  	[tilespmem:$0x9B0] =	vst v0;
	v0 =	vld [tilespmem:$0x1F990];
	_ =	sdelay $0x4  }
0xb1: {  	[tilespmem:$0x9C0] =	vst v0;
	v0 =	vld [tilespmem:$0x1F9A0];
	_ =	sdelay $0x4  }
0xb2: {  	[tilespmem:$0x9D0] =	vst v0;
	v0 =	vld [tilespmem:$0x1F9B0];
	_ =	sdelay $0x4  }
0xb3: {  	[tilespmem:$0x9E0] =	vst v0;
	v0 =	vld [tilespmem:$0x1F9C0];
	_ =	sdelay $0x4  }
0xb4: {  	[tilespmem:$0x9F0] =	vst v0;
	v0 =	vld [tilespmem:$0x1F9D0];
	_ =	sdelay $0x4  }
0xb5: {  	[tilespmem:$0xA00] =	vst v0;
	v0 =	vld [tilespmem:$0x1F9E0];
	_ =	sdelay $0x4  }
0xb6: {  	[tilespmem:$0xA10] =	vst v0;
	v0 =	vld [tilespmem:$0x1F9F0];
	_ =	sdelay $0x4  }
0xb7: {  	[tilespmem:$0xA20] =	vst v0;
	v0 =	vld [tilespmem:$0x1FA00];
	_ =	sdelay $0x4  }
0xb8: {  	[tilespmem:$0xA30] =	vst v0;
	v0 =	vld [tilespmem:$0x1FA10];
	_ =	sdelay $0x4  }
0xb9: {  	[tilespmem:$0xA40] =	vst v0;
	v0 =	vld [tilespmem:$0x1FA20];
	_ =	sdelay $0x4  }
0xba: {  	[tilespmem:$0xA50] =	vst v0;
	v0 =	vld [tilespmem:$0x1FA30];
	_ =	sdelay $0x4  }
0xbb: {  	[tilespmem:$0xA60] =	vst v0;
	v0 =	vld [tilespmem:$0x1FA40];
	_ =	sdelay $0x4  }
0xbc: {  	[tilespmem:$0xA70] =	vst v0;
	v0 =	vld [tilespmem:$0x1FA50];
	_ =	sdelay $0x4  }
0xbd: {  	[tilespmem:$0xA80] =	vst v0;
	v0 =	vld [tilespmem:$0x1FA60];
	_ =	sdelay $0x4  }
0xbe: {  	[tilespmem:$0xA90] =	vst v0;
	v0 =	vld [tilespmem:$0x1FA70];
	_ =	sdelay $0x4  }
0xbf: {  	[tilespmem:$0xAA0] =	vst v0;
	v0 =	vld [tilespmem:$0x1FA80];
	_ =	sdelay $0x4  }
0xc0: {  	[tilespmem:$0xAB0] =	vst v0;
	v0 =	vld [tilespmem:$0x1FA90];
	_ =	sdelay $0x4  }
0xc1: {  	[tilespmem:$0xAC0] =	vst v0;
	v0 =	vld [tilespmem:$0x1FAA0]  }
0xc2: {  	v1 =	vld [tilespmem:$0x1FB30];
	_ =	sdelay $0x3  }
0xc3: {  	[tilespmem:$0xAD0] =	vst v0;
	v0 =	vld [tilespmem:$0x1FAB0]  }
0xc4: {  	[tilespmem:$0xB60] =	vst v1;
	v1 =	vld [tilespmem:$0x1FB40];
	_ =	sdelay $0x3  }
0xc5: {  	[tilespmem:$0xAE0] =	vst v0;
	v0 =	vld [tilespmem:$0x1FAC0]  }
0xc6: {  	[tilespmem:$0xB70] =	vst v1;
	v1 =	vld [tilespmem:$0x1FB50];
	_ =	sdelay $0x3  }
0xc7: {  	[tilespmem:$0xAF0] =	vst v0;
	v0 =	vld [tilespmem:$0x1FAD0]  }
0xc8: {  	[tilespmem:$0xB80] =	vst v1;
	v1 =	vld [tilespmem:$0x1FB60];
	_ =	sdelay $0x3  }
0xc9: {  	[tilespmem:$0xB00] =	vst v0;
	v0 =	vld [tilespmem:$0x1FAE0]  }
0xca: {  	[tilespmem:$0xB90] =	vst v1;
	v1 =	vld [tilespmem:$0x1FB70];
	_ =	sdelay $0x3  }
0xcb: {  	[tilespmem:$0xB10] =	vst v0;
	v0 =	vld [tilespmem:$0x1FAF0]  }
0xcc: {  	[tilespmem:$0xBA0] =	vst v1;
	v1 =	vld [tilespmem:$0x1FB80];
	_ =	sdelay $0x3  }
0xcd: {  	[tilespmem:$0xB20] =	vst v0;
	v0 =	vld [tilespmem:$0x1FB00]  }
0xce: {  	[tilespmem:$0xBB0] =	vst v1;
	v1 =	vld [tilespmem:$0x1FB90];
	_ =	sdelay $0x3  }
0xcf: {  	[tilespmem:$0xB30] =	vst v0;
	v0 =	vld [tilespmem:$0x1FB10]  }
0xd0: {  	[tilespmem:$0xBC0] =	vst v1;
	v1 =	vld [tilespmem:$0x1FBA0];
	_ =	sdelay $0x3  }
0xd1: {  	[tilespmem:$0xB40] =	vst v0;
	v0 =	vld [tilespmem:$0x1FB20]  }
0xd2: {  	[tilespmem:$0xBD0] =	vst v1;
	v1 =	vld [tilespmem:$0x1FBB0];
	_ =	sdelay $0x3  }
0xd3: {  	[tilespmem:$0xB50] =	vst v0;
	v0 =	vld [tilespmem:$0x0]  }
0xd4: {  	[tilespmem:$0xBE0] =	vst v1;
	v1 =	vld [tilespmem:$0x1FBC0];
	_ =	sdelay $0x3  }
0xd5: {  	vm0 =	vlt.s32 v0, $0x400  }
0xd6: {  	[tilespmem:$0xBF0] =	vst v1;
	v1 =	vld [tilespmem:$0x1FBD0];
	v0 =	vnsel vm0, $0x0, v0;
	_ =	sdelay $0x3  }
0xd7: {  	[tilespmem:$0x800] =	vst v42  }
0xd8: {  	[tilespmem:v0+s17+$0x0] =	vst.idx.msk vm0, v1  }
0xd9: {  	v0 =	vld [tilespmem:$0x10];
	_ =	sdelay $0x4  }
0xda: {  	vm9 =	vlt.s32 v0, $0x400  }
0xdb: {  	v1 =	vld [tilespmem:$0x1FBE0];
	v0 =	vnsel vm9, $0x0, v0;
	_ =	sdelay $0x4  }
0xdc: {  	[tilespmem:v0+s17+$0x0] =	vst.idx.msk vm9, v1  }
0xdd: {  	v0 =	vld [tilespmem:$0x20];
	_ =	sdelay $0x4  }
0xde: {  	vm10 =	vlt.s32 v0, $0x400  }
0xdf: {  	v1 =	vld [tilespmem:$0x1FBF0];
	v0 =	vnsel vm10, $0x0, v0;
	_ =	sdelay $0x4  }
0xe0: {  	[tilespmem:v0+s17+$0x0] =	vst.idx.msk vm10, v1  }
0xe1: {  	v0 =	vld [tilespmem:$0x30];
	_ =	sdelay $0x4  }
0xe2: {  	vm11 =	vlt.s32 v0, $0x400  }
0xe3: {  	v1 =	vld [tilespmem:$0x1FC00];
	v0 =	vnsel vm11, $0x0, v0;
	_ =	sdelay $0x4  }
0xe4: {  	[tilespmem:v0+s17+$0x0] =	vst.idx.msk vm11, v1  }
0xe5: {  	v0 =	vld [tilespmem:$0x40];
	_ =	sdelay $0x4  }
0xe6: {  	vm12 =	vlt.s32 v0, $0x400  }
0xe7: {  	v1 =	vld [tilespmem:$0x1FC10];
	v0 =	vnsel vm12, $0x0, v0;
	_ =	sdelay $0x4  }
0xe8: {  	[tilespmem:v0+s17+$0x0] =	vst.idx.msk vm12, v1  }
0xe9: {  	v0 =	vld [tilespmem:$0x50];
	_ =	sdelay $0x4  }
0xea: {  	vm13 =	vlt.s32 v0, $0x400  }
0xeb: {  	v1 =	vld [tilespmem:$0x1FC20];
	v0 =	vnsel vm13, $0x0, v0;
	_ =	sdelay $0x4  }
0xec: {  	[tilespmem:v0+s17+$0x0] =	vst.idx.msk vm13, v1  }
0xed: {  	v0 =	vld [tilespmem:$0x60];
	_ =	sdelay $0x4  }
0xee: {  	vm14 =	vlt.s32 v0, $0x400  }
0xef: {  	v1 =	vld [tilespmem:$0x1FC30];
	v0 =	vnsel vm14, $0x0, v0;
	_ =	sdelay $0x4  }
0xf0: {  	[tilespmem:v0+s17+$0x0] =	vst.idx.msk vm14, v1  }
0xf1: {  	v0 =	vld [tilespmem:$0x70];
	_ =	sdelay $0x4  }
0xf2: {  	vm15 =	vlt.s32 v0, $0x400  }
0xf3: {  	v1 =	vld [tilespmem:$0x1FC40];
	v0 =	vnsel vm15, $0x0, v0;
	_ =	sdelay $0x4  }
0xf4: {  	[tilespmem:v0+s17+$0x0] =	vst.idx.msk vm15, v1  }
0xf5: {  	v0 =	vld [tilespmem:$0x80];
	_ =	sdelay $0x4  }
0xf6: {  	vm4 =	vlt.s32 v0, $0x400  }
0xf7: {  	v1 =	vld [tilespmem:$0x1FC50];
	v0 =	vnsel vm4, $0x0, v0;
	_ =	sdelay $0x4  }
0xf8: {  	[tilespmem:v0+s17+$0x0] =	vst.idx.msk vm4, v1  }
0xf9: {  	v0 =	vld [tilespmem:$0x90];
	_ =	sdelay $0x4  }
0xfa: {  	vm5 =	vlt.s32 v0, $0x400  }
0xfb: {  	v1 =	vld [tilespmem:$0x1FC60];
	v0 =	vnsel vm5, $0x0, v0;
	_ =	sdelay $0x4  }
0xfc: {  	[tilespmem:v0+s17+$0x0] =	vst.idx.msk vm5, v1  }
0xfd: {  	v0 =	vld [tilespmem:$0xA0];
	_ =	sdelay $0x4  }
0xfe: {  	vm6 =	vlt.s32 v0, $0x400  }
0xff: {  	v1 =	vld [tilespmem:$0x1FC70];
	v0 =	vnsel vm6, $0x0, v0;
	_ =	sdelay $0x4  }
0x100: {  	[tilespmem:v0+s17+$0x0] =	vst.idx.msk vm6, v1  }
0x101: {  	v0 =	vld [tilespmem:$0xB0];
	_ =	sdelay $0x4  }
0x102: {  	vm7 =	vlt.s32 v0, $0x400  }
0x103: {  	v1 =	vld [tilespmem:$0x1FC80];
	v0 =	vnsel vm7, $0x0, v0;
	_ =	sdelay $0x4  }
0x104: {  	[tilespmem:v0+s17+$0x0] =	vst.idx.msk vm7, v1  }
0x105: {  	v0 =	vld [tilespmem:$0xC0];
	_ =	sdelay $0x4  }
0x106: {  	vm8 =	vlt.s32 v0, $0x400  }
0x107: {  	v1 =	vld [tilespmem:$0x1FC90];
	v0 =	vnsel vm8, $0x0, v0;
	_ =	sdelay $0x4  }
0x108: {  	[tilespmem:v0+s17+$0x0] =	vst.idx.msk vm8, v1  }
0x109: {  	v0 =	vld [tilespmem:$0xD0];
	_ =	sdelay $0x4  }
0x10a: {  	vm9 =	vlt.s32 v0, $0x400  }
0x10b: {  	v1 =	vld [tilespmem:$0x1FCA0];
	v0 =	vnsel vm9, $0x0, v0;
	_ =	sdelay $0x4  }
0x10c: {  	[tilespmem:v0+s17+$0x0] =	vst.idx.msk vm9, v1  }
0x10d: {  	v0 =	vld [tilespmem:$0xE0];
	_ =	sdelay $0x4  }
0x10e: {  	vm10 =	vlt.s32 v0, $0x400  }
0x10f: {  	v1 =	vld [tilespmem:$0x1FCB0];
	v0 =	vnsel vm10, $0x0, v0;
	_ =	sdelay $0x4  }
0x110: {  	[tilespmem:v0+s17+$0x0] =	vst.idx.msk vm10, v1  }
0x111: {  	v0 =	vld [tilespmem:$0xF0];
	_ =	sdelay $0x4  }
0x112: {  	vm11 =	vlt.s32 v0, $0x400  }
0x113: {  	v1 =	vld [tilespmem:$0x1FCC0];
	v0 =	vnsel vm11, $0x0, v0;
	_ =	sdelay $0x4  }
0x114: {  	[tilespmem:v0+s17+$0x0] =	vst.idx.msk vm11, v1  }
0x115: {  	v0 =	vld [tilespmem:$0x100];
	_ =	sdelay $0x4  }
0x116: {  	vm12 =	vlt.s32 v0, $0x400  }
0x117: {  	v1 =	vld [tilespmem:$0x1FCD0];
	v0 =	vnsel vm12, $0x0, v0;
	_ =	sdelay $0x4  }
0x118: {  	[tilespmem:v0+s17+$0x0] =	vst.idx.msk vm12, v1  }
0x119: {  	v0 =	vld [tilespmem:$0x110];
	_ =	sdelay $0x4  }
0x11a: {  	vm13 =	vlt.s32 v0, $0x400  }
0x11b: {  	v1 =	vld [tilespmem:$0x1FCE0];
	v0 =	vnsel vm13, $0x0, v0;
	_ =	sdelay $0x4  }
0x11c: {  	[tilespmem:v0+s17+$0x0] =	vst.idx.msk vm13, v1  }
0x11d: {  	v0 =	vld [tilespmem:$0x120];
	_ =	sdelay $0x4  }
0x11e: {  	vm14 =	vlt.s32 v0, $0x400  }
0x11f: {  	v1 =	vld [tilespmem:$0x1FCF0];
	v0 =	vnsel vm14, $0x0, v0;
	_ =	sdelay $0x4  }
0x120: {  	[tilespmem:v0+s17+$0x0] =	vst.idx.msk vm14, v1  }
0x121: {  	v0 =	vld [tilespmem:$0x130];
	_ =	sdelay $0x4  }
0x122: {  	vm15 =	vlt.s32 v0, $0x400  }
0x123: {  	v1 =	vld [tilespmem:$0x1FD00];
	v0 =	vnsel vm15, $0x0, v0;
	_ =	sdelay $0x4  }
0x124: {  	[tilespmem:v0+s17+$0x0] =	vst.idx.msk vm15, v1  }
0x125: {  	v0 =	vld [tilespmem:$0x140];
	_ =	sdelay $0x4  }
0x126: {  	vm4 =	vlt.s32 v0, $0x400  }
0x127: {  	v1 =	vld [tilespmem:$0x1FD10];
	v0 =	vnsel vm4, $0x0, v0;
	_ =	sdelay $0x4  }
0x128: {  	[tilespmem:v0+s17+$0x0] =	vst.idx.msk vm4, v1  }
0x129: {  	v0 =	vld [tilespmem:$0x150];
	_ =	sdelay $0x4  }
0x12a: {  	vm5 =	vlt.s32 v0, $0x400  }
0x12b: {  	v1 =	vld [tilespmem:$0x1FD20];
	v0 =	vnsel vm5, $0x0, v0;
	_ =	sdelay $0x4  }
0x12c: {  	[tilespmem:v0+s17+$0x0] =	vst.idx.msk vm5, v1  }
0x12d: {  	v0 =	vld [tilespmem:$0x160];
	_ =	sdelay $0x4  }
0x12e: {  	vm6 =	vlt.s32 v0, $0x400  }
0x12f: {  	v1 =	vld [tilespmem:$0x1FD30];
	v0 =	vnsel vm6, $0x0, v0;
	_ =	sdelay $0x4  }
0x130: {  	[tilespmem:v0+s17+$0x0] =	vst.idx.msk vm6, v1  }
0x131: {  	v0 =	vld [tilespmem:$0x170];
	_ =	sdelay $0x4  }
0x132: {  	vm7 =	vlt.s32 v0, $0x400  }
0x133: {  	v1 =	vld [tilespmem:$0x1FD40];
	v0 =	vnsel vm7, $0x0, v0;
	_ =	sdelay $0x4  }
0x134: {  	[tilespmem:v0+s17+$0x0] =	vst.idx.msk vm7, v1  }
0x135: {  	v0 =	vld [tilespmem:$0x180];
	_ =	sdelay $0x4  }
0x136: {  	vm8 =	vlt.s32 v0, $0x400  }
0x137: {  	v1 =	vld [tilespmem:$0x1FD50];
	v0 =	vnsel vm8, $0x0, v0;
	_ =	sdelay $0x4  }
0x138: {  	[tilespmem:v0+s17+$0x0] =	vst.idx.msk vm8, v1  }
0x139: {  	v0 =	vld [tilespmem:$0x190];
	_ =	sdelay $0x4  }
0x13a: {  	vm9 =	vlt.s32 v0, $0x400  }
0x13b: {  	v1 =	vld [tilespmem:$0x1FD60];
	v0 =	vnsel vm9, $0x0, v0;
	_ =	sdelay $0x4  }
0x13c: {  	[tilespmem:v0+s17+$0x0] =	vst.idx.msk vm9, v1  }
0x13d: {  	v0 =	vld [tilespmem:$0x1A0];
	_ =	sdelay $0x4  }
0x13e: {  	vm10 =	vlt.s32 v0, $0x400  }
0x13f: {  	v1 =	vld [tilespmem:$0x1FD70];
	v0 =	vnsel vm10, $0x0, v0;
	_ =	sdelay $0x4  }
0x140: {  	[tilespmem:v0+s17+$0x0] =	vst.idx.msk vm10, v1  }
0x141: {  	v0 =	vld [tilespmem:$0x1B0];
	_ =	sdelay $0x4  }
0x142: {  	vm11 =	vlt.s32 v0, $0x400  }
0x143: {  	v1 =	vld [tilespmem:$0x1FD80];
	v0 =	vnsel vm11, $0x0, v0;
	_ =	sdelay $0x4  }
0x144: {  	[tilespmem:v0+s17+$0x0] =	vst.idx.msk vm11, v1  }
0x145: {  	v0 =	vld [tilespmem:$0x1C0];
	_ =	sdelay $0x4  }
0x146: {  	vm12 =	vlt.s32 v0, $0x400  }
0x147: {  	v1 =	vld [tilespmem:$0x1FD90];
	v0 =	vnsel vm12, $0x0, v0;
	_ =	sdelay $0x4  }
0x148: {  	[tilespmem:v0+s17+$0x0] =	vst.idx.msk vm12, v1  }
0x149: {  	v0 =	vld [tilespmem:$0x1D0];
	_ =	sdelay $0x4  }
0x14a: {  	vm13 =	vlt.s32 v0, $0x400  }
0x14b: {  	v1 =	vld [tilespmem:$0x1FDA0];
	v0 =	vnsel vm13, $0x0, v0;
	_ =	sdelay $0x4  }
0x14c: {  	[tilespmem:v0+s17+$0x0] =	vst.idx.msk vm13, v1  }
0x14d: {  	v0 =	vld [tilespmem:$0x1E0];
	_ =	sdelay $0x4  }
0x14e: {  	vm14 =	vlt.s32 v0, $0x400  }
0x14f: {  	v1 =	vld [tilespmem:$0x1FDB0];
	v0 =	vnsel vm14, $0x0, v0;
	_ =	sdelay $0x4  }
0x150: {  	[tilespmem:v0+s17+$0x0] =	vst.idx.msk vm14, v1  }
0x151: {  	v0 =	vld [tilespmem:$0x1F0];
	_ =	sdelay $0x4  }
0x152: {  	vm15 =	vlt.s32 v0, $0x400  }
0x153: {  	v1 =	vld [tilespmem:$0x1FDC0];
	v0 =	vnsel vm15, $0x0, v0;
	_ =	sdelay $0x4  }
0x154: {  	[tilespmem:v0+s17+$0x0] =	vst.idx.msk vm15, v1  }
0x155: {  	v0 =	vld [tilespmem:$0x200];
	_ =	sdelay $0x4  }
0x156: {  	vm4 =	vlt.s32 v0, $0x400  }
0x157: {  	v1 =	vld [tilespmem:$0x1FDD0];
	v0 =	vnsel vm4, $0x0, v0;
	_ =	sdelay $0x4  }
0x158: {  	[tilespmem:v0+s17+$0x0] =	vst.idx.msk vm4, v1  }
0x159: {  	v0 =	vld [tilespmem:$0x210];
	_ =	sdelay $0x4  }
0x15a: {  	vm5 =	vlt.s32 v0, $0x400  }
0x15b: {  	v1 =	vld [tilespmem:$0x1FDE0];
	v0 =	vnsel vm5, $0x0, v0;
	_ =	sdelay $0x4  }
0x15c: {  	[tilespmem:v0+s17+$0x0] =	vst.idx.msk vm5, v1  }
0x15d: {  	v0 =	vld [tilespmem:$0x220];
	_ =	sdelay $0x4  }
0x15e: {  	vm6 =	vlt.s32 v0, $0x400  }
0x15f: {  	v1 =	vld [tilespmem:$0x1FDF0];
	v0 =	vnsel vm6, $0x0, v0;
	_ =	sdelay $0x4  }
0x160: {  	[tilespmem:v0+s17+$0x0] =	vst.idx.msk vm6, v1  }
0x161: {  	v0 =	vld [tilespmem:$0x230];
	_ =	sdelay $0x4  }
0x162: {  	vm7 =	vlt.s32 v0, $0x400  }
0x163: {  	v1 =	vld [tilespmem:$0x1FE00];
	v0 =	vnsel vm7, $0x0, v0;
	_ =	sdelay $0x4  }
0x164: {  	[tilespmem:v0+s17+$0x0] =	vst.idx.msk vm7, v1  }
0x165: {  	v0 =	vld [tilespmem:$0x240];
	_ =	sdelay $0x4  }
0x166: {  	vm8 =	vlt.s32 v0, $0x400  }
0x167: {  	v1 =	vld [tilespmem:$0x1FE10];
	v0 =	vnsel vm8, $0x0, v0;
	_ =	sdelay $0x4  }
0x168: {  	[tilespmem:v0+s17+$0x0] =	vst.idx.msk vm8, v1  }
0x169: {  	v0 =	vld [tilespmem:$0x250];
	_ =	sdelay $0x4  }
0x16a: {  	vm9 =	vlt.s32 v0, $0x400  }
0x16b: {  	v1 =	vld [tilespmem:$0x1FE20];
	v0 =	vnsel vm9, $0x0, v0;
	_ =	sdelay $0x4  }
0x16c: {  	[tilespmem:v0+s17+$0x0] =	vst.idx.msk vm9, v1  }
0x16d: {  	v0 =	vld [tilespmem:$0x260];
	_ =	sdelay $0x4  }
0x16e: {  	vm10 =	vlt.s32 v0, $0x400  }
0x16f: {  	v1 =	vld [tilespmem:$0x1FE30];
	v0 =	vnsel vm10, $0x0, v0;
	_ =	sdelay $0x4  }
0x170: {  	[tilespmem:v0+s17+$0x0] =	vst.idx.msk vm10, v1  }
0x171: {  	v0 =	vld [tilespmem:$0x270];
	_ =	sdelay $0x4  }
0x172: {  	vm11 =	vlt.s32 v0, $0x400  }
0x173: {  	v1 =	vld [tilespmem:$0x1FE40];
	v0 =	vnsel vm11, $0x0, v0;
	_ =	sdelay $0x4  }
0x174: {  	[tilespmem:v0+s17+$0x0] =	vst.idx.msk vm11, v1  }
0x175: {  	v0 =	vld [tilespmem:$0x280];
	_ =	sdelay $0x4  }
0x176: {  	vm12 =	vlt.s32 v0, $0x400  }
0x177: {  	v1 =	vld [tilespmem:$0x1FE50];
	v0 =	vnsel vm12, $0x0, v0;
	_ =	sdelay $0x4  }
0x178: {  	[tilespmem:v0+s17+$0x0] =	vst.idx.msk vm12, v1  }
0x179: {  	v0 =	vld [tilespmem:$0x290];
	_ =	sdelay $0x4  }
0x17a: {  	vm13 =	vlt.s32 v0, $0x400  }
0x17b: {  	v1 =	vld [tilespmem:$0x1FE60];
	v0 =	vnsel vm13, $0x0, v0;
	_ =	sdelay $0x4  }
0x17c: {  	[tilespmem:v0+s17+$0x0] =	vst.idx.msk vm13, v1  }
0x17d: {  	v0 =	vld [tilespmem:$0x2A0];
	_ =	sdelay $0x4  }
0x17e: {  	vm14 =	vlt.s32 v0, $0x400  }
0x17f: {  	v1 =	vld [tilespmem:$0x1FE70];
	v0 =	vnsel vm14, $0x0, v0;
	_ =	sdelay $0x4  }
0x180: {  	[tilespmem:v0+s17+$0x0] =	vst.idx.msk vm14, v1  }
0x181: {  	v0 =	vld [tilespmem:$0x2B0];
	_ =	sdelay $0x4  }
0x182: {  	vm15 =	vlt.s32 v0, $0x400  }
0x183: {  	v1 =	vld [tilespmem:$0x1FE80];
	v0 =	vnsel vm15, $0x0, v0;
	_ =	sdelay $0x4  }
0x184: {  	[tilespmem:v0+s17+$0x0] =	vst.idx.msk vm15, v1  }
0x185: {  	v0 =	vld [tilespmem:$0x2C0];
	_ =	sdelay $0x4  }
0x186: {  	vm4 =	vlt.s32 v0, $0x400  }
0x187: {  	v1 =	vld [tilespmem:$0x1FE90];
	v0 =	vnsel vm4, $0x0, v0;
	_ =	sdelay $0x4  }
0x188: {  	[tilespmem:v0+s17+$0x0] =	vst.idx.msk vm4, v1  }
0x189: {  	v0 =	vld [tilespmem:$0x2D0];
	_ =	sdelay $0x4  }
0x18a: {  	vm5 =	vlt.s32 v0, $0x400  }
0x18b: {  	v1 =	vld [tilespmem:$0x1FEA0];
	v0 =	vnsel vm5, $0x0, v0;
	_ =	sdelay $0x4  }
0x18c: {  	[tilespmem:v0+s17+$0x0] =	vst.idx.msk vm5, v1  }
0x18d: {  	v0 =	vld [tilespmem:$0x2E0];
	_ =	sdelay $0x4  }
0x18e: {  	vm6 =	vlt.s32 v0, $0x400  }
0x18f: {  	v1 =	vld [tilespmem:$0x1FEB0];
	v0 =	vnsel vm6, $0x0, v0;
	_ =	sdelay $0x4  }
0x190: {  	[tilespmem:v0+s17+$0x0] =	vst.idx.msk vm6, v1  }
0x191: {  	v0 =	vld [tilespmem:$0x2F0];
	_ =	sdelay $0x4  }
0x192: {  	vm7 =	vlt.s32 v0, $0x400  }
0x193: {  	v1 =	vld [tilespmem:$0x1FEC0];
	v0 =	vnsel vm7, $0x0, v0;
	_ =	sdelay $0x4  }
0x194: {  	[tilespmem:v0+s17+$0x0] =	vst.idx.msk vm7, v1  }
0x195: {  	v0 =	vld [tilespmem:$0x300];
	_ =	sdelay $0x4  }
0x196: {  	vm8 =	vlt.s32 v0, $0x400  }
0x197: {  	v1 =	vld [tilespmem:$0x1FED0];
	v0 =	vnsel vm8, $0x0, v0;
	_ =	sdelay $0x4  }
0x198: {  	[tilespmem:v0+s17+$0x0] =	vst.idx.msk vm8, v1  }
0x199: {  	v0 =	vld [tilespmem:$0x310];
	_ =	sdelay $0x4  }
0x19a: {  	vm9 =	vlt.s32 v0, $0x400  }
0x19b: {  	v1 =	vld [tilespmem:$0x1FEE0];
	v0 =	vnsel vm9, $0x0, v0;
	_ =	sdelay $0x4  }
0x19c: {  	[tilespmem:v0+s17+$0x0] =	vst.idx.msk vm9, v1  }
0x19d: {  	v0 =	vld [tilespmem:$0x320];
	_ =	sdelay $0x4  }
0x19e: {  	vm10 =	vlt.s32 v0, $0x400  }
0x19f: {  	v1 =	vld [tilespmem:$0x1FEF0];
	v0 =	vnsel vm10, $0x0, v0;
	_ =	sdelay $0x4  }
0x1a0: {  	[tilespmem:v0+s17+$0x0] =	vst.idx.msk vm10, v1  }
0x1a1: {  	v0 =	vld [tilespmem:$0x330];
	_ =	sdelay $0x4  }
0x1a2: {  	vm11 =	vlt.s32 v0, $0x400  }
0x1a3: {  	v1 =	vld [tilespmem:$0x1FF00];
	v0 =	vnsel vm11, $0x0, v0;
	_ =	sdelay $0x4  }
0x1a4: {  	[tilespmem:v0+s17+$0x0] =	vst.idx.msk vm11, v1  }
0x1a5: {  	v0 =	vld [tilespmem:$0x340];
	_ =	sdelay $0x4  }
0x1a6: {  	vm12 =	vlt.s32 v0, $0x400  }
0x1a7: {  	v1 =	vld [tilespmem:$0x1FF10];
	v0 =	vnsel vm12, $0x0, v0;
	_ =	sdelay $0x4  }
0x1a8: {  	[tilespmem:v0+s17+$0x0] =	vst.idx.msk vm12, v1  }
0x1a9: {  	v0 =	vld [tilespmem:$0x350];
	_ =	sdelay $0x4  }
0x1aa: {  	vm13 =	vlt.s32 v0, $0x400  }
0x1ab: {  	v1 =	vld [tilespmem:$0x1FF20];
	v0 =	vnsel vm13, $0x0, v0;
	_ =	sdelay $0x4  }
0x1ac: {  	[tilespmem:v0+s17+$0x0] =	vst.idx.msk vm13, v1  }
0x1ad: {  	v0 =	vld [tilespmem:$0x360];
	_ =	sdelay $0x4  }
0x1ae: {  	vm14 =	vlt.s32 v0, $0x400  }
0x1af: {  	v1 =	vld [tilespmem:$0x1FF30];
	v0 =	vnsel vm14, $0x0, v0;
	_ =	sdelay $0x4  }
0x1b0: {  	[tilespmem:v0+s17+$0x0] =	vst.idx.msk vm14, v1  }
0x1b1: {  	v0 =	vld [tilespmem:$0x370];
	_ =	sdelay $0x4  }
0x1b2: {  	vm15 =	vlt.s32 v0, $0x400  }
0x1b3: {  	v1 =	vld [tilespmem:$0x1FF40];
	v0 =	vnsel vm15, $0x0, v0;
	_ =	sdelay $0x4  }
0x1b4: {  	[tilespmem:v0+s17+$0x0] =	vst.idx.msk vm15, v1  }
0x1b5: {  	v0 =	vld [tilespmem:$0x380];
	_ =	sdelay $0x4  }
0x1b6: {  	vm4 =	vlt.s32 v0, $0x400  }
0x1b7: {  	v1 =	vld [tilespmem:$0x1FF50];
	v0 =	vnsel vm4, $0x0, v0;
	_ =	sdelay $0x4  }
0x1b8: {  	[tilespmem:v0+s17+$0x0] =	vst.idx.msk vm4, v1  }
0x1b9: {  	v0 =	vld [tilespmem:$0x390];
	_ =	sdelay $0x4  }
0x1ba: {  	vm5 =	vlt.s32 v0, $0x400  }
0x1bb: {  	v1 =	vld [tilespmem:$0x1FF60];
	v0 =	vnsel vm5, $0x0, v0;
	_ =	sdelay $0x4  }
0x1bc: {  	[tilespmem:v0+s17+$0x0] =	vst.idx.msk vm5, v1  }
0x1bd: {  	v0 =	vld [tilespmem:$0x3A0];
	_ =	sdelay $0x4  }
0x1be: {  	vm6 =	vlt.s32 v0, $0x400  }
0x1bf: {  	v1 =	vld [tilespmem:$0x1FF70];
	v0 =	vnsel vm6, $0x0, v0;
	_ =	sdelay $0x4  }
0x1c0: {  	[tilespmem:v0+s17+$0x0] =	vst.idx.msk vm6, v1  }
0x1c1: {  	v0 =	vld [tilespmem:$0x3B0];
	_ =	sdelay $0x4  }
0x1c2: {  	vm7 =	vlt.s32 v0, $0x400  }
0x1c3: {  	v1 =	vld [tilespmem:$0x1FF80];
	v0 =	vnsel vm7, $0x0, v0;
	_ =	sdelay $0x4  }
0x1c4: {  	[tilespmem:v0+s17+$0x0] =	vst.idx.msk vm7, v1  }
0x1c5: {  	v0 =	vld [tilespmem:$0x3C0];
	_ =	sdelay $0x4  }
0x1c6: {  	vm8 =	vlt.s32 v0, $0x400  }
0x1c7: {  	v1 =	vld [tilespmem:$0x1FF90];
	v0 =	vnsel vm8, $0x0, v0;
	_ =	sdelay $0x4  }
0x1c8: {  	[tilespmem:v0+s17+$0x0] =	vst.idx.msk vm8, v1  }
0x1c9: {  	v0 =	vld [tilespmem:$0x3D0];
	_ =	sdelay $0x4  }
0x1ca: {  	vm9 =	vlt.s32 v0, $0x400  }
0x1cb: {  	v1 =	vld [tilespmem:$0x1FFA0];
	v0 =	vnsel vm9, $0x0, v0;
	_ =	sdelay $0x4  }
0x1cc: {  	[tilespmem:v0+s17+$0x0] =	vst.idx.msk vm9, v1  }
0x1cd: {  	v0 =	vld [tilespmem:$0x3E0];
	_ =	sdelay $0x4  }
0x1ce: {  	vm10 =	vlt.s32 v0, $0x400  }
0x1cf: {  	v1 =	vld [tilespmem:$0x1FFB0];
	v0 =	vnsel vm10, $0x0, v0;
	_ =	sdelay $0x4  }
0x1d0: {  	[tilespmem:v0+s17+$0x0] =	vst.idx.msk vm10, v1  }
0x1d1: {  	v0 =	vld [tilespmem:$0x3F0];
	_ =	sdelay $0x4  }
0x1d2: {  	vm11 =	vlt.s32 v0, $0x400  }
0x1d3: {  	v1 =	vld [tilespmem:$0x1FFC0];
	v0 =	vnsel vm11, $0x0, v0;
	_ =	sdelay $0x4  }
0x1d4: {  	[tilespmem:v0+s17+$0x0] =	vst.idx.msk vm11, v1  }
0x1d5: {  	v0 =	vld [tilespmem:$0x400];
	_ =	sdelay $0x4  }
0x1d6: {  	vm12 =	vlt.s32 v0, $0x400  }
0x1d7: {  	v1 =	vld [tilespmem:$0x1FFD0];
	v0 =	vnsel vm12, $0x0, v0;
	_ =	sdelay $0x4  }
0x1d8: {  	[tilespmem:v0+s17+$0x0] =	vst.idx.msk vm12, v1  }
0x1d9: {  	v0 =	vld [tilespmem:$0x410];
	_ =	sdelay $0x4  }
0x1da: {  	vm13 =	vlt.s32 v0, $0x400  }
0x1db: {  	v1 =	vld [tilespmem:$0x1FFE0];
	v0 =	vnsel vm13, $0x0, v0;
	_ =	sdelay $0x4  }
0x1dc: {  	[tilespmem:v0+s17+$0x0] =	vst.idx.msk vm13, v1  }
0x1dd: {  	v0 =	vld [tilespmem:$0x420];
	_ =	sdelay $0x4  }
0x1de: {  	vm14 =	vlt.s32 v0, $0x400  }
0x1df: {  	v1 =	vld [tilespmem:$0x1FFF0];
	v0 =	vnsel vm14, $0x0, v0;
	_ =	sdelay $0x4  }
0x1e0: {  	[tilespmem:v0+s17+$0x0] =	vst.idx.msk vm14, v1  }
0x1e1: {  	v0 =	vld [tilespmem:$0x430];
	_ =	sdelay $0x4  }
0x1e2: {  	vm15 =	vlt.s32 v0, $0x400  }
0x1e3: {  	v0 =	vnsel vm15, $0x0, v0;
	_ =	sdelay $0x4  }
0x1e4: {  	[tilespmem:v0+s17+$0x0] =	vst.idx.msk vm15, v2  }
0x1e5: {  	v0 =	vld [tilespmem:$0x440];
	_ =	sdelay $0x4  }
0x1e6: {  	vm4 =	vlt.s32 v0, $0x400  }
0x1e7: {  	v0 =	vnsel vm4, $0x0, v0;
	_ =	sdelay $0x4  }
0x1e8: {  	[tilespmem:v0+s17+$0x0] =	vst.idx.msk vm4, v3  }
0x1e9: {  	v0 =	vld [tilespmem:$0x450];
	_ =	sdelay $0x4  }
0x1ea: {  	vm5 =	vlt.s32 v0, $0x400  }
0x1eb: {  	v0 =	vnsel vm5, $0x0, v0;
	_ =	sdelay $0x4  }
0x1ec: {  	[tilespmem:v0+s17+$0x0] =	vst.idx.msk vm5, v4  }
0x1ed: {  	v0 =	vld [tilespmem:$0x460];
	_ =	sdelay $0x4  }
0x1ee: {  	vm6 =	vlt.s32 v0, $0x400  }
0x1ef: {  	v0 =	vnsel vm6, $0x0, v0;
	_ =	sdelay $0x4  }
0x1f0: {  	[tilespmem:v0+s17+$0x0] =	vst.idx.msk vm6, v5  }
0x1f1: {  	v0 =	vld [tilespmem:$0x470];
	_ =	sdelay $0x4  }
0x1f2: {  	vm7 =	vlt.s32 v0, $0x400  }
0x1f3: {  	v0 =	vnsel vm7, $0x0, v0;
	_ =	sdelay $0x4  }
0x1f4: {  	[tilespmem:v0+s17+$0x0] =	vst.idx.msk vm7, v6  }
0x1f5: {  	v0 =	vld [tilespmem:$0x480];
	_ =	sdelay $0x4  }
0x1f6: {  	vm8 =	vlt.s32 v0, $0x400  }
0x1f7: {  	v0 =	vnsel vm8, $0x0, v0;
	_ =	sdelay $0x4  }
0x1f8: {  	[tilespmem:v0+s17+$0x0] =	vst.idx.msk vm8, v7  }
0x1f9: {  	v0 =	vld [tilespmem:$0x490];
	_ =	sdelay $0x4  }
0x1fa: {  	vm9 =	vlt.s32 v0, $0x400  }
0x1fb: {  	v0 =	vnsel vm9, $0x0, v0;
	_ =	sdelay $0x4  }
0x1fc: {  	[tilespmem:v0+s17+$0x0] =	vst.idx.msk vm9, v8  }
0x1fd: {  	v0 =	vld [tilespmem:$0x4A0];
	_ =	sdelay $0x4  }
0x1fe: {  	vm10 =	vlt.s32 v0, $0x400  }
0x1ff: {  	v0 =	vnsel vm10, $0x0, v0;
	_ =	sdelay $0x4  }
0x200: {  	[tilespmem:v0+s17+$0x0] =	vst.idx.msk vm10, v9  }
0x201: {  	v0 =	vld [tilespmem:$0x4B0];
	_ =	sdelay $0x4  }
0x202: {  	vm11 =	vlt.s32 v0, $0x400  }
0x203: {  	v0 =	vnsel vm11, $0x0, v0;
	_ =	sdelay $0x4  }
0x204: {  	[tilespmem:v0+s17+$0x0] =	vst.idx.msk vm11, v10  }
0x205: {  	v0 =	vld [tilespmem:$0x4C0];
	_ =	sdelay $0x4  }
0x206: {  	vm12 =	vlt.s32 v0, $0x400  }
0x207: {  	v0 =	vnsel vm12, $0x0, v0;
	_ =	sdelay $0x4  }
0x208: {  	[tilespmem:v0+s17+$0x0] =	vst.idx.msk vm12, v11  }
0x209: {  	v0 =	vld [tilespmem:$0x4D0];
	_ =	sdelay $0x4  }
0x20a: {  	vm13 =	vlt.s32 v0, $0x400  }
0x20b: {  	v0 =	vnsel vm13, $0x0, v0;
	_ =	sdelay $0x4  }
0x20c: {  	[tilespmem:v0+s17+$0x0] =	vst.idx.msk vm13, v12  }
0x20d: {  	v0 =	vld [tilespmem:$0x4E0];
	_ =	sdelay $0x4  }
0x20e: {  	vm14 =	vlt.s32 v0, $0x400  }
0x20f: {  	v0 =	vnsel vm14, $0x0, v0;
	_ =	sdelay $0x4  }
0x210: {  	[tilespmem:v0+s17+$0x0] =	vst.idx.msk vm14, v13  }
0x211: {  	v0 =	vld [tilespmem:$0x4F0];
	_ =	sdelay $0x4  }
0x212: {  	vm15 =	vlt.s32 v0, $0x400  }
0x213: {  	v0 =	vnsel vm15, $0x0, v0;
	_ =	sdelay $0x4  }
0x214: {  	[tilespmem:v0+s17+$0x0] =	vst.idx.msk vm15, v14  }
0x215: {  	v0 =	vld [tilespmem:$0x500];
	_ =	sdelay $0x4  }
0x216: {  	vm4 =	vlt.s32 v0, $0x400  }
0x217: {  	v0 =	vnsel vm4, $0x0, v0;
	_ =	sdelay $0x4  }
0x218: {  	[tilespmem:v0+s17+$0x0] =	vst.idx.msk vm4, v15  }
0x219: {  	v0 =	vld [tilespmem:$0x510];
	_ =	sdelay $0x4  }
0x21a: {  	vm5 =	vlt.s32 v0, $0x400  }
0x21b: {  	v0 =	vnsel vm5, $0x0, v0;
	_ =	sdelay $0x4  }
0x21c: {  	[tilespmem:v0+s17+$0x0] =	vst.idx.msk vm5, v16  }
0x21d: {  	v0 =	vld [tilespmem:$0x520];
	_ =	sdelay $0x4  }
0x21e: {  	vm6 =	vlt.s32 v0, $0x400  }
0x21f: {  	v0 =	vnsel vm6, $0x0, v0;
	_ =	sdelay $0x4  }
0x220: {  	[tilespmem:v0+s17+$0x0] =	vst.idx.msk vm6, v17  }
0x221: {  	v0 =	vld [tilespmem:$0x530];
	_ =	sdelay $0x4  }
0x222: {  	vm7 =	vlt.s32 v0, $0x400  }
0x223: {  	v0 =	vnsel vm7, $0x0, v0;
	_ =	sdelay $0x4  }
0x224: {  	[tilespmem:v0+s17+$0x0] =	vst.idx.msk vm7, v18  }
0x225: {  	v0 =	vld [tilespmem:$0x540];
	_ =	sdelay $0x4  }
0x226: {  	vm8 =	vlt.s32 v0, $0x400  }
0x227: {  	v0 =	vnsel vm8, $0x0, v0;
	_ =	sdelay $0x4  }
0x228: {  	[tilespmem:v0+s17+$0x0] =	vst.idx.msk vm8, v19  }
0x229: {  	v0 =	vld [tilespmem:$0x550];
	_ =	sdelay $0x4  }
0x22a: {  	vm9 =	vlt.s32 v0, $0x400  }
0x22b: {  	v0 =	vnsel vm9, $0x0, v0;
	_ =	sdelay $0x4  }
0x22c: {  	[tilespmem:v0+s17+$0x0] =	vst.idx.msk vm9, v20  }
0x22d: {  	v0 =	vld [tilespmem:$0x560];
	_ =	sdelay $0x4  }
0x22e: {  	vm10 =	vlt.s32 v0, $0x400  }
0x22f: {  	v0 =	vnsel vm10, $0x0, v0;
	_ =	sdelay $0x4  }
0x230: {  	[tilespmem:v0+s17+$0x0] =	vst.idx.msk vm10, v21  }
0x231: {  	v0 =	vld [tilespmem:$0x570];
	_ =	sdelay $0x4  }
0x232: {  	vm11 =	vlt.s32 v0, $0x400  }
0x233: {  	v0 =	vnsel vm11, $0x0, v0;
	_ =	sdelay $0x4  }
0x234: {  	[tilespmem:v0+s17+$0x0] =	vst.idx.msk vm11, v22  }
0x235: {  	v0 =	vld [tilespmem:$0x580];
	_ =	sdelay $0x4  }
0x236: {  	vm12 =	vlt.s32 v0, $0x400  }
0x237: {  	v0 =	vnsel vm12, $0x0, v0;
	_ =	sdelay $0x4  }
0x238: {  	[tilespmem:v0+s17+$0x0] =	vst.idx.msk vm12, v23  }
0x239: {  	v0 =	vld [tilespmem:$0x590];
	_ =	sdelay $0x4  }
0x23a: {  	vm13 =	vlt.s32 v0, $0x400  }
0x23b: {  	v0 =	vnsel vm13, $0x0, v0;
	_ =	sdelay $0x4  }
0x23c: {  	[tilespmem:v0+s17+$0x0] =	vst.idx.msk vm13, v24  }
0x23d: {  	v0 =	vld [tilespmem:$0x5A0];
	_ =	sdelay $0x4  }
0x23e: {  	vm14 =	vlt.s32 v0, $0x400  }
0x23f: {  	v0 =	vnsel vm14, $0x0, v0;
	_ =	sdelay $0x4  }
0x240: {  	[tilespmem:v0+s17+$0x0] =	vst.idx.msk vm14, v25  }
0x241: {  	v0 =	vld [tilespmem:$0x5B0];
	_ =	sdelay $0x4  }
0x242: {  	vm15 =	vlt.s32 v0, $0x400  }
0x243: {  	v0 =	vnsel vm15, $0x0, v0;
	_ =	sdelay $0x4  }
0x244: {  	[tilespmem:v0+s17+$0x0] =	vst.idx.msk vm15, v26  }
0x245: {  	v0 =	vld [tilespmem:$0x5C0];
	_ =	sdelay $0x4  }
0x246: {  	vm4 =	vlt.s32 v0, $0x400  }
0x247: {  	v0 =	vnsel vm4, $0x0, v0;
	_ =	sdelay $0x4  }
0x248: {  	[tilespmem:v0+s17+$0x0] =	vst.idx.msk vm4, v27  }
0x249: {  	v0 =	vld [tilespmem:$0x5D0];
	_ =	sdelay $0x4  }
0x24a: {  	vm5 =	vlt.s32 v0, $0x400  }
0x24b: {  	v0 =	vnsel vm5, $0x0, v0;
	_ =	sdelay $0x4  }
0x24c: {  	[tilespmem:v0+s17+$0x0] =	vst.idx.msk vm5, v28  }
0x24d: {  	v0 =	vld [tilespmem:$0x5E0];
	_ =	sdelay $0x4  }
0x24e: {  	vm6 =	vlt.s32 v0, $0x400  }
0x24f: {  	v0 =	vnsel vm6, $0x0, v0;
	_ =	sdelay $0x4  }
0x250: {  	[tilespmem:v0+s17+$0x0] =	vst.idx.msk vm6, v29  }
0x251: {  	v0 =	vld [tilespmem:$0x5F0];
	_ =	sdelay $0x4  }
0x252: {  	vm7 =	vlt.s32 v0, $0x400  }
0x253: {  	v0 =	vnsel vm7, $0x0, v0;
	_ =	sdelay $0x4  }
0x254: {  	[tilespmem:v0+s17+$0x0] =	vst.idx.msk vm7, v30  }
0x255: {  	v0 =	vld [tilespmem:$0x600];
	_ =	sdelay $0x4  }
0x256: {  	vm8 =	vlt.s32 v0, $0x400  }
0x257: {  	v0 =	vnsel vm8, $0x0, v0;
	_ =	sdelay $0x4  }
0x258: {  	[tilespmem:v0+s17+$0x0] =	vst.idx.msk vm8, v31  }
0x259: {  	v0 =	vld [tilespmem:$0x610];
	_ =	sdelay $0x4  }
0x25a: {  	vm9 =	vlt.s32 v0, $0x400  }
0x25b: {  	v0 =	vnsel vm9, $0x0, v0;
	_ =	sdelay $0x4  }
0x25c: {  	[tilespmem:v0+s17+$0x0] =	vst.idx.msk vm9, v32  }
0x25d: {  	v0 =	vld [tilespmem:$0x620];
	_ =	sdelay $0x4  }
0x25e: {  	vm10 =	vlt.s32 v0, $0x400  }
0x25f: {  	v0 =	vnsel vm10, $0x0, v0;
	_ =	sdelay $0x4  }
0x260: {  	[tilespmem:v0+s17+$0x0] =	vst.idx.msk vm10, v33  }
0x261: {  	v0 =	vld [tilespmem:$0x630];
	_ =	sdelay $0x4  }
0x262: {  	vm11 =	vlt.s32 v0, $0x400  }
0x263: {  	v0 =	vnsel vm11, $0x0, v0;
	_ =	sdelay $0x4  }
0x264: {  	[tilespmem:v0+s17+$0x0] =	vst.idx.msk vm11, v34  }
0x265: {  	v0 =	vld [tilespmem:$0x640];
	_ =	sdelay $0x4  }
0x266: {  	vm12 =	vlt.s32 v0, $0x400  }
0x267: {  	v0 =	vnsel vm12, $0x0, v0;
	_ =	sdelay $0x4  }
0x268: {  	[tilespmem:v0+s17+$0x0] =	vst.idx.msk vm12, v35  }
0x269: {  	v0 =	vld [tilespmem:$0x650];
	_ =	sdelay $0x4  }
0x26a: {  	vm13 =	vlt.s32 v0, $0x400  }
0x26b: {  	v0 =	vnsel vm13, $0x0, v0;
	_ =	sdelay $0x4  }
0x26c: {  	[tilespmem:v0+s17+$0x0] =	vst.idx.msk vm13, v36  }
0x26d: {  	v0 =	vld [tilespmem:$0x660];
	_ =	sdelay $0x4  }
0x26e: {  	vm14 =	vlt.s32 v0, $0x400  }
0x26f: {  	v0 =	vnsel vm14, $0x0, v0;
	_ =	sdelay $0x4  }
0x270: {  	[tilespmem:v0+s17+$0x0] =	vst.idx.msk vm14, v37  }
0x271: {  	v0 =	vld [tilespmem:$0x670];
	_ =	sdelay $0x4  }
0x272: {  	vm15 =	vlt.s32 v0, $0x400  }
0x273: {  	v0 =	vnsel vm15, $0x0, v0;
	_ =	sdelay $0x4  }
0x274: {  	[tilespmem:v0+s17+$0x0] =	vst.idx.msk vm15, v38  }
0x275: {  	v0 =	vld [tilespmem:$0x680];
	_ =	sdelay $0x4  }
0x276: {  	vm4 =	vlt.s32 v0, $0x400  }
0x277: {  	v0 =	vnsel vm4, $0x0, v0;
	_ =	sdelay $0x4  }
0x278: {  	[tilespmem:v0+s17+$0x0] =	vst.idx.msk vm4, v39  }
0x279: {  	v0 =	vld [tilespmem:$0x690];
	_ =	sdelay $0x4  }
0x27a: {  	vm5 =	vlt.s32 v0, $0x400  }
0x27b: {  	v0 =	vnsel vm5, $0x0, v0;
	_ =	sdelay $0x4  }
0x27c: {  	[tilespmem:v0+s17+$0x0] =	vst.idx.msk vm5, v40  }
0x27d: {  	v0 =	vld [tilespmem:$0x6A0];
	_ =	sdelay $0x4  }
0x27e: {  	vm6 =	vlt.s32 v0, $0x400  }
0x27f: {  	v0 =	vnsel vm6, $0x0, v0;
	_ =	sdelay $0x4  }
0x280: {  	[tilespmem:v0+s17+$0x0] =	vst.idx.msk vm6, v41  }
0x281: {  	v0 =	vld [tilespmem:$0x6B0];
	_ =	sdelay $0x4  }
0x282: {  	vm7 =	vlt.s32 v0, $0x400  }
0x283: {  	v0 =	vnsel vm7, $0x0, v0;
	_ =	sdelay $0x4  }
0x284: {  	[tilespmem:v0+s17+$0x0] =	vst.idx.msk vm7, v43  }
0x285: {  	v0 =	vld [tilespmem:$0x6C0];
	_ =	sdelay $0x4  }
0x286: {  	vm8 =	vlt.s32 v0, $0x400  }
0x287: {  	v0 =	vnsel vm8, $0x0, v0;
	_ =	sdelay $0x4  }
0x288: {  	[tilespmem:v0+s17+$0x0] =	vst.idx.msk vm8, v44  }
0x289: {  	v0 =	vld [tilespmem:$0x6D0];
	_ =	sdelay $0x4  }
0x28a: {  	vm9 =	vlt.s32 v0, $0x400  }
0x28b: {  	v0 =	vnsel vm9, $0x0, v0;
	_ =	sdelay $0x4  }
0x28c: {  	[tilespmem:v0+s17+$0x0] =	vst.idx.msk vm9, v45  }
0x28d: {  	v0 =	vld [tilespmem:$0x6E0];
	_ =	sdelay $0x4  }
0x28e: {  	vm10 =	vlt.s32 v0, $0x400  }
0x28f: {  	v0 =	vnsel vm10, $0x0, v0;
	_ =	sdelay $0x4  }
0x290: {  	[tilespmem:v0+s17+$0x0] =	vst.idx.msk vm10, v46  }
0x291: {  	v0 =	vld [tilespmem:$0x6F0];
	_ =	sdelay $0x4  }
0x292: {  	vm11 =	vlt.s32 v0, $0x400  }
0x293: {  	v0 =	vnsel vm11, $0x0, v0;
	_ =	sdelay $0x4  }
0x294: {  	[tilespmem:v0+s17+$0x0] =	vst.idx.msk vm11, v47  }
0x295: {  	v0 =	vld [tilespmem:$0x700];
	_ =	sdelay $0x4  }
0x296: {  	vm12 =	vlt.s32 v0, $0x400  }
0x297: {  	v0 =	vnsel vm12, $0x0, v0;
	_ =	sdelay $0x4  }
0x298: {  	[tilespmem:v0+s17+$0x0] =	vst.idx.msk vm12, v48  }
0x299: {  	v0 =	vld [tilespmem:$0x710];
	_ =	sdelay $0x4  }
0x29a: {  	vm13 =	vlt.s32 v0, $0x400  }
0x29b: {  	v0 =	vnsel vm13, $0x0, v0;
	_ =	sdelay $0x4  }
0x29c: {  	[tilespmem:v0+s17+$0x0] =	vst.idx.msk vm13, v49  }
0x29d: {  	v0 =	vld [tilespmem:$0x720];
	_ =	sdelay $0x4  }
0x29e: {  	vm14 =	vlt.s32 v0, $0x400  }
0x29f: {  	v0 =	vnsel vm14, $0x0, v0;
	_ =	sdelay $0x4  }
0x2a0: {  	[tilespmem:v0+s17+$0x0] =	vst.idx.msk vm14, v50  }
0x2a1: {  	v0 =	vld [tilespmem:$0x730];
	_ =	sdelay $0x4  }
0x2a2: {  	vm15 =	vlt.s32 v0, $0x400  }
0x2a3: {  	v0 =	vnsel vm15, $0x0, v0;
	_ =	sdelay $0x4  }
0x2a4: {  	[tilespmem:v0+s17+$0x0] =	vst.idx.msk vm15, v51  }
0x2a5: {  	v0 =	vld [tilespmem:$0x740];
	_ =	sdelay $0x4  }
0x2a6: {  	vm4 =	vlt.s32 v0, $0x400  }
0x2a7: {  	v0 =	vnsel vm4, $0x0, v0;
	_ =	sdelay $0x4  }
0x2a8: {  	[tilespmem:v0+s17+$0x0] =	vst.idx.msk vm4, v52  }
0x2a9: {  	v0 =	vld [tilespmem:$0x750];
	_ =	sdelay $0x4  }
0x2aa: {  	vm5 =	vlt.s32 v0, $0x400  }
0x2ab: {  	v0 =	vnsel vm5, $0x0, v0;
	_ =	sdelay $0x4  }
0x2ac: {  	[tilespmem:v0+s17+$0x0] =	vst.idx.msk vm5, v53  }
0x2ad: {  	v0 =	vld [tilespmem:$0x760];
	_ =	sdelay $0x4  }
0x2ae: {  	vm6 =	vlt.s32 v0, $0x400  }
0x2af: {  	v0 =	vnsel vm6, $0x0, v0;
	_ =	sdelay $0x4  }
0x2b0: {  	[tilespmem:v0+s17+$0x0] =	vst.idx.msk vm6, v54  }
0x2b1: {  	v0 =	vld [tilespmem:$0x770];
	_ =	sdelay $0x4  }
0x2b2: {  	vm7 =	vlt.s32 v0, $0x400  }
0x2b3: {  	v0 =	vnsel vm7, $0x0, v0;
	_ =	sdelay $0x4  }
0x2b4: {  	[tilespmem:v0+s17+$0x0] =	vst.idx.msk vm7, v55  }
0x2b5: {  	v0 =	vld [tilespmem:$0x780];
	_ =	sdelay $0x4  }
0x2b6: {  	vm8 =	vlt.s32 v0, $0x400  }
0x2b7: {  	v0 =	vnsel vm8, $0x0, v0;
	_ =	sdelay $0x4  }
0x2b8: {  	[tilespmem:v0+s17+$0x0] =	vst.idx.msk vm8, v56  }
0x2b9: {  	v0 =	vld [tilespmem:$0x790];
	_ =	sdelay $0x4  }
0x2ba: {  	vm9 =	vlt.s32 v0, $0x400  }
0x2bb: {  	v0 =	vnsel vm9, $0x0, v0;
	_ =	sdelay $0x4  }
0x2bc: {  	[tilespmem:v0+s17+$0x0] =	vst.idx.msk vm9, v57  }
0x2bd: {  	v0 =	vld [tilespmem:$0x7A0];
	_ =	sdelay $0x4  }
0x2be: {  	vm10 =	vlt.s32 v0, $0x400  }
0x2bf: {  	v0 =	vnsel vm10, $0x0, v0;
	_ =	sdelay $0x4  }
0x2c0: {  	[tilespmem:v0+s17+$0x0] =	vst.idx.msk vm10, v58  }
0x2c1: {  	v0 =	vld [tilespmem:$0x7B0];
	_ =	sdelay $0x4  }
0x2c2: {  	vm11 =	vlt.s32 v0, $0x400  }
0x2c3: {  	v0 =	vnsel vm11, $0x0, v0;
	_ =	sdelay $0x4  }
0x2c4: {  	[tilespmem:v0+s17+$0x0] =	vst.idx.msk vm11, v59  }
0x2c5: {  	v0 =	vld [tilespmem:$0x7C0];
	_ =	sdelay $0x4  }
0x2c6: {  	vm12 =	vlt.s32 v0, $0x400  }
0x2c7: {  	v0 =	vnsel vm12, $0x0, v0;
	_ =	sdelay $0x4  }
0x2c8: {  	[tilespmem:v0+s17+$0x0] =	vst.idx.msk vm12, v60  }
0x2c9: {  	v0 =	vld [tilespmem:$0x7D0];
	_ =	sdelay $0x4  }
0x2ca: {  	vm13 =	vlt.s32 v0, $0x400  }
0x2cb: {  	v0 =	vnsel vm13, $0x0, v0;
	_ =	sdelay $0x4  }
0x2cc: {  	[tilespmem:v0+s17+$0x0] =	vst.idx.msk vm13, v61  }
0x2cd: {  	v0 =	vld [tilespmem:$0x7E0];
	_ =	sdelay $0x4  }
0x2ce: {  	vm14 =	vlt.s32 v0, $0x400  }
0x2cf: {  	v0 =	vnsel vm14, $0x0, v0;
	_ =	sdelay $0x4  }
0x2d0: {  	[tilespmem:v0+s17+$0x0] =	vst.idx.msk vm14, v62  }
0x2d1: {  	v0 =	vld [tilespmem:$0x7F0];
	_ =	sdelay $0x4  }
0x2d2: {  	vm15 =	vlt.s32 v0, $0x400  }
0x2d3: {  	v0 =	vnsel vm15, $0x0, v0;
	_ =	sdelay $0x4  }
0x2d4: {  	[tilespmem:v0+s17+$0x0] =	vst.idx.msk vm15, v63  }
0x2d5: {  	[tilespmem:s18], [sflag:$0x1] =	stream.indirect.gather [hbm4b:s3+s14], $0x80, s17, s14, $0xb8;
	[tilespmem:$0x8C00] =	vst v63  }
0x2d6: {  	_ = 	snop  }
0x2d7: {  	[tilespmem:s20], [sflag:$0x2] =	stream.indirect.gather [hbm4b:s3+s14], $0x80, s31, s14, $0xb8;
	[tilespmem:$0x8C00] =	vst v63  }
0x2d8: {  	_ =	swait.ge [sflag:s21], $0x4000  }
0x2d9: {  	[sflag:s21] =	ssyncset.done $0x0  }
0x2da: {  	[sflag:s21] =	ssyncadd.s32 $0xFFFFC000  }
0x2db: {  	[hbm4b:s5+s2] =	stream.linear.scatter [tilespmem:s18], [sflag:$0x3], $0x4000, $0x38;
	[tilespmem:$0x8C00] =	vst v63  }
0x2dc: {  	_ =	swait.ge [sflag:s16], $0x4000  }
0x2dd: {  	[sflag:s16] =	ssyncset.done $0x0  }
0x2de: {  	[sflag:s16] =	ssyncadd.s32 $0xFFFFC000  }
0x2df: {  	[tilespmem:s18], [sflag:$0x1] =	stream.indirect.gather [hbm4b:s3+s14], $0x80, s0, s14, $0xb8;
	[tilespmem:$0x8C00] =	vst v63  }
0x2e0: {  	_ =	swait.ge [sflag:s23], $0x4000  }
0x2e1: {  	[sflag:s23] =	ssyncset.done $0x0  }
0x2e2: {  	[sflag:s23] =	ssyncadd.s32 $0xFFFFC000  }
0x2e3: {  	[hbm4b:s7+s2] =	stream.linear.scatter [tilespmem:s20], [sflag:$0x3], $0x4000, $0x38;
	[tilespmem:$0x8C00] =	vst v63  }
0x2e4: {  	_ =	swait.ge [sflag:s16], $0x4000  }
0x2e5: {  	[sflag:s16] =	ssyncset.done $0x0  }
0x2e6: {  	[sflag:s16] =	ssyncadd.s32 $0xFFFFC000  }
0x2e7: {  	[tilespmem:s20], [sflag:$0x2] =	stream.indirect.gather [hbm4b:s3+s14], $0x80, s24, s14, $0xb8;
	[tilespmem:$0x8C00] =	vst v63  }
0x2e8: {  	_ =	swait.ge [sflag:s21], $0x4000  }
0x2e9: {  	[sflag:s21] =	ssyncset.done $0x0  }
0x2ea: {  	[sflag:s21] =	ssyncadd.s32 $0xFFFFC000  }
0x2eb: {  	[hbm4b:s8+s2] =	stream.linear.scatter [tilespmem:s18], [sflag:$0x3], $0x4000, $0x38;
	[tilespmem:$0x8C00] =	vst v63  }
0x2ec: {  	_ =	swait.ge [sflag:s16], $0x4000  }
0x2ed: {  	[sflag:s16] =	ssyncset.done $0x0  }
0x2ee: {  	[sflag:s16] =	ssyncadd.s32 $0xFFFFC000  }
0x2ef: {  	[tilespmem:s18], [sflag:$0x1] =	stream.indirect.gather [hbm4b:s3+s14], $0x80, s25, s14, $0xb8;
	[tilespmem:$0x8C00] =	vst v63  }
0x2f0: {  	_ =	swait.ge [sflag:s23], $0x4000  }
0x2f1: {  	[sflag:s23] =	ssyncset.done $0x0  }
0x2f2: {  	[sflag:s23] =	ssyncadd.s32 $0xFFFFC000  }
0x2f3: {  	[hbm4b:s9+s2] =	stream.linear.scatter [tilespmem:s20], [sflag:$0x3], $0x4000, $0x38;
	[tilespmem:$0x8C00] =	vst v63  }
0x2f4: {  	_ =	swait.ge [sflag:s16], $0x4000  }
0x2f5: {  	[sflag:s16] =	ssyncset.done $0x0  }
0x2f6: {  	[sflag:s16] =	ssyncadd.s32 $0xFFFFC000  }
0x2f7: {  	[tilespmem:s20], [sflag:$0x2] =	stream.indirect.gather [hbm4b:s3+s14], $0x80, s26, s14, $0xb8;
	[tilespmem:$0x8C00] =	vst v63  }
0x2f8: {  	_ =	swait.ge [sflag:s21], $0x4000  }
0x2f9: {  	[sflag:s21] =	ssyncset.done $0x0  }
0x2fa: {  	[sflag:s21] =	ssyncadd.s32 $0xFFFFC000  }
0x2fb: {  	[hbm4b:s10+s2] =	stream.linear.scatter [tilespmem:s18], [sflag:$0x3], $0x4000, $0x38;
	[tilespmem:$0x8C00] =	vst v63  }
0x2fc: {  	_ =	swait.ge [sflag:s16], $0x4000  }
0x2fd: {  	[sflag:s16] =	ssyncset.done $0x0  }
0x2fe: {  	[sflag:s16] =	ssyncadd.s32 $0xFFFFC000  }
0x2ff: {  	[tilespmem:s18], [sflag:$0x1] =	stream.indirect.gather [hbm4b:s3+s14], $0x80, s28, s14, $0xb8;
	[tilespmem:$0x8C00] =	vst v63  }
0x300: {  	_ =	swait.ge [sflag:s23], $0x4000  }
0x301: {  	[sflag:s23] =	ssyncset.done $0x0  }
0x302: {  	[sflag:s23] =	ssyncadd.s32 $0xFFFFC000  }
0x303: {  	[hbm4b:s11+s2] =	stream.linear.scatter [tilespmem:s20], [sflag:$0x3], $0x4000, $0x38;
	[tilespmem:$0x8C00] =	vst v63  }
0x304: {  	_ =	swait.ge [sflag:s16], $0x4000  }
0x305: {  	[sflag:s16] =	ssyncset.done $0x0  }
0x306: {  	[sflag:s16] =	ssyncadd.s32 $0xFFFFC000  }
0x307: {  	[tilespmem:s20], [sflag:$0x2] =	stream.indirect.gather [hbm4b:s3+s14], $0x80, s29, s14, $0xb8;
	[tilespmem:$0x8C00] =	vst v63  }
0x308: {  	_ =	swait.ge [sflag:s21], $0x4000  }
0x309: {  	[sflag:s21] =	ssyncset.done $0x0  }
0x30a: {  	[sflag:s21] =	ssyncadd.s32 $0xFFFFC000  }
0x30b: {  	[hbm4b:s12+s2] =	stream.linear.scatter [tilespmem:s18], [sflag:$0x3], $0x4000, $0x38;
	[tilespmem:$0x8C00] =	vst v63  }
0x30c: {  	_ =	swait.ge [sflag:s16], $0x4000  }
0x30d: {  	[sflag:s16] =	ssyncset.done $0x0  }
0x30e: {  	[sflag:s16] =	ssyncadd.s32 $0xFFFFC000  }
0x30f: {  	_ =	swait.ge [sflag:s23], $0x4000  }
0x310: {  	p0 =	sne.s32 s6, $0x1;
	[sflag:s23] =	ssyncset.done $0x0  }
.Ltmp0:
0x311: {  	[sflag:s23] =	ssyncadd.s32 $0xFFFFC000;
	(pc) =	sbr.rel @p0 .LBB2_1-.Ltmp0, $4  }
0x312: {  	[hbm4b:s13+s2] =	stream.linear.scatter [tilespmem:s20], [sflag:$0x3], $0x4000, $0x38;
	[tilespmem:$0x8C00] =	vst v63  }
0x313: {  	_ =	swait.ge [sflag:s16], $0x4000  }
0x314: {  	[sflag:s16] =	ssyncset.done $0x0  }
0x315: {  	s6 =	sadd.s32 $0xFFFFFFFF, s6;
	[sflag:s16] =	ssyncadd.s32 $0xFFFFC000  }
0x316: {  	_ =	sfence.sel $0x180000  }
0x317: {  	[bflag:$0x0] =	sbarrier.arrive $0xFFFF  }
0x318: {  	_ =	strace $0x90000047  }
0x319: {  	s0 =	stileid.u32;
	[bflag:$0x2] =	sbarrier.arrive $0xFFFF  }
0x31a: {  	p0 =	sne.s32 s0, $0x0;
	s0 =	rddreg [dreg:$0x2]  }
0x31b: {  	s0 =	sadd.s32 @!p0 $0x100000, s0  }
0x31c: {  	[sflag:s0] =	ssyncadd.tile.s32 @!p0 $0x1;
	_ =	shalt  }
.Lfunc_end2:
_tile_overlayer_lowered:
.L_overlay_start_2:
0x31d: {  	(tag) =	ssettag $0x2  }
0x31e: {  	s0 =	rddreg [dreg:$0x0];
	s2 =	stileid.u32  }
0x31f: {  	s1 =	rddreg [dreg:$0x1];
	p0 =	sne.s32 s2, $0x0  }
0x320: {  	s3 =	rddreg [dreg:$0x2];
	[bflag:$0x3] =	sbarrier.arrive $0xFFFF;
	s2 =	simm.s32 @!p0 $0x1C03  }
0x321: {  	[timem:s3], [sflag:s2] =	dma.local @!p0 [hbm:s0], s1  }
0x322: {  	s0 =	simm.s32 @!p0 $0x3  }
0x323: {  	_ =	swait.ge @!p0 [sflag:s0], s1  }
0x324: {  	s1 =	ssub.s32 @!p0 $0x0, s1;
	[sflag:s0] =	ssyncset.done @!p0 $0x0  }
0x325: {  	[sflag:s0] =	ssyncadd.s32 @!p0 s1  }
0x326: {  	[bflag:$0x3] =	sbarrier.arrive $0xFFFF  }
0x327: {  	_ =	shalt  }

</sc_bundles>
